<compile_context>
chip_gen: v7x
topology: tpu7x:2x2x1
jax: 0.10.2.dev20260603
libtpu: 0.0.44.dev20260713+nightly
codegen_flags: <defaults>
</compile_context>

<pallas_src>
import functools

import jax
import jax.numpy as jnp
from jax import lax
from jax.experimental import pallas as pl
from jax.experimental.pallas import tpu as pltpu
from jax.experimental.pallas import tpu_sc as plsc

N = 10000
E = 320000
IN_DIM = 128
HIDDEN = 32

NC = 2
NS = 16
NW = NC * NS
CHUNK = 80
NBUF = 8
GROWS_W = N // NS
EW = E // NW
K = EW // CHUNK
T = K // NBUF
ROWS_W = N // NS
DEG_W = 8
KD = K // NBUF

_mesh = plsc.VectorSubcoreMesh(
    core_axis_name="c", subcore_axis_name="s", num_cores=NC, num_subcores=NS
)


@functools.partial(
    pl.kernel,
    out_type=jax.ShapeDtypeStruct((NC, N, DEG_W), jnp.float32),
    mesh=_mesh,
    scratch_types=[
        pltpu.VMEM((EW,), jnp.int32),
        pltpu.VMEM((CHUNK, DEG_W), jnp.float32),
        pltpu.SemaphoreType.DMA,
        pltpu.VMEM_SHARED((N, DEG_W), jnp.float32),
    ],
    compiler_params=pltpu.CompilerParams(use_tc_tiling_on_sc=False),
)
def _deg_kernel(edges_hbm, ones_hbm, zeros_hbm, out_hbm, dst_v, ones_v, dsem, deg_sh):
    c = lax.axis_index("c")
    s = lax.axis_index("s")
    wid = c * NS + s
    pltpu.sync_copy(zeros_hbm, deg_sh.at[pl.ds(s * ROWS_W, ROWS_W)])
    pltpu.sync_copy(ones_hbm, ones_v)
    pltpu.sync_copy(edges_hbm.at[1, pl.ds(wid * EW, EW)], dst_v)
    plsc.subcore_barrier()

    @pl.loop(0, KD)
    def _(t):
        base = t * NBUF
        for i in range(NBUF):
            pltpu.async_copy(
                ones_v, deg_sh.at[dst_v.at[pl.ds((base + i) * CHUNK, CHUNK)]],
                dsem, add=True)
        for i in range(NBUF):
            pltpu.make_async_copy(
                ones_v, deg_sh.at[dst_v.at[pl.ds((base + i) * CHUNK, CHUNK)]],
                dsem).wait()

    for j in range(KD * NBUF, K):
        pltpu.async_copy(
            ones_v, deg_sh.at[dst_v.at[pl.ds(j * CHUNK, CHUNK)]], dsem, add=True)
    for j in range(KD * NBUF, K):
        pltpu.make_async_copy(
            ones_v, deg_sh.at[dst_v.at[pl.ds(j * CHUNK, CHUNK)]], dsem).wait()

    plsc.subcore_barrier()
    pltpu.sync_copy(
        deg_sh.at[pl.ds(s * ROWS_W, ROWS_W)],
        out_hbm.at[c, pl.ds(s * ROWS_W, ROWS_W)],
    )


@functools.partial(
    pl.kernel,
    out_type=jax.ShapeDtypeStruct((NC, N, HIDDEN), jnp.float32),
    mesh=_mesh,
    scratch_types=[
        pltpu.VMEM((EW,), jnp.int32),
        pltpu.VMEM((EW,), jnp.int32),
        pltpu.VMEM((NBUF, CHUNK, HIDDEN), jnp.float32),
        pltpu.SemaphoreType.DMA((NBUF,)),
        pltpu.SemaphoreType.DMA((NBUF,)),
        pltpu.VMEM_SHARED((N, HIDDEN), jnp.float32),
        pltpu.VMEM_SHARED((N, HIDDEN), jnp.float32),
    ],
    compiler_params=pltpu.CompilerParams(use_tc_tiling_on_sc=False),
)
def _agg_kernel(g_hbm, edges_hbm, zeros_hbm, out_hbm,
                src_v, dst_v, bufs, gsem, ssem, acc_sh, g_sh):

    def src_at(j):
        return src_v.at[pl.ds(j * CHUNK, CHUNK)]

    def dst_at(j):
        return dst_v.at[pl.ds(j * CHUNK, CHUNK)]

    c = lax.axis_index("c")
    s = lax.axis_index("s")
    wid = c * NS + s
    pltpu.sync_copy(zeros_hbm, acc_sh.at[pl.ds(s * ROWS_W, ROWS_W)])
    pltpu.sync_copy(g_hbm.at[pl.ds(s * GROWS_W, GROWS_W)],
                    g_sh.at[pl.ds(s * GROWS_W, GROWS_W)])
    pltpu.sync_copy(edges_hbm.at[0, pl.ds(wid * EW, EW)], src_v)
    pltpu.sync_copy(edges_hbm.at[1, pl.ds(wid * EW, EW)], dst_v)
    plsc.subcore_barrier()

    for i in range(NBUF):
        pltpu.async_copy(g_sh.at[src_at(i)], bufs.at[i], gsem.at[i])

    @pl.loop(0, T)
    def _(t):
        base = t * NBUF
        for i in range(NBUF):
            j = base + i
            pltpu.make_async_copy(g_sh.at[src_at(j)], bufs.at[i], gsem.at[i]).wait()
            pltpu.async_copy(bufs.at[i], acc_sh.at[dst_at(j)], ssem.at[i], add=True)
        for i in range(NBUF):
            j = base + i
            pltpu.make_async_copy(bufs.at[i], acc_sh.at[dst_at(j)], ssem.at[i]).wait()

            @pl.when(j + NBUF < K)
            def _():
                pltpu.async_copy(g_sh.at[src_at(j + NBUF)], bufs.at[i], gsem.at[i])

    for j in range(T * NBUF, K):
        i = j - T * NBUF
        pltpu.make_async_copy(g_sh.at[src_at(j)], bufs.at[i], gsem.at[i]).wait()
        pltpu.async_copy(bufs.at[i], acc_sh.at[dst_at(j)], ssem.at[i], add=True)
    for j in range(T * NBUF, K):
        i = j - T * NBUF
        pltpu.make_async_copy(bufs.at[i], acc_sh.at[dst_at(j)], ssem.at[i]).wait()

    plsc.subcore_barrier()
    pltpu.sync_copy(
        acc_sh.at[pl.ds(s * ROWS_W, ROWS_W)],
        out_hbm.at[c, pl.ds(s * ROWS_W, ROWS_W)],
    )


_R = 2000


def _tc0_body(x, w1, h_out):
    h_out[...] = jnp.dot(x[...], w1[...], preferred_element_type=jnp.float32)


def _tc1_body(d, h, dinv_out, g1_out):
    dd = d[...]
    deg = dd[0][:, 0:1] + dd[1][:, 0:1] + 1.0
    dinv = lax.rsqrt(deg)
    dinv_out[...] = dinv
    g1_out[...] = h[...] * dinv


def _tc2_body(sp, g1, dinv, b1, w2, g2_out):
    ss = sp[...]
    t = (ss[0] + ss[1] + g1[...]) * dinv[...] + b1[...]
    h = jnp.maximum(t, 0.0)
    g2_out[...] = jnp.dot(h, w2[...], preferred_element_type=jnp.float32) * dinv[...]


def _tc3_body(sp, g2, dinv, b2, wl, bl, out):
    ss = sp[...]
    t = (ss[0] + ss[1] + g2[...]) * dinv[...] + b2[...]
    h = jnp.maximum(t, 0.0)
    out[...] = jnp.dot(h, wl[...], preferred_element_type=jnp.float32) + bl[...]


def _row_spec(w):
    return pl.BlockSpec((_R, w), lambda i: (i, 0))


def _parts_spec(w):
    return pl.BlockSpec((NC, _R, w), lambda i: (0, i, 0))


def _full_spec(shape):
    return pl.BlockSpec(shape, lambda i: (0,) * len(shape))


_tc0 = pl.pallas_call(
    _tc0_body,
    grid=(N // _R,),
    in_specs=[
        _row_spec(IN_DIM),
        _full_spec((IN_DIM, HIDDEN)),
    ],
    out_specs=_row_spec(HIDDEN),
    out_shape=jax.ShapeDtypeStruct((N, HIDDEN), jnp.float32),
)

_tc1 = pl.pallas_call(
    _tc1_body,
    out_shape=[
        jax.ShapeDtypeStruct((N, 1), jnp.float32),
        jax.ShapeDtypeStruct((N, HIDDEN), jnp.float32),
    ],
)

_tc2 = pl.pallas_call(
    _tc2_body,
    out_shape=jax.ShapeDtypeStruct((N, HIDDEN), jnp.float32),
)

_tc3 = pl.pallas_call(
    _tc3_body,
    out_shape=jax.ShapeDtypeStruct((N, 1), jnp.float32),
)


def kernel(x, edge_index, W1, b1, W2, b2, Wl, bl):
    ones_rows = jnp.ones((CHUNK, DEG_W), jnp.float32)
    zeros_deg = jnp.zeros((ROWS_W, DEG_W), jnp.float32)
    zeros_agg = jnp.zeros((ROWS_W, HIDDEN), jnp.float32)

    deg_parts = _deg_kernel(edge_index, ones_rows, zeros_deg)
    h1 = _tc0(x, W1)
    dinv, g1 = _tc1(deg_parts, h1)

    s1 = _agg_kernel(g1, edge_index, zeros_agg)
    g2 = _tc2(s1, g1, dinv, b1.reshape(1, HIDDEN), W2)

    s2 = _agg_kernel(g2, edge_index, zeros_agg)
    out = _tc3(s2, g2, dinv, b2.reshape(1, HIDDEN), Wl, bl.reshape(1, 1))
    return out[:, 0]

# --- scband reference (transcript-rebuilt; emitter-appended) ---
"""Pipeline reference for scband-simple-gcn-14791867368180 (READ-ONLY COPY).

The authoritative reference and input builder live on the scoring server;
editing this copy changes nothing except your own understanding.
"""

import jax, jax.numpy as jnp
import numpy as np

N = 10000
E = 320000
IN_DIM = 128
HIDDEN = 32


def setup_inputs(seed: int = 0) -> dict:
    key = jax.random.key(seed)
    ks = jax.random.split(key, 8)
    x = jax.random.normal(ks[0], (N, IN_DIM), dtype=jnp.float32)
    edge_index = jax.random.randint(ks[1], (2, E), 0, N, dtype=jnp.int32)
    W1 = jax.random.normal(ks[2], (IN_DIM, HIDDEN), dtype=jnp.float32) / np.sqrt(IN_DIM)
    b1 = jnp.zeros((HIDDEN,), dtype=jnp.float32)
    W2 = jax.random.normal(ks[3], (HIDDEN, HIDDEN), dtype=jnp.float32) / np.sqrt(HIDDEN)
    b2 = jnp.zeros((HIDDEN,), dtype=jnp.float32)
    Wl = jax.random.normal(ks[4], (HIDDEN, 1), dtype=jnp.float32) / np.sqrt(HIDDEN)
    bl = jnp.zeros((1,), dtype=jnp.float32)
    return {"x": x, "edge_index": edge_index, "W1": W1, "b1": b1, "W2": W2, "b2": b2, "Wl": Wl, "bl": bl}


def gcn_conv(x, edge_index, W, b):
    # Faithful PyG GCNConv: linear transform, add self-loops, symmetric deg normalization, scatter-add aggregate, bias.
    n = x.shape[0]
    src = edge_index[0]
    dst = edge_index[1]
    loop = jnp.arange(n, dtype=src.dtype)
    src = jnp.concatenate([src, loop])
    dst = jnp.concatenate([dst, loop])
    h = x @ W
    ones = jnp.ones(src.shape[0], dtype=x.dtype)
    deg = jax.ops.segment_sum(ones, dst, num_segments=n)
    deg_inv_sqrt = jnp.where(deg > 0, deg ** -0.5, 0.0)
    norm = deg_inv_sqrt[src] * deg_inv_sqrt[dst]
    msg = h[src] * norm[:, None]
    out = jax.ops.segment_sum(msg, dst, num_segments=n)
    return out + b


def reference(x, edge_index, W1, b1, W2, b2, Wl, bl):
    h = jax.nn.relu(gcn_conv(x, edge_index, W1, b1))
    h = jax.nn.relu(gcn_conv(h, edge_index, W2, b2))
    out = h @ Wl + bl
    return jnp.squeeze(out, axis=-1)

if __name__ == "__main__":
    import jax
    _d = setup_inputs()
    print(jax.jit(kernel)(*tuple(_d.values())))

</pallas_src>

<mosaic_0001>
#map = affine_map<(d0, d1) -> (0, 0)>
#map1 = affine_map<(d0, d1) -> (0, 0, 0)>
module attributes {stable_mosaic.version = 14 : i64} {
  func.func @_agg_kernel(%arg0: i32, %arg1: i32, %arg2: memref<10000x32xf32, #tpu.memory_space<hbm>>, %arg3: memref<2x320000xi32, #tpu.memory_space<hbm>>, %arg4: memref<625x32xf32, #tpu.memory_space<hbm>>, %arg5: memref<2x10000x32xf32, #tpu.memory_space<hbm>>, %arg6: memref<10000xi32, #tpu.memory_space<vmem>>, %arg7: memref<10000xi32, #tpu.memory_space<vmem>>, %arg8: memref<8x80x32xf32, #tpu.memory_space<vmem>>, %arg9: memref<8x!tpu.dma_semaphore, #tpu.memory_space<semaphore_mem>>, %arg10: memref<8x!tpu.dma_semaphore, #tpu.memory_space<semaphore_mem>>, %arg11: memref<10000x32xf32, #tpu.memory_space<vmem_shared>>, %arg12: memref<10000x32xf32, #tpu.memory_space<vmem_shared>>) attributes {dimension_semantics = [#tpu.dimension_semantics<core_parallel>, #tpu.dimension_semantics<subcore_parallel>], iteration_bounds = array<i64: 2, 16>, scalar_prefetch = 0 : i64, scratch_operands = 7 : i64, tpu.core_type = #tpu.core_type<sc_vector_subcore>, window_params = [{transform_indices = #map}, {transform_indices = #map}, {transform_indices = #map}, {transform_indices = #map1}]} {
    %mul3A = arith.constant 16 : i32
    %mul3A_0 = arith.muli %arg0, %mul3A : i32
    %add3A = arith.addi %mul3A_0, %arg1 : i32
    %mul3A_1 = arith.constant 625 : i32
    %mul3A_2 = arith.muli %arg1, %mul3A_1 : i32
    "tpu.region"() ({
      %run_scoped3A_318 = tpu.sem_alloc : memref<!tpu.dma_semaphore, #tpu.memory_space<semaphore_mem>>
      %dma_start3A_319 = arith.constant 0 : i32
      %dma_start3A_320 = tpu.memref_slice %arg11[%mul3A_2, %dma_start3A_319] : memref<10000x32xf32, #tpu.memory_space<vmem_shared>> -> memref<625x32xf32, #tpu.memory_space<vmem_shared>>
      tpu.enqueue_dma source(%arg4 : memref<625x32xf32, #tpu.memory_space<hbm>>) target(%dma_start3A_320 : memref<625x32xf32, #tpu.memory_space<vmem_shared>>) target_semaphore(%run_scoped3A_318 : memref<!tpu.dma_semaphore, #tpu.memory_space<semaphore_mem>>)
      %dma_wait3A_321 = arith.constant 0 : i32
      %dma_wait3A_322 = tpu.memref_slice %arg11[%mul3A_2, %dma_wait3A_321] : memref<10000x32xf32, #tpu.memory_space<vmem_shared>> -> memref<625x32xf32, #tpu.memory_space<vmem_shared>>
      tpu.wait_dma2 semaphore(%run_scoped3A_318 : memref<!tpu.dma_semaphore, #tpu.memory_space<semaphore_mem>>) src(%arg4 : memref<625x32xf32, #tpu.memory_space<hbm>>) dst(%dma_wait3A_322 : memref<625x32xf32, #tpu.memory_space<vmem_shared>>)
      tpu.yield
    }) : () -> ()
    %mul3A_3 = arith.constant 625 : i32
    %mul3A_4 = arith.muli %arg1, %mul3A_3 : i32
    %mul3A_5 = arith.constant 625 : i32
    %mul3A_6 = arith.muli %arg1, %mul3A_5 : i32
    "tpu.region"() ({
      %run_scoped3A_318 = tpu.sem_alloc : memref<!tpu.dma_semaphore, #tpu.memory_space<semaphore_mem>>
      %dma_start3A_319 = arith.constant 0 : i32
      %dma_start3A_320 = tpu.memref_slice %arg12[%mul3A_6, %dma_start3A_319] : memref<10000x32xf32, #tpu.memory_space<vmem_shared>> -> memref<625x32xf32, #tpu.memory_space<vmem_shared>>
      %dma_start3A_321 = arith.constant 0 : i32
      %dma_start3A_322 = tpu.memref_slice %arg2[%mul3A_4, %dma_start3A_321] : memref<10000x32xf32, #tpu.memory_space<hbm>> -> memref<625x32xf32, #tpu.memory_space<hbm>>
      tpu.enqueue_dma source(%dma_start3A_322 : memref<625x32xf32, #tpu.memory_space<hbm>>) target(%dma_start3A_320 : memref<625x32xf32, #tpu.memory_space<vmem_shared>>) target_semaphore(%run_scoped3A_318 : memref<!tpu.dma_semaphore, #tpu.memory_space<semaphore_mem>>)
      %dma_wait3A_323 = arith.constant 0 : i32
      %dma_wait3A_324 = tpu.memref_slice %arg12[%mul3A_6, %dma_wait3A_323] : memref<10000x32xf32, #tpu.memory_space<vmem_shared>> -> memref<625x32xf32, #tpu.memory_space<vmem_shared>>
      %dma_wait3A_325 = arith.constant 0 : i32
      %dma_wait3A_326 = tpu.memref_slice %arg2[%mul3A_4, %dma_wait3A_325] : memref<10000x32xf32, #tpu.memory_space<hbm>> -> memref<625x32xf32, #tpu.memory_space<hbm>>
      tpu.wait_dma2 semaphore(%run_scoped3A_318 : memref<!tpu.dma_semaphore, #tpu.memory_space<semaphore_mem>>) src(%dma_wait3A_326 : memref<625x32xf32, #tpu.memory_space<hbm>>) dst(%dma_wait3A_324 : memref<625x32xf32, #tpu.memory_space<vmem_shared>>)
      tpu.yield
    }) : () -> ()
    %mul3A_7 = arith.constant 10000 : i32
    %mul3A_8 = arith.muli %add3A, %mul3A_7 : i32
    %run_scoped3A = arith.constant 0 : i32
    "tpu.region"() ({
      %run_scoped3A_318 = tpu.sem_alloc : memref<!tpu.dma_semaphore, #tpu.memory_space<semaphore_mem>>
      %dma_start3A_319 = tpu.memref_slice %arg3[%run_scoped3A, %mul3A_8] : memref<2x320000xi32, #tpu.memory_space<hbm>> -> memref<1x10000xi32, #tpu.memory_space<hbm>>
      %dma_start3A_320 = tpu.memref_squeeze %dma_start3A_319 : memref<1x10000xi32, #tpu.memory_space<hbm>> -> memref<10000xi32, #tpu.memory_space<hbm>>
      %dma_start3A_321 = tpu.memref_slice %arg3[%run_scoped3A, %mul3A_8] : memref<2x320000xi32, #tpu.memory_space<hbm>> -> memref<1x10000xi32, #tpu.memory_space<hbm>>
      %dma_start3A_322 = tpu.memref_squeeze %dma_start3A_321 : memref<1x10000xi32, #tpu.memory_space<hbm>> -> memref<10000xi32, #tpu.memory_space<hbm>>
      tpu.enqueue_dma source(%dma_start3A_322 : memref<10000xi32, #tpu.memory_space<hbm>>) target(%arg6 : memref<10000xi32, #tpu.memory_space<vmem>>) target_semaphore(%run_scoped3A_318 : memref<!tpu.dma_semaphore, #tpu.memory_space<semaphore_mem>>)
      %dma_wait3A_323 = tpu.memref_slice %arg3[%run_scoped3A, %mul3A_8] : memref<2x320000xi32, #tpu.memory_space<hbm>> -> memref<1x10000xi32, #tpu.memory_space<hbm>>
      %dma_wait3A_324 = tpu.memref_squeeze %dma_wait3A_323 : memref<1x10000xi32, #tpu.memory_space<hbm>> -> memref<10000xi32, #tpu.memory_space<hbm>>
      %dma_wait3A_325 = tpu.memref_slice %arg3[%run_scoped3A, %mul3A_8] : memref<2x320000xi32, #tpu.memory_space<hbm>> -> memref<1x10000xi32, #tpu.memory_space<hbm>>
      %dma_wait3A_326 = tpu.memref_squeeze %dma_wait3A_325 : memref<1x10000xi32, #tpu.memory_space<hbm>> -> memref<10000xi32, #tpu.memory_space<hbm>>
      tpu.wait_dma2 semaphore(%run_scoped3A_318 : memref<!tpu.dma_semaphore, #tpu.memory_space<semaphore_mem>>) src(%dma_wait3A_326 : memref<10000xi32, #tpu.memory_space<hbm>>) dst(%arg6 : memref<10000xi32, #tpu.memory_space<vmem>>)
      tpu.yield
    }) : () -> ()
    %mul3A_9 = arith.constant 10000 : i32
    %mul3A_10 = arith.muli %add3A, %mul3A_9 : i32
    %run_scoped3A_11 = arith.constant 1 : i32
    "tpu.region"() ({
      %run_scoped3A_318 = tpu.sem_alloc : memref<!tpu.dma_semaphore, #tpu.memory_space<semaphore_mem>>
      %dma_start3A_319 = tpu.memref_slice %arg3[%run_scoped3A_11, %mul3A_10] : memref<2x320000xi32, #tpu.memory_space<hbm>> -> memref<1x10000xi32, #tpu.memory_space<hbm>>
      %dma_start3A_320 = tpu.memref_squeeze %dma_start3A_319 : memref<1x10000xi32, #tpu.memory_space<hbm>> -> memref<10000xi32, #tpu.memory_space<hbm>>
      %dma_start3A_321 = tpu.memref_slice %arg3[%run_scoped3A_11, %mul3A_10] : memref<2x320000xi32, #tpu.memory_space<hbm>> -> memref<1x10000xi32, #tpu.memory_space<hbm>>
      %dma_start3A_322 = tpu.memref_squeeze %dma_start3A_321 : memref<1x10000xi32, #tpu.memory_space<hbm>> -> memref<10000xi32, #tpu.memory_space<hbm>>
      tpu.enqueue_dma source(%dma_start3A_322 : memref<10000xi32, #tpu.memory_space<hbm>>) target(%arg7 : memref<10000xi32, #tpu.memory_space<vmem>>) target_semaphore(%run_scoped3A_318 : memref<!tpu.dma_semaphore, #tpu.memory_space<semaphore_mem>>)
      %dma_wait3A_323 = tpu.memref_slice %arg3[%run_scoped3A_11, %mul3A_10] : memref<2x320000xi32, #tpu.memory_space<hbm>> -> memref<1x10000xi32, #tpu.memory_space<hbm>>
      %dma_wait3A_324 = tpu.memref_squeeze %dma_wait3A_323 : memref<1x10000xi32, #tpu.memory_space<hbm>> -> memref<10000xi32, #tpu.memory_space<hbm>>
      %dma_wait3A_325 = tpu.memref_slice %arg3[%run_scoped3A_11, %mul3A_10] : memref<2x320000xi32, #tpu.memory_space<hbm>> -> memref<1x10000xi32, #tpu.memory_space<hbm>>
      %dma_wait3A_326 = tpu.memref_squeeze %dma_wait3A_325 : memref<1x10000xi32, #tpu.memory_space<hbm>> -> memref<10000xi32, #tpu.memory_space<hbm>>
      tpu.wait_dma2 semaphore(%run_scoped3A_318 : memref<!tpu.dma_semaphore, #tpu.memory_space<semaphore_mem>>) src(%dma_wait3A_326 : memref<10000xi32, #tpu.memory_space<hbm>>) dst(%arg7 : memref<10000xi32, #tpu.memory_space<vmem>>)
      tpu.yield
    }) : () -> ()
    %barrier3A = arith.constant 0 : index
    tpu.barrier barrier_id(%barrier3A)
    %dma_start3A = arith.constant 0 : i32
    %dma_start3A_12 = arith.constant 0 : i32
    %dma_start3A_13 = arith.constant 0 : i32
    %dma_start3A_14 = arith.constant 0 : i32
    %dma_start3A_15 = tpu.memref_slice %arg8[%dma_start3A, %dma_start3A_13, %dma_start3A_14] : memref<8x80x32xf32, #tpu.memory_space<vmem>> -> memref<1x80x32xf32, #tpu.memory_space<vmem>>
    %dma_start3A_16 = tpu.memref_squeeze %dma_start3A_15 : memref<1x80x32xf32, #tpu.memory_space<vmem>> -> memref<80x32xf32, #tpu.memory_space<vmem>>
    %dma_start3A_17 = arith.constant 0 : i32
    %dma_start3A_18 = tpu.memref_slice %arg6[%dma_start3A_17] : memref<10000xi32, #tpu.memory_space<vmem>> -> memref<80xi32, #tpu.memory_space<vmem>>
    %dma_start3A_19 = arith.constant 0 : i32
    %dma_start3A_20 = arith.constant 0 : i32
    %dma_start3A_21 = tpu.memref_slice %arg12[%dma_start3A_19, %dma_start3A_20] : memref<10000x32xf32, #tpu.memory_space<vmem_shared>> -> memref<10000x32xf32, #tpu.memory_space<vmem_shared>>
    %dma_start3A_22 = tpu.memref_slice %arg9[%dma_start3A_12] : memref<8x!tpu.dma_semaphore, #tpu.memory_space<semaphore_mem>> -> memref<1x!tpu.dma_semaphore, #tpu.memory_space<semaphore_mem>>
    %dma_start3A_23 = tpu.memref_squeeze %dma_start3A_22 : memref<1x!tpu.dma_semaphore, #tpu.memory_space<semaphore_mem>> -> memref<!tpu.dma_semaphore, #tpu.memory_space<semaphore_mem>>
    tpu.enqueue_indirect_dma source(%dma_start3A_21 : memref<10000x32xf32, #tpu.memory_space<vmem_shared>>) target(%dma_start3A_16 : memref<80x32xf32, #tpu.memory_space<vmem>>) offsets(%dma_start3A_18 : memref<80xi32, #tpu.memory_space<vmem>>) semaphore(%dma_start3A_23 : memref<!tpu.dma_semaphore, #tpu.memory_space<semaphore_mem>>)
    %dma_start3A_24 = arith.constant 1 : i32
    %dma_start3A_25 = arith.constant 1 : i32
    %dma_start3A_26 = arith.constant 0 : i32
    %dma_start3A_27 = arith.constant 0 : i32
    %dma_start3A_28 = tpu.memref_slice %arg8[%dma_start3A_24, %dma_start3A_26, %dma_start3A_27] : memref<8x80x32xf32, #tpu.memory_space<vmem>> -> memref<1x80x32xf32, #tpu.memory_space<vmem>>
    %dma_start3A_29 = tpu.memref_squeeze %dma_start3A_28 : memref<1x80x32xf32, #tpu.memory_space<vmem>> -> memref<80x32xf32, #tpu.memory_space<vmem>>
    %dma_start3A_30 = arith.constant 80 : i32
    %dma_start3A_31 = tpu.memref_slice %arg6[%dma_start3A_30] : memref<10000xi32, #tpu.memory_space<vmem>> -> memref<80xi32, #tpu.memory_space<vmem>>
    %dma_start3A_32 = arith.constant 0 : i32
    %dma_start3A_33 = arith.constant 0 : i32
    %dma_start3A_34 = tpu.memref_slice %arg12[%dma_start3A_32, %dma_start3A_33] : memref<10000x32xf32, #tpu.memory_space<vmem_shared>> -> memref<10000x32xf32, #tpu.memory_space<vmem_shared>>
    %dma_start3A_35 = tpu.memref_slice %arg9[%dma_start3A_25] : memref<8x!tpu.dma_semaphore, #tpu.memory_space<semaphore_mem>> -> memref<1x!tpu.dma_semaphore, #tpu.memory_space<semaphore_mem>>
    %dma_start3A_36 = tpu.memref_squeeze %dma_start3A_35 : memref<1x!tpu.dma_semaphore, #tpu.memory_space<semaphore_mem>> -> memref<!tpu.dma_semaphore, #tpu.memory_space<semaphore_mem>>
    tpu.enqueue_indirect_dma source(%dma_start3A_34 : memref<10000x32xf32, #tpu.memory_space<vmem_shared>>) target(%dma_start3A_29 : memref<80x32xf32, #tpu.memory_space<vmem>>) offsets(%dma_start3A_31 : memref<80xi32, #tpu.memory_space<vmem>>) semaphore(%dma_start3A_36 : memref<!tpu.dma_semaphore, #tpu.memory_space<semaphore_mem>>)
    %dma_start3A_37 = arith.constant 2 : i32
    %dma_start3A_38 = arith.constant 2 : i32
    %dma_start3A_39 = arith.constant 0 : i32
    %dma_start3A_40 = arith.constant 0 : i32
    %dma_start3A_41 = tpu.memref_slice %arg8[%dma_start3A_37, %dma_start3A_39, %dma_start3A_40] : memref<8x80x32xf32, #tpu.memory_space<vmem>> -> memref<1x80x32xf32, #tpu.memory_space<vmem>>
    %dma_start3A_42 = tpu.memref_squeeze %dma_start3A_41 : memref<1x80x32xf32, #tpu.memory_space<vmem>> -> memref<80x32xf32, #tpu.memory_space<vmem>>
    %dma_start3A_43 = arith.constant 160 : i32
    %dma_start3A_44 = tpu.memref_slice %arg6[%dma_start3A_43] : memref<10000xi32, #tpu.memory_space<vmem>> -> memref<80xi32, #tpu.memory_space<vmem>>
    %dma_start3A_45 = arith.constant 0 : i32
    %dma_start3A_46 = arith.constant 0 : i32
    %dma_start3A_47 = tpu.memref_slice %arg12[%dma_start3A_45, %dma_start3A_46] : memref<10000x32xf32, #tpu.memory_space<vmem_shared>> -> memref<10000x32xf32, #tpu.memory_space<vmem_shared>>
    %dma_start3A_48 = tpu.memref_slice %arg9[%dma_start3A_38] : memref<8x!tpu.dma_semaphore, #tpu.memory_space<semaphore_mem>> -> memref<1x!tpu.dma_semaphore, #tpu.memory_space<semaphore_mem>>
    %dma_start3A_49 = tpu.memref_squeeze %dma_start3A_48 : memref<1x!tpu.dma_semaphore, #tpu.memory_space<semaphore_mem>> -> memref<!tpu.dma_semaphore, #tpu.memory_space<semaphore_mem>>
    tpu.enqueue_indirect_dma source(%dma_start3A_47 : memref<10000x32xf32, #tpu.memory_space<vmem_shared>>) target(%dma_start3A_42 : memref<80x32xf32, #tpu.memory_space<vmem>>) offsets(%dma_start3A_44 : memref<80xi32, #tpu.memory_space<vmem>>) semaphore(%dma_start3A_49 : memref<!tpu.dma_semaphore, #tpu.memory_space<semaphore_mem>>)
    %dma_start3A_50 = arith.constant 3 : i32
    %dma_start3A_51 = arith.constant 3 : i32
    %dma_start3A_52 = arith.constant 0 : i32
    %dma_start3A_53 = arith.constant 0 : i32
    %dma_start3A_54 = tpu.memref_slice %arg8[%dma_start3A_50, %dma_start3A_52, %dma_start3A_53] : memref<8x80x32xf32, #tpu.memory_space<vmem>> -> memref<1x80x32xf32, #tpu.memory_space<vmem>>
    %dma_start3A_55 = tpu.memref_squeeze %dma_start3A_54 : memref<1x80x32xf32, #tpu.memory_space<vmem>> -> memref<80x32xf32, #tpu.memory_space<vmem>>
    %dma_start3A_56 = arith.constant 240 : i32
    %dma_start3A_57 = tpu.memref_slice %arg6[%dma_start3A_56] : memref<10000xi32, #tpu.memory_space<vmem>> -> memref<80xi32, #tpu.memory_space<vmem>>
    %dma_start3A_58 = arith.constant 0 : i32
    %dma_start3A_59 = arith.constant 0 : i32
    %dma_start3A_60 = tpu.memref_slice %arg12[%dma_start3A_58, %dma_start3A_59] : memref<10000x32xf32, #tpu.memory_space<vmem_shared>> -> memref<10000x32xf32, #tpu.memory_space<vmem_shared>>
    %dma_start3A_61 = tpu.memref_slice %arg9[%dma_start3A_51] : memref<8x!tpu.dma_semaphore, #tpu.memory_space<semaphore_mem>> -> memref<1x!tpu.dma_semaphore, #tpu.memory_space<semaphore_mem>>
    %dma_start3A_62 = tpu.memref_squeeze %dma_start3A_61 : memref<1x!tpu.dma_semaphore, #tpu.memory_space<semaphore_mem>> -> memref<!tpu.dma_semaphore, #tpu.memory_space<semaphore_mem>>
    tpu.enqueue_indirect_dma source(%dma_start3A_60 : memref<10000x32xf32, #tpu.memory_space<vmem_shared>>) target(%dma_start3A_55 : memref<80x32xf32, #tpu.memory_space<vmem>>) offsets(%dma_start3A_57 : memref<80xi32, #tpu.memory_space<vmem>>) semaphore(%dma_start3A_62 : memref<!tpu.dma_semaphore, #tpu.memory_space<semaphore_mem>>)
    %dma_start3A_63 = arith.constant 4 : i32
    %dma_start3A_64 = arith.constant 4 : i32
    %dma_start3A_65 = arith.constant 0 : i32
    %dma_start3A_66 = arith.constant 0 : i32
    %dma_start3A_67 = tpu.memref_slice %arg8[%dma_start3A_63, %dma_start3A_65, %dma_start3A_66] : memref<8x80x32xf32, #tpu.memory_space<vmem>> -> memref<1x80x32xf32, #tpu.memory_space<vmem>>
    %dma_start3A_68 = tpu.memref_squeeze %dma_start3A_67 : memref<1x80x32xf32, #tpu.memory_space<vmem>> -> memref<80x32xf32, #tpu.memory_space<vmem>>
    %dma_start3A_69 = arith.constant 320 : i32
    %dma_start3A_70 = tpu.memref_slice %arg6[%dma_start3A_69] : memref<10000xi32, #tpu.memory_space<vmem>> -> memref<80xi32, #tpu.memory_space<vmem>>
    %dma_start3A_71 = arith.constant 0 : i32
    %dma_start3A_72 = arith.constant 0 : i32
    %dma_start3A_73 = tpu.memref_slice %arg12[%dma_start3A_71, %dma_start3A_72] : memref<10000x32xf32, #tpu.memory_space<vmem_shared>> -> memref<10000x32xf32, #tpu.memory_space<vmem_shared>>
    %dma_start3A_74 = tpu.memref_slice %arg9[%dma_start3A_64] : memref<8x!tpu.dma_semaphore, #tpu.memory_space<semaphore_mem>> -> memref<1x!tpu.dma_semaphore, #tpu.memory_space<semaphore_mem>>
    %dma_start3A_75 = tpu.memref_squeeze %dma_start3A_74 : memref<1x!tpu.dma_semaphore, #tpu.memory_space<semaphore_mem>> -> memref<!tpu.dma_semaphore, #tpu.memory_space<semaphore_mem>>
    tpu.enqueue_indirect_dma source(%dma_start3A_73 : memref<10000x32xf32, #tpu.memory_space<vmem_shared>>) target(%dma_start3A_68 : memref<80x32xf32, #tpu.memory_space<vmem>>) offsets(%dma_start3A_70 : memref<80xi32, #tpu.memory_space<vmem>>) semaphore(%dma_start3A_75 : memref<!tpu.dma_semaphore, #tpu.memory_space<semaphore_mem>>)
    %dma_start3A_76 = arith.constant 5 : i32
    %dma_start3A_77 = arith.constant 5 : i32
    %dma_start3A_78 = arith.constant 0 : i32
    %dma_start3A_79 = arith.constant 0 : i32
    %dma_start3A_80 = tpu.memref_slice %arg8[%dma_start3A_76, %dma_start3A_78, %dma_start3A_79] : memref<8x80x32xf32, #tpu.memory_space<vmem>> -> memref<1x80x32xf32, #tpu.memory_space<vmem>>
    %dma_start3A_81 = tpu.memref_squeeze %dma_start3A_80 : memref<1x80x32xf32, #tpu.memory_space<vmem>> -> memref<80x32xf32, #tpu.memory_space<vmem>>
    %dma_start3A_82 = arith.constant 400 : i32
    %dma_start3A_83 = tpu.memref_slice %arg6[%dma_start3A_82] : memref<10000xi32, #tpu.memory_space<vmem>> -> memref<80xi32, #tpu.memory_space<vmem>>
    %dma_start3A_84 = arith.constant 0 : i32
    %dma_start3A_85 = arith.constant 0 : i32
    %dma_start3A_86 = tpu.memref_slice %arg12[%dma_start3A_84, %dma_start3A_85] : memref<10000x32xf32, #tpu.memory_space<vmem_shared>> -> memref<10000x32xf32, #tpu.memory_space<vmem_shared>>
    %dma_start3A_87 = tpu.memref_slice %arg9[%dma_start3A_77] : memref<8x!tpu.dma_semaphore, #tpu.memory_space<semaphore_mem>> -> memref<1x!tpu.dma_semaphore, #tpu.memory_space<semaphore_mem>>
    %dma_start3A_88 = tpu.memref_squeeze %dma_start3A_87 : memref<1x!tpu.dma_semaphore, #tpu.memory_space<semaphore_mem>> -> memref<!tpu.dma_semaphore, #tpu.memory_space<semaphore_mem>>
    tpu.enqueue_indirect_dma source(%dma_start3A_86 : memref<10000x32xf32, #tpu.memory_space<vmem_shared>>) target(%dma_start3A_81 : memref<80x32xf32, #tpu.memory_space<vmem>>) offsets(%dma_start3A_83 : memref<80xi32, #tpu.memory_space<vmem>>) semaphore(%dma_start3A_88 : memref<!tpu.dma_semaphore, #tpu.memory_space<semaphore_mem>>)
    %dma_start3A_89 = arith.constant 6 : i32
    %dma_start3A_90 = arith.constant 6 : i32
    %dma_start3A_91 = arith.constant 0 : i32
    %dma_start3A_92 = arith.constant 0 : i32
    %dma_start3A_93 = tpu.memref_slice %arg8[%dma_start3A_89, %dma_start3A_91, %dma_start3A_92] : memref<8x80x32xf32, #tpu.memory_space<vmem>> -> memref<1x80x32xf32, #tpu.memory_space<vmem>>
    %dma_start3A_94 = tpu.memref_squeeze %dma_start3A_93 : memref<1x80x32xf32, #tpu.memory_space<vmem>> -> memref<80x32xf32, #tpu.memory_space<vmem>>
    %dma_start3A_95 = arith.constant 480 : i32
    %dma_start3A_96 = tpu.memref_slice %arg6[%dma_start3A_95] : memref<10000xi32, #tpu.memory_space<vmem>> -> memref<80xi32, #tpu.memory_space<vmem>>
    %dma_start3A_97 = arith.constant 0 : i32
    %dma_start3A_98 = arith.constant 0 : i32
    %dma_start3A_99 = tpu.memref_slice %arg12[%dma_start3A_97, %dma_start3A_98] : memref<10000x32xf32, #tpu.memory_space<vmem_shared>> -> memref<10000x32xf32, #tpu.memory_space<vmem_shared>>
    %dma_start3A_100 = tpu.memref_slice %arg9[%dma_start3A_90] : memref<8x!tpu.dma_semaphore, #tpu.memory_space<semaphore_mem>> -> memref<1x!tpu.dma_semaphore, #tpu.memory_space<semaphore_mem>>
    %dma_start3A_101 = tpu.memref_squeeze %dma_start3A_100 : memref<1x!tpu.dma_semaphore, #tpu.memory_space<semaphore_mem>> -> memref<!tpu.dma_semaphore, #tpu.memory_space<semaphore_mem>>
    tpu.enqueue_indirect_dma source(%dma_start3A_99 : memref<10000x32xf32, #tpu.memory_space<vmem_shared>>) target(%dma_start3A_94 : memref<80x32xf32, #tpu.memory_space<vmem>>) offsets(%dma_start3A_96 : memref<80xi32, #tpu.memory_space<vmem>>) semaphore(%dma_start3A_101 : memref<!tpu.dma_semaphore, #tpu.memory_space<semaphore_mem>>)
    %dma_start3A_102 = arith.constant 7 : i32
    %dma_start3A_103 = arith.constant 7 : i32
    %dma_start3A_104 = arith.constant 0 : i32
    %dma_start3A_105 = arith.constant 0 : i32
    %dma_start3A_106 = tpu.memref_slice %arg8[%dma_start3A_102, %dma_start3A_104, %dma_start3A_105] : memref<8x80x32xf32, #tpu.memory_space<vmem>> -> memref<1x80x32xf32, #tpu.memory_space<vmem>>
    %dma_start3A_107 = tpu.memref_squeeze %dma_start3A_106 : memref<1x80x32xf32, #tpu.memory_space<vmem>> -> memref<80x32xf32, #tpu.memory_space<vmem>>
    %dma_start3A_108 = arith.constant 560 : i32
    %dma_start3A_109 = tpu.memref_slice %arg6[%dma_start3A_108] : memref<10000xi32, #tpu.memory_space<vmem>> -> memref<80xi32, #tpu.memory_space<vmem>>
    %dma_start3A_110 = arith.constant 0 : i32
    %dma_start3A_111 = arith.constant 0 : i32
    %dma_start3A_112 = tpu.memref_slice %arg12[%dma_start3A_110, %dma_start3A_111] : memref<10000x32xf32, #tpu.memory_space<vmem_shared>> -> memref<10000x32xf32, #tpu.memory_space<vmem_shared>>
    %dma_start3A_113 = tpu.memref_slice %arg9[%dma_start3A_103] : memref<8x!tpu.dma_semaphore, #tpu.memory_space<semaphore_mem>> -> memref<1x!tpu.dma_semaphore, #tpu.memory_space<semaphore_mem>>
    %dma_start3A_114 = tpu.memref_squeeze %dma_start3A_113 : memref<1x!tpu.dma_semaphore, #tpu.memory_space<semaphore_mem>> -> memref<!tpu.dma_semaphore, #tpu.memory_space<semaphore_mem>>
    tpu.enqueue_indirect_dma source(%dma_start3A_112 : memref<10000x32xf32, #tpu.memory_space<vmem_shared>>) target(%dma_start3A_107 : memref<80x32xf32, #tpu.memory_space<vmem>>) offsets(%dma_start3A_109 : memref<80xi32, #tpu.memory_space<vmem>>) semaphore(%dma_start3A_114 : memref<!tpu.dma_semaphore, #tpu.memory_space<semaphore_mem>>)
    %scan3A = arith.constant 0 : i32
    %scan3A_115 = arith.constant 15 : i32
    %scan3A_116 = arith.addi %scan3A, %scan3A_115 : i32
    %scan3A_117 = arith.constant 1 : i32
    scf.for %scan3A_318 = %scan3A to %scan3A_116 step %scan3A_117  : i32 {
      %mul3A_319 = arith.constant 1 : i32
      %mul3A_320 = arith.muli %scan3A_318, %mul3A_319 : i32
      %add3A_321 = arith.constant 0 : i32
      %add3A_322 = arith.addi %add3A_321, %mul3A_320 : i32
      %mul3A_323 = arith.constant 8 : i32
      %mul3A_324 = arith.muli %add3A_322, %mul3A_323 : i32
      %add3A_325 = arith.constant 0 : i32
      %add3A_326 = arith.addi %mul3A_324, %add3A_325 : i32
      %mul3A_327 = arith.constant 80 : i32
      %mul3A_328 = arith.muli %add3A_326, %mul3A_327 : i32
      %dma_wait3A_329 = arith.constant 0 : i32
      %dma_wait3A_330 = arith.constant 0 : i32
      %dma_wait3A_331 = arith.constant 0 : i32
      %dma_wait3A_332 = arith.constant 0 : i32
      %dma_wait3A_333 = tpu.memref_slice %arg8[%dma_wait3A_329, %dma_wait3A_331, %dma_wait3A_332] : memref<8x80x32xf32, #tpu.memory_space<vmem>> -> memref<1x80x32xf32, #tpu.memory_space<vmem>>
      %dma_wait3A_334 = tpu.memref_squeeze %dma_wait3A_333 : memref<1x80x32xf32, #tpu.memory_space<vmem>> -> memref<80x32xf32, #tpu.memory_space<vmem>>
      %dma_wait3A_335 = tpu.memref_slice %arg6[%mul3A_328] : memref<10000xi32, #tpu.memory_space<vmem>> -> memref<80xi32, #tpu.memory_space<vmem>>
      %dma_wait3A_336 = arith.constant 0 : i32
      %dma_wait3A_337 = arith.constant 0 : i32
      %dma_wait3A_338 = tpu.memref_slice %arg12[%dma_wait3A_336, %dma_wait3A_337] : memref<10000x32xf32, #tpu.memory_space<vmem_shared>> -> memref<10000x32xf32, #tpu.memory_space<vmem_shared>>
      %dma_wait3A_339 = tpu.memref_slice %arg9[%dma_wait3A_330] : memref<8x!tpu.dma_semaphore, #tpu.memory_space<semaphore_mem>> -> memref<1x!tpu.dma_semaphore, #tpu.memory_space<semaphore_mem>>
      %dma_wait3A_340 = tpu.memref_squeeze %dma_wait3A_339 : memref<1x!tpu.dma_semaphore, #tpu.memory_space<semaphore_mem>> -> memref<!tpu.dma_semaphore, #tpu.memory_space<semaphore_mem>>
      tpu.wait_indirect_dma semaphore(%dma_wait3A_340 : memref<!tpu.dma_semaphore, #tpu.memory_space<semaphore_mem>>) src(%dma_wait3A_338 : memref<10000x32xf32, #tpu.memory_space<vmem_shared>>) dst(%dma_wait3A_334 : memref<80x32xf32, #tpu.memory_space<vmem>>)
      %mul3A_341 = arith.constant 80 : i32
      %mul3A_342 = arith.muli %add3A_326, %mul3A_341 : i32
      %dma_start3A_343 = arith.constant 0 : i32
      %dma_start3A_344 = arith.constant 0 : i32
      %dma_start3A_345 = arith.constant 0 : i32
      %dma_start3A_346 = arith.constant 0 : i32
      %dma_start3A_347 = tpu.memref_slice %arg8[%dma_start3A_343, %dma_start3A_345, %dma_start3A_346] : memref<8x80x32xf32, #tpu.memory_space<vmem>> -> memref<1x80x32xf32, #tpu.memory_space<vmem>>
      %dma_start3A_348 = tpu.memref_squeeze %dma_start3A_347 : memref<1x80x32xf32, #tpu.memory_space<vmem>> -> memref<80x32xf32, #tpu.memory_space<vmem>>
      %dma_start3A_349 = tpu.memref_slice %arg7[%mul3A_342] : memref<10000xi32, #tpu.memory_space<vmem>> -> memref<80xi32, #tpu.memory_space<vmem>>
      %dma_start3A_350 = arith.constant 0 : i32
      %dma_start3A_351 = arith.constant 0 : i32
      %dma_start3A_352 = tpu.memref_slice %arg11[%dma_start3A_350, %dma_start3A_351] : memref<10000x32xf32, #tpu.memory_space<vmem_shared>> -> memref<10000x32xf32, #tpu.memory_space<vmem_shared>>
      %dma_start3A_353 = tpu.memref_slice %arg10[%dma_start3A_344] : memref<8x!tpu.dma_semaphore, #tpu.memory_space<semaphore_mem>> -> memref<1x!tpu.dma_semaphore, #tpu.memory_space<semaphore_mem>>
      %dma_start3A_354 = tpu.memref_squeeze %dma_start3A_353 : memref<1x!tpu.dma_semaphore, #tpu.memory_space<semaphore_mem>> -> memref<!tpu.dma_semaphore, #tpu.memory_space<semaphore_mem>>
      tpu.enqueue_indirect_dma source(%dma_start3A_348 : memref<80x32xf32, #tpu.memory_space<vmem>>) target(%dma_start3A_352 : memref<10000x32xf32, #tpu.memory_space<vmem_shared>>) offsets(%dma_start3A_349 : memref<80xi32, #tpu.memory_space<vmem>>) semaphore(%dma_start3A_354 : memref<!tpu.dma_semaphore, #tpu.memory_space<semaphore_mem>>) {add = true}
      %add3A_355 = arith.constant 1 : i32
      %add3A_356 = arith.addi %mul3A_324, %add3A_355 : i32
      %mul3A_357 = arith.constant 80 : i32
      %mul3A_358 = arith.muli %add3A_356, %mul3A_357 : i32
      %dma_wait3A_359 = arith.constant 1 : i32
      %dma_wait3A_360 = arith.constant 1 : i32
      %dma_wait3A_361 = arith.constant 0 : i32
      %dma_wait3A_362 = arith.constant 0 : i32
      %dma_wait3A_363 = tpu.memref_slice %arg8[%dma_wait3A_359, %dma_wait3A_361, %dma_wait3A_362] : memref<8x80x32xf32, #tpu.memory_space<vmem>> -> memref<1x80x32xf32, #tpu.memory_space<vmem>>
      %dma_wait3A_364 = tpu.memref_squeeze %dma_wait3A_363 : memref<1x80x32xf32, #tpu.memory_space<vmem>> -> memref<80x32xf32, #tpu.memory_space<vmem>>
      %dma_wait3A_365 = tpu.memref_slice %arg6[%mul3A_358] : memref<10000xi32, #tpu.memory_space<vmem>> -> memref<80xi32, #tpu.memory_space<vmem>>
      %dma_wait3A_366 = arith.constant 0 : i32
      %dma_wait3A_367 = arith.constant 0 : i32
      %dma_wait3A_368 = tpu.memref_slice %arg12[%dma_wait3A_366, %dma_wait3A_367] : memref<10000x32xf32, #tpu.memory_space<vmem_shared>> -> memref<10000x32xf32, #tpu.memory_space<vmem_shared>>
      %dma_wait3A_369 = tpu.memref_slice %arg9[%dma_wait3A_360] : memref<8x!tpu.dma_semaphore, #tpu.memory_space<semaphore_mem>> -> memref<1x!tpu.dma_semaphore, #tpu.memory_space<semaphore_mem>>
      %dma_wait3A_370 = tpu.memref_squeeze %dma_wait3A_369 : memref<1x!tpu.dma_semaphore, #tpu.memory_space<semaphore_mem>> -> memref<!tpu.dma_semaphore, #tpu.memory_space<semaphore_mem>>
      tpu.wait_indirect_dma semaphore(%dma_wait3A_370 : memref<!tpu.dma_semaphore, #tpu.memory_space<semaphore_mem>>) src(%dma_wait3A_368 : memref<10000x32xf32, #tpu.memory_space<vmem_shared>>) dst(%dma_wait3A_364 : memref<80x32xf32, #tpu.memory_space<vmem>>)
      %mul3A_371 = arith.constant 80 : i32
      %mul3A_372 = arith.muli %add3A_356, %mul3A_371 : i32
      %dma_start3A_373 = arith.constant 1 : i32
      %dma_start3A_374 = arith.constant 1 : i32
      %dma_start3A_375 = arith.constant 0 : i32
      %dma_start3A_376 = arith.constant 0 : i32
      %dma_start3A_377 = tpu.memref_slice %arg8[%dma_start3A_373, %dma_start3A_375, %dma_start3A_376] : memref<8x80x32xf32, #tpu.memory_space<vmem>> -> memref<1x80x32xf32, #tpu.memory_space<vmem>>
      %dma_start3A_378 = tpu.memref_squeeze %dma_start3A_377 : memref<1x80x32xf32, #tpu.memory_space<vmem>> -> memref<80x32xf32, #tpu.memory_space<vmem>>
      %dma_start3A_379 = tpu.memref_slice %arg7[%mul3A_372] : memref<10000xi32, #tpu.memory_space<vmem>> -> memref<80xi32, #tpu.memory_space<vmem>>
      %dma_start3A_380 = arith.constant 0 : i32
      %dma_start3A_381 = arith.constant 0 : i32
      %dma_start3A_382 = tpu.memref_slice %arg11[%dma_start3A_380, %dma_start3A_381] : memref<10000x32xf32, #tpu.memory_space<vmem_shared>> -> memref<10000x32xf32, #tpu.memory_space<vmem_shared>>
      %dma_start3A_383 = tpu.memref_slice %arg10[%dma_start3A_374] : memref<8x!tpu.dma_semaphore, #tpu.memory_space<semaphore_mem>> -> memref<1x!tpu.dma_semaphore, #tpu.memory_space<semaphore_mem>>
      %dma_start3A_384 = tpu.memref_squeeze %dma_start3A_383 : memref<1x!tpu.dma_semaphore, #tpu.memory_space<semaphore_mem>> -> memref<!tpu.dma_semaphore, #tpu.memory_space<semaphore_mem>>
      tpu.enqueue_indirect_dma source(%dma_start3A_378 : memref<80x32xf32, #tpu.memory_space<vmem>>) target(%dma_start3A_382 : memref<10000x32xf32, #tpu.memory_space<vmem_shared>>) offsets(%dma_start3A_379 : memref<80xi32, #tpu.memory_space<vmem>>) semaphore(%dma_start3A_384 : memref<!tpu.dma_semaphore, #tpu.memory_space<semaphore_mem>>) {add = true}
      %add3A_385 = arith.constant 2 : i32
      %add3A_386 = arith.addi %mul3A_324, %add3A_385 : i32
      %mul3A_387 = arith.constant 80 : i32
      %mul3A_388 = arith.muli %add3A_386, %mul3A_387 : i32
      %dma_wait3A_389 = arith.constant 2 : i32
      %dma_wait3A_390 = arith.constant 2 : i32
      %dma_wait3A_391 = arith.constant 0 : i32
      %dma_wait3A_392 = arith.constant 0 : i32
      %dma_wait3A_393 = tpu.memref_slice %arg8[%dma_wait3A_389, %dma_wait3A_391, %dma_wait3A_392] : memref<8x80x32xf32, #tpu.memory_space<vmem>> -> memref<1x80x32xf32, #tpu.memory_space<vmem>>
      %dma_wait3A_394 = tpu.memref_squeeze %dma_wait3A_393 : memref<1x80x32xf32, #tpu.memory_space<vmem>> -> memref<80x32xf32, #tpu.memory_space<vmem>>
      %dma_wait3A_395 = tpu.memref_slice %arg6[%mul3A_388] : memref<10000xi32, #tpu.memory_space<vmem>> -> memref<80xi32, #tpu.memory_space<vmem>>
      %dma_wait3A_396 = arith.constant 0 : i32
      %dma_wait3A_397 = arith.constant 0 : i32
      %dma_wait3A_398 = tpu.memref_slice %arg12[%dma_wait3A_396, %dma_wait3A_397] : memref<10000x32xf32, #tpu.memory_space<vmem_shared>> -> memref<10000x32xf32, #tpu.memory_space<vmem_shared>>
      %dma_wait3A_399 = tpu.memref_slice %arg9[%dma_wait3A_390] : memref<8x!tpu.dma_semaphore, #tpu.memory_space<semaphore_mem>> -> memref<1x!tpu.dma_semaphore, #tpu.memory_space<semaphore_mem>>
      %dma_wait3A_400 = tpu.memref_squeeze %dma_wait3A_399 : memref<1x!tpu.dma_semaphore, #tpu.memory_space<semaphore_mem>> -> memref<!tpu.dma_semaphore, #tpu.memory_space<semaphore_mem>>
      tpu.wait_indirect_dma semaphore(%dma_wait3A_400 : memref<!tpu.dma_semaphore, #tpu.memory_space<semaphore_mem>>) src(%dma_wait3A_398 : memref<10000x32xf32, #tpu.memory_space<vmem_shared>>) dst(%dma_wait3A_394 : memref<80x32xf32, #tpu.memory_space<vmem>>)
      %mul3A_401 = arith.constant 80 : i32
      %mul3A_402 = arith.muli %add3A_386, %mul3A_401 : i32
      %dma_start3A_403 = arith.constant 2 : i32
      %dma_start3A_404 = arith.constant 2 : i32
      %dma_start3A_405 = arith.constant 0 : i32
      %dma_start3A_406 = arith.constant 0 : i32
      %dma_start3A_407 = tpu.memref_slice %arg8[%dma_start3A_403, %dma_start3A_405, %dma_start3A_406] : memref<8x80x32xf32, #tpu.memory_space<vmem>> -> memref<1x80x32xf32, #tpu.memory_space<vmem>>
      %dma_start3A_408 = tpu.memref_squeeze %dma_start3A_407 : memref<1x80x32xf32, #tpu.memory_space<vmem>> -> memref<80x32xf32, #tpu.memory_space<vmem>>
      %dma_start3A_409 = tpu.memref_slice %arg7[%mul3A_402] : memref<10000xi32, #tpu.memory_space<vmem>> -> memref<80xi32, #tpu.memory_space<vmem>>
      %dma_start3A_410 = arith.constant 0 : i32
      %dma_start3A_411 = arith.constant 0 : i32
      %dma_start3A_412 = tpu.memref_slice %arg11[%dma_start3A_410, %dma_start3A_411] : memref<10000x32xf32, #tpu.memory_space<vmem_shared>> -> memref<10000x32xf32, #tpu.memory_space<vmem_shared>>
      %dma_start3A_413 = tpu.memref_slice %arg10[%dma_start3A_404] : memref<8x!tpu.dma_semaphore, #tpu.memory_space<semaphore_mem>> -> memref<1x!tpu.dma_semaphore, #tpu.memory_space<semaphore_mem>>
      %dma_start3A_414 = tpu.memref_squeeze %dma_start3A_413 : memref<1x!tpu.dma_semaphore, #tpu.memory_space<semaphore_mem>> -> memref<!tpu.dma_semaphore, #tpu.memory_space<semaphore_mem>>
      tpu.enqueue_indirect_dma source(%dma_start3A_408 : memref<80x32xf32, #tpu.memory_space<vmem>>) target(%dma_start3A_412 : memref<10000x32xf32, #tpu.memory_space<vmem_shared>>) offsets(%dma_start3A_409 : memref<80xi32, #tpu.memory_space<vmem>>) semaphore(%dma_start3A_414 : memref<!tpu.dma_semaphore, #tpu.memory_space<semaphore_mem>>) {add = true}
      %add3A_415 = arith.constant 3 : i32
      %add3A_416 = arith.addi %mul3A_324, %add3A_415 : i32
      %mul3A_417 = arith.constant 80 : i32
      %mul3A_418 = arith.muli %add3A_416, %mul3A_417 : i32
      %dma_wait3A_419 = arith.constant 3 : i32
      %dma_wait3A_420 = arith.constant 3 : i32
      %dma_wait3A_421 = arith.constant 0 : i32
      %dma_wait3A_422 = arith.constant 0 : i32
      %dma_wait3A_423 = tpu.memref_slice %arg8[%dma_wait3A_419, %dma_wait3A_421, %dma_wait3A_422] : memref<8x80x32xf32, #tpu.memory_space<vmem>> -> memref<1x80x32xf32, #tpu.memory_space<vmem>>
      %dma_wait3A_424 = tpu.memref_squeeze %dma_wait3A_423 : memref<1x80x32xf32, #tpu.memory_space<vmem>> -> memref<80x32xf32, #tpu.memory_space<vmem>>
      %dma_wait3A_425 = tpu.memref_slice %arg6[%mul3A_418] : memref<10000xi32, #tpu.memory_space<vmem>> -> memref<80xi32, #tpu.memory_space<vmem>>
      %dma_wait3A_426 = arith.constant 0 : i32
      %dma_wait3A_427 = arith.constant 0 : i32
      %dma_wait3A_428 = tpu.memref_slice %arg12[%dma_wait3A_426, %dma_wait3A_427] : memref<10000x32xf32, #tpu.memory_space<vmem_shared>> -> memref<10000x32xf32, #tpu.memory_space<vmem_shared>>
      %dma_wait3A_429 = tpu.memref_slice %arg9[%dma_wait3A_420] : memref<8x!tpu.dma_semaphore, #tpu.memory_space<semaphore_mem>> -> memref<1x!tpu.dma_semaphore, #tpu.memory_space<semaphore_mem>>
      %dma_wait3A_430 = tpu.memref_squeeze %dma_wait3A_429 : memref<1x!tpu.dma_semaphore, #tpu.memory_space<semaphore_mem>> -> memref<!tpu.dma_semaphore, #tpu.memory_space<semaphore_mem>>
      tpu.wait_indirect_dma semaphore(%dma_wait3A_430 : memref<!tpu.dma_semaphore, #tpu.memory_space<semaphore_mem>>) src(%dma_wait3A_428 : memref<10000x32xf32, #tpu.memory_space<vmem_shared>>) dst(%dma_wait3A_424 : memref<80x32xf32, #tpu.memory_space<vmem>>)
      %mul3A_431 = arith.constant 80 : i32
      %mul3A_432 = arith.muli %add3A_416, %mul3A_431 : i32
      %dma_start3A_433 = arith.constant 3 : i32
      %dma_start3A_434 = arith.constant 3 : i32
      %dma_start3A_435 = arith.constant 0 : i32
      %dma_start3A_436 = arith.constant 0 : i32
      %dma_start3A_437 = tpu.memref_slice %arg8[%dma_start3A_433, %dma_start3A_435, %dma_start3A_436] : memref<8x80x32xf32, #tpu.memory_space<vmem>> -> memref<1x80x32xf32, #tpu.memory_space<vmem>>
      %dma_start3A_438 = tpu.memref_squeeze %dma_start3A_437 : memref<1x80x32xf32, #tpu.memory_space<vmem>> -> memref<80x32xf32, #tpu.memory_space<vmem>>
      %dma_start3A_439 = tpu.memref_slice %arg7[%mul3A_432] : memref<10000xi32, #tpu.memory_space<vmem>> -> memref<80xi32, #tpu.memory_space<vmem>>
      %dma_start3A_440 = arith.constant 0 : i32
      %dma_start3A_441 = arith.constant 0 : i32
      %dma_start3A_442 = tpu.memref_slice %arg11[%dma_start3A_440, %dma_start3A_441] : memref<10000x32xf32, #tpu.memory_space<vmem_shared>> -> memref<10000x32xf32, #tpu.memory_space<vmem_shared>>
      %dma_start3A_443 = tpu.memref_slice %arg10[%dma_start3A_434] : memref<8x!tpu.dma_semaphore, #tpu.memory_space<semaphore_mem>> -> memref<1x!tpu.dma_semaphore, #tpu.memory_space<semaphore_mem>>
      %dma_start3A_444 = tpu.memref_squeeze %dma_start3A_443 : memref<1x!tpu.dma_semaphore, #tpu.memory_space<semaphore_mem>> -> memref<!tpu.dma_semaphore, #tpu.memory_space<semaphore_mem>>
      tpu.enqueue_indirect_dma source(%dma_start3A_438 : memref<80x32xf32, #tpu.memory_space<vmem>>) target(%dma_start3A_442 : memref<10000x32xf32, #tpu.memory_space<vmem_shared>>) offsets(%dma_start3A_439 : memref<80xi32, #tpu.memory_space<vmem>>) semaphore(%dma_start3A_444 : memref<!tpu.dma_semaphore, #tpu.memory_space<semaphore_mem>>) {add = true}
      %add3A_445 = arith.constant 4 : i32
      %add3A_446 = arith.addi %mul3A_324, %add3A_445 : i32
      %mul3A_447 = arith.constant 80 : i32
      %mul3A_448 = arith.muli %add3A_446, %mul3A_447 : i32
      %dma_wait3A_449 = arith.constant 4 : i32
      %dma_wait3A_450 = arith.constant 4 : i32
      %dma_wait3A_451 = arith.constant 0 : i32
      %dma_wait3A_452 = arith.constant 0 : i32
      %dma_wait3A_453 = tpu.memref_slice %arg8[%dma_wait3A_449, %dma_wait3A_451, %dma_wait3A_452] : memref<8x80x32xf32, #tpu.memory_space<vmem>> -> memref<1x80x32xf32, #tpu.memory_space<vmem>>
      %dma_wait3A_454 = tpu.memref_squeeze %dma_wait3A_453 : memref<1x80x32xf32, #tpu.memory_space<vmem>> -> memref<80x32xf32, #tpu.memory_space<vmem>>
      %dma_wait3A_455 = tpu.memref_slice %arg6[%mul3A_448] : memref<10000xi32, #tpu.memory_space<vmem>> -> memref<80xi32, #tpu.memory_space<vmem>>
      %dma_wait3A_456 = arith.constant 0 : i32
      %dma_wait3A_457 = arith.constant 0 : i32
      %dma_wait3A_458 = tpu.memref_slice %arg12[%dma_wait3A_456, %dma_wait3A_457] : memref<10000x32xf32, #tpu.memory_space<vmem_shared>> -> memref<10000x32xf32, #tpu.memory_space<vmem_shared>>
      %dma_wait3A_459 = tpu.memref_slice %arg9[%dma_wait3A_450] : memref<8x!tpu.dma_semaphore, #tpu.memory_space<semaphore_mem>> -> memref<1x!tpu.dma_semaphore, #tpu.memory_space<semaphore_mem>>
      %dma_wait3A_460 = tpu.memref_squeeze %dma_wait3A_459 : memref<1x!tpu.dma_semaphore, #tpu.memory_space<semaphore_mem>> -> memref<!tpu.dma_semaphore, #tpu.memory_space<semaphore_mem>>
      tpu.wait_indirect_dma semaphore(%dma_wait3A_460 : memref<!tpu.dma_semaphore, #tpu.memory_space<semaphore_mem>>) src(%dma_wait3A_458 : memref<10000x32xf32, #tpu.memory_space<vmem_shared>>) dst(%dma_wait3A_454 : memref<80x32xf32, #tpu.memory_space<vmem>>)
      %mul3A_461 = arith.constant 80 : i32
      %mul3A_462 = arith.muli %add3A_446, %mul3A_461 : i32
      %dma_start3A_463 = arith.constant 4 : i32
      %dma_start3A_464 = arith.constant 4 : i32
      %dma_start3A_465 = arith.constant 0 : i32
      %dma_start3A_466 = arith.constant 0 : i32
      %dma_start3A_467 = tpu.memref_slice %arg8[%dma_start3A_463, %dma_start3A_465, %dma_start3A_466] : memref<8x80x32xf32, #tpu.memory_space<vmem>> -> memref<1x80x32xf32, #tpu.memory_space<vmem>>
      %dma_start3A_468 = tpu.memref_squeeze %dma_start3A_467 : memref<1x80x32xf32, #tpu.memory_space<vmem>> -> memref<80x32xf32, #tpu.memory_space<vmem>>
      %dma_start3A_469 = tpu.memref_slice %arg7[%mul3A_462] : memref<10000xi32, #tpu.memory_space<vmem>> -> memref<80xi32, #tpu.memory_space<vmem>>
      %dma_start3A_470 = arith.constant 0 : i32
      %dma_start3A_471 = arith.constant 0 : i32
      %dma_start3A_472 = tpu.memref_slice %arg11[%dma_start3A_470, %dma_start3A_471] : memref<10000x32xf32, #tpu.memory_space<vmem_shared>> -> memref<10000x32xf32, #tpu.memory_space<vmem_shared>>
      %dma_start3A_473 = tpu.memref_slice %arg10[%dma_start3A_464] : memref<8x!tpu.dma_semaphore, #tpu.memory_space<semaphore_mem>> -> memref<1x!tpu.dma_semaphore, #tpu.memory_space<semaphore_mem>>
      %dma_start3A_474 = tpu.memref_squeeze %dma_start3A_473 : memref<1x!tpu.dma_semaphore, #tpu.memory_space<semaphore_mem>> -> memref<!tpu.dma_semaphore, #tpu.memory_space<semaphore_mem>>
      tpu.enqueue_indirect_dma source(%dma_start3A_468 : memref<80x32xf32, #tpu.memory_space<vmem>>) target(%dma_start3A_472 : memref<10000x32xf32, #tpu.memory_space<vmem_shared>>) offsets(%dma_start3A_469 : memref<80xi32, #tpu.memory_space<vmem>>) semaphore(%dma_start3A_474 : memref<!tpu.dma_semaphore, #tpu.memory_space<semaphore_mem>>) {add = true}
      %add3A_475 = arith.constant 5 : i32
      %add3A_476 = arith.addi %mul3A_324, %add3A_475 : i32
      %mul3A_477 = arith.constant 80 : i32
      %mul3A_478 = arith.muli %add3A_476, %mul3A_477 : i32
      %dma_wait3A_479 = arith.constant 5 : i32
      %dma_wait3A_480 = arith.constant 5 : i32
      %dma_wait3A_481 = arith.constant 0 : i32
      %dma_wait3A_482 = arith.constant 0 : i32
      %dma_wait3A_483 = tpu.memref_slice %arg8[%dma_wait3A_479, %dma_wait3A_481, %dma_wait3A_482] : memref<8x80x32xf32, #tpu.memory_space<vmem>> -> memref<1x80x32xf32, #tpu.memory_space<vmem>>
      %dma_wait3A_484 = tpu.memref_squeeze %dma_wait3A_483 : memref<1x80x32xf32, #tpu.memory_space<vmem>> -> memref<80x32xf32, #tpu.memory_space<vmem>>
      %dma_wait3A_485 = tpu.memref_slice %arg6[%mul3A_478] : memref<10000xi32, #tpu.memory_space<vmem>> -> memref<80xi32, #tpu.memory_space<vmem>>
      %dma_wait3A_486 = arith.constant 0 : i32
      %dma_wait3A_487 = arith.constant 0 : i32
      %dma_wait3A_488 = tpu.memref_slice %arg12[%dma_wait3A_486, %dma_wait3A_487] : memref<10000x32xf32, #tpu.memory_space<vmem_shared>> -> memref<10000x32xf32, #tpu.memory_space<vmem_shared>>
      %dma_wait3A_489 = tpu.memref_slice %arg9[%dma_wait3A_480] : memref<8x!tpu.dma_semaphore, #tpu.memory_space<semaphore_mem>> -> memref<1x!tpu.dma_semaphore, #tpu.memory_space<semaphore_mem>>
      %dma_wait3A_490 = tpu.memref_squeeze %dma_wait3A_489 : memref<1x!tpu.dma_semaphore, #tpu.memory_space<semaphore_mem>> -> memref<!tpu.dma_semaphore, #tpu.memory_space<semaphore_mem>>
      tpu.wait_indirect_dma semaphore(%dma_wait3A_490 : memref<!tpu.dma_semaphore, #tpu.memory_space<semaphore_mem>>) src(%dma_wait3A_488 : memref<10000x32xf32, #tpu.memory_space<vmem_shared>>) dst(%dma_wait3A_484 : memref<80x32xf32, #tpu.memory_space<vmem>>)
      %mul3A_491 = arith.constant 80 : i32
      %mul3A_492 = arith.muli %add3A_476, %mul3A_491 : i32
      %dma_start3A_493 = arith.constant 5 : i32
      %dma_start3A_494 = arith.constant 5 : i32
      %dma_start3A_495 = arith.constant 0 : i32
      %dma_start3A_496 = arith.constant 0 : i32
      %dma_start3A_497 = tpu.memref_slice %arg8[%dma_start3A_493, %dma_start3A_495, %dma_start3A_496] : memref<8x80x32xf32, #tpu.memory_space<vmem>> -> memref<1x80x32xf32, #tpu.memory_space<vmem>>
      %dma_start3A_498 = tpu.memref_squeeze %dma_start3A_497 : memref<1x80x32xf32, #tpu.memory_space<vmem>> -> memref<80x32xf32, #tpu.memory_space<vmem>>
      %dma_start3A_499 = tpu.memref_slice %arg7[%mul3A_492] : memref<10000xi32, #tpu.memory_space<vmem>> -> memref<80xi32, #tpu.memory_space<vmem>>
      %dma_start3A_500 = arith.constant 0 : i32
      %dma_start3A_501 = arith.constant 0 : i32
      %dma_start3A_502 = tpu.memref_slice %arg11[%dma_start3A_500, %dma_start3A_501] : memref<10000x32xf32, #tpu.memory_space<vmem_shared>> -> memref<10000x32xf32, #tpu.memory_space<vmem_shared>>
      %dma_start3A_503 = tpu.memref_slice %arg10[%dma_start3A_494] : memref<8x!tpu.dma_semaphore, #tpu.memory_space<semaphore_mem>> -> memref<1x!tpu.dma_semaphore, #tpu.memory_space<semaphore_mem>>
      %dma_start3A_504 = tpu.memref_squeeze %dma_start3A_503 : memref<1x!tpu.dma_semaphore, #tpu.memory_space<semaphore_mem>> -> memref<!tpu.dma_semaphore, #tpu.memory_space<semaphore_mem>>
      tpu.enqueue_indirect_dma source(%dma_start3A_498 : memref<80x32xf32, #tpu.memory_space<vmem>>) target(%dma_start3A_502 : memref<10000x32xf32, #tpu.memory_space<vmem_shared>>) offsets(%dma_start3A_499 : memref<80xi32, #tpu.memory_space<vmem>>) semaphore(%dma_start3A_504 : memref<!tpu.dma_semaphore, #tpu.memory_space<semaphore_mem>>) {add = true}
      %add3A_505 = arith.constant 6 : i32
      %add3A_506 = arith.addi %mul3A_324, %add3A_505 : i32
      %mul3A_507 = arith.constant 80 : i32
      %mul3A_508 = arith.muli %add3A_506, %mul3A_507 : i32
      %dma_wait3A_509 = arith.constant 6 : i32
      %dma_wait3A_510 = arith.constant 6 : i32
      %dma_wait3A_511 = arith.constant 0 : i32
      %dma_wait3A_512 = arith.constant 0 : i32
      %dma_wait3A_513 = tpu.memref_slice %arg8[%dma_wait3A_509, %dma_wait3A_511, %dma_wait3A_512] : memref<8x80x32xf32, #tpu.memory_space<vmem>> -> memref<1x80x32xf32, #tpu.memory_space<vmem>>
      %dma_wait3A_514 = tpu.memref_squeeze %dma_wait3A_513 : memref<1x80x32xf32, #tpu.memory_space<vmem>> -> memref<80x32xf32, #tpu.memory_space<vmem>>
      %dma_wait3A_515 = tpu.memref_slice %arg6[%mul3A_508] : memref<10000xi32, #tpu.memory_space<vmem>> -> memref<80xi32, #tpu.memory_space<vmem>>
      %dma_wait3A_516 = arith.constant 0 : i32
      %dma_wait3A_517 = arith.constant 0 : i32
      %dma_wait3A_518 = tpu.memref_slice %arg12[%dma_wait3A_516, %dma_wait3A_517] : memref<10000x32xf32, #tpu.memory_space<vmem_shared>> -> memref<10000x32xf32, #tpu.memory_space<vmem_shared>>
      %dma_wait3A_519 = tpu.memref_slice %arg9[%dma_wait3A_510] : memref<8x!tpu.dma_semaphore, #tpu.memory_space<semaphore_mem>> -> memref<1x!tpu.dma_semaphore, #tpu.memory_space<semaphore_mem>>
      %dma_wait3A_520 = tpu.memref_squeeze %dma_wait3A_519 : memref<1x!tpu.dma_semaphore, #tpu.memory_space<semaphore_mem>> -> memref<!tpu.dma_semaphore, #tpu.memory_space<semaphore_mem>>
      tpu.wait_indirect_dma semaphore(%dma_wait3A_520 : memref<!tpu.dma_semaphore, #tpu.memory_space<semaphore_mem>>) src(%dma_wait3A_518 : memref<10000x32xf32, #tpu.memory_space<vmem_shared>>) dst(%dma_wait3A_514 : memref<80x32xf32, #tpu.memory_space<vmem>>)
      %mul3A_521 = arith.constant 80 : i32
      %mul3A_522 = arith.muli %add3A_506, %mul3A_521 : i32
      %dma_start3A_523 = arith.constant 6 : i32
      %dma_start3A_524 = arith.constant 6 : i32
      %dma_start3A_525 = arith.constant 0 : i32
      %dma_start3A_526 = arith.constant 0 : i32
      %dma_start3A_527 = tpu.memref_slice %arg8[%dma_start3A_523, %dma_start3A_525, %dma_start3A_526] : memref<8x80x32xf32, #tpu.memory_space<vmem>> -> memref<1x80x32xf32, #tpu.memory_space<vmem>>
      %dma_start3A_528 = tpu.memref_squeeze %dma_start3A_527 : memref<1x80x32xf32, #tpu.memory_space<vmem>> -> memref<80x32xf32, #tpu.memory_space<vmem>>
      %dma_start3A_529 = tpu.memref_slice %arg7[%mul3A_522] : memref<10000xi32, #tpu.memory_space<vmem>> -> memref<80xi32, #tpu.memory_space<vmem>>
      %dma_start3A_530 = arith.constant 0 : i32
      %dma_start3A_531 = arith.constant 0 : i32
      %dma_start3A_532 = tpu.memref_slice %arg11[%dma_start3A_530, %dma_start3A_531] : memref<10000x32xf32, #tpu.memory_space<vmem_shared>> -> memref<10000x32xf32, #tpu.memory_space<vmem_shared>>
      %dma_start3A_533 = tpu.memref_slice %arg10[%dma_start3A_524] : memref<8x!tpu.dma_semaphore, #tpu.memory_space<semaphore_mem>> -> memref<1x!tpu.dma_semaphore, #tpu.memory_space<semaphore_mem>>
      %dma_start3A_534 = tpu.memref_squeeze %dma_start3A_533 : memref<1x!tpu.dma_semaphore, #tpu.memory_space<semaphore_mem>> -> memref<!tpu.dma_semaphore, #tpu.memory_space<semaphore_mem>>
      tpu.enqueue_indirect_dma source(%dma_start3A_528 : memref<80x32xf32, #tpu.memory_space<vmem>>) target(%dma_start3A_532 : memref<10000x32xf32, #tpu.memory_space<vmem_shared>>) offsets(%dma_start3A_529 : memref<80xi32, #tpu.memory_space<vmem>>) semaphore(%dma_start3A_534 : memref<!tpu.dma_semaphore, #tpu.memory_space<semaphore_mem>>) {add = true}
      %add3A_535 = arith.constant 7 : i32
      %add3A_536 = arith.addi %mul3A_324, %add3A_535 : i32
      %mul3A_537 = arith.constant 80 : i32
      %mul3A_538 = arith.muli %add3A_536, %mul3A_537 : i32
      %dma_wait3A_539 = arith.constant 7 : i32
      %dma_wait3A_540 = arith.constant 7 : i32
      %dma_wait3A_541 = arith.constant 0 : i32
      %dma_wait3A_542 = arith.constant 0 : i32
      %dma_wait3A_543 = tpu.memref_slice %arg8[%dma_wait3A_539, %dma_wait3A_541, %dma_wait3A_542] : memref<8x80x32xf32, #tpu.memory_space<vmem>> -> memref<1x80x32xf32, #tpu.memory_space<vmem>>
      %dma_wait3A_544 = tpu.memref_squeeze %dma_wait3A_543 : memref<1x80x32xf32, #tpu.memory_space<vmem>> -> memref<80x32xf32, #tpu.memory_space<vmem>>
      %dma_wait3A_545 = tpu.memref_slice %arg6[%mul3A_538] : memref<10000xi32, #tpu.memory_space<vmem>> -> memref<80xi32, #tpu.memory_space<vmem>>
      %dma_wait3A_546 = arith.constant 0 : i32
      %dma_wait3A_547 = arith.constant 0 : i32
      %dma_wait3A_548 = tpu.memref_slice %arg12[%dma_wait3A_546, %dma_wait3A_547] : memref<10000x32xf32, #tpu.memory_space<vmem_shared>> -> memref<10000x32xf32, #tpu.memory_space<vmem_shared>>
      %dma_wait3A_549 = tpu.memref_slice %arg9[%dma_wait3A_540] : memref<8x!tpu.dma_semaphore, #tpu.memory_space<semaphore_mem>> -> memref<1x!tpu.dma_semaphore, #tpu.memory_space<semaphore_mem>>
      %dma_wait3A_550 = tpu.memref_squeeze %dma_wait3A_549 : memref<1x!tpu.dma_semaphore, #tpu.memory_space<semaphore_mem>> -> memref<!tpu.dma_semaphore, #tpu.memory_space<semaphore_mem>>
      tpu.wait_indirect_dma semaphore(%dma_wait3A_550 : memref<!tpu.dma_semaphore, #tpu.memory_space<semaphore_mem>>) src(%dma_wait3A_548 : memref<10000x32xf32, #tpu.memory_space<vmem_shared>>) dst(%dma_wait3A_544 : memref<80x32xf32, #tpu.memory_space<vmem>>)
      %mul3A_551 = arith.constant 80 : i32
      %mul3A_552 = arith.muli %add3A_536, %mul3A_551 : i32
      %dma_start3A_553 = arith.constant 7 : i32
      %dma_start3A_554 = arith.constant 7 : i32
      %dma_start3A_555 = arith.constant 0 : i32
      %dma_start3A_556 = arith.constant 0 : i32
      %dma_start3A_557 = tpu.memref_slice %arg8[%dma_start3A_553, %dma_start3A_555, %dma_start3A_556] : memref<8x80x32xf32, #tpu.memory_space<vmem>> -> memref<1x80x32xf32, #tpu.memory_space<vmem>>
      %dma_start3A_558 = tpu.memref_squeeze %dma_start3A_557 : memref<1x80x32xf32, #tpu.memory_space<vmem>> -> memref<80x32xf32, #tpu.memory_space<vmem>>
      %dma_start3A_559 = tpu.memref_slice %arg7[%mul3A_552] : memref<10000xi32, #tpu.memory_space<vmem>> -> memref<80xi32, #tpu.memory_space<vmem>>
      %dma_start3A_560 = arith.constant 0 : i32
      %dma_start3A_561 = arith.constant 0 : i32
      %dma_start3A_562 = tpu.memref_slice %arg11[%dma_start3A_560, %dma_start3A_561] : memref<10000x32xf32, #tpu.memory_space<vmem_shared>> -> memref<10000x32xf32, #tpu.memory_space<vmem_shared>>
      %dma_start3A_563 = tpu.memref_slice %arg10[%dma_start3A_554] : memref<8x!tpu.dma_semaphore, #tpu.memory_space<semaphore_mem>> -> memref<1x!tpu.dma_semaphore, #tpu.memory_space<semaphore_mem>>
      %dma_start3A_564 = tpu.memref_squeeze %dma_start3A_563 : memref<1x!tpu.dma_semaphore, #tpu.memory_space<semaphore_mem>> -> memref<!tpu.dma_semaphore, #tpu.memory_space<semaphore_mem>>
      tpu.enqueue_indirect_dma source(%dma_start3A_558 : memref<80x32xf32, #tpu.memory_space<vmem>>) target(%dma_start3A_562 : memref<10000x32xf32, #tpu.memory_space<vmem_shared>>) offsets(%dma_start3A_559 : memref<80xi32, #tpu.memory_space<vmem>>) semaphore(%dma_start3A_564 : memref<!tpu.dma_semaphore, #tpu.memory_space<semaphore_mem>>) {add = true}
      %add3A_565 = arith.constant 0 : i32
      %add3A_566 = arith.addi %mul3A_324, %add3A_565 : i32
      %mul3A_567 = arith.constant 80 : i32
      %mul3A_568 = arith.muli %add3A_566, %mul3A_567 : i32
      %dma_wait3A_569 = arith.constant 0 : i32
      %dma_wait3A_570 = arith.constant 0 : i32
      %dma_wait3A_571 = arith.constant 0 : i32
      %dma_wait3A_572 = arith.constant 0 : i32
      %dma_wait3A_573 = tpu.memref_slice %arg8[%dma_wait3A_569, %dma_wait3A_571, %dma_wait3A_572] : memref<8x80x32xf32, #tpu.memory_space<vmem>> -> memref<1x80x32xf32, #tpu.memory_space<vmem>>
      %dma_wait3A_574 = tpu.memref_squeeze %dma_wait3A_573 : memref<1x80x32xf32, #tpu.memory_space<vmem>> -> memref<80x32xf32, #tpu.memory_space<vmem>>
      %dma_wait3A_575 = tpu.memref_slice %arg7[%mul3A_568] : memref<10000xi32, #tpu.memory_space<vmem>> -> memref<80xi32, #tpu.memory_space<vmem>>
      %dma_wait3A_576 = arith.constant 0 : i32
      %dma_wait3A_577 = arith.constant 0 : i32
      %dma_wait3A_578 = tpu.memref_slice %arg11[%dma_wait3A_576, %dma_wait3A_577] : memref<10000x32xf32, #tpu.memory_space<vmem_shared>> -> memref<10000x32xf32, #tpu.memory_space<vmem_shared>>
      %dma_wait3A_579 = tpu.memref_slice %arg10[%dma_wait3A_570] : memref<8x!tpu.dma_semaphore, #tpu.memory_space<semaphore_mem>> -> memref<1x!tpu.dma_semaphore, #tpu.memory_space<semaphore_mem>>
      %dma_wait3A_580 = tpu.memref_squeeze %dma_wait3A_579 : memref<1x!tpu.dma_semaphore, #tpu.memory_space<semaphore_mem>> -> memref<!tpu.dma_semaphore, #tpu.memory_space<semaphore_mem>>
      tpu.wait_indirect_dma semaphore(%dma_wait3A_580 : memref<!tpu.dma_semaphore, #tpu.memory_space<semaphore_mem>>) src(%dma_wait3A_574 : memref<80x32xf32, #tpu.memory_space<vmem>>) dst(%dma_wait3A_578 : memref<10000x32xf32, #tpu.memory_space<vmem_shared>>)
      %add3A_581 = arith.constant 8 : i32
      %add3A_582 = arith.addi %add3A_566, %add3A_581 : i32
      %lt3A = arith.constant 125 : i32
      %lt3A_583 = arith.cmpi slt, %add3A_582, %lt3A : i32
      %convert_element_type3A = arith.extui %lt3A_583 : i1 to i32
      %cond3A = arith.constant 0 : i32
      %cond3A_584 = arith.cmpi ne, %convert_element_type3A, %cond3A : i32
      scf.if %cond3A_584 {
        %add3A_746 = arith.constant 8 : i32
        %add3A_747 = arith.addi %add3A_566, %add3A_746 : i32
        %mul3A_748 = arith.constant 80 : i32
        %mul3A_749 = arith.muli %add3A_747, %mul3A_748 : i32
        %dma_start3A_750 = arith.constant 0 : i32
        %dma_start3A_751 = arith.constant 0 : i32
        %dma_start3A_752 = arith.constant 0 : i32
        %dma_start3A_753 = arith.constant 0 : i32
        %dma_start3A_754 = tpu.memref_slice %arg8[%dma_start3A_750, %dma_start3A_752, %dma_start3A_753] : memref<8x80x32xf32, #tpu.memory_space<vmem>> -> memref<1x80x32xf32, #tpu.memory_space<vmem>>
        %dma_start3A_755 = tpu.memref_squeeze %dma_start3A_754 : memref<1x80x32xf32, #tpu.memory_space<vmem>> -> memref<80x32xf32, #tpu.memory_space<vmem>>
        %dma_start3A_756 = tpu.memref_slice %arg6[%mul3A_749] : memref<10000xi32, #tpu.memory_space<vmem>> -> memref<80xi32, #tpu.memory_space<vmem>>
        %dma_start3A_757 = arith.constant 0 : i32
        %dma_start3A_758 = arith.constant 0 : i32
        %dma_start3A_759 = tpu.memref_slice %arg12[%dma_start3A_757, %dma_start3A_758] : memref<10000x32xf32, #tpu.memory_space<vmem_shared>> -> memref<10000x32xf32, #tpu.memory_space<vmem_shared>>
        %dma_start3A_760 = tpu.memref_slice %arg9[%dma_start3A_751] : memref<8x!tpu.dma_semaphore, #tpu.memory_space<semaphore_mem>> -> memref<1x!tpu.dma_semaphore, #tpu.memory_space<semaphore_mem>>
        %dma_start3A_761 = tpu.memref_squeeze %dma_start3A_760 : memref<1x!tpu.dma_semaphore, #tpu.memory_space<semaphore_mem>> -> memref<!tpu.dma_semaphore, #tpu.memory_space<semaphore_mem>>
        tpu.enqueue_indirect_dma source(%dma_start3A_759 : memref<10000x32xf32, #tpu.memory_space<vmem_shared>>) target(%dma_start3A_755 : memref<80x32xf32, #tpu.memory_space<vmem>>) offsets(%dma_start3A_756 : memref<80xi32, #tpu.memory_space<vmem>>) semaphore(%dma_start3A_761 : memref<!tpu.dma_semaphore, #tpu.memory_space<semaphore_mem>>)
      } else {
      }
      %add3A_585 = arith.constant 1 : i32
      %add3A_586 = arith.addi %mul3A_324, %add3A_585 : i32
      %mul3A_587 = arith.constant 80 : i32
      %mul3A_588 = arith.muli %add3A_586, %mul3A_587 : i32
      %dma_wait3A_589 = arith.constant 1 : i32
      %dma_wait3A_590 = arith.constant 1 : i32
      %dma_wait3A_591 = arith.constant 0 : i32
      %dma_wait3A_592 = arith.constant 0 : i32
      %dma_wait3A_593 = tpu.memref_slice %arg8[%dma_wait3A_589, %dma_wait3A_591, %dma_wait3A_592] : memref<8x80x32xf32, #tpu.memory_space<vmem>> -> memref<1x80x32xf32, #tpu.memory_space<vmem>>
      %dma_wait3A_594 = tpu.memref_squeeze %dma_wait3A_593 : memref<1x80x32xf32, #tpu.memory_space<vmem>> -> memref<80x32xf32, #tpu.memory_space<vmem>>
      %dma_wait3A_595 = tpu.memref_slice %arg7[%mul3A_588] : memref<10000xi32, #tpu.memory_space<vmem>> -> memref<80xi32, #tpu.memory_space<vmem>>
      %dma_wait3A_596 = arith.constant 0 : i32
      %dma_wait3A_597 = arith.constant 0 : i32
      %dma_wait3A_598 = tpu.memref_slice %arg11[%dma_wait3A_596, %dma_wait3A_597] : memref<10000x32xf32, #tpu.memory_space<vmem_shared>> -> memref<10000x32xf32, #tpu.memory_space<vmem_shared>>
      %dma_wait3A_599 = tpu.memref_slice %arg10[%dma_wait3A_590] : memref<8x!tpu.dma_semaphore, #tpu.memory_space<semaphore_mem>> -> memref<1x!tpu.dma_semaphore, #tpu.memory_space<semaphore_mem>>
      %dma_wait3A_600 = tpu.memref_squeeze %dma_wait3A_599 : memref<1x!tpu.dma_semaphore, #tpu.memory_space<semaphore_mem>> -> memref<!tpu.dma_semaphore, #tpu.memory_space<semaphore_mem>>
      tpu.wait_indirect_dma semaphore(%dma_wait3A_600 : memref<!tpu.dma_semaphore, #tpu.memory_space<semaphore_mem>>) src(%dma_wait3A_594 : memref<80x32xf32, #tpu.memory_space<vmem>>) dst(%dma_wait3A_598 : memref<10000x32xf32, #tpu.memory_space<vmem_shared>>)
      %add3A_601 = arith.constant 8 : i32
      %add3A_602 = arith.addi %add3A_586, %add3A_601 : i32
      %lt3A_603 = arith.constant 125 : i32
      %lt3A_604 = arith.cmpi slt, %add3A_602, %lt3A_603 : i32
      %convert_element_type3A_605 = arith.extui %lt3A_604 : i1 to i32
      %cond3A_606 = arith.constant 0 : i32
      %cond3A_607 = arith.cmpi ne, %convert_element_type3A_605, %cond3A_606 : i32
      scf.if %cond3A_607 {
        %add3A_746 = arith.constant 8 : i32
        %add3A_747 = arith.addi %add3A_586, %add3A_746 : i32
        %mul3A_748 = arith.constant 80 : i32
        %mul3A_749 = arith.muli %add3A_747, %mul3A_748 : i32
        %dma_start3A_750 = arith.constant 1 : i32
        %dma_start3A_751 = arith.constant 1 : i32
        %dma_start3A_752 = arith.constant 0 : i32
        %dma_start3A_753 = arith.constant 0 : i32
        %dma_start3A_754 = tpu.memref_slice %arg8[%dma_start3A_750, %dma_start3A_752, %dma_start3A_753] : memref<8x80x32xf32, #tpu.memory_space<vmem>> -> memref<1x80x32xf32, #tpu.memory_space<vmem>>
        %dma_start3A_755 = tpu.memref_squeeze %dma_start3A_754 : memref<1x80x32xf32, #tpu.memory_space<vmem>> -> memref<80x32xf32, #tpu.memory_space<vmem>>
        %dma_start3A_756 = tpu.memref_slice %arg6[%mul3A_749] : memref<10000xi32, #tpu.memory_space<vmem>> -> memref<80xi32, #tpu.memory_space<vmem>>
        %dma_start3A_757 = arith.constant 0 : i32
        %dma_start3A_758 = arith.constant 0 : i32
        %dma_start3A_759 = tpu.memref_slice %arg12[%dma_start3A_757, %dma_start3A_758] : memref<10000x32xf32, #tpu.memory_space<vmem_shared>> -> memref<10000x32xf32, #tpu.memory_space<vmem_shared>>
        %dma_start3A_760 = tpu.memref_slice %arg9[%dma_start3A_751] : memref<8x!tpu.dma_semaphore, #tpu.memory_space<semaphore_mem>> -> memref<1x!tpu.dma_semaphore, #tpu.memory_space<semaphore_mem>>
        %dma_start3A_761 = tpu.memref_squeeze %dma_start3A_760 : memref<1x!tpu.dma_semaphore, #tpu.memory_space<semaphore_mem>> -> memref<!tpu.dma_semaphore, #tpu.memory_space<semaphore_mem>>
        tpu.enqueue_indirect_dma source(%dma_start3A_759 : memref<10000x32xf32, #tpu.memory_space<vmem_shared>>) target(%dma_start3A_755 : memref<80x32xf32, #tpu.memory_space<vmem>>) offsets(%dma_start3A_756 : memref<80xi32, #tpu.memory_space<vmem>>) semaphore(%dma_start3A_761 : memref<!tpu.dma_semaphore, #tpu.memory_space<semaphore_mem>>)
      } else {
      }
      %add3A_608 = arith.constant 2 : i32
      %add3A_609 = arith.addi %mul3A_324, %add3A_608 : i32
      %mul3A_610 = arith.constant 80 : i32
      %mul3A_611 = arith.muli %add3A_609, %mul3A_610 : i32
      %dma_wait3A_612 = arith.constant 2 : i32
      %dma_wait3A_613 = arith.constant 2 : i32
      %dma_wait3A_614 = arith.constant 0 : i32
      %dma_wait3A_615 = arith.constant 0 : i32
      %dma_wait3A_616 = tpu.memref_slice %arg8[%dma_wait3A_612, %dma_wait3A_614, %dma_wait3A_615] : memref<8x80x32xf32, #tpu.memory_space<vmem>> -> memref<1x80x32xf32, #tpu.memory_space<vmem>>
      %dma_wait3A_617 = tpu.memref_squeeze %dma_wait3A_616 : memref<1x80x32xf32, #tpu.memory_space<vmem>> -> memref<80x32xf32, #tpu.memory_space<vmem>>
      %dma_wait3A_618 = tpu.memref_slice %arg7[%mul3A_611] : memref<10000xi32, #tpu.memory_space<vmem>> -> memref<80xi32, #tpu.memory_space<vmem>>
      %dma_wait3A_619 = arith.constant 0 : i32
      %dma_wait3A_620 = arith.constant 0 : i32
      %dma_wait3A_621 = tpu.memref_slice %arg11[%dma_wait3A_619, %dma_wait3A_620] : memref<10000x32xf32, #tpu.memory_space<vmem_shared>> -> memref<10000x32xf32, #tpu.memory_space<vmem_shared>>
      %dma_wait3A_622 = tpu.memref_slice %arg10[%dma_wait3A_613] : memref<8x!tpu.dma_semaphore, #tpu.memory_space<semaphore_mem>> -> memref<1x!tpu.dma_semaphore, #tpu.memory_space<semaphore_mem>>
      %dma_wait3A_623 = tpu.memref_squeeze %dma_wait3A_622 : memref<1x!tpu.dma_semaphore, #tpu.memory_space<semaphore_mem>> -> memref<!tpu.dma_semaphore, #tpu.memory_space<semaphore_mem>>
      tpu.wait_indirect_dma semaphore(%dma_wait3A_623 : memref<!tpu.dma_semaphore, #tpu.memory_space<semaphore_mem>>) src(%dma_wait3A_617 : memref<80x32xf32, #tpu.memory_space<vmem>>) dst(%dma_wait3A_621 : memref<10000x32xf32, #tpu.memory_space<vmem_shared>>)
      %add3A_624 = arith.constant 8 : i32
      %add3A_625 = arith.addi %add3A_609, %add3A_624 : i32
      %lt3A_626 = arith.constant 125 : i32
      %lt3A_627 = arith.cmpi slt, %add3A_625, %lt3A_626 : i32
      %convert_element_type3A_628 = arith.extui %lt3A_627 : i1 to i32
      %cond3A_629 = arith.constant 0 : i32
      %cond3A_630 = arith.cmpi ne, %convert_element_type3A_628, %cond3A_629 : i32
      scf.if %cond3A_630 {
        %add3A_746 = arith.constant 8 : i32
        %add3A_747 = arith.addi %add3A_609, %add3A_746 : i32
        %mul3A_748 = arith.constant 80 : i32
        %mul3A_749 = arith.muli %add3A_747, %mul3A_748 : i32
        %dma_start3A_750 = arith.constant 2 : i32
        %dma_start3A_751 = arith.constant 2 : i32
        %dma_start3A_752 = arith.constant 0 : i32
        %dma_start3A_753 = arith.constant 0 : i32
        %dma_start3A_754 = tpu.memref_slice %arg8[%dma_start3A_750, %dma_start3A_752, %dma_start3A_753] : memref<8x80x32xf32, #tpu.memory_space<vmem>> -> memref<1x80x32xf32, #tpu.memory_space<vmem>>
        %dma_start3A_755 = tpu.memref_squeeze %dma_start3A_754 : memref<1x80x32xf32, #tpu.memory_space<vmem>> -> memref<80x32xf32, #tpu.memory_space<vmem>>
        %dma_start3A_756 = tpu.memref_slice %arg6[%mul3A_749] : memref<10000xi32, #tpu.memory_space<vmem>> -> memref<80xi32, #tpu.memory_space<vmem>>
        %dma_start3A_757 = arith.constant 0 : i32
        %dma_start3A_758 = arith.constant 0 : i32
        %dma_start3A_759 = tpu.memref_slice %arg12[%dma_start3A_757, %dma_start3A_758] : memref<10000x32xf32, #tpu.memory_space<vmem_shared>> -> memref<10000x32xf32, #tpu.memory_space<vmem_shared>>
        %dma_start3A_760 = tpu.memref_slice %arg9[%dma_start3A_751] : memref<8x!tpu.dma_semaphore, #tpu.memory_space<semaphore_mem>> -> memref<1x!tpu.dma_semaphore, #tpu.memory_space<semaphore_mem>>
        %dma_start3A_761 = tpu.memref_squeeze %dma_start3A_760 : memref<1x!tpu.dma_semaphore, #tpu.memory_space<semaphore_mem>> -> memref<!tpu.dma_semaphore, #tpu.memory_space<semaphore_mem>>
        tpu.enqueue_indirect_dma source(%dma_start3A_759 : memref<10000x32xf32, #tpu.memory_space<vmem_shared>>) target(%dma_start3A_755 : memref<80x32xf32, #tpu.memory_space<vmem>>) offsets(%dma_start3A_756 : memref<80xi32, #tpu.memory_space<vmem>>) semaphore(%dma_start3A_761 : memref<!tpu.dma_semaphore, #tpu.memory_space<semaphore_mem>>)
      } else {
      }
      %add3A_631 = arith.constant 3 : i32
      %add3A_632 = arith.addi %mul3A_324, %add3A_631 : i32
      %mul3A_633 = arith.constant 80 : i32
      %mul3A_634 = arith.muli %add3A_632, %mul3A_633 : i32
      %dma_wait3A_635 = arith.constant 3 : i32
      %dma_wait3A_636 = arith.constant 3 : i32
      %dma_wait3A_637 = arith.constant 0 : i32
      %dma_wait3A_638 = arith.constant 0 : i32
      %dma_wait3A_639 = tpu.memref_slice %arg8[%dma_wait3A_635, %dma_wait3A_637, %dma_wait3A_638] : memref<8x80x32xf32, #tpu.memory_space<vmem>> -> memref<1x80x32xf32, #tpu.memory_space<vmem>>
      %dma_wait3A_640 = tpu.memref_squeeze %dma_wait3A_639 : memref<1x80x32xf32, #tpu.memory_space<vmem>> -> memref<80x32xf32, #tpu.memory_space<vmem>>
      %dma_wait3A_641 = tpu.memref_slice %arg7[%mul3A_634] : memref<10000xi32, #tpu.memory_space<vmem>> -> memref<80xi32, #tpu.memory_space<vmem>>
      %dma_wait3A_642 = arith.constant 0 : i32
      %dma_wait3A_643 = arith.constant 0 : i32
      %dma_wait3A_644 = tpu.memref_slice %arg11[%dma_wait3A_642, %dma_wait3A_643] : memref<10000x32xf32, #tpu.memory_space<vmem_shared>> -> memref<10000x32xf32, #tpu.memory_space<vmem_shared>>
      %dma_wait3A_645 = tpu.memref_slice %arg10[%dma_wait3A_636] : memref<8x!tpu.dma_semaphore, #tpu.memory_space<semaphore_mem>> -> memref<1x!tpu.dma_semaphore, #tpu.memory_space<semaphore_mem>>
      %dma_wait3A_646 = tpu.memref_squeeze %dma_wait3A_645 : memref<1x!tpu.dma_semaphore, #tpu.memory_space<semaphore_mem>> -> memref<!tpu.dma_semaphore, #tpu.memory_space<semaphore_mem>>
      tpu.wait_indirect_dma semaphore(%dma_wait3A_646 : memref<!tpu.dma_semaphore, #tpu.memory_space<semaphore_mem>>) src(%dma_wait3A_640 : memref<80x32xf32, #tpu.memory_space<vmem>>) dst(%dma_wait3A_644 : memref<10000x32xf32, #tpu.memory_space<vmem_shared>>)
      %add3A_647 = arith.constant 8 : i32
      %add3A_648 = arith.addi %add3A_632, %add3A_647 : i32
      %lt3A_649 = arith.constant 125 : i32
      %lt3A_650 = arith.cmpi slt, %add3A_648, %lt3A_649 : i32
      %convert_element_type3A_651 = arith.extui %lt3A_650 : i1 to i32
      %cond3A_652 = arith.constant 0 : i32
      %cond3A_653 = arith.cmpi ne, %convert_element_type3A_651, %cond3A_652 : i32
      scf.if %cond3A_653 {
        %add3A_746 = arith.constant 8 : i32
        %add3A_747 = arith.addi %add3A_632, %add3A_746 : i32
        %mul3A_748 = arith.constant 80 : i32
        %mul3A_749 = arith.muli %add3A_747, %mul3A_748 : i32
        %dma_start3A_750 = arith.constant 3 : i32
        %dma_start3A_751 = arith.constant 3 : i32
        %dma_start3A_752 = arith.constant 0 : i32
        %dma_start3A_753 = arith.constant 0 : i32
        %dma_start3A_754 = tpu.memref_slice %arg8[%dma_start3A_750, %dma_start3A_752, %dma_start3A_753] : memref<8x80x32xf32, #tpu.memory_space<vmem>> -> memref<1x80x32xf32, #tpu.memory_space<vmem>>
        %dma_start3A_755 = tpu.memref_squeeze %dma_start3A_754 : memref<1x80x32xf32, #tpu.memory_space<vmem>> -> memref<80x32xf32, #tpu.memory_space<vmem>>
        %dma_start3A_756 = tpu.memref_slice %arg6[%mul3A_749] : memref<10000xi32, #tpu.memory_space<vmem>> -> memref<80xi32, #tpu.memory_space<vmem>>
        %dma_start3A_757 = arith.constant 0 : i32
        %dma_start3A_758 = arith.constant 0 : i32
        %dma_start3A_759 = tpu.memref_slice %arg12[%dma_start3A_757, %dma_start3A_758] : memref<10000x32xf32, #tpu.memory_space<vmem_shared>> -> memref<10000x32xf32, #tpu.memory_space<vmem_shared>>
        %dma_start3A_760 = tpu.memref_slice %arg9[%dma_start3A_751] : memref<8x!tpu.dma_semaphore, #tpu.memory_space<semaphore_mem>> -> memref<1x!tpu.dma_semaphore, #tpu.memory_space<semaphore_mem>>
        %dma_start3A_761 = tpu.memref_squeeze %dma_start3A_760 : memref<1x!tpu.dma_semaphore, #tpu.memory_space<semaphore_mem>> -> memref<!tpu.dma_semaphore, #tpu.memory_space<semaphore_mem>>
        tpu.enqueue_indirect_dma source(%dma_start3A_759 : memref<10000x32xf32, #tpu.memory_space<vmem_shared>>) target(%dma_start3A_755 : memref<80x32xf32, #tpu.memory_space<vmem>>) offsets(%dma_start3A_756 : memref<80xi32, #tpu.memory_space<vmem>>) semaphore(%dma_start3A_761 : memref<!tpu.dma_semaphore, #tpu.memory_space<semaphore_mem>>)
      } else {
      }
      %add3A_654 = arith.constant 4 : i32
      %add3A_655 = arith.addi %mul3A_324, %add3A_654 : i32
      %mul3A_656 = arith.constant 80 : i32
      %mul3A_657 = arith.muli %add3A_655, %mul3A_656 : i32
      %dma_wait3A_658 = arith.constant 4 : i32
      %dma_wait3A_659 = arith.constant 4 : i32
      %dma_wait3A_660 = arith.constant 0 : i32
      %dma_wait3A_661 = arith.constant 0 : i32
      %dma_wait3A_662 = tpu.memref_slice %arg8[%dma_wait3A_658, %dma_wait3A_660, %dma_wait3A_661] : memref<8x80x32xf32, #tpu.memory_space<vmem>> -> memref<1x80x32xf32, #tpu.memory_space<vmem>>
      %dma_wait3A_663 = tpu.memref_squeeze %dma_wait3A_662 : memref<1x80x32xf32, #tpu.memory_space<vmem>> -> memref<80x32xf32, #tpu.memory_space<vmem>>
      %dma_wait3A_664 = tpu.memref_slice %arg7[%mul3A_657] : memref<10000xi32, #tpu.memory_space<vmem>> -> memref<80xi32, #tpu.memory_space<vmem>>
      %dma_wait3A_665 = arith.constant 0 : i32
      %dma_wait3A_666 = arith.constant 0 : i32
      %dma_wait3A_667 = tpu.memref_slice %arg11[%dma_wait3A_665, %dma_wait3A_666] : memref<10000x32xf32, #tpu.memory_space<vmem_shared>> -> memref<10000x32xf32, #tpu.memory_space<vmem_shared>>
      %dma_wait3A_668 = tpu.memref_slice %arg10[%dma_wait3A_659] : memref<8x!tpu.dma_semaphore, #tpu.memory_space<semaphore_mem>> -> memref<1x!tpu.dma_semaphore, #tpu.memory_space<semaphore_mem>>
      %dma_wait3A_669 = tpu.memref_squeeze %dma_wait3A_668 : memref<1x!tpu.dma_semaphore, #tpu.memory_space<semaphore_mem>> -> memref<!tpu.dma_semaphore, #tpu.memory_space<semaphore_mem>>
      tpu.wait_indirect_dma semaphore(%dma_wait3A_669 : memref<!tpu.dma_semaphore, #tpu.memory_space<semaphore_mem>>) src(%dma_wait3A_663 : memref<80x32xf32, #tpu.memory_space<vmem>>) dst(%dma_wait3A_667 : memref<10000x32xf32, #tpu.memory_space<vmem_shared>>)
      %add3A_670 = arith.constant 8 : i32
      %add3A_671 = arith.addi %add3A_655, %add3A_670 : i32
      %lt3A_672 = arith.constant 125 : i32
      %lt3A_673 = arith.cmpi slt, %add3A_671, %lt3A_672 : i32
      %convert_element_type3A_674 = arith.extui %lt3A_673 : i1 to i32
      %cond3A_675 = arith.constant 0 : i32
      %cond3A_676 = arith.cmpi ne, %convert_element_type3A_674, %cond3A_675 : i32
      scf.if %cond3A_676 {
        %add3A_746 = arith.constant 8 : i32
        %add3A_747 = arith.addi %add3A_655, %add3A_746 : i32
        %mul3A_748 = arith.constant 80 : i32
        %mul3A_749 = arith.muli %add3A_747, %mul3A_748 : i32
        %dma_start3A_750 = arith.constant 4 : i32
        %dma_start3A_751 = arith.constant 4 : i32
        %dma_start3A_752 = arith.constant 0 : i32
        %dma_start3A_753 = arith.constant 0 : i32
        %dma_start3A_754 = tpu.memref_slice %arg8[%dma_start3A_750, %dma_start3A_752, %dma_start3A_753] : memref<8x80x32xf32, #tpu.memory_space<vmem>> -> memref<1x80x32xf32, #tpu.memory_space<vmem>>
        %dma_start3A_755 = tpu.memref_squeeze %dma_start3A_754 : memref<1x80x32xf32, #tpu.memory_space<vmem>> -> memref<80x32xf32, #tpu.memory_space<vmem>>
        %dma_start3A_756 = tpu.memref_slice %arg6[%mul3A_749] : memref<10000xi32, #tpu.memory_space<vmem>> -> memref<80xi32, #tpu.memory_space<vmem>>
        %dma_start3A_757 = arith.constant 0 : i32
        %dma_start3A_758 = arith.constant 0 : i32
        %dma_start3A_759 = tpu.memref_slice %arg12[%dma_start3A_757, %dma_start3A_758] : memref<10000x32xf32, #tpu.memory_space<vmem_shared>> -> memref<10000x32xf32, #tpu.memory_space<vmem_shared>>
        %dma_start3A_760 = tpu.memref_slice %arg9[%dma_start3A_751] : memref<8x!tpu.dma_semaphore, #tpu.memory_space<semaphore_mem>> -> memref<1x!tpu.dma_semaphore, #tpu.memory_space<semaphore_mem>>
        %dma_start3A_761 = tpu.memref_squeeze %dma_start3A_760 : memref<1x!tpu.dma_semaphore, #tpu.memory_space<semaphore_mem>> -> memref<!tpu.dma_semaphore, #tpu.memory_space<semaphore_mem>>
        tpu.enqueue_indirect_dma source(%dma_start3A_759 : memref<10000x32xf32, #tpu.memory_space<vmem_shared>>) target(%dma_start3A_755 : memref<80x32xf32, #tpu.memory_space<vmem>>) offsets(%dma_start3A_756 : memref<80xi32, #tpu.memory_space<vmem>>) semaphore(%dma_start3A_761 : memref<!tpu.dma_semaphore, #tpu.memory_space<semaphore_mem>>)
      } else {
      }
      %add3A_677 = arith.constant 5 : i32
      %add3A_678 = arith.addi %mul3A_324, %add3A_677 : i32
      %mul3A_679 = arith.constant 80 : i32
      %mul3A_680 = arith.muli %add3A_678, %mul3A_679 : i32
      %dma_wait3A_681 = arith.constant 5 : i32
      %dma_wait3A_682 = arith.constant 5 : i32
      %dma_wait3A_683 = arith.constant 0 : i32
      %dma_wait3A_684 = arith.constant 0 : i32
      %dma_wait3A_685 = tpu.memref_slice %arg8[%dma_wait3A_681, %dma_wait3A_683, %dma_wait3A_684] : memref<8x80x32xf32, #tpu.memory_space<vmem>> -> memref<1x80x32xf32, #tpu.memory_space<vmem>>
      %dma_wait3A_686 = tpu.memref_squeeze %dma_wait3A_685 : memref<1x80x32xf32, #tpu.memory_space<vmem>> -> memref<80x32xf32, #tpu.memory_space<vmem>>
      %dma_wait3A_687 = tpu.memref_slice %arg7[%mul3A_680] : memref<10000xi32, #tpu.memory_space<vmem>> -> memref<80xi32, #tpu.memory_space<vmem>>
      %dma_wait3A_688 = arith.constant 0 : i32
      %dma_wait3A_689 = arith.constant 0 : i32
      %dma_wait3A_690 = tpu.memref_slice %arg11[%dma_wait3A_688, %dma_wait3A_689] : memref<10000x32xf32, #tpu.memory_space<vmem_shared>> -> memref<10000x32xf32, #tpu.memory_space<vmem_shared>>
      %dma_wait3A_691 = tpu.memref_slice %arg10[%dma_wait3A_682] : memref<8x!tpu.dma_semaphore, #tpu.memory_space<semaphore_mem>> -> memref<1x!tpu.dma_semaphore, #tpu.memory_space<semaphore_mem>>
      %dma_wait3A_692 = tpu.memref_squeeze %dma_wait3A_691 : memref<1x!tpu.dma_semaphore, #tpu.memory_space<semaphore_mem>> -> memref<!tpu.dma_semaphore, #tpu.memory_space<semaphore_mem>>
      tpu.wait_indirect_dma semaphore(%dma_wait3A_692 : memref<!tpu.dma_semaphore, #tpu.memory_space<semaphore_mem>>) src(%dma_wait3A_686 : memref<80x32xf32, #tpu.memory_space<vmem>>) dst(%dma_wait3A_690 : memref<10000x32xf32, #tpu.memory_space<vmem_shared>>)
      %add3A_693 = arith.constant 8 : i32
      %add3A_694 = arith.addi %add3A_678, %add3A_693 : i32
      %lt3A_695 = arith.constant 125 : i32
      %lt3A_696 = arith.cmpi slt, %add3A_694, %lt3A_695 : i32
      %convert_element_type3A_697 = arith.extui %lt3A_696 : i1 to i32
      %cond3A_698 = arith.constant 0 : i32
      %cond3A_699 = arith.cmpi ne, %convert_element_type3A_697, %cond3A_698 : i32
      scf.if %cond3A_699 {
        %add3A_746 = arith.constant 8 : i32
        %add3A_747 = arith.addi %add3A_678, %add3A_746 : i32
        %mul3A_748 = arith.constant 80 : i32
        %mul3A_749 = arith.muli %add3A_747, %mul3A_748 : i32
        %dma_start3A_750 = arith.constant 5 : i32
        %dma_start3A_751 = arith.constant 5 : i32
        %dma_start3A_752 = arith.constant 0 : i32
        %dma_start3A_753 = arith.constant 0 : i32
        %dma_start3A_754 = tpu.memref_slice %arg8[%dma_start3A_750, %dma_start3A_752, %dma_start3A_753] : memref<8x80x32xf32, #tpu.memory_space<vmem>> -> memref<1x80x32xf32, #tpu.memory_space<vmem>>
        %dma_start3A_755 = tpu.memref_squeeze %dma_start3A_754 : memref<1x80x32xf32, #tpu.memory_space<vmem>> -> memref<80x32xf32, #tpu.memory_space<vmem>>
        %dma_start3A_756 = tpu.memref_slice %arg6[%mul3A_749] : memref<10000xi32, #tpu.memory_space<vmem>> -> memref<80xi32, #tpu.memory_space<vmem>>
        %dma_start3A_757 = arith.constant 0 : i32
        %dma_start3A_758 = arith.constant 0 : i32
        %dma_start3A_759 = tpu.memref_slice %arg12[%dma_start3A_757, %dma_start3A_758] : memref<10000x32xf32, #tpu.memory_space<vmem_shared>> -> memref<10000x32xf32, #tpu.memory_space<vmem_shared>>
        %dma_start3A_760 = tpu.memref_slice %arg9[%dma_start3A_751] : memref<8x!tpu.dma_semaphore, #tpu.memory_space<semaphore_mem>> -> memref<1x!tpu.dma_semaphore, #tpu.memory_space<semaphore_mem>>
        %dma_start3A_761 = tpu.memref_squeeze %dma_start3A_760 : memref<1x!tpu.dma_semaphore, #tpu.memory_space<semaphore_mem>> -> memref<!tpu.dma_semaphore, #tpu.memory_space<semaphore_mem>>
        tpu.enqueue_indirect_dma source(%dma_start3A_759 : memref<10000x32xf32, #tpu.memory_space<vmem_shared>>) target(%dma_start3A_755 : memref<80x32xf32, #tpu.memory_space<vmem>>) offsets(%dma_start3A_756 : memref<80xi32, #tpu.memory_space<vmem>>) semaphore(%dma_start3A_761 : memref<!tpu.dma_semaphore, #tpu.memory_space<semaphore_mem>>)
      } else {
      }
      %add3A_700 = arith.constant 6 : i32
      %add3A_701 = arith.addi %mul3A_324, %add3A_700 : i32
      %mul3A_702 = arith.constant 80 : i32
      %mul3A_703 = arith.muli %add3A_701, %mul3A_702 : i32
      %dma_wait3A_704 = arith.constant 6 : i32
      %dma_wait3A_705 = arith.constant 6 : i32
      %dma_wait3A_706 = arith.constant 0 : i32
      %dma_wait3A_707 = arith.constant 0 : i32
      %dma_wait3A_708 = tpu.memref_slice %arg8[%dma_wait3A_704, %dma_wait3A_706, %dma_wait3A_707] : memref<8x80x32xf32, #tpu.memory_space<vmem>> -> memref<1x80x32xf32, #tpu.memory_space<vmem>>
      %dma_wait3A_709 = tpu.memref_squeeze %dma_wait3A_708 : memref<1x80x32xf32, #tpu.memory_space<vmem>> -> memref<80x32xf32, #tpu.memory_space<vmem>>
      %dma_wait3A_710 = tpu.memref_slice %arg7[%mul3A_703] : memref<10000xi32, #tpu.memory_space<vmem>> -> memref<80xi32, #tpu.memory_space<vmem>>
      %dma_wait3A_711 = arith.constant 0 : i32
      %dma_wait3A_712 = arith.constant 0 : i32
      %dma_wait3A_713 = tpu.memref_slice %arg11[%dma_wait3A_711, %dma_wait3A_712] : memref<10000x32xf32, #tpu.memory_space<vmem_shared>> -> memref<10000x32xf32, #tpu.memory_space<vmem_shared>>
      %dma_wait3A_714 = tpu.memref_slice %arg10[%dma_wait3A_705] : memref<8x!tpu.dma_semaphore, #tpu.memory_space<semaphore_mem>> -> memref<1x!tpu.dma_semaphore, #tpu.memory_space<semaphore_mem>>
      %dma_wait3A_715 = tpu.memref_squeeze %dma_wait3A_714 : memref<1x!tpu.dma_semaphore, #tpu.memory_space<semaphore_mem>> -> memref<!tpu.dma_semaphore, #tpu.memory_space<semaphore_mem>>
      tpu.wait_indirect_dma semaphore(%dma_wait3A_715 : memref<!tpu.dma_semaphore, #tpu.memory_space<semaphore_mem>>) src(%dma_wait3A_709 : memref<80x32xf32, #tpu.memory_space<vmem>>) dst(%dma_wait3A_713 : memref<10000x32xf32, #tpu.memory_space<vmem_shared>>)
      %add3A_716 = arith.constant 8 : i32
      %add3A_717 = arith.addi %add3A_701, %add3A_716 : i32
      %lt3A_718 = arith.constant 125 : i32
      %lt3A_719 = arith.cmpi slt, %add3A_717, %lt3A_718 : i32
      %convert_element_type3A_720 = arith.extui %lt3A_719 : i1 to i32
      %cond3A_721 = arith.constant 0 : i32
      %cond3A_722 = arith.cmpi ne, %convert_element_type3A_720, %cond3A_721 : i32
      scf.if %cond3A_722 {
        %add3A_746 = arith.constant 8 : i32
        %add3A_747 = arith.addi %add3A_701, %add3A_746 : i32
        %mul3A_748 = arith.constant 80 : i32
        %mul3A_749 = arith.muli %add3A_747, %mul3A_748 : i32
        %dma_start3A_750 = arith.constant 6 : i32
        %dma_start3A_751 = arith.constant 6 : i32
        %dma_start3A_752 = arith.constant 0 : i32
        %dma_start3A_753 = arith.constant 0 : i32
        %dma_start3A_754 = tpu.memref_slice %arg8[%dma_start3A_750, %dma_start3A_752, %dma_start3A_753] : memref<8x80x32xf32, #tpu.memory_space<vmem>> -> memref<1x80x32xf32, #tpu.memory_space<vmem>>
        %dma_start3A_755 = tpu.memref_squeeze %dma_start3A_754 : memref<1x80x32xf32, #tpu.memory_space<vmem>> -> memref<80x32xf32, #tpu.memory_space<vmem>>
        %dma_start3A_756 = tpu.memref_slice %arg6[%mul3A_749] : memref<10000xi32, #tpu.memory_space<vmem>> -> memref<80xi32, #tpu.memory_space<vmem>>
        %dma_start3A_757 = arith.constant 0 : i32
        %dma_start3A_758 = arith.constant 0 : i32
        %dma_start3A_759 = tpu.memref_slice %arg12[%dma_start3A_757, %dma_start3A_758] : memref<10000x32xf32, #tpu.memory_space<vmem_shared>> -> memref<10000x32xf32, #tpu.memory_space<vmem_shared>>
        %dma_start3A_760 = tpu.memref_slice %arg9[%dma_start3A_751] : memref<8x!tpu.dma_semaphore, #tpu.memory_space<semaphore_mem>> -> memref<1x!tpu.dma_semaphore, #tpu.memory_space<semaphore_mem>>
        %dma_start3A_761 = tpu.memref_squeeze %dma_start3A_760 : memref<1x!tpu.dma_semaphore, #tpu.memory_space<semaphore_mem>> -> memref<!tpu.dma_semaphore, #tpu.memory_space<semaphore_mem>>
        tpu.enqueue_indirect_dma source(%dma_start3A_759 : memref<10000x32xf32, #tpu.memory_space<vmem_shared>>) target(%dma_start3A_755 : memref<80x32xf32, #tpu.memory_space<vmem>>) offsets(%dma_start3A_756 : memref<80xi32, #tpu.memory_space<vmem>>) semaphore(%dma_start3A_761 : memref<!tpu.dma_semaphore, #tpu.memory_space<semaphore_mem>>)
      } else {
      }
      %add3A_723 = arith.constant 7 : i32
      %add3A_724 = arith.addi %mul3A_324, %add3A_723 : i32
      %mul3A_725 = arith.constant 80 : i32
      %mul3A_726 = arith.muli %add3A_724, %mul3A_725 : i32
      %dma_wait3A_727 = arith.constant 7 : i32
      %dma_wait3A_728 = arith.constant 7 : i32
      %dma_wait3A_729 = arith.constant 0 : i32
      %dma_wait3A_730 = arith.constant 0 : i32
      %dma_wait3A_731 = tpu.memref_slice %arg8[%dma_wait3A_727, %dma_wait3A_729, %dma_wait3A_730] : memref<8x80x32xf32, #tpu.memory_space<vmem>> -> memref<1x80x32xf32, #tpu.memory_space<vmem>>
      %dma_wait3A_732 = tpu.memref_squeeze %dma_wait3A_731 : memref<1x80x32xf32, #tpu.memory_space<vmem>> -> memref<80x32xf32, #tpu.memory_space<vmem>>
      %dma_wait3A_733 = tpu.memref_slice %arg7[%mul3A_726] : memref<10000xi32, #tpu.memory_space<vmem>> -> memref<80xi32, #tpu.memory_space<vmem>>
      %dma_wait3A_734 = arith.constant 0 : i32
      %dma_wait3A_735 = arith.constant 0 : i32
      %dma_wait3A_736 = tpu.memref_slice %arg11[%dma_wait3A_734, %dma_wait3A_735] : memref<10000x32xf32, #tpu.memory_space<vmem_shared>> -> memref<10000x32xf32, #tpu.memory_space<vmem_shared>>
      %dma_wait3A_737 = tpu.memref_slice %arg10[%dma_wait3A_728] : memref<8x!tpu.dma_semaphore, #tpu.memory_space<semaphore_mem>> -> memref<1x!tpu.dma_semaphore, #tpu.memory_space<semaphore_mem>>
      %dma_wait3A_738 = tpu.memref_squeeze %dma_wait3A_737 : memref<1x!tpu.dma_semaphore, #tpu.memory_space<semaphore_mem>> -> memref<!tpu.dma_semaphore, #tpu.memory_space<semaphore_mem>>
      tpu.wait_indirect_dma semaphore(%dma_wait3A_738 : memref<!tpu.dma_semaphore, #tpu.memory_space<semaphore_mem>>) src(%dma_wait3A_732 : memref<80x32xf32, #tpu.memory_space<vmem>>) dst(%dma_wait3A_736 : memref<10000x32xf32, #tpu.memory_space<vmem_shared>>)
      %add3A_739 = arith.constant 8 : i32
      %add3A_740 = arith.addi %add3A_724, %add3A_739 : i32
      %lt3A_741 = arith.constant 125 : i32
      %lt3A_742 = arith.cmpi slt, %add3A_740, %lt3A_741 : i32
      %convert_element_type3A_743 = arith.extui %lt3A_742 : i1 to i32
      %cond3A_744 = arith.constant 0 : i32
      %cond3A_745 = arith.cmpi ne, %convert_element_type3A_743, %cond3A_744 : i32
      scf.if %cond3A_745 {
        %add3A_746 = arith.constant 8 : i32
        %add3A_747 = arith.addi %add3A_724, %add3A_746 : i32
        %mul3A_748 = arith.constant 80 : i32
        %mul3A_749 = arith.muli %add3A_747, %mul3A_748 : i32
        %dma_start3A_750 = arith.constant 7 : i32
        %dma_start3A_751 = arith.constant 7 : i32
        %dma_start3A_752 = arith.constant 0 : i32
        %dma_start3A_753 = arith.constant 0 : i32
        %dma_start3A_754 = tpu.memref_slice %arg8[%dma_start3A_750, %dma_start3A_752, %dma_start3A_753] : memref<8x80x32xf32, #tpu.memory_space<vmem>> -> memref<1x80x32xf32, #tpu.memory_space<vmem>>
        %dma_start3A_755 = tpu.memref_squeeze %dma_start3A_754 : memref<1x80x32xf32, #tpu.memory_space<vmem>> -> memref<80x32xf32, #tpu.memory_space<vmem>>
        %dma_start3A_756 = tpu.memref_slice %arg6[%mul3A_749] : memref<10000xi32, #tpu.memory_space<vmem>> -> memref<80xi32, #tpu.memory_space<vmem>>
        %dma_start3A_757 = arith.constant 0 : i32
        %dma_start3A_758 = arith.constant 0 : i32
        %dma_start3A_759 = tpu.memref_slice %arg12[%dma_start3A_757, %dma_start3A_758] : memref<10000x32xf32, #tpu.memory_space<vmem_shared>> -> memref<10000x32xf32, #tpu.memory_space<vmem_shared>>
        %dma_start3A_760 = tpu.memref_slice %arg9[%dma_start3A_751] : memref<8x!tpu.dma_semaphore, #tpu.memory_space<semaphore_mem>> -> memref<1x!tpu.dma_semaphore, #tpu.memory_space<semaphore_mem>>
        %dma_start3A_761 = tpu.memref_squeeze %dma_start3A_760 : memref<1x!tpu.dma_semaphore, #tpu.memory_space<semaphore_mem>> -> memref<!tpu.dma_semaphore, #tpu.memory_space<semaphore_mem>>
        tpu.enqueue_indirect_dma source(%dma_start3A_759 : memref<10000x32xf32, #tpu.memory_space<vmem_shared>>) target(%dma_start3A_755 : memref<80x32xf32, #tpu.memory_space<vmem>>) offsets(%dma_start3A_756 : memref<80xi32, #tpu.memory_space<vmem>>) semaphore(%dma_start3A_761 : memref<!tpu.dma_semaphore, #tpu.memory_space<semaphore_mem>>)
      } else {
      }
    }
    %scan3A_118 = arith.constant 15 : i32
    %dma_wait3A = arith.constant 0 : i32
    %dma_wait3A_119 = arith.constant 0 : i32
    %dma_wait3A_120 = arith.constant 0 : i32
    %dma_wait3A_121 = arith.constant 0 : i32
    %dma_wait3A_122 = tpu.memref_slice %arg8[%dma_wait3A, %dma_wait3A_120, %dma_wait3A_121] : memref<8x80x32xf32, #tpu.memory_space<vmem>> -> memref<1x80x32xf32, #tpu.memory_space<vmem>>
    %dma_wait3A_123 = tpu.memref_squeeze %dma_wait3A_122 : memref<1x80x32xf32, #tpu.memory_space<vmem>> -> memref<80x32xf32, #tpu.memory_space<vmem>>
    %dma_wait3A_124 = arith.constant 9600 : i32
    %dma_wait3A_125 = tpu.memref_slice %arg6[%dma_wait3A_124] : memref<10000xi32, #tpu.memory_space<vmem>> -> memref<80xi32, #tpu.memory_space<vmem>>
    %dma_wait3A_126 = arith.constant 0 : i32
    %dma_wait3A_127 = arith.constant 0 : i32
    %dma_wait3A_128 = tpu.memref_slice %arg12[%dma_wait3A_126, %dma_wait3A_127] : memref<10000x32xf32, #tpu.memory_space<vmem_shared>> -> memref<10000x32xf32, #tpu.memory_space<vmem_shared>>
    %dma_wait3A_129 = tpu.memref_slice %arg9[%dma_wait3A_119] : memref<8x!tpu.dma_semaphore, #tpu.memory_space<semaphore_mem>> -> memref<1x!tpu.dma_semaphore, #tpu.memory_space<semaphore_mem>>
    %dma_wait3A_130 = tpu.memref_squeeze %dma_wait3A_129 : memref<1x!tpu.dma_semaphore, #tpu.memory_space<semaphore_mem>> -> memref<!tpu.dma_semaphore, #tpu.memory_space<semaphore_mem>>
    tpu.wait_indirect_dma semaphore(%dma_wait3A_130 : memref<!tpu.dma_semaphore, #tpu.memory_space<semaphore_mem>>) src(%dma_wait3A_128 : memref<10000x32xf32, #tpu.memory_space<vmem_shared>>) dst(%dma_wait3A_123 : memref<80x32xf32, #tpu.memory_space<vmem>>)
    %dma_start3A_131 = arith.constant 0 : i32
    %dma_start3A_132 = arith.constant 0 : i32
    %dma_start3A_133 = arith.constant 0 : i32
    %dma_start3A_134 = arith.constant 0 : i32
    %dma_start3A_135 = tpu.memref_slice %arg8[%dma_start3A_131, %dma_start3A_133, %dma_start3A_134] : memref<8x80x32xf32, #tpu.memory_space<vmem>> -> memref<1x80x32xf32, #tpu.memory_space<vmem>>
    %dma_start3A_136 = tpu.memref_squeeze %dma_start3A_135 : memref<1x80x32xf32, #tpu.memory_space<vmem>> -> memref<80x32xf32, #tpu.memory_space<vmem>>
    %dma_start3A_137 = arith.constant 9600 : i32
    %dma_start3A_138 = tpu.memref_slice %arg7[%dma_start3A_137] : memref<10000xi32, #tpu.memory_space<vmem>> -> memref<80xi32, #tpu.memory_space<vmem>>
    %dma_start3A_139 = arith.constant 0 : i32
    %dma_start3A_140 = arith.constant 0 : i32
    %dma_start3A_141 = tpu.memref_slice %arg11[%dma_start3A_139, %dma_start3A_140] : memref<10000x32xf32, #tpu.memory_space<vmem_shared>> -> memref<10000x32xf32, #tpu.memory_space<vmem_shared>>
    %dma_start3A_142 = tpu.memref_slice %arg10[%dma_start3A_132] : memref<8x!tpu.dma_semaphore, #tpu.memory_space<semaphore_mem>> -> memref<1x!tpu.dma_semaphore, #tpu.memory_space<semaphore_mem>>
    %dma_start3A_143 = tpu.memref_squeeze %dma_start3A_142 : memref<1x!tpu.dma_semaphore, #tpu.memory_space<semaphore_mem>> -> memref<!tpu.dma_semaphore, #tpu.memory_space<semaphore_mem>>
    tpu.enqueue_indirect_dma source(%dma_start3A_136 : memref<80x32xf32, #tpu.memory_space<vmem>>) target(%dma_start3A_141 : memref<10000x32xf32, #tpu.memory_space<vmem_shared>>) offsets(%dma_start3A_138 : memref<80xi32, #tpu.memory_space<vmem>>) semaphore(%dma_start3A_143 : memref<!tpu.dma_semaphore, #tpu.memory_space<semaphore_mem>>) {add = true}
    %dma_wait3A_144 = arith.constant 1 : i32
    %dma_wait3A_145 = arith.constant 1 : i32
    %dma_wait3A_146 = arith.constant 0 : i32
    %dma_wait3A_147 = arith.constant 0 : i32
    %dma_wait3A_148 = tpu.memref_slice %arg8[%dma_wait3A_144, %dma_wait3A_146, %dma_wait3A_147] : memref<8x80x32xf32, #tpu.memory_space<vmem>> -> memref<1x80x32xf32, #tpu.memory_space<vmem>>
    %dma_wait3A_149 = tpu.memref_squeeze %dma_wait3A_148 : memref<1x80x32xf32, #tpu.memory_space<vmem>> -> memref<80x32xf32, #tpu.memory_space<vmem>>
    %dma_wait3A_150 = arith.constant 9680 : i32
    %dma_wait3A_151 = tpu.memref_slice %arg6[%dma_wait3A_150] : memref<10000xi32, #tpu.memory_space<vmem>> -> memref<80xi32, #tpu.memory_space<vmem>>
    %dma_wait3A_152 = arith.constant 0 : i32
    %dma_wait3A_153 = arith.constant 0 : i32
    %dma_wait3A_154 = tpu.memref_slice %arg12[%dma_wait3A_152, %dma_wait3A_153] : memref<10000x32xf32, #tpu.memory_space<vmem_shared>> -> memref<10000x32xf32, #tpu.memory_space<vmem_shared>>
    %dma_wait3A_155 = tpu.memref_slice %arg9[%dma_wait3A_145] : memref<8x!tpu.dma_semaphore, #tpu.memory_space<semaphore_mem>> -> memref<1x!tpu.dma_semaphore, #tpu.memory_space<semaphore_mem>>
    %dma_wait3A_156 = tpu.memref_squeeze %dma_wait3A_155 : memref<1x!tpu.dma_semaphore, #tpu.memory_space<semaphore_mem>> -> memref<!tpu.dma_semaphore, #tpu.memory_space<semaphore_mem>>
    tpu.wait_indirect_dma semaphore(%dma_wait3A_156 : memref<!tpu.dma_semaphore, #tpu.memory_space<semaphore_mem>>) src(%dma_wait3A_154 : memref<10000x32xf32, #tpu.memory_space<vmem_shared>>) dst(%dma_wait3A_149 : memref<80x32xf32, #tpu.memory_space<vmem>>)
    %dma_start3A_157 = arith.constant 1 : i32
    %dma_start3A_158 = arith.constant 1 : i32
    %dma_start3A_159 = arith.constant 0 : i32
    %dma_start3A_160 = arith.constant 0 : i32
    %dma_start3A_161 = tpu.memref_slice %arg8[%dma_start3A_157, %dma_start3A_159, %dma_start3A_160] : memref<8x80x32xf32, #tpu.memory_space<vmem>> -> memref<1x80x32xf32, #tpu.memory_space<vmem>>
    %dma_start3A_162 = tpu.memref_squeeze %dma_start3A_161 : memref<1x80x32xf32, #tpu.memory_space<vmem>> -> memref<80x32xf32, #tpu.memory_space<vmem>>
    %dma_start3A_163 = arith.constant 9680 : i32
    %dma_start3A_164 = tpu.memref_slice %arg7[%dma_start3A_163] : memref<10000xi32, #tpu.memory_space<vmem>> -> memref<80xi32, #tpu.memory_space<vmem>>
    %dma_start3A_165 = arith.constant 0 : i32
    %dma_start3A_166 = arith.constant 0 : i32
    %dma_start3A_167 = tpu.memref_slice %arg11[%dma_start3A_165, %dma_start3A_166] : memref<10000x32xf32, #tpu.memory_space<vmem_shared>> -> memref<10000x32xf32, #tpu.memory_space<vmem_shared>>
    %dma_start3A_168 = tpu.memref_slice %arg10[%dma_start3A_158] : memref<8x!tpu.dma_semaphore, #tpu.memory_space<semaphore_mem>> -> memref<1x!tpu.dma_semaphore, #tpu.memory_space<semaphore_mem>>
    %dma_start3A_169 = tpu.memref_squeeze %dma_start3A_168 : memref<1x!tpu.dma_semaphore, #tpu.memory_space<semaphore_mem>> -> memref<!tpu.dma_semaphore, #tpu.memory_space<semaphore_mem>>
    tpu.enqueue_indirect_dma source(%dma_start3A_162 : memref<80x32xf32, #tpu.memory_space<vmem>>) target(%dma_start3A_167 : memref<10000x32xf32, #tpu.memory_space<vmem_shared>>) offsets(%dma_start3A_164 : memref<80xi32, #tpu.memory_space<vmem>>) semaphore(%dma_start3A_169 : memref<!tpu.dma_semaphore, #tpu.memory_space<semaphore_mem>>) {add = true}
    %dma_wait3A_170 = arith.constant 2 : i32
    %dma_wait3A_171 = arith.constant 2 : i32
    %dma_wait3A_172 = arith.constant 0 : i32
    %dma_wait3A_173 = arith.constant 0 : i32
    %dma_wait3A_174 = tpu.memref_slice %arg8[%dma_wait3A_170, %dma_wait3A_172, %dma_wait3A_173] : memref<8x80x32xf32, #tpu.memory_space<vmem>> -> memref<1x80x32xf32, #tpu.memory_space<vmem>>
    %dma_wait3A_175 = tpu.memref_squeeze %dma_wait3A_174 : memref<1x80x32xf32, #tpu.memory_space<vmem>> -> memref<80x32xf32, #tpu.memory_space<vmem>>
    %dma_wait3A_176 = arith.constant 9760 : i32
    %dma_wait3A_177 = tpu.memref_slice %arg6[%dma_wait3A_176] : memref<10000xi32, #tpu.memory_space<vmem>> -> memref<80xi32, #tpu.memory_space<vmem>>
    %dma_wait3A_178 = arith.constant 0 : i32
    %dma_wait3A_179 = arith.constant 0 : i32
    %dma_wait3A_180 = tpu.memref_slice %arg12[%dma_wait3A_178, %dma_wait3A_179] : memref<10000x32xf32, #tpu.memory_space<vmem_shared>> -> memref<10000x32xf32, #tpu.memory_space<vmem_shared>>
    %dma_wait3A_181 = tpu.memref_slice %arg9[%dma_wait3A_171] : memref<8x!tpu.dma_semaphore, #tpu.memory_space<semaphore_mem>> -> memref<1x!tpu.dma_semaphore, #tpu.memory_space<semaphore_mem>>
    %dma_wait3A_182 = tpu.memref_squeeze %dma_wait3A_181 : memref<1x!tpu.dma_semaphore, #tpu.memory_space<semaphore_mem>> -> memref<!tpu.dma_semaphore, #tpu.memory_space<semaphore_mem>>
    tpu.wait_indirect_dma semaphore(%dma_wait3A_182 : memref<!tpu.dma_semaphore, #tpu.memory_space<semaphore_mem>>) src(%dma_wait3A_180 : memref<10000x32xf32, #tpu.memory_space<vmem_shared>>) dst(%dma_wait3A_175 : memref<80x32xf32, #tpu.memory_space<vmem>>)
    %dma_start3A_183 = arith.constant 2 : i32
    %dma_start3A_184 = arith.constant 2 : i32
    %dma_start3A_185 = arith.constant 0 : i32
    %dma_start3A_186 = arith.constant 0 : i32
    %dma_start3A_187 = tpu.memref_slice %arg8[%dma_start3A_183, %dma_start3A_185, %dma_start3A_186] : memref<8x80x32xf32, #tpu.memory_space<vmem>> -> memref<1x80x32xf32, #tpu.memory_space<vmem>>
    %dma_start3A_188 = tpu.memref_squeeze %dma_start3A_187 : memref<1x80x32xf32, #tpu.memory_space<vmem>> -> memref<80x32xf32, #tpu.memory_space<vmem>>
    %dma_start3A_189 = arith.constant 9760 : i32
    %dma_start3A_190 = tpu.memref_slice %arg7[%dma_start3A_189] : memref<10000xi32, #tpu.memory_space<vmem>> -> memref<80xi32, #tpu.memory_space<vmem>>
    %dma_start3A_191 = arith.constant 0 : i32
    %dma_start3A_192 = arith.constant 0 : i32
    %dma_start3A_193 = tpu.memref_slice %arg11[%dma_start3A_191, %dma_start3A_192] : memref<10000x32xf32, #tpu.memory_space<vmem_shared>> -> memref<10000x32xf32, #tpu.memory_space<vmem_shared>>
    %dma_start3A_194 = tpu.memref_slice %arg10[%dma_start3A_184] : memref<8x!tpu.dma_semaphore, #tpu.memory_space<semaphore_mem>> -> memref<1x!tpu.dma_semaphore, #tpu.memory_space<semaphore_mem>>
    %dma_start3A_195 = tpu.memref_squeeze %dma_start3A_194 : memref<1x!tpu.dma_semaphore, #tpu.memory_space<semaphore_mem>> -> memref<!tpu.dma_semaphore, #tpu.memory_space<semaphore_mem>>
    tpu.enqueue_indirect_dma source(%dma_start3A_188 : memref<80x32xf32, #tpu.memory_space<vmem>>) target(%dma_start3A_193 : memref<10000x32xf32, #tpu.memory_space<vmem_shared>>) offsets(%dma_start3A_190 : memref<80xi32, #tpu.memory_space<vmem>>) semaphore(%dma_start3A_195 : memref<!tpu.dma_semaphore, #tpu.memory_space<semaphore_mem>>) {add = true}
    %dma_wait3A_196 = arith.constant 3 : i32
    %dma_wait3A_197 = arith.constant 3 : i32
    %dma_wait3A_198 = arith.constant 0 : i32
    %dma_wait3A_199 = arith.constant 0 : i32
    %dma_wait3A_200 = tpu.memref_slice %arg8[%dma_wait3A_196, %dma_wait3A_198, %dma_wait3A_199] : memref<8x80x32xf32, #tpu.memory_space<vmem>> -> memref<1x80x32xf32, #tpu.memory_space<vmem>>
    %dma_wait3A_201 = tpu.memref_squeeze %dma_wait3A_200 : memref<1x80x32xf32, #tpu.memory_space<vmem>> -> memref<80x32xf32, #tpu.memory_space<vmem>>
    %dma_wait3A_202 = arith.constant 9840 : i32
    %dma_wait3A_203 = tpu.memref_slice %arg6[%dma_wait3A_202] : memref<10000xi32, #tpu.memory_space<vmem>> -> memref<80xi32, #tpu.memory_space<vmem>>
    %dma_wait3A_204 = arith.constant 0 : i32
    %dma_wait3A_205 = arith.constant 0 : i32
    %dma_wait3A_206 = tpu.memref_slice %arg12[%dma_wait3A_204, %dma_wait3A_205] : memref<10000x32xf32, #tpu.memory_space<vmem_shared>> -> memref<10000x32xf32, #tpu.memory_space<vmem_shared>>
    %dma_wait3A_207 = tpu.memref_slice %arg9[%dma_wait3A_197] : memref<8x!tpu.dma_semaphore, #tpu.memory_space<semaphore_mem>> -> memref<1x!tpu.dma_semaphore, #tpu.memory_space<semaphore_mem>>
    %dma_wait3A_208 = tpu.memref_squeeze %dma_wait3A_207 : memref<1x!tpu.dma_semaphore, #tpu.memory_space<semaphore_mem>> -> memref<!tpu.dma_semaphore, #tpu.memory_space<semaphore_mem>>
    tpu.wait_indirect_dma semaphore(%dma_wait3A_208 : memref<!tpu.dma_semaphore, #tpu.memory_space<semaphore_mem>>) src(%dma_wait3A_206 : memref<10000x32xf32, #tpu.memory_space<vmem_shared>>) dst(%dma_wait3A_201 : memref<80x32xf32, #tpu.memory_space<vmem>>)
    %dma_start3A_209 = arith.constant 3 : i32
    %dma_start3A_210 = arith.constant 3 : i32
    %dma_start3A_211 = arith.constant 0 : i32
    %dma_start3A_212 = arith.constant 0 : i32
    %dma_start3A_213 = tpu.memref_slice %arg8[%dma_start3A_209, %dma_start3A_211, %dma_start3A_212] : memref<8x80x32xf32, #tpu.memory_space<vmem>> -> memref<1x80x32xf32, #tpu.memory_space<vmem>>
    %dma_start3A_214 = tpu.memref_squeeze %dma_start3A_213 : memref<1x80x32xf32, #tpu.memory_space<vmem>> -> memref<80x32xf32, #tpu.memory_space<vmem>>
    %dma_start3A_215 = arith.constant 9840 : i32
    %dma_start3A_216 = tpu.memref_slice %arg7[%dma_start3A_215] : memref<10000xi32, #tpu.memory_space<vmem>> -> memref<80xi32, #tpu.memory_space<vmem>>
    %dma_start3A_217 = arith.constant 0 : i32
    %dma_start3A_218 = arith.constant 0 : i32
    %dma_start3A_219 = tpu.memref_slice %arg11[%dma_start3A_217, %dma_start3A_218] : memref<10000x32xf32, #tpu.memory_space<vmem_shared>> -> memref<10000x32xf32, #tpu.memory_space<vmem_shared>>
    %dma_start3A_220 = tpu.memref_slice %arg10[%dma_start3A_210] : memref<8x!tpu.dma_semaphore, #tpu.memory_space<semaphore_mem>> -> memref<1x!tpu.dma_semaphore, #tpu.memory_space<semaphore_mem>>
    %dma_start3A_221 = tpu.memref_squeeze %dma_start3A_220 : memref<1x!tpu.dma_semaphore, #tpu.memory_space<semaphore_mem>> -> memref<!tpu.dma_semaphore, #tpu.memory_space<semaphore_mem>>
    tpu.enqueue_indirect_dma source(%dma_start3A_214 : memref<80x32xf32, #tpu.memory_space<vmem>>) target(%dma_start3A_219 : memref<10000x32xf32, #tpu.memory_space<vmem_shared>>) offsets(%dma_start3A_216 : memref<80xi32, #tpu.memory_space<vmem>>) semaphore(%dma_start3A_221 : memref<!tpu.dma_semaphore, #tpu.memory_space<semaphore_mem>>) {add = true}
    %dma_wait3A_222 = arith.constant 4 : i32
    %dma_wait3A_223 = arith.constant 4 : i32
    %dma_wait3A_224 = arith.constant 0 : i32
    %dma_wait3A_225 = arith.constant 0 : i32
    %dma_wait3A_226 = tpu.memref_slice %arg8[%dma_wait3A_222, %dma_wait3A_224, %dma_wait3A_225] : memref<8x80x32xf32, #tpu.memory_space<vmem>> -> memref<1x80x32xf32, #tpu.memory_space<vmem>>
    %dma_wait3A_227 = tpu.memref_squeeze %dma_wait3A_226 : memref<1x80x32xf32, #tpu.memory_space<vmem>> -> memref<80x32xf32, #tpu.memory_space<vmem>>
    %dma_wait3A_228 = arith.constant 9920 : i32
    %dma_wait3A_229 = tpu.memref_slice %arg6[%dma_wait3A_228] : memref<10000xi32, #tpu.memory_space<vmem>> -> memref<80xi32, #tpu.memory_space<vmem>>
    %dma_wait3A_230 = arith.constant 0 : i32
    %dma_wait3A_231 = arith.constant 0 : i32
    %dma_wait3A_232 = tpu.memref_slice %arg12[%dma_wait3A_230, %dma_wait3A_231] : memref<10000x32xf32, #tpu.memory_space<vmem_shared>> -> memref<10000x32xf32, #tpu.memory_space<vmem_shared>>
    %dma_wait3A_233 = tpu.memref_slice %arg9[%dma_wait3A_223] : memref<8x!tpu.dma_semaphore, #tpu.memory_space<semaphore_mem>> -> memref<1x!tpu.dma_semaphore, #tpu.memory_space<semaphore_mem>>
    %dma_wait3A_234 = tpu.memref_squeeze %dma_wait3A_233 : memref<1x!tpu.dma_semaphore, #tpu.memory_space<semaphore_mem>> -> memref<!tpu.dma_semaphore, #tpu.memory_space<semaphore_mem>>
    tpu.wait_indirect_dma semaphore(%dma_wait3A_234 : memref<!tpu.dma_semaphore, #tpu.memory_space<semaphore_mem>>) src(%dma_wait3A_232 : memref<10000x32xf32, #tpu.memory_space<vmem_shared>>) dst(%dma_wait3A_227 : memref<80x32xf32, #tpu.memory_space<vmem>>)
    %dma_start3A_235 = arith.constant 4 : i32
    %dma_start3A_236 = arith.constant 4 : i32
    %dma_start3A_237 = arith.constant 0 : i32
    %dma_start3A_238 = arith.constant 0 : i32
    %dma_start3A_239 = tpu.memref_slice %arg8[%dma_start3A_235, %dma_start3A_237, %dma_start3A_238] : memref<8x80x32xf32, #tpu.memory_space<vmem>> -> memref<1x80x32xf32, #tpu.memory_space<vmem>>
    %dma_start3A_240 = tpu.memref_squeeze %dma_start3A_239 : memref<1x80x32xf32, #tpu.memory_space<vmem>> -> memref<80x32xf32, #tpu.memory_space<vmem>>
    %dma_start3A_241 = arith.constant 9920 : i32
    %dma_start3A_242 = tpu.memref_slice %arg7[%dma_start3A_241] : memref<10000xi32, #tpu.memory_space<vmem>> -> memref<80xi32, #tpu.memory_space<vmem>>
    %dma_start3A_243 = arith.constant 0 : i32
    %dma_start3A_244 = arith.constant 0 : i32
    %dma_start3A_245 = tpu.memref_slice %arg11[%dma_start3A_243, %dma_start3A_244] : memref<10000x32xf32, #tpu.memory_space<vmem_shared>> -> memref<10000x32xf32, #tpu.memory_space<vmem_shared>>
    %dma_start3A_246 = tpu.memref_slice %arg10[%dma_start3A_236] : memref<8x!tpu.dma_semaphore, #tpu.memory_space<semaphore_mem>> -> memref<1x!tpu.dma_semaphore, #tpu.memory_space<semaphore_mem>>
    %dma_start3A_247 = tpu.memref_squeeze %dma_start3A_246 : memref<1x!tpu.dma_semaphore, #tpu.memory_space<semaphore_mem>> -> memref<!tpu.dma_semaphore, #tpu.memory_space<semaphore_mem>>
    tpu.enqueue_indirect_dma source(%dma_start3A_240 : memref<80x32xf32, #tpu.memory_space<vmem>>) target(%dma_start3A_245 : memref<10000x32xf32, #tpu.memory_space<vmem_shared>>) offsets(%dma_start3A_242 : memref<80xi32, #tpu.memory_space<vmem>>) semaphore(%dma_start3A_247 : memref<!tpu.dma_semaphore, #tpu.memory_space<semaphore_mem>>) {add = true}
    %dma_wait3A_248 = arith.constant 0 : i32
    %dma_wait3A_249 = arith.constant 0 : i32
    %dma_wait3A_250 = arith.constant 0 : i32
    %dma_wait3A_251 = arith.constant 0 : i32
    %dma_wait3A_252 = tpu.memref_slice %arg8[%dma_wait3A_248, %dma_wait3A_250, %dma_wait3A_251] : memref<8x80x32xf32, #tpu.memory_space<vmem>> -> memref<1x80x32xf32, #tpu.memory_space<vmem>>
    %dma_wait3A_253 = tpu.memref_squeeze %dma_wait3A_252 : memref<1x80x32xf32, #tpu.memory_space<vmem>> -> memref<80x32xf32, #tpu.memory_space<vmem>>
    %dma_wait3A_254 = arith.constant 9600 : i32
    %dma_wait3A_255 = tpu.memref_slice %arg7[%dma_wait3A_254] : memref<10000xi32, #tpu.memory_space<vmem>> -> memref<80xi32, #tpu.memory_space<vmem>>
    %dma_wait3A_256 = arith.constant 0 : i32
    %dma_wait3A_257 = arith.constant 0 : i32
    %dma_wait3A_258 = tpu.memref_slice %arg11[%dma_wait3A_256, %dma_wait3A_257] : memref<10000x32xf32, #tpu.memory_space<vmem_shared>> -> memref<10000x32xf32, #tpu.memory_space<vmem_shared>>
    %dma_wait3A_259 = tpu.memref_slice %arg10[%dma_wait3A_249] : memref<8x!tpu.dma_semaphore, #tpu.memory_space<semaphore_mem>> -> memref<1x!tpu.dma_semaphore, #tpu.memory_space<semaphore_mem>>
    %dma_wait3A_260 = tpu.memref_squeeze %dma_wait3A_259 : memref<1x!tpu.dma_semaphore, #tpu.memory_space<semaphore_mem>> -> memref<!tpu.dma_semaphore, #tpu.memory_space<semaphore_mem>>
    tpu.wait_indirect_dma semaphore(%dma_wait3A_260 : memref<!tpu.dma_semaphore, #tpu.memory_space<semaphore_mem>>) src(%dma_wait3A_253 : memref<80x32xf32, #tpu.memory_space<vmem>>) dst(%dma_wait3A_258 : memref<10000x32xf32, #tpu.memory_space<vmem_shared>>)
    %dma_wait3A_261 = arith.constant 1 : i32
    %dma_wait3A_262 = arith.constant 1 : i32
    %dma_wait3A_263 = arith.constant 0 : i32
    %dma_wait3A_264 = arith.constant 0 : i32
    %dma_wait3A_265 = tpu.memref_slice %arg8[%dma_wait3A_261, %dma_wait3A_263, %dma_wait3A_264] : memref<8x80x32xf32, #tpu.memory_space<vmem>> -> memref<1x80x32xf32, #tpu.memory_space<vmem>>
    %dma_wait3A_266 = tpu.memref_squeeze %dma_wait3A_265 : memref<1x80x32xf32, #tpu.memory_space<vmem>> -> memref<80x32xf32, #tpu.memory_space<vmem>>
    %dma_wait3A_267 = arith.constant 9680 : i32
    %dma_wait3A_268 = tpu.memref_slice %arg7[%dma_wait3A_267] : memref<10000xi32, #tpu.memory_space<vmem>> -> memref<80xi32, #tpu.memory_space<vmem>>
    %dma_wait3A_269 = arith.constant 0 : i32
    %dma_wait3A_270 = arith.constant 0 : i32
    %dma_wait3A_271 = tpu.memref_slice %arg11[%dma_wait3A_269, %dma_wait3A_270] : memref<10000x32xf32, #tpu.memory_space<vmem_shared>> -> memref<10000x32xf32, #tpu.memory_space<vmem_shared>>
    %dma_wait3A_272 = tpu.memref_slice %arg10[%dma_wait3A_262] : memref<8x!tpu.dma_semaphore, #tpu.memory_space<semaphore_mem>> -> memref<1x!tpu.dma_semaphore, #tpu.memory_space<semaphore_mem>>
    %dma_wait3A_273 = tpu.memref_squeeze %dma_wait3A_272 : memref<1x!tpu.dma_semaphore, #tpu.memory_space<semaphore_mem>> -> memref<!tpu.dma_semaphore, #tpu.memory_space<semaphore_mem>>
    tpu.wait_indirect_dma semaphore(%dma_wait3A_273 : memref<!tpu.dma_semaphore, #tpu.memory_space<semaphore_mem>>) src(%dma_wait3A_266 : memref<80x32xf32, #tpu.memory_space<vmem>>) dst(%dma_wait3A_271 : memref<10000x32xf32, #tpu.memory_space<vmem_shared>>)
    %dma_wait3A_274 = arith.constant 2 : i32
    %dma_wait3A_275 = arith.constant 2 : i32
    %dma_wait3A_276 = arith.constant 0 : i32
    %dma_wait3A_277 = arith.constant 0 : i32
    %dma_wait3A_278 = tpu.memref_slice %arg8[%dma_wait3A_274, %dma_wait3A_276, %dma_wait3A_277] : memref<8x80x32xf32, #tpu.memory_space<vmem>> -> memref<1x80x32xf32, #tpu.memory_space<vmem>>
    %dma_wait3A_279 = tpu.memref_squeeze %dma_wait3A_278 : memref<1x80x32xf32, #tpu.memory_space<vmem>> -> memref<80x32xf32, #tpu.memory_space<vmem>>
    %dma_wait3A_280 = arith.constant 9760 : i32
    %dma_wait3A_281 = tpu.memref_slice %arg7[%dma_wait3A_280] : memref<10000xi32, #tpu.memory_space<vmem>> -> memref<80xi32, #tpu.memory_space<vmem>>
    %dma_wait3A_282 = arith.constant 0 : i32
    %dma_wait3A_283 = arith.constant 0 : i32
    %dma_wait3A_284 = tpu.memref_slice %arg11[%dma_wait3A_282, %dma_wait3A_283] : memref<10000x32xf32, #tpu.memory_space<vmem_shared>> -> memref<10000x32xf32, #tpu.memory_space<vmem_shared>>
    %dma_wait3A_285 = tpu.memref_slice %arg10[%dma_wait3A_275] : memref<8x!tpu.dma_semaphore, #tpu.memory_space<semaphore_mem>> -> memref<1x!tpu.dma_semaphore, #tpu.memory_space<semaphore_mem>>
    %dma_wait3A_286 = tpu.memref_squeeze %dma_wait3A_285 : memref<1x!tpu.dma_semaphore, #tpu.memory_space<semaphore_mem>> -> memref<!tpu.dma_semaphore, #tpu.memory_space<semaphore_mem>>
    tpu.wait_indirect_dma semaphore(%dma_wait3A_286 : memref<!tpu.dma_semaphore, #tpu.memory_space<semaphore_mem>>) src(%dma_wait3A_279 : memref<80x32xf32, #tpu.memory_space<vmem>>) dst(%dma_wait3A_284 : memref<10000x32xf32, #tpu.memory_space<vmem_shared>>)
    %dma_wait3A_287 = arith.constant 3 : i32
    %dma_wait3A_288 = arith.constant 3 : i32
    %dma_wait3A_289 = arith.constant 0 : i32
    %dma_wait3A_290 = arith.constant 0 : i32
    %dma_wait3A_291 = tpu.memref_slice %arg8[%dma_wait3A_287, %dma_wait3A_289, %dma_wait3A_290] : memref<8x80x32xf32, #tpu.memory_space<vmem>> -> memref<1x80x32xf32, #tpu.memory_space<vmem>>
    %dma_wait3A_292 = tpu.memref_squeeze %dma_wait3A_291 : memref<1x80x32xf32, #tpu.memory_space<vmem>> -> memref<80x32xf32, #tpu.memory_space<vmem>>
    %dma_wait3A_293 = arith.constant 9840 : i32
    %dma_wait3A_294 = tpu.memref_slice %arg7[%dma_wait3A_293] : memref<10000xi32, #tpu.memory_space<vmem>> -> memref<80xi32, #tpu.memory_space<vmem>>
    %dma_wait3A_295 = arith.constant 0 : i32
    %dma_wait3A_296 = arith.constant 0 : i32
    %dma_wait3A_297 = tpu.memref_slice %arg11[%dma_wait3A_295, %dma_wait3A_296] : memref<10000x32xf32, #tpu.memory_space<vmem_shared>> -> memref<10000x32xf32, #tpu.memory_space<vmem_shared>>
    %dma_wait3A_298 = tpu.memref_slice %arg10[%dma_wait3A_288] : memref<8x!tpu.dma_semaphore, #tpu.memory_space<semaphore_mem>> -> memref<1x!tpu.dma_semaphore, #tpu.memory_space<semaphore_mem>>
    %dma_wait3A_299 = tpu.memref_squeeze %dma_wait3A_298 : memref<1x!tpu.dma_semaphore, #tpu.memory_space<semaphore_mem>> -> memref<!tpu.dma_semaphore, #tpu.memory_space<semaphore_mem>>
    tpu.wait_indirect_dma semaphore(%dma_wait3A_299 : memref<!tpu.dma_semaphore, #tpu.memory_space<semaphore_mem>>) src(%dma_wait3A_292 : memref<80x32xf32, #tpu.memory_space<vmem>>) dst(%dma_wait3A_297 : memref<10000x32xf32, #tpu.memory_space<vmem_shared>>)
    %dma_wait3A_300 = arith.constant 4 : i32
    %dma_wait3A_301 = arith.constant 4 : i32
    %dma_wait3A_302 = arith.constant 0 : i32
    %dma_wait3A_303 = arith.constant 0 : i32
    %dma_wait3A_304 = tpu.memref_slice %arg8[%dma_wait3A_300, %dma_wait3A_302, %dma_wait3A_303] : memref<8x80x32xf32, #tpu.memory_space<vmem>> -> memref<1x80x32xf32, #tpu.memory_space<vmem>>
    %dma_wait3A_305 = tpu.memref_squeeze %dma_wait3A_304 : memref<1x80x32xf32, #tpu.memory_space<vmem>> -> memref<80x32xf32, #tpu.memory_space<vmem>>
    %dma_wait3A_306 = arith.constant 9920 : i32
    %dma_wait3A_307 = tpu.memref_slice %arg7[%dma_wait3A_306] : memref<10000xi32, #tpu.memory_space<vmem>> -> memref<80xi32, #tpu.memory_space<vmem>>
    %dma_wait3A_308 = arith.constant 0 : i32
    %dma_wait3A_309 = arith.constant 0 : i32
    %dma_wait3A_310 = tpu.memref_slice %arg11[%dma_wait3A_308, %dma_wait3A_309] : memref<10000x32xf32, #tpu.memory_space<vmem_shared>> -> memref<10000x32xf32, #tpu.memory_space<vmem_shared>>
    %dma_wait3A_311 = tpu.memref_slice %arg10[%dma_wait3A_301] : memref<8x!tpu.dma_semaphore, #tpu.memory_space<semaphore_mem>> -> memref<1x!tpu.dma_semaphore, #tpu.memory_space<semaphore_mem>>
    %dma_wait3A_312 = tpu.memref_squeeze %dma_wait3A_311 : memref<1x!tpu.dma_semaphore, #tpu.memory_space<semaphore_mem>> -> memref<!tpu.dma_semaphore, #tpu.memory_space<semaphore_mem>>
    tpu.wait_indirect_dma semaphore(%dma_wait3A_312 : memref<!tpu.dma_semaphore, #tpu.memory_space<semaphore_mem>>) src(%dma_wait3A_305 : memref<80x32xf32, #tpu.memory_space<vmem>>) dst(%dma_wait3A_310 : memref<10000x32xf32, #tpu.memory_space<vmem_shared>>)
    %barrier3A_313 = arith.constant 0 : index
    tpu.barrier barrier_id(%barrier3A_313)
    %mul3A_314 = arith.constant 625 : i32
    %mul3A_315 = arith.muli %arg1, %mul3A_314 : i32
    %mul3A_316 = arith.constant 625 : i32
    %mul3A_317 = arith.muli %arg1, %mul3A_316 : i32
    "tpu.region"() ({
      %run_scoped3A_318 = tpu.sem_alloc : memref<!tpu.dma_semaphore, #tpu.memory_space<semaphore_mem>>
      %dma_start3A_319 = arith.constant 0 : i32
      %dma_start3A_320 = tpu.memref_slice %arg5[%arg0, %mul3A_317, %dma_start3A_319] : memref<2x10000x32xf32, #tpu.memory_space<hbm>> -> memref<1x625x32xf32, #tpu.memory_space<hbm>>
      %dma_start3A_321 = tpu.memref_squeeze %dma_start3A_320 : memref<1x625x32xf32, #tpu.memory_space<hbm>> -> memref<625x32xf32, #tpu.memory_space<hbm>>
      %dma_start3A_322 = arith.constant 0 : i32
      %dma_start3A_323 = tpu.memref_slice %arg11[%mul3A_315, %dma_start3A_322] : memref<10000x32xf32, #tpu.memory_space<vmem_shared>> -> memref<625x32xf32, #tpu.memory_space<vmem_shared>>
      tpu.enqueue_dma source(%dma_start3A_323 : memref<625x32xf32, #tpu.memory_space<vmem_shared>>) target(%dma_start3A_321 : memref<625x32xf32, #tpu.memory_space<hbm>>) target_semaphore(%run_scoped3A_318 : memref<!tpu.dma_semaphore, #tpu.memory_space<semaphore_mem>>)
      %dma_wait3A_324 = arith.constant 0 : i32
      %dma_wait3A_325 = tpu.memref_slice %arg5[%arg0, %mul3A_317, %dma_wait3A_324] : memref<2x10000x32xf32, #tpu.memory_space<hbm>> -> memref<1x625x32xf32, #tpu.memory_space<hbm>>
      %dma_wait3A_326 = tpu.memref_squeeze %dma_wait3A_325 : memref<1x625x32xf32, #tpu.memory_space<hbm>> -> memref<625x32xf32, #tpu.memory_space<hbm>>
      %dma_wait3A_327 = arith.constant 0 : i32
      %dma_wait3A_328 = tpu.memref_slice %arg11[%mul3A_315, %dma_wait3A_327] : memref<10000x32xf32, #tpu.memory_space<vmem_shared>> -> memref<625x32xf32, #tpu.memory_space<vmem_shared>>
      tpu.wait_dma2 semaphore(%run_scoped3A_318 : memref<!tpu.dma_semaphore, #tpu.memory_space<semaphore_mem>>) src(%dma_wait3A_328 : memref<625x32xf32, #tpu.memory_space<vmem_shared>>) dst(%dma_wait3A_326 : memref<625x32xf32, #tpu.memory_space<hbm>>)
      tpu.yield
    }) : () -> ()
    return
  }
}

#map = affine_map<(d0, d1) -> (0, 0)>
#map1 = affine_map<(d0, d1) -> (0, 0, 0)>
module attributes {stable_mosaic.version = 14 : i64} {
  func.func @_deg_kernel(%arg0: i32, %arg1: i32, %arg2: memref<2x320000xi32, #tpu.memory_space<hbm>>, %arg3: memref<80x8xf32, #tpu.memory_space<hbm>>, %arg4: memref<625x8xf32, #tpu.memory_space<hbm>>, %arg5: memref<2x10000x8xf32, #tpu.memory_space<hbm>>, %arg6: memref<10000xi32, #tpu.memory_space<vmem>>, %arg7: memref<80x8xf32, #tpu.memory_space<vmem>>, %arg8: memref<!tpu.dma_semaphore, #tpu.memory_space<semaphore_mem>>, %arg9: memref<10000x8xf32, #tpu.memory_space<vmem_shared>>) attributes {dimension_semantics = [#tpu.dimension_semantics<core_parallel>, #tpu.dimension_semantics<subcore_parallel>], iteration_bounds = array<i64: 2, 16>, scalar_prefetch = 0 : i64, scratch_operands = 4 : i64, tpu.core_type = #tpu.core_type<sc_vector_subcore>, window_params = [{transform_indices = #map}, {transform_indices = #map}, {transform_indices = #map}, {transform_indices = #map1}]} {
    %mul3A = arith.constant 16 : i32
    %mul3A_0 = arith.muli %arg0, %mul3A : i32
    %add3A = arith.addi %mul3A_0, %arg1 : i32
    %mul3A_1 = arith.constant 625 : i32
    %mul3A_2 = arith.muli %arg1, %mul3A_1 : i32
    "tpu.region"() ({
      %run_scoped3A_62 = tpu.sem_alloc : memref<!tpu.dma_semaphore, #tpu.memory_space<semaphore_mem>>
      %dma_start3A_63 = arith.constant 0 : i32
      %dma_start3A_64 = tpu.memref_slice %arg9[%mul3A_2, %dma_start3A_63] : memref<10000x8xf32, #tpu.memory_space<vmem_shared>> -> memref<625x8xf32, #tpu.memory_space<vmem_shared>>
      tpu.enqueue_dma source(%arg4 : memref<625x8xf32, #tpu.memory_space<hbm>>) target(%dma_start3A_64 : memref<625x8xf32, #tpu.memory_space<vmem_shared>>) target_semaphore(%run_scoped3A_62 : memref<!tpu.dma_semaphore, #tpu.memory_space<semaphore_mem>>)
      %dma_wait3A_65 = arith.constant 0 : i32
      %dma_wait3A_66 = tpu.memref_slice %arg9[%mul3A_2, %dma_wait3A_65] : memref<10000x8xf32, #tpu.memory_space<vmem_shared>> -> memref<625x8xf32, #tpu.memory_space<vmem_shared>>
      tpu.wait_dma2 semaphore(%run_scoped3A_62 : memref<!tpu.dma_semaphore, #tpu.memory_space<semaphore_mem>>) src(%arg4 : memref<625x8xf32, #tpu.memory_space<hbm>>) dst(%dma_wait3A_66 : memref<625x8xf32, #tpu.memory_space<vmem_shared>>)
      tpu.yield
    }) : () -> ()
    "tpu.region"() ({
      %run_scoped3A_62 = tpu.sem_alloc : memref<!tpu.dma_semaphore, #tpu.memory_space<semaphore_mem>>
      tpu.enqueue_dma source(%arg3 : memref<80x8xf32, #tpu.memory_space<hbm>>) target(%arg7 : memref<80x8xf32, #tpu.memory_space<vmem>>) target_semaphore(%run_scoped3A_62 : memref<!tpu.dma_semaphore, #tpu.memory_space<semaphore_mem>>)
      tpu.wait_dma2 semaphore(%run_scoped3A_62 : memref<!tpu.dma_semaphore, #tpu.memory_space<semaphore_mem>>) src(%arg3 : memref<80x8xf32, #tpu.memory_space<hbm>>) dst(%arg7 : memref<80x8xf32, #tpu.memory_space<vmem>>)
      tpu.yield
    }) : () -> ()
    %mul3A_3 = arith.constant 10000 : i32
    %mul3A_4 = arith.muli %add3A, %mul3A_3 : i32
    %run_scoped3A = arith.constant 1 : i32
    "tpu.region"() ({
      %run_scoped3A_62 = tpu.sem_alloc : memref<!tpu.dma_semaphore, #tpu.memory_space<semaphore_mem>>
      %dma_start3A_63 = tpu.memref_slice %arg2[%run_scoped3A, %mul3A_4] : memref<2x320000xi32, #tpu.memory_space<hbm>> -> memref<1x10000xi32, #tpu.memory_space<hbm>>
      %dma_start3A_64 = tpu.memref_squeeze %dma_start3A_63 : memref<1x10000xi32, #tpu.memory_space<hbm>> -> memref<10000xi32, #tpu.memory_space<hbm>>
      %dma_start3A_65 = tpu.memref_slice %arg2[%run_scoped3A, %mul3A_4] : memref<2x320000xi32, #tpu.memory_space<hbm>> -> memref<1x10000xi32, #tpu.memory_space<hbm>>
      %dma_start3A_66 = tpu.memref_squeeze %dma_start3A_65 : memref<1x10000xi32, #tpu.memory_space<hbm>> -> memref<10000xi32, #tpu.memory_space<hbm>>
      tpu.enqueue_dma source(%dma_start3A_66 : memref<10000xi32, #tpu.memory_space<hbm>>) target(%arg6 : memref<10000xi32, #tpu.memory_space<vmem>>) target_semaphore(%run_scoped3A_62 : memref<!tpu.dma_semaphore, #tpu.memory_space<semaphore_mem>>)
      %dma_wait3A_67 = tpu.memref_slice %arg2[%run_scoped3A, %mul3A_4] : memref<2x320000xi32, #tpu.memory_space<hbm>> -> memref<1x10000xi32, #tpu.memory_space<hbm>>
      %dma_wait3A_68 = tpu.memref_squeeze %dma_wait3A_67 : memref<1x10000xi32, #tpu.memory_space<hbm>> -> memref<10000xi32, #tpu.memory_space<hbm>>
      %dma_wait3A_69 = tpu.memref_slice %arg2[%run_scoped3A, %mul3A_4] : memref<2x320000xi32, #tpu.memory_space<hbm>> -> memref<1x10000xi32, #tpu.memory_space<hbm>>
      %dma_wait3A_70 = tpu.memref_squeeze %dma_wait3A_69 : memref<1x10000xi32, #tpu.memory_space<hbm>> -> memref<10000xi32, #tpu.memory_space<hbm>>
      tpu.wait_dma2 semaphore(%run_scoped3A_62 : memref<!tpu.dma_semaphore, #tpu.memory_space<semaphore_mem>>) src(%dma_wait3A_70 : memref<10000xi32, #tpu.memory_space<hbm>>) dst(%arg6 : memref<10000xi32, #tpu.memory_space<vmem>>)
      tpu.yield
    }) : () -> ()
    %barrier3A = arith.constant 0 : index
    tpu.barrier barrier_id(%barrier3A)
    %scan3A = arith.constant 0 : i32
    %scan3A_5 = arith.constant 15 : i32
    %scan3A_6 = arith.addi %scan3A, %scan3A_5 : i32
    %scan3A_7 = arith.constant 1 : i32
    scf.for %scan3A_62 = %scan3A to %scan3A_6 step %scan3A_7  : i32 {
      %mul3A_63 = arith.constant 1 : i32
      %mul3A_64 = arith.muli %scan3A_62, %mul3A_63 : i32
      %add3A_65 = arith.constant 0 : i32
      %add3A_66 = arith.addi %add3A_65, %mul3A_64 : i32
      %mul3A_67 = arith.constant 8 : i32
      %mul3A_68 = arith.muli %add3A_66, %mul3A_67 : i32
      %add3A_69 = arith.constant 0 : i32
      %add3A_70 = arith.addi %mul3A_68, %add3A_69 : i32
      %mul3A_71 = arith.constant 80 : i32
      %mul3A_72 = arith.muli %add3A_70, %mul3A_71 : i32
      %dma_start3A_73 = tpu.memref_slice %arg6[%mul3A_72] : memref<10000xi32, #tpu.memory_space<vmem>> -> memref<80xi32, #tpu.memory_space<vmem>>
      %dma_start3A_74 = arith.constant 0 : i32
      %dma_start3A_75 = arith.constant 0 : i32
      %dma_start3A_76 = tpu.memref_slice %arg9[%dma_start3A_74, %dma_start3A_75] : memref<10000x8xf32, #tpu.memory_space<vmem_shared>> -> memref<10000x8xf32, #tpu.memory_space<vmem_shared>>
      tpu.enqueue_indirect_dma source(%arg7 : memref<80x8xf32, #tpu.memory_space<vmem>>) target(%dma_start3A_76 : memref<10000x8xf32, #tpu.memory_space<vmem_shared>>) offsets(%dma_start3A_73 : memref<80xi32, #tpu.memory_space<vmem>>) semaphore(%arg8 : memref<!tpu.dma_semaphore, #tpu.memory_space<semaphore_mem>>) {add = true}
      %add3A_77 = arith.constant 1 : i32
      %add3A_78 = arith.addi %mul3A_68, %add3A_77 : i32
      %mul3A_79 = arith.constant 80 : i32
      %mul3A_80 = arith.muli %add3A_78, %mul3A_79 : i32
      %dma_start3A_81 = tpu.memref_slice %arg6[%mul3A_80] : memref<10000xi32, #tpu.memory_space<vmem>> -> memref<80xi32, #tpu.memory_space<vmem>>
      %dma_start3A_82 = arith.constant 0 : i32
      %dma_start3A_83 = arith.constant 0 : i32
      %dma_start3A_84 = tpu.memref_slice %arg9[%dma_start3A_82, %dma_start3A_83] : memref<10000x8xf32, #tpu.memory_space<vmem_shared>> -> memref<10000x8xf32, #tpu.memory_space<vmem_shared>>
      tpu.enqueue_indirect_dma source(%arg7 : memref<80x8xf32, #tpu.memory_space<vmem>>) target(%dma_start3A_84 : memref<10000x8xf32, #tpu.memory_space<vmem_shared>>) offsets(%dma_start3A_81 : memref<80xi32, #tpu.memory_space<vmem>>) semaphore(%arg8 : memref<!tpu.dma_semaphore, #tpu.memory_space<semaphore_mem>>) {add = true}
      %add3A_85 = arith.constant 2 : i32
      %add3A_86 = arith.addi %mul3A_68, %add3A_85 : i32
      %mul3A_87 = arith.constant 80 : i32
      %mul3A_88 = arith.muli %add3A_86, %mul3A_87 : i32
      %dma_start3A_89 = tpu.memref_slice %arg6[%mul3A_88] : memref<10000xi32, #tpu.memory_space<vmem>> -> memref<80xi32, #tpu.memory_space<vmem>>
      %dma_start3A_90 = arith.constant 0 : i32
      %dma_start3A_91 = arith.constant 0 : i32
      %dma_start3A_92 = tpu.memref_slice %arg9[%dma_start3A_90, %dma_start3A_91] : memref<10000x8xf32, #tpu.memory_space<vmem_shared>> -> memref<10000x8xf32, #tpu.memory_space<vmem_shared>>
      tpu.enqueue_indirect_dma source(%arg7 : memref<80x8xf32, #tpu.memory_space<vmem>>) target(%dma_start3A_92 : memref<10000x8xf32, #tpu.memory_space<vmem_shared>>) offsets(%dma_start3A_89 : memref<80xi32, #tpu.memory_space<vmem>>) semaphore(%arg8 : memref<!tpu.dma_semaphore, #tpu.memory_space<semaphore_mem>>) {add = true}
      %add3A_93 = arith.constant 3 : i32
      %add3A_94 = arith.addi %mul3A_68, %add3A_93 : i32
      %mul3A_95 = arith.constant 80 : i32
      %mul3A_96 = arith.muli %add3A_94, %mul3A_95 : i32
      %dma_start3A_97 = tpu.memref_slice %arg6[%mul3A_96] : memref<10000xi32, #tpu.memory_space<vmem>> -> memref<80xi32, #tpu.memory_space<vmem>>
      %dma_start3A_98 = arith.constant 0 : i32
      %dma_start3A_99 = arith.constant 0 : i32
      %dma_start3A_100 = tpu.memref_slice %arg9[%dma_start3A_98, %dma_start3A_99] : memref<10000x8xf32, #tpu.memory_space<vmem_shared>> -> memref<10000x8xf32, #tpu.memory_space<vmem_shared>>
      tpu.enqueue_indirect_dma source(%arg7 : memref<80x8xf32, #tpu.memory_space<vmem>>) target(%dma_start3A_100 : memref<10000x8xf32, #tpu.memory_space<vmem_shared>>) offsets(%dma_start3A_97 : memref<80xi32, #tpu.memory_space<vmem>>) semaphore(%arg8 : memref<!tpu.dma_semaphore, #tpu.memory_space<semaphore_mem>>) {add = true}
      %add3A_101 = arith.constant 4 : i32
      %add3A_102 = arith.addi %mul3A_68, %add3A_101 : i32
      %mul3A_103 = arith.constant 80 : i32
      %mul3A_104 = arith.muli %add3A_102, %mul3A_103 : i32
      %dma_start3A_105 = tpu.memref_slice %arg6[%mul3A_104] : memref<10000xi32, #tpu.memory_space<vmem>> -> memref<80xi32, #tpu.memory_space<vmem>>
      %dma_start3A_106 = arith.constant 0 : i32
      %dma_start3A_107 = arith.constant 0 : i32
      %dma_start3A_108 = tpu.memref_slice %arg9[%dma_start3A_106, %dma_start3A_107] : memref<10000x8xf32, #tpu.memory_space<vmem_shared>> -> memref<10000x8xf32, #tpu.memory_space<vmem_shared>>
      tpu.enqueue_indirect_dma source(%arg7 : memref<80x8xf32, #tpu.memory_space<vmem>>) target(%dma_start3A_108 : memref<10000x8xf32, #tpu.memory_space<vmem_shared>>) offsets(%dma_start3A_105 : memref<80xi32, #tpu.memory_space<vmem>>) semaphore(%arg8 : memref<!tpu.dma_semaphore, #tpu.memory_space<semaphore_mem>>) {add = true}
      %add3A_109 = arith.constant 5 : i32
      %add3A_110 = arith.addi %mul3A_68, %add3A_109 : i32
      %mul3A_111 = arith.constant 80 : i32
      %mul3A_112 = arith.muli %add3A_110, %mul3A_111 : i32
      %dma_start3A_113 = tpu.memref_slice %arg6[%mul3A_112] : memref<10000xi32, #tpu.memory_space<vmem>> -> memref<80xi32, #tpu.memory_space<vmem>>
      %dma_start3A_114 = arith.constant 0 : i32
      %dma_start3A_115 = arith.constant 0 : i32
      %dma_start3A_116 = tpu.memref_slice %arg9[%dma_start3A_114, %dma_start3A_115] : memref<10000x8xf32, #tpu.memory_space<vmem_shared>> -> memref<10000x8xf32, #tpu.memory_space<vmem_shared>>
      tpu.enqueue_indirect_dma source(%arg7 : memref<80x8xf32, #tpu.memory_space<vmem>>) target(%dma_start3A_116 : memref<10000x8xf32, #tpu.memory_space<vmem_shared>>) offsets(%dma_start3A_113 : memref<80xi32, #tpu.memory_space<vmem>>) semaphore(%arg8 : memref<!tpu.dma_semaphore, #tpu.memory_space<semaphore_mem>>) {add = true}
      %add3A_117 = arith.constant 6 : i32
      %add3A_118 = arith.addi %mul3A_68, %add3A_117 : i32
      %mul3A_119 = arith.constant 80 : i32
      %mul3A_120 = arith.muli %add3A_118, %mul3A_119 : i32
      %dma_start3A_121 = tpu.memref_slice %arg6[%mul3A_120] : memref<10000xi32, #tpu.memory_space<vmem>> -> memref<80xi32, #tpu.memory_space<vmem>>
      %dma_start3A_122 = arith.constant 0 : i32
      %dma_start3A_123 = arith.constant 0 : i32
      %dma_start3A_124 = tpu.memref_slice %arg9[%dma_start3A_122, %dma_start3A_123] : memref<10000x8xf32, #tpu.memory_space<vmem_shared>> -> memref<10000x8xf32, #tpu.memory_space<vmem_shared>>
      tpu.enqueue_indirect_dma source(%arg7 : memref<80x8xf32, #tpu.memory_space<vmem>>) target(%dma_start3A_124 : memref<10000x8xf32, #tpu.memory_space<vmem_shared>>) offsets(%dma_start3A_121 : memref<80xi32, #tpu.memory_space<vmem>>) semaphore(%arg8 : memref<!tpu.dma_semaphore, #tpu.memory_space<semaphore_mem>>) {add = true}
      %add3A_125 = arith.constant 7 : i32
      %add3A_126 = arith.addi %mul3A_68, %add3A_125 : i32
      %mul3A_127 = arith.constant 80 : i32
      %mul3A_128 = arith.muli %add3A_126, %mul3A_127 : i32
      %dma_start3A_129 = tpu.memref_slice %arg6[%mul3A_128] : memref<10000xi32, #tpu.memory_space<vmem>> -> memref<80xi32, #tpu.memory_space<vmem>>
      %dma_start3A_130 = arith.constant 0 : i32
      %dma_start3A_131 = arith.constant 0 : i32
      %dma_start3A_132 = tpu.memref_slice %arg9[%dma_start3A_130, %dma_start3A_131] : memref<10000x8xf32, #tpu.memory_space<vmem_shared>> -> memref<10000x8xf32, #tpu.memory_space<vmem_shared>>
      tpu.enqueue_indirect_dma source(%arg7 : memref<80x8xf32, #tpu.memory_space<vmem>>) target(%dma_start3A_132 : memref<10000x8xf32, #tpu.memory_space<vmem_shared>>) offsets(%dma_start3A_129 : memref<80xi32, #tpu.memory_space<vmem>>) semaphore(%arg8 : memref<!tpu.dma_semaphore, #tpu.memory_space<semaphore_mem>>) {add = true}
      %add3A_133 = arith.constant 0 : i32
      %add3A_134 = arith.addi %mul3A_68, %add3A_133 : i32
      %mul3A_135 = arith.constant 80 : i32
      %mul3A_136 = arith.muli %add3A_134, %mul3A_135 : i32
      %dma_wait3A_137 = tpu.memref_slice %arg6[%mul3A_136] : memref<10000xi32, #tpu.memory_space<vmem>> -> memref<80xi32, #tpu.memory_space<vmem>>
      %dma_wait3A_138 = arith.constant 0 : i32
      %dma_wait3A_139 = arith.constant 0 : i32
      %dma_wait3A_140 = tpu.memref_slice %arg9[%dma_wait3A_138, %dma_wait3A_139] : memref<10000x8xf32, #tpu.memory_space<vmem_shared>> -> memref<10000x8xf32, #tpu.memory_space<vmem_shared>>
      tpu.wait_indirect_dma semaphore(%arg8 : memref<!tpu.dma_semaphore, #tpu.memory_space<semaphore_mem>>) src(%arg7 : memref<80x8xf32, #tpu.memory_space<vmem>>) dst(%dma_wait3A_140 : memref<10000x8xf32, #tpu.memory_space<vmem_shared>>)
      %add3A_141 = arith.constant 1 : i32
      %add3A_142 = arith.addi %mul3A_68, %add3A_141 : i32
      %mul3A_143 = arith.constant 80 : i32
      %mul3A_144 = arith.muli %add3A_142, %mul3A_143 : i32
      %dma_wait3A_145 = tpu.memref_slice %arg6[%mul3A_144] : memref<10000xi32, #tpu.memory_space<vmem>> -> memref<80xi32, #tpu.memory_space<vmem>>
      %dma_wait3A_146 = arith.constant 0 : i32
      %dma_wait3A_147 = arith.constant 0 : i32
      %dma_wait3A_148 = tpu.memref_slice %arg9[%dma_wait3A_146, %dma_wait3A_147] : memref<10000x8xf32, #tpu.memory_space<vmem_shared>> -> memref<10000x8xf32, #tpu.memory_space<vmem_shared>>
      tpu.wait_indirect_dma semaphore(%arg8 : memref<!tpu.dma_semaphore, #tpu.memory_space<semaphore_mem>>) src(%arg7 : memref<80x8xf32, #tpu.memory_space<vmem>>) dst(%dma_wait3A_148 : memref<10000x8xf32, #tpu.memory_space<vmem_shared>>)
      %add3A_149 = arith.constant 2 : i32
      %add3A_150 = arith.addi %mul3A_68, %add3A_149 : i32
      %mul3A_151 = arith.constant 80 : i32
      %mul3A_152 = arith.muli %add3A_150, %mul3A_151 : i32
      %dma_wait3A_153 = tpu.memref_slice %arg6[%mul3A_152] : memref<10000xi32, #tpu.memory_space<vmem>> -> memref<80xi32, #tpu.memory_space<vmem>>
      %dma_wait3A_154 = arith.constant 0 : i32
      %dma_wait3A_155 = arith.constant 0 : i32
      %dma_wait3A_156 = tpu.memref_slice %arg9[%dma_wait3A_154, %dma_wait3A_155] : memref<10000x8xf32, #tpu.memory_space<vmem_shared>> -> memref<10000x8xf32, #tpu.memory_space<vmem_shared>>
      tpu.wait_indirect_dma semaphore(%arg8 : memref<!tpu.dma_semaphore, #tpu.memory_space<semaphore_mem>>) src(%arg7 : memref<80x8xf32, #tpu.memory_space<vmem>>) dst(%dma_wait3A_156 : memref<10000x8xf32, #tpu.memory_space<vmem_shared>>)
      %add3A_157 = arith.constant 3 : i32
      %add3A_158 = arith.addi %mul3A_68, %add3A_157 : i32
      %mul3A_159 = arith.constant 80 : i32
      %mul3A_160 = arith.muli %add3A_158, %mul3A_159 : i32
      %dma_wait3A_161 = tpu.memref_slice %arg6[%mul3A_160] : memref<10000xi32, #tpu.memory_space<vmem>> -> memref<80xi32, #tpu.memory_space<vmem>>
      %dma_wait3A_162 = arith.constant 0 : i32
      %dma_wait3A_163 = arith.constant 0 : i32
      %dma_wait3A_164 = tpu.memref_slice %arg9[%dma_wait3A_162, %dma_wait3A_163] : memref<10000x8xf32, #tpu.memory_space<vmem_shared>> -> memref<10000x8xf32, #tpu.memory_space<vmem_shared>>
      tpu.wait_indirect_dma semaphore(%arg8 : memref<!tpu.dma_semaphore, #tpu.memory_space<semaphore_mem>>) src(%arg7 : memref<80x8xf32, #tpu.memory_space<vmem>>) dst(%dma_wait3A_164 : memref<10000x8xf32, #tpu.memory_space<vmem_shared>>)
      %add3A_165 = arith.constant 4 : i32
      %add3A_166 = arith.addi %mul3A_68, %add3A_165 : i32
      %mul3A_167 = arith.constant 80 : i32
      %mul3A_168 = arith.muli %add3A_166, %mul3A_167 : i32
      %dma_wait3A_169 = tpu.memref_slice %arg6[%mul3A_168] : memref<10000xi32, #tpu.memory_space<vmem>> -> memref<80xi32, #tpu.memory_space<vmem>>
      %dma_wait3A_170 = arith.constant 0 : i32
      %dma_wait3A_171 = arith.constant 0 : i32
      %dma_wait3A_172 = tpu.memref_slice %arg9[%dma_wait3A_170, %dma_wait3A_171] : memref<10000x8xf32, #tpu.memory_space<vmem_shared>> -> memref<10000x8xf32, #tpu.memory_space<vmem_shared>>
      tpu.wait_indirect_dma semaphore(%arg8 : memref<!tpu.dma_semaphore, #tpu.memory_space<semaphore_mem>>) src(%arg7 : memref<80x8xf32, #tpu.memory_space<vmem>>) dst(%dma_wait3A_172 : memref<10000x8xf32, #tpu.memory_space<vmem_shared>>)
      %add3A_173 = arith.constant 5 : i32
      %add3A_174 = arith.addi %mul3A_68, %add3A_173 : i32
      %mul3A_175 = arith.constant 80 : i32
      %mul3A_176 = arith.muli %add3A_174, %mul3A_175 : i32
      %dma_wait3A_177 = tpu.memref_slice %arg6[%mul3A_176] : memref<10000xi32, #tpu.memory_space<vmem>> -> memref<80xi32, #tpu.memory_space<vmem>>
      %dma_wait3A_178 = arith.constant 0 : i32
      %dma_wait3A_179 = arith.constant 0 : i32
      %dma_wait3A_180 = tpu.memref_slice %arg9[%dma_wait3A_178, %dma_wait3A_179] : memref<10000x8xf32, #tpu.memory_space<vmem_shared>> -> memref<10000x8xf32, #tpu.memory_space<vmem_shared>>
      tpu.wait_indirect_dma semaphore(%arg8 : memref<!tpu.dma_semaphore, #tpu.memory_space<semaphore_mem>>) src(%arg7 : memref<80x8xf32, #tpu.memory_space<vmem>>) dst(%dma_wait3A_180 : memref<10000x8xf32, #tpu.memory_space<vmem_shared>>)
      %add3A_181 = arith.constant 6 : i32
      %add3A_182 = arith.addi %mul3A_68, %add3A_181 : i32
      %mul3A_183 = arith.constant 80 : i32
      %mul3A_184 = arith.muli %add3A_182, %mul3A_183 : i32
      %dma_wait3A_185 = tpu.memref_slice %arg6[%mul3A_184] : memref<10000xi32, #tpu.memory_space<vmem>> -> memref<80xi32, #tpu.memory_space<vmem>>
      %dma_wait3A_186 = arith.constant 0 : i32
      %dma_wait3A_187 = arith.constant 0 : i32
      %dma_wait3A_188 = tpu.memref_slice %arg9[%dma_wait3A_186, %dma_wait3A_187] : memref<10000x8xf32, #tpu.memory_space<vmem_shared>> -> memref<10000x8xf32, #tpu.memory_space<vmem_shared>>
      tpu.wait_indirect_dma semaphore(%arg8 : memref<!tpu.dma_semaphore, #tpu.memory_space<semaphore_mem>>) src(%arg7 : memref<80x8xf32, #tpu.memory_space<vmem>>) dst(%dma_wait3A_188 : memref<10000x8xf32, #tpu.memory_space<vmem_shared>>)
      %add3A_189 = arith.constant 7 : i32
      %add3A_190 = arith.addi %mul3A_68, %add3A_189 : i32
      %mul3A_191 = arith.constant 80 : i32
      %mul3A_192 = arith.muli %add3A_190, %mul3A_191 : i32
      %dma_wait3A_193 = tpu.memref_slice %arg6[%mul3A_192] : memref<10000xi32, #tpu.memory_space<vmem>> -> memref<80xi32, #tpu.memory_space<vmem>>
      %dma_wait3A_194 = arith.constant 0 : i32
      %dma_wait3A_195 = arith.constant 0 : i32
      %dma_wait3A_196 = tpu.memref_slice %arg9[%dma_wait3A_194, %dma_wait3A_195] : memref<10000x8xf32, #tpu.memory_space<vmem_shared>> -> memref<10000x8xf32, #tpu.memory_space<vmem_shared>>
      tpu.wait_indirect_dma semaphore(%arg8 : memref<!tpu.dma_semaphore, #tpu.memory_space<semaphore_mem>>) src(%arg7 : memref<80x8xf32, #tpu.memory_space<vmem>>) dst(%dma_wait3A_196 : memref<10000x8xf32, #tpu.memory_space<vmem_shared>>)
    }
    %scan3A_8 = arith.constant 15 : i32
    %dma_start3A = arith.constant 9600 : i32
    %dma_start3A_9 = tpu.memref_slice %arg6[%dma_start3A] : memref<10000xi32, #tpu.memory_space<vmem>> -> memref<80xi32, #tpu.memory_space<vmem>>
    %dma_start3A_10 = arith.constant 0 : i32
    %dma_start3A_11 = arith.constant 0 : i32
    %dma_start3A_12 = tpu.memref_slice %arg9[%dma_start3A_10, %dma_start3A_11] : memref<10000x8xf32, #tpu.memory_space<vmem_shared>> -> memref<10000x8xf32, #tpu.memory_space<vmem_shared>>
    tpu.enqueue_indirect_dma source(%arg7 : memref<80x8xf32, #tpu.memory_space<vmem>>) target(%dma_start3A_12 : memref<10000x8xf32, #tpu.memory_space<vmem_shared>>) offsets(%dma_start3A_9 : memref<80xi32, #tpu.memory_space<vmem>>) semaphore(%arg8 : memref<!tpu.dma_semaphore, #tpu.memory_space<semaphore_mem>>) {add = true}
    %dma_start3A_13 = arith.constant 9680 : i32
    %dma_start3A_14 = tpu.memref_slice %arg6[%dma_start3A_13] : memref<10000xi32, #tpu.memory_space<vmem>> -> memref<80xi32, #tpu.memory_space<vmem>>
    %dma_start3A_15 = arith.constant 0 : i32
    %dma_start3A_16 = arith.constant 0 : i32
    %dma_start3A_17 = tpu.memref_slice %arg9[%dma_start3A_15, %dma_start3A_16] : memref<10000x8xf32, #tpu.memory_space<vmem_shared>> -> memref<10000x8xf32, #tpu.memory_space<vmem_shared>>
    tpu.enqueue_indirect_dma source(%arg7 : memref<80x8xf32, #tpu.memory_space<vmem>>) target(%dma_start3A_17 : memref<10000x8xf32, #tpu.memory_space<vmem_shared>>) offsets(%dma_start3A_14 : memref<80xi32, #tpu.memory_space<vmem>>) semaphore(%arg8 : memref<!tpu.dma_semaphore, #tpu.memory_space<semaphore_mem>>) {add = true}
    %dma_start3A_18 = arith.constant 9760 : i32
    %dma_start3A_19 = tpu.memref_slice %arg6[%dma_start3A_18] : memref<10000xi32, #tpu.memory_space<vmem>> -> memref<80xi32, #tpu.memory_space<vmem>>
    %dma_start3A_20 = arith.constant 0 : i32
    %dma_start3A_21 = arith.constant 0 : i32
    %dma_start3A_22 = tpu.memref_slice %arg9[%dma_start3A_20, %dma_start3A_21] : memref<10000x8xf32, #tpu.memory_space<vmem_shared>> -> memref<10000x8xf32, #tpu.memory_space<vmem_shared>>
    tpu.enqueue_indirect_dma source(%arg7 : memref<80x8xf32, #tpu.memory_space<vmem>>) target(%dma_start3A_22 : memref<10000x8xf32, #tpu.memory_space<vmem_shared>>) offsets(%dma_start3A_19 : memref<80xi32, #tpu.memory_space<vmem>>) semaphore(%arg8 : memref<!tpu.dma_semaphore, #tpu.memory_space<semaphore_mem>>) {add = true}
    %dma_start3A_23 = arith.constant 9840 : i32
    %dma_start3A_24 = tpu.memref_slice %arg6[%dma_start3A_23] : memref<10000xi32, #tpu.memory_space<vmem>> -> memref<80xi32, #tpu.memory_space<vmem>>
    %dma_start3A_25 = arith.constant 0 : i32
    %dma_start3A_26 = arith.constant 0 : i32
    %dma_start3A_27 = tpu.memref_slice %arg9[%dma_start3A_25, %dma_start3A_26] : memref<10000x8xf32, #tpu.memory_space<vmem_shared>> -> memref<10000x8xf32, #tpu.memory_space<vmem_shared>>
    tpu.enqueue_indirect_dma source(%arg7 : memref<80x8xf32, #tpu.memory_space<vmem>>) target(%dma_start3A_27 : memref<10000x8xf32, #tpu.memory_space<vmem_shared>>) offsets(%dma_start3A_24 : memref<80xi32, #tpu.memory_space<vmem>>) semaphore(%arg8 : memref<!tpu.dma_semaphore, #tpu.memory_space<semaphore_mem>>) {add = true}
    %dma_start3A_28 = arith.constant 9920 : i32
    %dma_start3A_29 = tpu.memref_slice %arg6[%dma_start3A_28] : memref<10000xi32, #tpu.memory_space<vmem>> -> memref<80xi32, #tpu.memory_space<vmem>>
    %dma_start3A_30 = arith.constant 0 : i32
    %dma_start3A_31 = arith.constant 0 : i32
    %dma_start3A_32 = tpu.memref_slice %arg9[%dma_start3A_30, %dma_start3A_31] : memref<10000x8xf32, #tpu.memory_space<vmem_shared>> -> memref<10000x8xf32, #tpu.memory_space<vmem_shared>>
    tpu.enqueue_indirect_dma source(%arg7 : memref<80x8xf32, #tpu.memory_space<vmem>>) target(%dma_start3A_32 : memref<10000x8xf32, #tpu.memory_space<vmem_shared>>) offsets(%dma_start3A_29 : memref<80xi32, #tpu.memory_space<vmem>>) semaphore(%arg8 : memref<!tpu.dma_semaphore, #tpu.memory_space<semaphore_mem>>) {add = true}
    %dma_wait3A = arith.constant 9600 : i32
    %dma_wait3A_33 = tpu.memref_slice %arg6[%dma_wait3A] : memref<10000xi32, #tpu.memory_space<vmem>> -> memref<80xi32, #tpu.memory_space<vmem>>
    %dma_wait3A_34 = arith.constant 0 : i32
    %dma_wait3A_35 = arith.constant 0 : i32
    %dma_wait3A_36 = tpu.memref_slice %arg9[%dma_wait3A_34, %dma_wait3A_35] : memref<10000x8xf32, #tpu.memory_space<vmem_shared>> -> memref<10000x8xf32, #tpu.memory_space<vmem_shared>>
    tpu.wait_indirect_dma semaphore(%arg8 : memref<!tpu.dma_semaphore, #tpu.memory_space<semaphore_mem>>) src(%arg7 : memref<80x8xf32, #tpu.memory_space<vmem>>) dst(%dma_wait3A_36 : memref<10000x8xf32, #tpu.memory_space<vmem_shared>>)
    %dma_wait3A_37 = arith.constant 9680 : i32
    %dma_wait3A_38 = tpu.memref_slice %arg6[%dma_wait3A_37] : memref<10000xi32, #tpu.memory_space<vmem>> -> memref<80xi32, #tpu.memory_space<vmem>>
    %dma_wait3A_39 = arith.constant 0 : i32
    %dma_wait3A_40 = arith.constant 0 : i32
    %dma_wait3A_41 = tpu.memref_slice %arg9[%dma_wait3A_39, %dma_wait3A_40] : memref<10000x8xf32, #tpu.memory_space<vmem_shared>> -> memref<10000x8xf32, #tpu.memory_space<vmem_shared>>
    tpu.wait_indirect_dma semaphore(%arg8 : memref<!tpu.dma_semaphore, #tpu.memory_space<semaphore_mem>>) src(%arg7 : memref<80x8xf32, #tpu.memory_space<vmem>>) dst(%dma_wait3A_41 : memref<10000x8xf32, #tpu.memory_space<vmem_shared>>)
    %dma_wait3A_42 = arith.constant 9760 : i32
    %dma_wait3A_43 = tpu.memref_slice %arg6[%dma_wait3A_42] : memref<10000xi32, #tpu.memory_space<vmem>> -> memref<80xi32, #tpu.memory_space<vmem>>
    %dma_wait3A_44 = arith.constant 0 : i32
    %dma_wait3A_45 = arith.constant 0 : i32
    %dma_wait3A_46 = tpu.memref_slice %arg9[%dma_wait3A_44, %dma_wait3A_45] : memref<10000x8xf32, #tpu.memory_space<vmem_shared>> -> memref<10000x8xf32, #tpu.memory_space<vmem_shared>>
    tpu.wait_indirect_dma semaphore(%arg8 : memref<!tpu.dma_semaphore, #tpu.memory_space<semaphore_mem>>) src(%arg7 : memref<80x8xf32, #tpu.memory_space<vmem>>) dst(%dma_wait3A_46 : memref<10000x8xf32, #tpu.memory_space<vmem_shared>>)
    %dma_wait3A_47 = arith.constant 9840 : i32
    %dma_wait3A_48 = tpu.memref_slice %arg6[%dma_wait3A_47] : memref<10000xi32, #tpu.memory_space<vmem>> -> memref<80xi32, #tpu.memory_space<vmem>>
    %dma_wait3A_49 = arith.constant 0 : i32
    %dma_wait3A_50 = arith.constant 0 : i32
    %dma_wait3A_51 = tpu.memref_slice %arg9[%dma_wait3A_49, %dma_wait3A_50] : memref<10000x8xf32, #tpu.memory_space<vmem_shared>> -> memref<10000x8xf32, #tpu.memory_space<vmem_shared>>
    tpu.wait_indirect_dma semaphore(%arg8 : memref<!tpu.dma_semaphore, #tpu.memory_space<semaphore_mem>>) src(%arg7 : memref<80x8xf32, #tpu.memory_space<vmem>>) dst(%dma_wait3A_51 : memref<10000x8xf32, #tpu.memory_space<vmem_shared>>)
    %dma_wait3A_52 = arith.constant 9920 : i32
    %dma_wait3A_53 = tpu.memref_slice %arg6[%dma_wait3A_52] : memref<10000xi32, #tpu.memory_space<vmem>> -> memref<80xi32, #tpu.memory_space<vmem>>
    %dma_wait3A_54 = arith.constant 0 : i32
    %dma_wait3A_55 = arith.constant 0 : i32
    %dma_wait3A_56 = tpu.memref_slice %arg9[%dma_wait3A_54, %dma_wait3A_55] : memref<10000x8xf32, #tpu.memory_space<vmem_shared>> -> memref<10000x8xf32, #tpu.memory_space<vmem_shared>>
    tpu.wait_indirect_dma semaphore(%arg8 : memref<!tpu.dma_semaphore, #tpu.memory_space<semaphore_mem>>) src(%arg7 : memref<80x8xf32, #tpu.memory_space<vmem>>) dst(%dma_wait3A_56 : memref<10000x8xf32, #tpu.memory_space<vmem_shared>>)
    %barrier3A_57 = arith.constant 0 : index
    tpu.barrier barrier_id(%barrier3A_57)
    %mul3A_58 = arith.constant 625 : i32
    %mul3A_59 = arith.muli %arg1, %mul3A_58 : i32
    %mul3A_60 = arith.constant 625 : i32
    %mul3A_61 = arith.muli %arg1, %mul3A_60 : i32
    "tpu.region"() ({
      %run_scoped3A_62 = tpu.sem_alloc : memref<!tpu.dma_semaphore, #tpu.memory_space<semaphore_mem>>
      %dma_start3A_63 = arith.constant 0 : i32
      %dma_start3A_64 = tpu.memref_slice %arg5[%arg0, %mul3A_61, %dma_start3A_63] : memref<2x10000x8xf32, #tpu.memory_space<hbm>> -> memref<1x625x8xf32, #tpu.memory_space<hbm>>
      %dma_start3A_65 = tpu.memref_squeeze %dma_start3A_64 : memref<1x625x8xf32, #tpu.memory_space<hbm>> -> memref<625x8xf32, #tpu.memory_space<hbm>>
      %dma_start3A_66 = arith.constant 0 : i32
      %dma_start3A_67 = tpu.memref_slice %arg9[%mul3A_59, %dma_start3A_66] : memref<10000x8xf32, #tpu.memory_space<vmem_shared>> -> memref<625x8xf32, #tpu.memory_space<vmem_shared>>
      tpu.enqueue_dma source(%dma_start3A_67 : memref<625x8xf32, #tpu.memory_space<vmem_shared>>) target(%dma_start3A_65 : memref<625x8xf32, #tpu.memory_space<hbm>>) target_semaphore(%run_scoped3A_62 : memref<!tpu.dma_semaphore, #tpu.memory_space<semaphore_mem>>)
      %dma_wait3A_68 = arith.constant 0 : i32
      %dma_wait3A_69 = tpu.memref_slice %arg5[%arg0, %mul3A_61, %dma_wait3A_68] : memref<2x10000x8xf32, #tpu.memory_space<hbm>> -> memref<1x625x8xf32, #tpu.memory_space<hbm>>
      %dma_wait3A_70 = tpu.memref_squeeze %dma_wait3A_69 : memref<1x625x8xf32, #tpu.memory_space<hbm>> -> memref<625x8xf32, #tpu.memory_space<hbm>>
      %dma_wait3A_71 = arith.constant 0 : i32
      %dma_wait3A_72 = tpu.memref_slice %arg9[%mul3A_59, %dma_wait3A_71] : memref<10000x8xf32, #tpu.memory_space<vmem_shared>> -> memref<625x8xf32, #tpu.memory_space<vmem_shared>>
      tpu.wait_dma2 semaphore(%run_scoped3A_62 : memref<!tpu.dma_semaphore, #tpu.memory_space<semaphore_mem>>) src(%dma_wait3A_72 : memref<625x8xf32, #tpu.memory_space<vmem_shared>>) dst(%dma_wait3A_70 : memref<625x8xf32, #tpu.memory_space<hbm>>)
      tpu.yield
    }) : () -> ()
    return
  }
}

#map = affine_map<(d0, d1) -> (0, 0)>
#map1 = affine_map<(d0, d1) -> (0, 0, 0)>
module attributes {stable_mosaic.version = 14 : i64} {
  func.func @_agg_kernel(%arg0: i32, %arg1: i32, %arg2: memref<10000x32xf32, #tpu.memory_space<hbm>>, %arg3: memref<2x320000xi32, #tpu.memory_space<hbm>>, %arg4: memref<625x32xf32, #tpu.memory_space<hbm>>, %arg5: memref<2x10000x32xf32, #tpu.memory_space<hbm>>, %arg6: memref<10000xi32, #tpu.memory_space<vmem>>, %arg7: memref<10000xi32, #tpu.memory_space<vmem>>, %arg8: memref<8x80x32xf32, #tpu.memory_space<vmem>>, %arg9: memref<8x!tpu.dma_semaphore, #tpu.memory_space<semaphore_mem>>, %arg10: memref<8x!tpu.dma_semaphore, #tpu.memory_space<semaphore_mem>>, %arg11: memref<10000x32xf32, #tpu.memory_space<vmem_shared>>, %arg12: memref<10000x32xf32, #tpu.memory_space<vmem_shared>>) attributes {dimension_semantics = [#tpu.dimension_semantics<core_parallel>, #tpu.dimension_semantics<subcore_parallel>], iteration_bounds = array<i64: 2, 16>, scalar_prefetch = 0 : i64, scratch_operands = 7 : i64, tpu.core_type = #tpu.core_type<sc_vector_subcore>, window_params = [{transform_indices = #map}, {transform_indices = #map}, {transform_indices = #map}, {transform_indices = #map1}]} {
    %mul3A = arith.constant 16 : i32
    %mul3A_0 = arith.muli %arg0, %mul3A : i32
    %add3A = arith.addi %mul3A_0, %arg1 : i32
    %mul3A_1 = arith.constant 625 : i32
    %mul3A_2 = arith.muli %arg1, %mul3A_1 : i32
    "tpu.region"() ({
      %run_scoped3A_318 = tpu.sem_alloc : memref<!tpu.dma_semaphore, #tpu.memory_space<semaphore_mem>>
      %dma_start3A_319 = arith.constant 0 : i32
      %dma_start3A_320 = tpu.memref_slice %arg11[%mul3A_2, %dma_start3A_319] : memref<10000x32xf32, #tpu.memory_space<vmem_shared>> -> memref<625x32xf32, #tpu.memory_space<vmem_shared>>
      tpu.enqueue_dma source(%arg4 : memref<625x32xf32, #tpu.memory_space<hbm>>) target(%dma_start3A_320 : memref<625x32xf32, #tpu.memory_space<vmem_shared>>) target_semaphore(%run_scoped3A_318 : memref<!tpu.dma_semaphore, #tpu.memory_space<semaphore_mem>>)
      %dma_wait3A_321 = arith.constant 0 : i32
      %dma_wait3A_322 = tpu.memref_slice %arg11[%mul3A_2, %dma_wait3A_321] : memref<10000x32xf32, #tpu.memory_space<vmem_shared>> -> memref<625x32xf32, #tpu.memory_space<vmem_shared>>
      tpu.wait_dma2 semaphore(%run_scoped3A_318 : memref<!tpu.dma_semaphore, #tpu.memory_space<semaphore_mem>>) src(%arg4 : memref<625x32xf32, #tpu.memory_space<hbm>>) dst(%dma_wait3A_322 : memref<625x32xf32, #tpu.memory_space<vmem_shared>>)
      tpu.yield
    }) : () -> ()
    %mul3A_3 = arith.constant 625 : i32
    %mul3A_4 = arith.muli %arg1, %mul3A_3 : i32
    %mul3A_5 = arith.constant 625 : i32
    %mul3A_6 = arith.muli %arg1, %mul3A_5 : i32
    "tpu.region"() ({
      %run_scoped3A_318 = tpu.sem_alloc : memref<!tpu.dma_semaphore, #tpu.memory_space<semaphore_mem>>
      %dma_start3A_319 = arith.constant 0 : i32
      %dma_start3A_320 = tpu.memref_slice %arg12[%mul3A_6, %dma_start3A_319] : memref<10000x32xf32, #tpu.memory_space<vmem_shared>> -> memref<625x32xf32, #tpu.memory_space<vmem_shared>>
      %dma_start3A_321 = arith.constant 0 : i32
      %dma_start3A_322 = tpu.memref_slice %arg2[%mul3A_4, %dma_start3A_321] : memref<10000x32xf32, #tpu.memory_space<hbm>> -> memref<625x32xf32, #tpu.memory_space<hbm>>
      tpu.enqueue_dma source(%dma_start3A_322 : memref<625x32xf32, #tpu.memory_space<hbm>>) target(%dma_start3A_320 : memref<625x32xf32, #tpu.memory_space<vmem_shared>>) target_semaphore(%run_scoped3A_318 : memref<!tpu.dma_semaphore, #tpu.memory_space<semaphore_mem>>)
      %dma_wait3A_323 = arith.constant 0 : i32
      %dma_wait3A_324 = tpu.memref_slice %arg12[%mul3A_6, %dma_wait3A_323] : memref<10000x32xf32, #tpu.memory_space<vmem_shared>> -> memref<625x32xf32, #tpu.memory_space<vmem_shared>>
      %dma_wait3A_325 = arith.constant 0 : i32
      %dma_wait3A_326 = tpu.memref_slice %arg2[%mul3A_4, %dma_wait3A_325] : memref<10000x32xf32, #tpu.memory_space<hbm>> -> memref<625x32xf32, #tpu.memory_space<hbm>>
      tpu.wait_dma2 semaphore(%run_scoped3A_318 : memref<!tpu.dma_semaphore, #tpu.memory_space<semaphore_mem>>) src(%dma_wait3A_326 : memref<625x32xf32, #tpu.memory_space<hbm>>) dst(%dma_wait3A_324 : memref<625x32xf32, #tpu.memory_space<vmem_shared>>)
      tpu.yield
    }) : () -> ()
    %mul3A_7 = arith.constant 10000 : i32
    %mul3A_8 = arith.muli %add3A, %mul3A_7 : i32
    %run_scoped3A = arith.constant 0 : i32
    "tpu.region"() ({
      %run_scoped3A_318 = tpu.sem_alloc : memref<!tpu.dma_semaphore, #tpu.memory_space<semaphore_mem>>
      %dma_start3A_319 = tpu.memref_slice %arg3[%run_scoped3A, %mul3A_8] : memref<2x320000xi32, #tpu.memory_space<hbm>> -> memref<1x10000xi32, #tpu.memory_space<hbm>>
      %dma_start3A_320 = tpu.memref_squeeze %dma_start3A_319 : memref<1x10000xi32, #tpu.memory_space<hbm>> -> memref<10000xi32, #tpu.memory_space<hbm>>
      %dma_start3A_321 = tpu.memref_slice %arg3[%run_scoped3A, %mul3A_8] : memref<2x320000xi32, #tpu.memory_space<hbm>> -> memref<1x10000xi32, #tpu.memory_space<hbm>>
      %dma_start3A_322 = tpu.memref_squeeze %dma_start3A_321 : memref<1x10000xi32, #tpu.memory_space<hbm>> -> memref<10000xi32, #tpu.memory_space<hbm>>
      tpu.enqueue_dma source(%dma_start3A_322 : memref<10000xi32, #tpu.memory_space<hbm>>) target(%arg6 : memref<10000xi32, #tpu.memory_space<vmem>>) target_semaphore(%run_scoped3A_318 : memref<!tpu.dma_semaphore, #tpu.memory_space<semaphore_mem>>)
      %dma_wait3A_323 = tpu.memref_slice %arg3[%run_scoped3A, %mul3A_8] : memref<2x320000xi32, #tpu.memory_space<hbm>> -> memref<1x10000xi32, #tpu.memory_space<hbm>>
      %dma_wait3A_324 = tpu.memref_squeeze %dma_wait3A_323 : memref<1x10000xi32, #tpu.memory_space<hbm>> -> memref<10000xi32, #tpu.memory_space<hbm>>
      %dma_wait3A_325 = tpu.memref_slice %arg3[%run_scoped3A, %mul3A_8] : memref<2x320000xi32, #tpu.memory_space<hbm>> -> memref<1x10000xi32, #tpu.memory_space<hbm>>
      %dma_wait3A_326 = tpu.memref_squeeze %dma_wait3A_325 : memref<1x10000xi32, #tpu.memory_space<hbm>> -> memref<10000xi32, #tpu.memory_space<hbm>>
      tpu.wait_dma2 semaphore(%run_scoped3A_318 : memref<!tpu.dma_semaphore, #tpu.memory_space<semaphore_mem>>) src(%dma_wait3A_326 : memref<10000xi32, #tpu.memory_space<hbm>>) dst(%arg6 : memref<10000xi32, #tpu.memory_space<vmem>>)
      tpu.yield
    }) : () -> ()
    %mul3A_9 = arith.constant 10000 : i32
    %mul3A_10 = arith.muli %add3A, %mul3A_9 : i32
    %run_scoped3A_11 = arith.constant 1 : i32
    "tpu.region"() ({
      %run_scoped3A_318 = tpu.sem_alloc : memref<!tpu.dma_semaphore, #tpu.memory_space<semaphore_mem>>
      %dma_start3A_319 = tpu.memref_slice %arg3[%run_scoped3A_11, %mul3A_10] : memref<2x320000xi32, #tpu.memory_space<hbm>> -> memref<1x10000xi32, #tpu.memory_space<hbm>>
      %dma_start3A_320 = tpu.memref_squeeze %dma_start3A_319 : memref<1x10000xi32, #tpu.memory_space<hbm>> -> memref<10000xi32, #tpu.memory_space<hbm>>
      %dma_start3A_321 = tpu.memref_slice %arg3[%run_scoped3A_11, %mul3A_10] : memref<2x320000xi32, #tpu.memory_space<hbm>> -> memref<1x10000xi32, #tpu.memory_space<hbm>>
      %dma_start3A_322 = tpu.memref_squeeze %dma_start3A_321 : memref<1x10000xi32, #tpu.memory_space<hbm>> -> memref<10000xi32, #tpu.memory_space<hbm>>
      tpu.enqueue_dma source(%dma_start3A_322 : memref<10000xi32, #tpu.memory_space<hbm>>) target(%arg7 : memref<10000xi32, #tpu.memory_space<vmem>>) target_semaphore(%run_scoped3A_318 : memref<!tpu.dma_semaphore, #tpu.memory_space<semaphore_mem>>)
      %dma_wait3A_323 = tpu.memref_slice %arg3[%run_scoped3A_11, %mul3A_10] : memref<2x320000xi32, #tpu.memory_space<hbm>> -> memref<1x10000xi32, #tpu.memory_space<hbm>>
      %dma_wait3A_324 = tpu.memref_squeeze %dma_wait3A_323 : memref<1x10000xi32, #tpu.memory_space<hbm>> -> memref<10000xi32, #tpu.memory_space<hbm>>
      %dma_wait3A_325 = tpu.memref_slice %arg3[%run_scoped3A_11, %mul3A_10] : memref<2x320000xi32, #tpu.memory_space<hbm>> -> memref<1x10000xi32, #tpu.memory_space<hbm>>
      %dma_wait3A_326 = tpu.memref_squeeze %dma_wait3A_325 : memref<1x10000xi32, #tpu.memory_space<hbm>> -> memref<10000xi32, #tpu.memory_space<hbm>>
      tpu.wait_dma2 semaphore(%run_scoped3A_318 : memref<!tpu.dma_semaphore, #tpu.memory_space<semaphore_mem>>) src(%dma_wait3A_326 : memref<10000xi32, #tpu.memory_space<hbm>>) dst(%arg7 : memref<10000xi32, #tpu.memory_space<vmem>>)
      tpu.yield
    }) : () -> ()
    %barrier3A = arith.constant 0 : index
    tpu.barrier barrier_id(%barrier3A)
    %dma_start3A = arith.constant 0 : i32
    %dma_start3A_12 = arith.constant 0 : i32
    %dma_start3A_13 = arith.constant 0 : i32
    %dma_start3A_14 = arith.constant 0 : i32
    %dma_start3A_15 = tpu.memref_slice %arg8[%dma_start3A, %dma_start3A_13, %dma_start3A_14] : memref<8x80x32xf32, #tpu.memory_space<vmem>> -> memref<1x80x32xf32, #tpu.memory_space<vmem>>
    %dma_start3A_16 = tpu.memref_squeeze %dma_start3A_15 : memref<1x80x32xf32, #tpu.memory_space<vmem>> -> memref<80x32xf32, #tpu.memory_space<vmem>>
    %dma_start3A_17 = arith.constant 0 : i32
    %dma_start3A_18 = tpu.memref_slice %arg6[%dma_start3A_17] : memref<10000xi32, #tpu.memory_space<vmem>> -> memref<80xi32, #tpu.memory_space<vmem>>
    %dma_start3A_19 = arith.constant 0 : i32
    %dma_start3A_20 = arith.constant 0 : i32
    %dma_start3A_21 = tpu.memref_slice %arg12[%dma_start3A_19, %dma_start3A_20] : memref<10000x32xf32, #tpu.memory_space<vmem_shared>> -> memref<10000x32xf32, #tpu.memory_space<vmem_shared>>
    %dma_start3A_22 = tpu.memref_slice %arg9[%dma_start3A_12] : memref<8x!tpu.dma_semaphore, #tpu.memory_space<semaphore_mem>> -> memref<1x!tpu.dma_semaphore, #tpu.memory_space<semaphore_mem>>
    %dma_start3A_23 = tpu.memref_squeeze %dma_start3A_22 : memref<1x!tpu.dma_semaphore, #tpu.memory_space<semaphore_mem>> -> memref<!tpu.dma_semaphore, #tpu.memory_space<semaphore_mem>>
    tpu.enqueue_indirect_dma source(%dma_start3A_21 : memref<10000x32xf32, #tpu.memory_space<vmem_shared>>) target(%dma_start3A_16 : memref<80x32xf32, #tpu.memory_space<vmem>>) offsets(%dma_start3A_18 : memref<80xi32, #tpu.memory_space<vmem>>) semaphore(%dma_start3A_23 : memref<!tpu.dma_semaphore, #tpu.memory_space<semaphore_mem>>)
    %dma_start3A_24 = arith.constant 1 : i32
    %dma_start3A_25 = arith.constant 1 : i32
    %dma_start3A_26 = arith.constant 0 : i32
    %dma_start3A_27 = arith.constant 0 : i32
    %dma_start3A_28 = tpu.memref_slice %arg8[%dma_start3A_24, %dma_start3A_26, %dma_start3A_27] : memref<8x80x32xf32, #tpu.memory_space<vmem>> -> memref<1x80x32xf32, #tpu.memory_space<vmem>>
    %dma_start3A_29 = tpu.memref_squeeze %dma_start3A_28 : memref<1x80x32xf32, #tpu.memory_space<vmem>> -> memref<80x32xf32, #tpu.memory_space<vmem>>
    %dma_start3A_30 = arith.constant 80 : i32
    %dma_start3A_31 = tpu.memref_slice %arg6[%dma_start3A_30] : memref<10000xi32, #tpu.memory_space<vmem>> -> memref<80xi32, #tpu.memory_space<vmem>>
    %dma_start3A_32 = arith.constant 0 : i32
    %dma_start3A_33 = arith.constant 0 : i32
    %dma_start3A_34 = tpu.memref_slice %arg12[%dma_start3A_32, %dma_start3A_33] : memref<10000x32xf32, #tpu.memory_space<vmem_shared>> -> memref<10000x32xf32, #tpu.memory_space<vmem_shared>>
    %dma_start3A_35 = tpu.memref_slice %arg9[%dma_start3A_25] : memref<8x!tpu.dma_semaphore, #tpu.memory_space<semaphore_mem>> -> memref<1x!tpu.dma_semaphore, #tpu.memory_space<semaphore_mem>>
    %dma_start3A_36 = tpu.memref_squeeze %dma_start3A_35 : memref<1x!tpu.dma_semaphore, #tpu.memory_space<semaphore_mem>> -> memref<!tpu.dma_semaphore, #tpu.memory_space<semaphore_mem>>
    tpu.enqueue_indirect_dma source(%dma_start3A_34 : memref<10000x32xf32, #tpu.memory_space<vmem_shared>>) target(%dma_start3A_29 : memref<80x32xf32, #tpu.memory_space<vmem>>) offsets(%dma_start3A_31 : memref<80xi32, #tpu.memory_space<vmem>>) semaphore(%dma_start3A_36 : memref<!tpu.dma_semaphore, #tpu.memory_space<semaphore_mem>>)
    %dma_start3A_37 = arith.constant 2 : i32
    %dma_start3A_38 = arith.constant 2 : i32
    %dma_start3A_39 = arith.constant 0 : i32
    %dma_start3A_40 = arith.constant 0 : i32
    %dma_start3A_41 = tpu.memref_slice %arg8[%dma_start3A_37, %dma_start3A_39, %dma_start3A_40] : memref<8x80x32xf32, #tpu.memory_space<vmem>> -> memref<1x80x32xf32, #tpu.memory_space<vmem>>
    %dma_start3A_42 = tpu.memref_squeeze %dma_start3A_41 : memref<1x80x32xf32, #tpu.memory_space<vmem>> -> memref<80x32xf32, #tpu.memory_space<vmem>>
    %dma_start3A_43 = arith.constant 160 : i32
    %dma_start3A_44 = tpu.memref_slice %arg6[%dma_start3A_43] : memref<10000xi32, #tpu.memory_space<vmem>> -> memref<80xi32, #tpu.memory_space<vmem>>
    %dma_start3A_45 = arith.constant 0 : i32
    %dma_start3A_46 = arith.constant 0 : i32
    %dma_start3A_47 = tpu.memref_slice %arg12[%dma_start3A_45, %dma_start3A_46] : memref<10000x32xf32, #tpu.memory_space<vmem_shared>> -> memref<10000x32xf32, #tpu.memory_space<vmem_shared>>
    %dma_start3A_48 = tpu.memref_slice %arg9[%dma_start3A_38] : memref<8x!tpu.dma_semaphore, #tpu.memory_space<semaphore_mem>> -> memref<1x!tpu.dma_semaphore, #tpu.memory_space<semaphore_mem>>
    %dma_start3A_49 = tpu.memref_squeeze %dma_start3A_48 : memref<1x!tpu.dma_semaphore, #tpu.memory_space<semaphore_mem>> -> memref<!tpu.dma_semaphore, #tpu.memory_space<semaphore_mem>>
    tpu.enqueue_indirect_dma source(%dma_start3A_47 : memref<10000x32xf32, #tpu.memory_space<vmem_shared>>) target(%dma_start3A_42 : memref<80x32xf32, #tpu.memory_space<vmem>>) offsets(%dma_start3A_44 : memref<80xi32, #tpu.memory_space<vmem>>) semaphore(%dma_start3A_49 : memref<!tpu.dma_semaphore, #tpu.memory_space<semaphore_mem>>)
    %dma_start3A_50 = arith.constant 3 : i32
    %dma_start3A_51 = arith.constant 3 : i32
    %dma_start3A_52 = arith.constant 0 : i32
    %dma_start3A_53 = arith.constant 0 : i32
    %dma_start3A_54 = tpu.memref_slice %arg8[%dma_start3A_50, %dma_start3A_52, %dma_start3A_53] : memref<8x80x32xf32, #tpu.memory_space<vmem>> -> memref<1x80x32xf32, #tpu.memory_space<vmem>>
    %dma_start3A_55 = tpu.memref_squeeze %dma_start3A_54 : memref<1x80x32xf32, #tpu.memory_space<vmem>> -> memref<80x32xf32, #tpu.memory_space<vmem>>
    %dma_start3A_56 = arith.constant 240 : i32
    %dma_start3A_57 = tpu.memref_slice %arg6[%dma_start3A_56] : memref<10000xi32, #tpu.memory_space<vmem>> -> memref<80xi32, #tpu.memory_space<vmem>>
    %dma_start3A_58 = arith.constant 0 : i32
    %dma_start3A_59 = arith.constant 0 : i32
    %dma_start3A_60 = tpu.memref_slice %arg12[%dma_start3A_58, %dma_start3A_59] : memref<10000x32xf32, #tpu.memory_space<vmem_shared>> -> memref<10000x32xf32, #tpu.memory_space<vmem_shared>>
    %dma_start3A_61 = tpu.memref_slice %arg9[%dma_start3A_51] : memref<8x!tpu.dma_semaphore, #tpu.memory_space<semaphore_mem>> -> memref<1x!tpu.dma_semaphore, #tpu.memory_space<semaphore_mem>>
    %dma_start3A_62 = tpu.memref_squeeze %dma_start3A_61 : memref<1x!tpu.dma_semaphore, #tpu.memory_space<semaphore_mem>> -> memref<!tpu.dma_semaphore, #tpu.memory_space<semaphore_mem>>
    tpu.enqueue_indirect_dma source(%dma_start3A_60 : memref<10000x32xf32, #tpu.memory_space<vmem_shared>>) target(%dma_start3A_55 : memref<80x32xf32, #tpu.memory_space<vmem>>) offsets(%dma_start3A_57 : memref<80xi32, #tpu.memory_space<vmem>>) semaphore(%dma_start3A_62 : memref<!tpu.dma_semaphore, #tpu.memory_space<semaphore_mem>>)
    %dma_start3A_63 = arith.constant 4 : i32
    %dma_start3A_64 = arith.constant 4 : i32
    %dma_start3A_65 = arith.constant 0 : i32
    %dma_start3A_66 = arith.constant 0 : i32
    %dma_start3A_67 = tpu.memref_slice %arg8[%dma_start3A_63, %dma_start3A_65, %dma_start3A_66] : memref<8x80x32xf32, #tpu.memory_space<vmem>> -> memref<1x80x32xf32, #tpu.memory_space<vmem>>
    %dma_start3A_68 = tpu.memref_squeeze %dma_start3A_67 : memref<1x80x32xf32, #tpu.memory_space<vmem>> -> memref<80x32xf32, #tpu.memory_space<vmem>>
    %dma_start3A_69 = arith.constant 320 : i32
    %dma_start3A_70 = tpu.memref_slice %arg6[%dma_start3A_69] : memref<10000xi32, #tpu.memory_space<vmem>> -> memref<80xi32, #tpu.memory_space<vmem>>
    %dma_start3A_71 = arith.constant 0 : i32
    %dma_start3A_72 = arith.constant 0 : i32
    %dma_start3A_73 = tpu.memref_slice %arg12[%dma_start3A_71, %dma_start3A_72] : memref<10000x32xf32, #tpu.memory_space<vmem_shared>> -> memref<10000x32xf32, #tpu.memory_space<vmem_shared>>
    %dma_start3A_74 = tpu.memref_slice %arg9[%dma_start3A_64] : memref<8x!tpu.dma_semaphore, #tpu.memory_space<semaphore_mem>> -> memref<1x!tpu.dma_semaphore, #tpu.memory_space<semaphore_mem>>
    %dma_start3A_75 = tpu.memref_squeeze %dma_start3A_74 : memref<1x!tpu.dma_semaphore, #tpu.memory_space<semaphore_mem>> -> memref<!tpu.dma_semaphore, #tpu.memory_space<semaphore_mem>>
    tpu.enqueue_indirect_dma source(%dma_start3A_73 : memref<10000x32xf32, #tpu.memory_space<vmem_shared>>) target(%dma_start3A_68 : memref<80x32xf32, #tpu.memory_space<vmem>>) offsets(%dma_start3A_70 : memref<80xi32, #tpu.memory_space<vmem>>) semaphore(%dma_start3A_75 : memref<!tpu.dma_semaphore, #tpu.memory_space<semaphore_mem>>)
    %dma_start3A_76 = arith.constant 5 : i32
    %dma_start3A_77 = arith.constant 5 : i32
    %dma_start3A_78 = arith.constant 0 : i32
    %dma_start3A_79 = arith.constant 0 : i32
    %dma_start3A_80 = tpu.memref_slice %arg8[%dma_start3A_76, %dma_start3A_78, %dma_start3A_79] : memref<8x80x32xf32, #tpu.memory_space<vmem>> -> memref<1x80x32xf32, #tpu.memory_space<vmem>>
    %dma_start3A_81 = tpu.memref_squeeze %dma_start3A_80 : memref<1x80x32xf32, #tpu.memory_space<vmem>> -> memref<80x32xf32, #tpu.memory_space<vmem>>
    %dma_start3A_82 = arith.constant 400 : i32
    %dma_start3A_83 = tpu.memref_slice %arg6[%dma_start3A_82] : memref<10000xi32, #tpu.memory_space<vmem>> -> memref<80xi32, #tpu.memory_space<vmem>>
    %dma_start3A_84 = arith.constant 0 : i32
    %dma_start3A_85 = arith.constant 0 : i32
    %dma_start3A_86 = tpu.memref_slice %arg12[%dma_start3A_84, %dma_start3A_85] : memref<10000x32xf32, #tpu.memory_space<vmem_shared>> -> memref<10000x32xf32, #tpu.memory_space<vmem_shared>>
    %dma_start3A_87 = tpu.memref_slice %arg9[%dma_start3A_77] : memref<8x!tpu.dma_semaphore, #tpu.memory_space<semaphore_mem>> -> memref<1x!tpu.dma_semaphore, #tpu.memory_space<semaphore_mem>>
    %dma_start3A_88 = tpu.memref_squeeze %dma_start3A_87 : memref<1x!tpu.dma_semaphore, #tpu.memory_space<semaphore_mem>> -> memref<!tpu.dma_semaphore, #tpu.memory_space<semaphore_mem>>
    tpu.enqueue_indirect_dma source(%dma_start3A_86 : memref<10000x32xf32, #tpu.memory_space<vmem_shared>>) target(%dma_start3A_81 : memref<80x32xf32, #tpu.memory_space<vmem>>) offsets(%dma_start3A_83 : memref<80xi32, #tpu.memory_space<vmem>>) semaphore(%dma_start3A_88 : memref<!tpu.dma_semaphore, #tpu.memory_space<semaphore_mem>>)
    %dma_start3A_89 = arith.constant 6 : i32
    %dma_start3A_90 = arith.constant 6 : i32
    %dma_start3A_91 = arith.constant 0 : i32
    %dma_start3A_92 = arith.constant 0 : i32
    %dma_start3A_93 = tpu.memref_slice %arg8[%dma_start3A_89, %dma_start3A_91, %dma_start3A_92] : memref<8x80x32xf32, #tpu.memory_space<vmem>> -> memref<1x80x32xf32, #tpu.memory_space<vmem>>
    %dma_start3A_94 = tpu.memref_squeeze %dma_start3A_93 : memref<1x80x32xf32, #tpu.memory_space<vmem>> -> memref<80x32xf32, #tpu.memory_space<vmem>>
    %dma_start3A_95 = arith.constant 480 : i32
    %dma_start3A_96 = tpu.memref_slice %arg6[%dma_start3A_95] : memref<10000xi32, #tpu.memory_space<vmem>> -> memref<80xi32, #tpu.memory_space<vmem>>
    %dma_start3A_97 = arith.constant 0 : i32
    %dma_start3A_98 = arith.constant 0 : i32
    %dma_start3A_99 = tpu.memref_slice %arg12[%dma_start3A_97, %dma_start3A_98] : memref<10000x32xf32, #tpu.memory_space<vmem_shared>> -> memref<10000x32xf32, #tpu.memory_space<vmem_shared>>
    %dma_start3A_100 = tpu.memref_slice %arg9[%dma_start3A_90] : memref<8x!tpu.dma_semaphore, #tpu.memory_space<semaphore_mem>> -> memref<1x!tpu.dma_semaphore, #tpu.memory_space<semaphore_mem>>
    %dma_start3A_101 = tpu.memref_squeeze %dma_start3A_100 : memref<1x!tpu.dma_semaphore, #tpu.memory_space<semaphore_mem>> -> memref<!tpu.dma_semaphore, #tpu.memory_space<semaphore_mem>>
    tpu.enqueue_indirect_dma source(%dma_start3A_99 : memref<10000x32xf32, #tpu.memory_space<vmem_shared>>) target(%dma_start3A_94 : memref<80x32xf32, #tpu.memory_space<vmem>>) offsets(%dma_start3A_96 : memref<80xi32, #tpu.memory_space<vmem>>) semaphore(%dma_start3A_101 : memref<!tpu.dma_semaphore, #tpu.memory_space<semaphore_mem>>)
    %dma_start3A_102 = arith.constant 7 : i32
    %dma_start3A_103 = arith.constant 7 : i32
    %dma_start3A_104 = arith.constant 0 : i32
    %dma_start3A_105 = arith.constant 0 : i32
    %dma_start3A_106 = tpu.memref_slice %arg8[%dma_start3A_102, %dma_start3A_104, %dma_start3A_105] : memref<8x80x32xf32, #tpu.memory_space<vmem>> -> memref<1x80x32xf32, #tpu.memory_space<vmem>>
    %dma_start3A_107 = tpu.memref_squeeze %dma_start3A_106 : memref<1x80x32xf32, #tpu.memory_space<vmem>> -> memref<80x32xf32, #tpu.memory_space<vmem>>
    %dma_start3A_108 = arith.constant 560 : i32
    %dma_start3A_109 = tpu.memref_slice %arg6[%dma_start3A_108] : memref<10000xi32, #tpu.memory_space<vmem>> -> memref<80xi32, #tpu.memory_space<vmem>>
    %dma_start3A_110 = arith.constant 0 : i32
    %dma_start3A_111 = arith.constant 0 : i32
    %dma_start3A_112 = tpu.memref_slice %arg12[%dma_start3A_110, %dma_start3A_111] : memref<10000x32xf32, #tpu.memory_space<vmem_shared>> -> memref<10000x32xf32, #tpu.memory_space<vmem_shared>>
    %dma_start3A_113 = tpu.memref_slice %arg9[%dma_start3A_103] : memref<8x!tpu.dma_semaphore, #tpu.memory_space<semaphore_mem>> -> memref<1x!tpu.dma_semaphore, #tpu.memory_space<semaphore_mem>>
    %dma_start3A_114 = tpu.memref_squeeze %dma_start3A_113 : memref<1x!tpu.dma_semaphore, #tpu.memory_space<semaphore_mem>> -> memref<!tpu.dma_semaphore, #tpu.memory_space<semaphore_mem>>
    tpu.enqueue_indirect_dma source(%dma_start3A_112 : memref<10000x32xf32, #tpu.memory_space<vmem_shared>>) target(%dma_start3A_107 : memref<80x32xf32, #tpu.memory_space<vmem>>) offsets(%dma_start3A_109 : memref<80xi32, #tpu.memory_space<vmem>>) semaphore(%dma_start3A_114 : memref<!tpu.dma_semaphore, #tpu.memory_space<semaphore_mem>>)
    %scan3A = arith.constant 0 : i32
    %scan3A_115 = arith.constant 15 : i32
    %scan3A_116 = arith.addi %scan3A, %scan3A_115 : i32
    %scan3A_117 = arith.constant 1 : i32
    scf.for %scan3A_318 = %scan3A to %scan3A_116 step %scan3A_117  : i32 {
      %mul3A_319 = arith.constant 1 : i32
      %mul3A_320 = arith.muli %scan3A_318, %mul3A_319 : i32
      %add3A_321 = arith.constant 0 : i32
      %add3A_322 = arith.addi %add3A_321, %mul3A_320 : i32
      %mul3A_323 = arith.constant 8 : i32
      %mul3A_324 = arith.muli %add3A_322, %mul3A_323 : i32
      %add3A_325 = arith.constant 0 : i32
      %add3A_326 = arith.addi %mul3A_324, %add3A_325 : i32
      %mul3A_327 = arith.constant 80 : i32
      %mul3A_328 = arith.muli %add3A_326, %mul3A_327 : i32
      %dma_wait3A_329 = arith.constant 0 : i32
      %dma_wait3A_330 = arith.constant 0 : i32
      %dma_wait3A_331 = arith.constant 0 : i32
      %dma_wait3A_332 = arith.constant 0 : i32
      %dma_wait3A_333 = tpu.memref_slice %arg8[%dma_wait3A_329, %dma_wait3A_331, %dma_wait3A_332] : memref<8x80x32xf32, #tpu.memory_space<vmem>> -> memref<1x80x32xf32, #tpu.memory_space<vmem>>
      %dma_wait3A_334 = tpu.memref_squeeze %dma_wait3A_333 : memref<1x80x32xf32, #tpu.memory_space<vmem>> -> memref<80x32xf32, #tpu.memory_space<vmem>>
      %dma_wait3A_335 = tpu.memref_slice %arg6[%mul3A_328] : memref<10000xi32, #tpu.memory_space<vmem>> -> memref<80xi32, #tpu.memory_space<vmem>>
      %dma_wait3A_336 = arith.constant 0 : i32
      %dma_wait3A_337 = arith.constant 0 : i32
      %dma_wait3A_338 = tpu.memref_slice %arg12[%dma_wait3A_336, %dma_wait3A_337] : memref<10000x32xf32, #tpu.memory_space<vmem_shared>> -> memref<10000x32xf32, #tpu.memory_space<vmem_shared>>
      %dma_wait3A_339 = tpu.memref_slice %arg9[%dma_wait3A_330] : memref<8x!tpu.dma_semaphore, #tpu.memory_space<semaphore_mem>> -> memref<1x!tpu.dma_semaphore, #tpu.memory_space<semaphore_mem>>
      %dma_wait3A_340 = tpu.memref_squeeze %dma_wait3A_339 : memref<1x!tpu.dma_semaphore, #tpu.memory_space<semaphore_mem>> -> memref<!tpu.dma_semaphore, #tpu.memory_space<semaphore_mem>>
      tpu.wait_indirect_dma semaphore(%dma_wait3A_340 : memref<!tpu.dma_semaphore, #tpu.memory_space<semaphore_mem>>) src(%dma_wait3A_338 : memref<10000x32xf32, #tpu.memory_space<vmem_shared>>) dst(%dma_wait3A_334 : memref<80x32xf32, #tpu.memory_space<vmem>>)
      %mul3A_341 = arith.constant 80 : i32
      %mul3A_342 = arith.muli %add3A_326, %mul3A_341 : i32
      %dma_start3A_343 = arith.constant 0 : i32
      %dma_start3A_344 = arith.constant 0 : i32
      %dma_start3A_345 = arith.constant 0 : i32
      %dma_start3A_346 = arith.constant 0 : i32
      %dma_start3A_347 = tpu.memref_slice %arg8[%dma_start3A_343, %dma_start3A_345, %dma_start3A_346] : memref<8x80x32xf32, #tpu.memory_space<vmem>> -> memref<1x80x32xf32, #tpu.memory_space<vmem>>
      %dma_start3A_348 = tpu.memref_squeeze %dma_start3A_347 : memref<1x80x32xf32, #tpu.memory_space<vmem>> -> memref<80x32xf32, #tpu.memory_space<vmem>>
      %dma_start3A_349 = tpu.memref_slice %arg7[%mul3A_342] : memref<10000xi32, #tpu.memory_space<vmem>> -> memref<80xi32, #tpu.memory_space<vmem>>
      %dma_start3A_350 = arith.constant 0 : i32
      %dma_start3A_351 = arith.constant 0 : i32
      %dma_start3A_352 = tpu.memref_slice %arg11[%dma_start3A_350, %dma_start3A_351] : memref<10000x32xf32, #tpu.memory_space<vmem_shared>> -> memref<10000x32xf32, #tpu.memory_space<vmem_shared>>
      %dma_start3A_353 = tpu.memref_slice %arg10[%dma_start3A_344] : memref<8x!tpu.dma_semaphore, #tpu.memory_space<semaphore_mem>> -> memref<1x!tpu.dma_semaphore, #tpu.memory_space<semaphore_mem>>
      %dma_start3A_354 = tpu.memref_squeeze %dma_start3A_353 : memref<1x!tpu.dma_semaphore, #tpu.memory_space<semaphore_mem>> -> memref<!tpu.dma_semaphore, #tpu.memory_space<semaphore_mem>>
      tpu.enqueue_indirect_dma source(%dma_start3A_348 : memref<80x32xf32, #tpu.memory_space<vmem>>) target(%dma_start3A_352 : memref<10000x32xf32, #tpu.memory_space<vmem_shared>>) offsets(%dma_start3A_349 : memref<80xi32, #tpu.memory_space<vmem>>) semaphore(%dma_start3A_354 : memref<!tpu.dma_semaphore, #tpu.memory_space<semaphore_mem>>) {add = true}
      %add3A_355 = arith.constant 1 : i32
      %add3A_356 = arith.addi %mul3A_324, %add3A_355 : i32
      %mul3A_357 = arith.constant 80 : i32
      %mul3A_358 = arith.muli %add3A_356, %mul3A_357 : i32
      %dma_wait3A_359 = arith.constant 1 : i32
      %dma_wait3A_360 = arith.constant 1 : i32
      %dma_wait3A_361 = arith.constant 0 : i32
      %dma_wait3A_362 = arith.constant 0 : i32
      %dma_wait3A_363 = tpu.memref_slice %arg8[%dma_wait3A_359, %dma_wait3A_361, %dma_wait3A_362] : memref<8x80x32xf32, #tpu.memory_space<vmem>> -> memref<1x80x32xf32, #tpu.memory_space<vmem>>
      %dma_wait3A_364 = tpu.memref_squeeze %dma_wait3A_363 : memref<1x80x32xf32, #tpu.memory_space<vmem>> -> memref<80x32xf32, #tpu.memory_space<vmem>>
      %dma_wait3A_365 = tpu.memref_slice %arg6[%mul3A_358] : memref<10000xi32, #tpu.memory_space<vmem>> -> memref<80xi32, #tpu.memory_space<vmem>>
      %dma_wait3A_366 = arith.constant 0 : i32
      %dma_wait3A_367 = arith.constant 0 : i32
      %dma_wait3A_368 = tpu.memref_slice %arg12[%dma_wait3A_366, %dma_wait3A_367] : memref<10000x32xf32, #tpu.memory_space<vmem_shared>> -> memref<10000x32xf32, #tpu.memory_space<vmem_shared>>
      %dma_wait3A_369 = tpu.memref_slice %arg9[%dma_wait3A_360] : memref<8x!tpu.dma_semaphore, #tpu.memory_space<semaphore_mem>> -> memref<1x!tpu.dma_semaphore, #tpu.memory_space<semaphore_mem>>
      %dma_wait3A_370 = tpu.memref_squeeze %dma_wait3A_369 : memref<1x!tpu.dma_semaphore, #tpu.memory_space<semaphore_mem>> -> memref<!tpu.dma_semaphore, #tpu.memory_space<semaphore_mem>>
      tpu.wait_indirect_dma semaphore(%dma_wait3A_370 : memref<!tpu.dma_semaphore, #tpu.memory_space<semaphore_mem>>) src(%dma_wait3A_368 : memref<10000x32xf32, #tpu.memory_space<vmem_shared>>) dst(%dma_wait3A_364 : memref<80x32xf32, #tpu.memory_space<vmem>>)
      %mul3A_371 = arith.constant 80 : i32
      %mul3A_372 = arith.muli %add3A_356, %mul3A_371 : i32
      %dma_start3A_373 = arith.constant 1 : i32
      %dma_start3A_374 = arith.constant 1 : i32
      %dma_start3A_375 = arith.constant 0 : i32
      %dma_start3A_376 = arith.constant 0 : i32
      %dma_start3A_377 = tpu.memref_slice %arg8[%dma_start3A_373, %dma_start3A_375, %dma_start3A_376] : memref<8x80x32xf32, #tpu.memory_space<vmem>> -> memref<1x80x32xf32, #tpu.memory_space<vmem>>
      %dma_start3A_378 = tpu.memref_squeeze %dma_start3A_377 : memref<1x80x32xf32, #tpu.memory_space<vmem>> -> memref<80x32xf32, #tpu.memory_space<vmem>>
      %dma_start3A_379 = tpu.memref_slice %arg7[%mul3A_372] : memref<10000xi32, #tpu.memory_space<vmem>> -> memref<80xi32, #tpu.memory_space<vmem>>
      %dma_start3A_380 = arith.constant 0 : i32
      %dma_start3A_381 = arith.constant 0 : i32
      %dma_start3A_382 = tpu.memref_slice %arg11[%dma_start3A_380, %dma_start3A_381] : memref<10000x32xf32, #tpu.memory_space<vmem_shared>> -> memref<10000x32xf32, #tpu.memory_space<vmem_shared>>
      %dma_start3A_383 = tpu.memref_slice %arg10[%dma_start3A_374] : memref<8x!tpu.dma_semaphore, #tpu.memory_space<semaphore_mem>> -> memref<1x!tpu.dma_semaphore, #tpu.memory_space<semaphore_mem>>
      %dma_start3A_384 = tpu.memref_squeeze %dma_start3A_383 : memref<1x!tpu.dma_semaphore, #tpu.memory_space<semaphore_mem>> -> memref<!tpu.dma_semaphore, #tpu.memory_space<semaphore_mem>>
      tpu.enqueue_indirect_dma source(%dma_start3A_378 : memref<80x32xf32, #tpu.memory_space<vmem>>) target(%dma_start3A_382 : memref<10000x32xf32, #tpu.memory_space<vmem_shared>>) offsets(%dma_start3A_379 : memref<80xi32, #tpu.memory_space<vmem>>) semaphore(%dma_start3A_384 : memref<!tpu.dma_semaphore, #tpu.memory_space<semaphore_mem>>) {add = true}
      %add3A_385 = arith.constant 2 : i32
      %add3A_386 = arith.addi %mul3A_324, %add3A_385 : i32
      %mul3A_387 = arith.constant 80 : i32
      %mul3A_388 = arith.muli %add3A_386, %mul3A_387 : i32
      %dma_wait3A_389 = arith.constant 2 : i32
      %dma_wait3A_390 = arith.constant 2 : i32
      %dma_wait3A_391 = arith.constant 0 : i32
      %dma_wait3A_392 = arith.constant 0 : i32
      %dma_wait3A_393 = tpu.memref_slice %arg8[%dma_wait3A_389, %dma_wait3A_391, %dma_wait3A_392] : memref<8x80x32xf32, #tpu.memory_space<vmem>> -> memref<1x80x32xf32, #tpu.memory_space<vmem>>
      %dma_wait3A_394 = tpu.memref_squeeze %dma_wait3A_393 : memref<1x80x32xf32, #tpu.memory_space<vmem>> -> memref<80x32xf32, #tpu.memory_space<vmem>>
      %dma_wait3A_395 = tpu.memref_slice %arg6[%mul3A_388] : memref<10000xi32, #tpu.memory_space<vmem>> -> memref<80xi32, #tpu.memory_space<vmem>>
      %dma_wait3A_396 = arith.constant 0 : i32
      %dma_wait3A_397 = arith.constant 0 : i32
      %dma_wait3A_398 = tpu.memref_slice %arg12[%dma_wait3A_396, %dma_wait3A_397] : memref<10000x32xf32, #tpu.memory_space<vmem_shared>> -> memref<10000x32xf32, #tpu.memory_space<vmem_shared>>
      %dma_wait3A_399 = tpu.memref_slice %arg9[%dma_wait3A_390] : memref<8x!tpu.dma_semaphore, #tpu.memory_space<semaphore_mem>> -> memref<1x!tpu.dma_semaphore, #tpu.memory_space<semaphore_mem>>
      %dma_wait3A_400 = tpu.memref_squeeze %dma_wait3A_399 : memref<1x!tpu.dma_semaphore, #tpu.memory_space<semaphore_mem>> -> memref<!tpu.dma_semaphore, #tpu.memory_space<semaphore_mem>>
      tpu.wait_indirect_dma semaphore(%dma_wait3A_400 : memref<!tpu.dma_semaphore, #tpu.memory_space<semaphore_mem>>) src(%dma_wait3A_398 : memref<10000x32xf32, #tpu.memory_space<vmem_shared>>) dst(%dma_wait3A_394 : memref<80x32xf32, #tpu.memory_space<vmem>>)
      %mul3A_401 = arith.constant 80 : i32
      %mul3A_402 = arith.muli %add3A_386, %mul3A_401 : i32
      %dma_start3A_403 = arith.constant 2 : i32
      %dma_start3A_404 = arith.constant 2 : i32
      %dma_start3A_405 = arith.constant 0 : i32
      %dma_start3A_406 = arith.constant 0 : i32
      %dma_start3A_407 = tpu.memref_slice %arg8[%dma_start3A_403, %dma_start3A_405, %dma_start3A_406] : memref<8x80x32xf32, #tpu.memory_space<vmem>> -> memref<1x80x32xf32, #tpu.memory_space<vmem>>
      %dma_start3A_408 = tpu.memref_squeeze %dma_start3A_407 : memref<1x80x32xf32, #tpu.memory_space<vmem>> -> memref<80x32xf32, #tpu.memory_space<vmem>>
      %dma_start3A_409 = tpu.memref_slice %arg7[%mul3A_402] : memref<10000xi32, #tpu.memory_space<vmem>> -> memref<80xi32, #tpu.memory_space<vmem>>
      %dma_start3A_410 = arith.constant 0 : i32
      %dma_start3A_411 = arith.constant 0 : i32
      %dma_start3A_412 = tpu.memref_slice %arg11[%dma_start3A_410, %dma_start3A_411] : memref<10000x32xf32, #tpu.memory_space<vmem_shared>> -> memref<10000x32xf32, #tpu.memory_space<vmem_shared>>
      %dma_start3A_413 = tpu.memref_slice %arg10[%dma_start3A_404] : memref<8x!tpu.dma_semaphore, #tpu.memory_space<semaphore_mem>> -> memref<1x!tpu.dma_semaphore, #tpu.memory_space<semaphore_mem>>
      %dma_start3A_414 = tpu.memref_squeeze %dma_start3A_413 : memref<1x!tpu.dma_semaphore, #tpu.memory_space<semaphore_mem>> -> memref<!tpu.dma_semaphore, #tpu.memory_space<semaphore_mem>>
      tpu.enqueue_indirect_dma source(%dma_start3A_408 : memref<80x32xf32, #tpu.memory_space<vmem>>) target(%dma_start3A_412 : memref<10000x32xf32, #tpu.memory_space<vmem_shared>>) offsets(%dma_start3A_409 : memref<80xi32, #tpu.memory_space<vmem>>) semaphore(%dma_start3A_414 : memref<!tpu.dma_semaphore, #tpu.memory_space<semaphore_mem>>) {add = true}
      %add3A_415 = arith.constant 3 : i32
      %add3A_416 = arith.addi %mul3A_324, %add3A_415 : i32
      %mul3A_417 = arith.constant 80 : i32
      %mul3A_418 = arith.muli %add3A_416, %mul3A_417 : i32
      %dma_wait3A_419 = arith.constant 3 : i32
      %dma_wait3A_420 = arith.constant 3 : i32
      %dma_wait3A_421 = arith.constant 0 : i32
      %dma_wait3A_422 = arith.constant 0 : i32
      %dma_wait3A_423 = tpu.memref_slice %arg8[%dma_wait3A_419, %dma_wait3A_421, %dma_wait3A_422] : memref<8x80x32xf32, #tpu.memory_space<vmem>> -> memref<1x80x32xf32, #tpu.memory_space<vmem>>
      %dma_wait3A_424 = tpu.memref_squeeze %dma_wait3A_423 : memref<1x80x32xf32, #tpu.memory_space<vmem>> -> memref<80x32xf32, #tpu.memory_space<vmem>>
      %dma_wait3A_425 = tpu.memref_slice %arg6[%mul3A_418] : memref<10000xi32, #tpu.memory_space<vmem>> -> memref<80xi32, #tpu.memory_space<vmem>>
      %dma_wait3A_426 = arith.constant 0 : i32
      %dma_wait3A_427 = arith.constant 0 : i32
      %dma_wait3A_428 = tpu.memref_slice %arg12[%dma_wait3A_426, %dma_wait3A_427] : memref<10000x32xf32, #tpu.memory_space<vmem_shared>> -> memref<10000x32xf32, #tpu.memory_space<vmem_shared>>
      %dma_wait3A_429 = tpu.memref_slice %arg9[%dma_wait3A_420] : memref<8x!tpu.dma_semaphore, #tpu.memory_space<semaphore_mem>> -> memref<1x!tpu.dma_semaphore, #tpu.memory_space<semaphore_mem>>
      %dma_wait3A_430 = tpu.memref_squeeze %dma_wait3A_429 : memref<1x!tpu.dma_semaphore, #tpu.memory_space<semaphore_mem>> -> memref<!tpu.dma_semaphore, #tpu.memory_space<semaphore_mem>>
      tpu.wait_indirect_dma semaphore(%dma_wait3A_430 : memref<!tpu.dma_semaphore, #tpu.memory_space<semaphore_mem>>) src(%dma_wait3A_428 : memref<10000x32xf32, #tpu.memory_space<vmem_shared>>) dst(%dma_wait3A_424 : memref<80x32xf32, #tpu.memory_space<vmem>>)
      %mul3A_431 = arith.constant 80 : i32
      %mul3A_432 = arith.muli %add3A_416, %mul3A_431 : i32
      %dma_start3A_433 = arith.constant 3 : i32
      %dma_start3A_434 = arith.constant 3 : i32
      %dma_start3A_435 = arith.constant 0 : i32
      %dma_start3A_436 = arith.constant 0 : i32
      %dma_start3A_437 = tpu.memref_slice %arg8[%dma_start3A_433, %dma_start3A_435, %dma_start3A_436] : memref<8x80x32xf32, #tpu.memory_space<vmem>> -> memref<1x80x32xf32, #tpu.memory_space<vmem>>
      %dma_start3A_438 = tpu.memref_squeeze %dma_start3A_437 : memref<1x80x32xf32, #tpu.memory_space<vmem>> -> memref<80x32xf32, #tpu.memory_space<vmem>>
      %dma_start3A_439 = tpu.memref_slice %arg7[%mul3A_432] : memref<10000xi32, #tpu.memory_space<vmem>> -> memref<80xi32, #tpu.memory_space<vmem>>
      %dma_start3A_440 = arith.constant 0 : i32
      %dma_start3A_441 = arith.constant 0 : i32
      %dma_start3A_442 = tpu.memref_slice %arg11[%dma_start3A_440, %dma_start3A_441] : memref<10000x32xf32, #tpu.memory_space<vmem_shared>> -> memref<10000x32xf32, #tpu.memory_space<vmem_shared>>
      %dma_start3A_443 = tpu.memref_slice %arg10[%dma_start3A_434] : memref<8x!tpu.dma_semaphore, #tpu.memory_space<semaphore_mem>> -> memref<1x!tpu.dma_semaphore, #tpu.memory_space<semaphore_mem>>
      %dma_start3A_444 = tpu.memref_squeeze %dma_start3A_443 : memref<1x!tpu.dma_semaphore, #tpu.memory_space<semaphore_mem>> -> memref<!tpu.dma_semaphore, #tpu.memory_space<semaphore_mem>>
      tpu.enqueue_indirect_dma source(%dma_start3A_438 : memref<80x32xf32, #tpu.memory_space<vmem>>) target(%dma_start3A_442 : memref<10000x32xf32, #tpu.memory_space<vmem_shared>>) offsets(%dma_start3A_439 : memref<80xi32, #tpu.memory_space<vmem>>) semaphore(%dma_start3A_444 : memref<!tpu.dma_semaphore, #tpu.memory_space<semaphore_mem>>) {add = true}
      %add3A_445 = arith.constant 4 : i32
      %add3A_446 = arith.addi %mul3A_324, %add3A_445 : i32
      %mul3A_447 = arith.constant 80 : i32
      %mul3A_448 = arith.muli %add3A_446, %mul3A_447 : i32
      %dma_wait3A_449 = arith.constant 4 : i32
      %dma_wait3A_450 = arith.constant 4 : i32
      %dma_wait3A_451 = arith.constant 0 : i32
      %dma_wait3A_452 = arith.constant 0 : i32
      %dma_wait3A_453 = tpu.memref_slice %arg8[%dma_wait3A_449, %dma_wait3A_451, %dma_wait3A_452] : memref<8x80x32xf32, #tpu.memory_space<vmem>> -> memref<1x80x32xf32, #tpu.memory_space<vmem>>
      %dma_wait3A_454 = tpu.memref_squeeze %dma_wait3A_453 : memref<1x80x32xf32, #tpu.memory_space<vmem>> -> memref<80x32xf32, #tpu.memory_space<vmem>>
      %dma_wait3A_455 = tpu.memref_slice %arg6[%mul3A_448] : memref<10000xi32, #tpu.memory_space<vmem>> -> memref<80xi32, #tpu.memory_space<vmem>>
      %dma_wait3A_456 = arith.constant 0 : i32
      %dma_wait3A_457 = arith.constant 0 : i32
      %dma_wait3A_458 = tpu.memref_slice %arg12[%dma_wait3A_456, %dma_wait3A_457] : memref<10000x32xf32, #tpu.memory_space<vmem_shared>> -> memref<10000x32xf32, #tpu.memory_space<vmem_shared>>
      %dma_wait3A_459 = tpu.memref_slice %arg9[%dma_wait3A_450] : memref<8x!tpu.dma_semaphore, #tpu.memory_space<semaphore_mem>> -> memref<1x!tpu.dma_semaphore, #tpu.memory_space<semaphore_mem>>
      %dma_wait3A_460 = tpu.memref_squeeze %dma_wait3A_459 : memref<1x!tpu.dma_semaphore, #tpu.memory_space<semaphore_mem>> -> memref<!tpu.dma_semaphore, #tpu.memory_space<semaphore_mem>>
      tpu.wait_indirect_dma semaphore(%dma_wait3A_460 : memref<!tpu.dma_semaphore, #tpu.memory_space<semaphore_mem>>) src(%dma_wait3A_458 : memref<10000x32xf32, #tpu.memory_space<vmem_shared>>) dst(%dma_wait3A_454 : memref<80x32xf32, #tpu.memory_space<vmem>>)
      %mul3A_461 = arith.constant 80 : i32
      %mul3A_462 = arith.muli %add3A_446, %mul3A_461 : i32
      %dma_start3A_463 = arith.constant 4 : i32
      %dma_start3A_464 = arith.constant 4 : i32
      %dma_start3A_465 = arith.constant 0 : i32
      %dma_start3A_466 = arith.constant 0 : i32
      %dma_start3A_467 = tpu.memref_slice %arg8[%dma_start3A_463, %dma_start3A_465, %dma_start3A_466] : memref<8x80x32xf32, #tpu.memory_space<vmem>> -> memref<1x80x32xf32, #tpu.memory_space<vmem>>
      %dma_start3A_468 = tpu.memref_squeeze %dma_start3A_467 : memref<1x80x32xf32, #tpu.memory_space<vmem>> -> memref<80x32xf32, #tpu.memory_space<vmem>>
      %dma_start3A_469 = tpu.memref_slice %arg7[%mul3A_462] : memref<10000xi32, #tpu.memory_space<vmem>> -> memref<80xi32, #tpu.memory_space<vmem>>
      %dma_start3A_470 = arith.constant 0 : i32
      %dma_start3A_471 = arith.constant 0 : i32
      %dma_start3A_472 = tpu.memref_slice %arg11[%dma_start3A_470, %dma_start3A_471] : memref<10000x32xf32, #tpu.memory_space<vmem_shared>> -> memref<10000x32xf32, #tpu.memory_space<vmem_shared>>
      %dma_start3A_473 = tpu.memref_slice %arg10[%dma_start3A_464] : memref<8x!tpu.dma_semaphore, #tpu.memory_space<semaphore_mem>> -> memref<1x!tpu.dma_semaphore, #tpu.memory_space<semaphore_mem>>
      %dma_start3A_474 = tpu.memref_squeeze %dma_start3A_473 : memref<1x!tpu.dma_semaphore, #tpu.memory_space<semaphore_mem>> -> memref<!tpu.dma_semaphore, #tpu.memory_space<semaphore_mem>>
      tpu.enqueue_indirect_dma source(%dma_start3A_468 : memref<80x32xf32, #tpu.memory_space<vmem>>) target(%dma_start3A_472 : memref<10000x32xf32, #tpu.memory_space<vmem_shared>>) offsets(%dma_start3A_469 : memref<80xi32, #tpu.memory_space<vmem>>) semaphore(%dma_start3A_474 : memref<!tpu.dma_semaphore, #tpu.memory_space<semaphore_mem>>) {add = true}
      %add3A_475 = arith.constant 5 : i32
      %add3A_476 = arith.addi %mul3A_324, %add3A_475 : i32
      %mul3A_477 = arith.constant 80 : i32
      %mul3A_478 = arith.muli %add3A_476, %mul3A_477 : i32
      %dma_wait3A_479 = arith.constant 5 : i32
      %dma_wait3A_480 = arith.constant 5 : i32
      %dma_wait3A_481 = arith.constant 0 : i32
      %dma_wait3A_482 = arith.constant 0 : i32
      %dma_wait3A_483 = tpu.memref_slice %arg8[%dma_wait3A_479, %dma_wait3A_481, %dma_wait3A_482] : memref<8x80x32xf32, #tpu.memory_space<vmem>> -> memref<1x80x32xf32, #tpu.memory_space<vmem>>
      %dma_wait3A_484 = tpu.memref_squeeze %dma_wait3A_483 : memref<1x80x32xf32, #tpu.memory_space<vmem>> -> memref<80x32xf32, #tpu.memory_space<vmem>>
      %dma_wait3A_485 = tpu.memref_slice %arg6[%mul3A_478] : memref<10000xi32, #tpu.memory_space<vmem>> -> memref<80xi32, #tpu.memory_space<vmem>>
      %dma_wait3A_486 = arith.constant 0 : i32
      %dma_wait3A_487 = arith.constant 0 : i32
      %dma_wait3A_488 = tpu.memref_slice %arg12[%dma_wait3A_486, %dma_wait3A_487] : memref<10000x32xf32, #tpu.memory_space<vmem_shared>> -> memref<10000x32xf32, #tpu.memory_space<vmem_shared>>
      %dma_wait3A_489 = tpu.memref_slice %arg9[%dma_wait3A_480] : memref<8x!tpu.dma_semaphore, #tpu.memory_space<semaphore_mem>> -> memref<1x!tpu.dma_semaphore, #tpu.memory_space<semaphore_mem>>
      %dma_wait3A_490 = tpu.memref_squeeze %dma_wait3A_489 : memref<1x!tpu.dma_semaphore, #tpu.memory_space<semaphore_mem>> -> memref<!tpu.dma_semaphore, #tpu.memory_space<semaphore_mem>>
      tpu.wait_indirect_dma semaphore(%dma_wait3A_490 : memref<!tpu.dma_semaphore, #tpu.memory_space<semaphore_mem>>) src(%dma_wait3A_488 : memref<10000x32xf32, #tpu.memory_space<vmem_shared>>) dst(%dma_wait3A_484 : memref<80x32xf32, #tpu.memory_space<vmem>>)
      %mul3A_491 = arith.constant 80 : i32
      %mul3A_492 = arith.muli %add3A_476, %mul3A_491 : i32
      %dma_start3A_493 = arith.constant 5 : i32
      %dma_start3A_494 = arith.constant 5 : i32
      %dma_start3A_495 = arith.constant 0 : i32
      %dma_start3A_496 = arith.constant 0 : i32
      %dma_start3A_497 = tpu.memref_slice %arg8[%dma_start3A_493, %dma_start3A_495, %dma_start3A_496] : memref<8x80x32xf32, #tpu.memory_space<vmem>> -> memref<1x80x32xf32, #tpu.memory_space<vmem>>
      %dma_start3A_498 = tpu.memref_squeeze %dma_start3A_497 : memref<1x80x32xf32, #tpu.memory_space<vmem>> -> memref<80x32xf32, #tpu.memory_space<vmem>>
      %dma_start3A_499 = tpu.memref_slice %arg7[%mul3A_492] : memref<10000xi32, #tpu.memory_space<vmem>> -> memref<80xi32, #tpu.memory_space<vmem>>
      %dma_start3A_500 = arith.constant 0 : i32
      %dma_start3A_501 = arith.constant 0 : i32
      %dma_start3A_502 = tpu.memref_slice %arg11[%dma_start3A_500, %dma_start3A_501] : memref<10000x32xf32, #tpu.memory_space<vmem_shared>> -> memref<10000x32xf32, #tpu.memory_space<vmem_shared>>
      %dma_start3A_503 = tpu.memref_slice %arg10[%dma_start3A_494] : memref<8x!tpu.dma_semaphore, #tpu.memory_space<semaphore_mem>> -> memref<1x!tpu.dma_semaphore, #tpu.memory_space<semaphore_mem>>
      %dma_start3A_504 = tpu.memref_squeeze %dma_start3A_503 : memref<1x!tpu.dma_semaphore, #tpu.memory_space<semaphore_mem>> -> memref<!tpu.dma_semaphore, #tpu.memory_space<semaphore_mem>>
      tpu.enqueue_indirect_dma source(%dma_start3A_498 : memref<80x32xf32, #tpu.memory_space<vmem>>) target(%dma_start3A_502 : memref<10000x32xf32, #tpu.memory_space<vmem_shared>>) offsets(%dma_start3A_499 : memref<80xi32, #tpu.memory_space<vmem>>) semaphore(%dma_start3A_504 : memref<!tpu.dma_semaphore, #tpu.memory_space<semaphore_mem>>) {add = true}
      %add3A_505 = arith.constant 6 : i32
      %add3A_506 = arith.addi %mul3A_324, %add3A_505 : i32
      %mul3A_507 = arith.constant 80 : i32
      %mul3A_508 = arith.muli %add3A_506, %mul3A_507 : i32
      %dma_wait3A_509 = arith.constant 6 : i32
      %dma_wait3A_510 = arith.constant 6 : i32
      %dma_wait3A_511 = arith.constant 0 : i32
      %dma_wait3A_512 = arith.constant 0 : i32
      %dma_wait3A_513 = tpu.memref_slice %arg8[%dma_wait3A_509, %dma_wait3A_511, %dma_wait3A_512] : memref<8x80x32xf32, #tpu.memory_space<vmem>> -> memref<1x80x32xf32, #tpu.memory_space<vmem>>
      %dma_wait3A_514 = tpu.memref_squeeze %dma_wait3A_513 : memref<1x80x32xf32, #tpu.memory_space<vmem>> -> memref<80x32xf32, #tpu.memory_space<vmem>>
      %dma_wait3A_515 = tpu.memref_slice %arg6[%mul3A_508] : memref<10000xi32, #tpu.memory_space<vmem>> -> memref<80xi32, #tpu.memory_space<vmem>>
      %dma_wait3A_516 = arith.constant 0 : i32
      %dma_wait3A_517 = arith.constant 0 : i32
      %dma_wait3A_518 = tpu.memref_slice %arg12[%dma_wait3A_516, %dma_wait3A_517] : memref<10000x32xf32, #tpu.memory_space<vmem_shared>> -> memref<10000x32xf32, #tpu.memory_space<vmem_shared>>
      %dma_wait3A_519 = tpu.memref_slice %arg9[%dma_wait3A_510] : memref<8x!tpu.dma_semaphore, #tpu.memory_space<semaphore_mem>> -> memref<1x!tpu.dma_semaphore, #tpu.memory_space<semaphore_mem>>
      %dma_wait3A_520 = tpu.memref_squeeze %dma_wait3A_519 : memref<1x!tpu.dma_semaphore, #tpu.memory_space<semaphore_mem>> -> memref<!tpu.dma_semaphore, #tpu.memory_space<semaphore_mem>>
      tpu.wait_indirect_dma semaphore(%dma_wait3A_520 : memref<!tpu.dma_semaphore, #tpu.memory_space<semaphore_mem>>) src(%dma_wait3A_518 : memref<10000x32xf32, #tpu.memory_space<vmem_shared>>) dst(%dma_wait3A_514 : memref<80x32xf32, #tpu.memory_space<vmem>>)
      %mul3A_521 = arith.constant 80 : i32
      %mul3A_522 = arith.muli %add3A_506, %mul3A_521 : i32
      %dma_start3A_523 = arith.constant 6 : i32
      %dma_start3A_524 = arith.constant 6 : i32
      %dma_start3A_525 = arith.constant 0 : i32
      %dma_start3A_526 = arith.constant 0 : i32
      %dma_start3A_527 = tpu.memref_slice %arg8[%dma_start3A_523, %dma_start3A_525, %dma_start3A_526] : memref<8x80x32xf32, #tpu.memory_space<vmem>> -> memref<1x80x32xf32, #tpu.memory_space<vmem>>
      %dma_start3A_528 = tpu.memref_squeeze %dma_start3A_527 : memref<1x80x32xf32, #tpu.memory_space<vmem>> -> memref<80x32xf32, #tpu.memory_space<vmem>>
      %dma_start3A_529 = tpu.memref_slice %arg7[%mul3A_522] : memref<10000xi32, #tpu.memory_space<vmem>> -> memref<80xi32, #tpu.memory_space<vmem>>
      %dma_start3A_530 = arith.constant 0 : i32
      %dma_start3A_531 = arith.constant 0 : i32
      %dma_start3A_532 = tpu.memref_slice %arg11[%dma_start3A_530, %dma_start3A_531] : memref<10000x32xf32, #tpu.memory_space<vmem_shared>> -> memref<10000x32xf32, #tpu.memory_space<vmem_shared>>
      %dma_start3A_533 = tpu.memref_slice %arg10[%dma_start3A_524] : memref<8x!tpu.dma_semaphore, #tpu.memory_space<semaphore_mem>> -> memref<1x!tpu.dma_semaphore, #tpu.memory_space<semaphore_mem>>
      %dma_start3A_534 = tpu.memref_squeeze %dma_start3A_533 : memref<1x!tpu.dma_semaphore, #tpu.memory_space<semaphore_mem>> -> memref<!tpu.dma_semaphore, #tpu.memory_space<semaphore_mem>>
      tpu.enqueue_indirect_dma source(%dma_start3A_528 : memref<80x32xf32, #tpu.memory_space<vmem>>) target(%dma_start3A_532 : memref<10000x32xf32, #tpu.memory_space<vmem_shared>>) offsets(%dma_start3A_529 : memref<80xi32, #tpu.memory_space<vmem>>) semaphore(%dma_start3A_534 : memref<!tpu.dma_semaphore, #tpu.memory_space<semaphore_mem>>) {add = true}
      %add3A_535 = arith.constant 7 : i32
      %add3A_536 = arith.addi %mul3A_324, %add3A_535 : i32
      %mul3A_537 = arith.constant 80 : i32
      %mul3A_538 = arith.muli %add3A_536, %mul3A_537 : i32
      %dma_wait3A_539 = arith.constant 7 : i32
      %dma_wait3A_540 = arith.constant 7 : i32
      %dma_wait3A_541 = arith.constant 0 : i32
      %dma_wait3A_542 = arith.constant 0 : i32
      %dma_wait3A_543 = tpu.memref_slice %arg8[%dma_wait3A_539, %dma_wait3A_541, %dma_wait3A_542] : memref<8x80x32xf32, #tpu.memory_space<vmem>> -> memref<1x80x32xf32, #tpu.memory_space<vmem>>
      %dma_wait3A_544 = tpu.memref_squeeze %dma_wait3A_543 : memref<1x80x32xf32, #tpu.memory_space<vmem>> -> memref<80x32xf32, #tpu.memory_space<vmem>>
      %dma_wait3A_545 = tpu.memref_slice %arg6[%mul3A_538] : memref<10000xi32, #tpu.memory_space<vmem>> -> memref<80xi32, #tpu.memory_space<vmem>>
      %dma_wait3A_546 = arith.constant 0 : i32
      %dma_wait3A_547 = arith.constant 0 : i32
      %dma_wait3A_548 = tpu.memref_slice %arg12[%dma_wait3A_546, %dma_wait3A_547] : memref<10000x32xf32, #tpu.memory_space<vmem_shared>> -> memref<10000x32xf32, #tpu.memory_space<vmem_shared>>
      %dma_wait3A_549 = tpu.memref_slice %arg9[%dma_wait3A_540] : memref<8x!tpu.dma_semaphore, #tpu.memory_space<semaphore_mem>> -> memref<1x!tpu.dma_semaphore, #tpu.memory_space<semaphore_mem>>
      %dma_wait3A_550 = tpu.memref_squeeze %dma_wait3A_549 : memref<1x!tpu.dma_semaphore, #tpu.memory_space<semaphore_mem>> -> memref<!tpu.dma_semaphore, #tpu.memory_space<semaphore_mem>>
      tpu.wait_indirect_dma semaphore(%dma_wait3A_550 : memref<!tpu.dma_semaphore, #tpu.memory_space<semaphore_mem>>) src(%dma_wait3A_548 : memref<10000x32xf32, #tpu.memory_space<vmem_shared>>) dst(%dma_wait3A_544 : memref<80x32xf32, #tpu.memory_space<vmem>>)
      %mul3A_551 = arith.constant 80 : i32
      %mul3A_552 = arith.muli %add3A_536, %mul3A_551 : i32
      %dma_start3A_553 = arith.constant 7 : i32
      %dma_start3A_554 = arith.constant 7 : i32
      %dma_start3A_555 = arith.constant 0 : i32
      %dma_start3A_556 = arith.constant 0 : i32
      %dma_start3A_557 = tpu.memref_slice %arg8[%dma_start3A_553, %dma_start3A_555, %dma_start3A_556] : memref<8x80x32xf32, #tpu.memory_space<vmem>> -> memref<1x80x32xf32, #tpu.memory_space<vmem>>
      %dma_start3A_558 = tpu.memref_squeeze %dma_start3A_557 : memref<1x80x32xf32, #tpu.memory_space<vmem>> -> memref<80x32xf32, #tpu.memory_space<vmem>>
      %dma_start3A_559 = tpu.memref_slice %arg7[%mul3A_552] : memref<10000xi32, #tpu.memory_space<vmem>> -> memref<80xi32, #tpu.memory_space<vmem>>
      %dma_start3A_560 = arith.constant 0 : i32
      %dma_start3A_561 = arith.constant 0 : i32
      %dma_start3A_562 = tpu.memref_slice %arg11[%dma_start3A_560, %dma_start3A_561] : memref<10000x32xf32, #tpu.memory_space<vmem_shared>> -> memref<10000x32xf32, #tpu.memory_space<vmem_shared>>
      %dma_start3A_563 = tpu.memref_slice %arg10[%dma_start3A_554] : memref<8x!tpu.dma_semaphore, #tpu.memory_space<semaphore_mem>> -> memref<1x!tpu.dma_semaphore, #tpu.memory_space<semaphore_mem>>
      %dma_start3A_564 = tpu.memref_squeeze %dma_start3A_563 : memref<1x!tpu.dma_semaphore, #tpu.memory_space<semaphore_mem>> -> memref<!tpu.dma_semaphore, #tpu.memory_space<semaphore_mem>>
      tpu.enqueue_indirect_dma source(%dma_start3A_558 : memref<80x32xf32, #tpu.memory_space<vmem>>) target(%dma_start3A_562 : memref<10000x32xf32, #tpu.memory_space<vmem_shared>>) offsets(%dma_start3A_559 : memref<80xi32, #tpu.memory_space<vmem>>) semaphore(%dma_start3A_564 : memref<!tpu.dma_semaphore, #tpu.memory_space<semaphore_mem>>) {add = true}
      %add3A_565 = arith.constant 0 : i32
      %add3A_566 = arith.addi %mul3A_324, %add3A_565 : i32
      %mul3A_567 = arith.constant 80 : i32
      %mul3A_568 = arith.muli %add3A_566, %mul3A_567 : i32
      %dma_wait3A_569 = arith.constant 0 : i32
      %dma_wait3A_570 = arith.constant 0 : i32
      %dma_wait3A_571 = arith.constant 0 : i32
      %dma_wait3A_572 = arith.constant 0 : i32
      %dma_wait3A_573 = tpu.memref_slice %arg8[%dma_wait3A_569, %dma_wait3A_571, %dma_wait3A_572] : memref<8x80x32xf32, #tpu.memory_space<vmem>> -> memref<1x80x32xf32, #tpu.memory_space<vmem>>
      %dma_wait3A_574 = tpu.memref_squeeze %dma_wait3A_573 : memref<1x80x32xf32, #tpu.memory_space<vmem>> -> memref<80x32xf32, #tpu.memory_space<vmem>>
      %dma_wait3A_575 = tpu.memref_slice %arg7[%mul3A_568] : memref<10000xi32, #tpu.memory_space<vmem>> -> memref<80xi32, #tpu.memory_space<vmem>>
      %dma_wait3A_576 = arith.constant 0 : i32
      %dma_wait3A_577 = arith.constant 0 : i32
      %dma_wait3A_578 = tpu.memref_slice %arg11[%dma_wait3A_576, %dma_wait3A_577] : memref<10000x32xf32, #tpu.memory_space<vmem_shared>> -> memref<10000x32xf32, #tpu.memory_space<vmem_shared>>
      %dma_wait3A_579 = tpu.memref_slice %arg10[%dma_wait3A_570] : memref<8x!tpu.dma_semaphore, #tpu.memory_space<semaphore_mem>> -> memref<1x!tpu.dma_semaphore, #tpu.memory_space<semaphore_mem>>
      %dma_wait3A_580 = tpu.memref_squeeze %dma_wait3A_579 : memref<1x!tpu.dma_semaphore, #tpu.memory_space<semaphore_mem>> -> memref<!tpu.dma_semaphore, #tpu.memory_space<semaphore_mem>>
      tpu.wait_indirect_dma semaphore(%dma_wait3A_580 : memref<!tpu.dma_semaphore, #tpu.memory_space<semaphore_mem>>) src(%dma_wait3A_574 : memref<80x32xf32, #tpu.memory_space<vmem>>) dst(%dma_wait3A_578 : memref<10000x32xf32, #tpu.memory_space<vmem_shared>>)
      %add3A_581 = arith.constant 8 : i32
      %add3A_582 = arith.addi %add3A_566, %add3A_581 : i32
      %lt3A = arith.constant 125 : i32
      %lt3A_583 = arith.cmpi slt, %add3A_582, %lt3A : i32
      %convert_element_type3A = arith.extui %lt3A_583 : i1 to i32
      %cond3A = arith.constant 0 : i32
      %cond3A_584 = arith.cmpi ne, %convert_element_type3A, %cond3A : i32
      scf.if %cond3A_584 {
        %add3A_746 = arith.constant 8 : i32
        %add3A_747 = arith.addi %add3A_566, %add3A_746 : i32
        %mul3A_748 = arith.constant 80 : i32
        %mul3A_749 = arith.muli %add3A_747, %mul3A_748 : i32
        %dma_start3A_750 = arith.constant 0 : i32
        %dma_start3A_751 = arith.constant 0 : i32
        %dma_start3A_752 = arith.constant 0 : i32
        %dma_start3A_753 = arith.constant 0 : i32
        %dma_start3A_754 = tpu.memref_slice %arg8[%dma_start3A_750, %dma_start3A_752, %dma_start3A_753] : memref<8x80x32xf32, #tpu.memory_space<vmem>> -> memref<1x80x32xf32, #tpu.memory_space<vmem>>
        %dma_start3A_755 = tpu.memref_squeeze %dma_start3A_754 : memref<1x80x32xf32, #tpu.memory_space<vmem>> -> memref<80x32xf32, #tpu.memory_space<vmem>>
        %dma_start3A_756 = tpu.memref_slice %arg6[%mul3A_749] : memref<10000xi32, #tpu.memory_space<vmem>> -> memref<80xi32, #tpu.memory_space<vmem>>
        %dma_start3A_757 = arith.constant 0 : i32
        %dma_start3A_758 = arith.constant 0 : i32
        %dma_start3A_759 = tpu.memref_slice %arg12[%dma_start3A_757, %dma_start3A_758] : memref<10000x32xf32, #tpu.memory_space<vmem_shared>> -> memref<10000x32xf32, #tpu.memory_space<vmem_shared>>
        %dma_start3A_760 = tpu.memref_slice %arg9[%dma_start3A_751] : memref<8x!tpu.dma_semaphore, #tpu.memory_space<semaphore_mem>> -> memref<1x!tpu.dma_semaphore, #tpu.memory_space<semaphore_mem>>
        %dma_start3A_761 = tpu.memref_squeeze %dma_start3A_760 : memref<1x!tpu.dma_semaphore, #tpu.memory_space<semaphore_mem>> -> memref<!tpu.dma_semaphore, #tpu.memory_space<semaphore_mem>>
        tpu.enqueue_indirect_dma source(%dma_start3A_759 : memref<10000x32xf32, #tpu.memory_space<vmem_shared>>) target(%dma_start3A_755 : memref<80x32xf32, #tpu.memory_space<vmem>>) offsets(%dma_start3A_756 : memref<80xi32, #tpu.memory_space<vmem>>) semaphore(%dma_start3A_761 : memref<!tpu.dma_semaphore, #tpu.memory_space<semaphore_mem>>)
      } else {
      }
      %add3A_585 = arith.constant 1 : i32
      %add3A_586 = arith.addi %mul3A_324, %add3A_585 : i32
      %mul3A_587 = arith.constant 80 : i32
      %mul3A_588 = arith.muli %add3A_586, %mul3A_587 : i32
      %dma_wait3A_589 = arith.constant 1 : i32
      %dma_wait3A_590 = arith.constant 1 : i32
      %dma_wait3A_591 = arith.constant 0 : i32
      %dma_wait3A_592 = arith.constant 0 : i32
      %dma_wait3A_593 = tpu.memref_slice %arg8[%dma_wait3A_589, %dma_wait3A_591, %dma_wait3A_592] : memref<8x80x32xf32, #tpu.memory_space<vmem>> -> memref<1x80x32xf32, #tpu.memory_space<vmem>>
      %dma_wait3A_594 = tpu.memref_squeeze %dma_wait3A_593 : memref<1x80x32xf32, #tpu.memory_space<vmem>> -> memref<80x32xf32, #tpu.memory_space<vmem>>
      %dma_wait3A_595 = tpu.memref_slice %arg7[%mul3A_588] : memref<10000xi32, #tpu.memory_space<vmem>> -> memref<80xi32, #tpu.memory_space<vmem>>
      %dma_wait3A_596 = arith.constant 0 : i32
      %dma_wait3A_597 = arith.constant 0 : i32
      %dma_wait3A_598 = tpu.memref_slice %arg11[%dma_wait3A_596, %dma_wait3A_597] : memref<10000x32xf32, #tpu.memory_space<vmem_shared>> -> memref<10000x32xf32, #tpu.memory_space<vmem_shared>>
      %dma_wait3A_599 = tpu.memref_slice %arg10[%dma_wait3A_590] : memref<8x!tpu.dma_semaphore, #tpu.memory_space<semaphore_mem>> -> memref<1x!tpu.dma_semaphore, #tpu.memory_space<semaphore_mem>>
      %dma_wait3A_600 = tpu.memref_squeeze %dma_wait3A_599 : memref<1x!tpu.dma_semaphore, #tpu.memory_space<semaphore_mem>> -> memref<!tpu.dma_semaphore, #tpu.memory_space<semaphore_mem>>
      tpu.wait_indirect_dma semaphore(%dma_wait3A_600 : memref<!tpu.dma_semaphore, #tpu.memory_space<semaphore_mem>>) src(%dma_wait3A_594 : memref<80x32xf32, #tpu.memory_space<vmem>>) dst(%dma_wait3A_598 : memref<10000x32xf32, #tpu.memory_space<vmem_shared>>)
      %add3A_601 = arith.constant 8 : i32
      %add3A_602 = arith.addi %add3A_586, %add3A_601 : i32
      %lt3A_603 = arith.constant 125 : i32
      %lt3A_604 = arith.cmpi slt, %add3A_602, %lt3A_603 : i32
      %convert_element_type3A_605 = arith.extui %lt3A_604 : i1 to i32
      %cond3A_606 = arith.constant 0 : i32
      %cond3A_607 = arith.cmpi ne, %convert_element_type3A_605, %cond3A_606 : i32
      scf.if %cond3A_607 {
        %add3A_746 = arith.constant 8 : i32
        %add3A_747 = arith.addi %add3A_586, %add3A_746 : i32
        %mul3A_748 = arith.constant 80 : i32
        %mul3A_749 = arith.muli %add3A_747, %mul3A_748 : i32
        %dma_start3A_750 = arith.constant 1 : i32
        %dma_start3A_751 = arith.constant 1 : i32
        %dma_start3A_752 = arith.constant 0 : i32
        %dma_start3A_753 = arith.constant 0 : i32
        %dma_start3A_754 = tpu.memref_slice %arg8[%dma_start3A_750, %dma_start3A_752, %dma_start3A_753] : memref<8x80x32xf32, #tpu.memory_space<vmem>> -> memref<1x80x32xf32, #tpu.memory_space<vmem>>
        %dma_start3A_755 = tpu.memref_squeeze %dma_start3A_754 : memref<1x80x32xf32, #tpu.memory_space<vmem>> -> memref<80x32xf32, #tpu.memory_space<vmem>>
        %dma_start3A_756 = tpu.memref_slice %arg6[%mul3A_749] : memref<10000xi32, #tpu.memory_space<vmem>> -> memref<80xi32, #tpu.memory_space<vmem>>
        %dma_start3A_757 = arith.constant 0 : i32
        %dma_start3A_758 = arith.constant 0 : i32
        %dma_start3A_759 = tpu.memref_slice %arg12[%dma_start3A_757, %dma_start3A_758] : memref<10000x32xf32, #tpu.memory_space<vmem_shared>> -> memref<10000x32xf32, #tpu.memory_space<vmem_shared>>
        %dma_start3A_760 = tpu.memref_slice %arg9[%dma_start3A_751] : memref<8x!tpu.dma_semaphore, #tpu.memory_space<semaphore_mem>> -> memref<1x!tpu.dma_semaphore, #tpu.memory_space<semaphore_mem>>
        %dma_start3A_761 = tpu.memref_squeeze %dma_start3A_760 : memref<1x!tpu.dma_semaphore, #tpu.memory_space<semaphore_mem>> -> memref<!tpu.dma_semaphore, #tpu.memory_space<semaphore_mem>>
        tpu.enqueue_indirect_dma source(%dma_start3A_759 : memref<10000x32xf32, #tpu.memory_space<vmem_shared>>) target(%dma_start3A_755 : memref<80x32xf32, #tpu.memory_space<vmem>>) offsets(%dma_start3A_756 : memref<80xi32, #tpu.memory_space<vmem>>) semaphore(%dma_start3A_761 : memref<!tpu.dma_semaphore, #tpu.memory_space<semaphore_mem>>)
      } else {
      }
      %add3A_608 = arith.constant 2 : i32
      %add3A_609 = arith.addi %mul3A_324, %add3A_608 : i32
      %mul3A_610 = arith.constant 80 : i32
      %mul3A_611 = arith.muli %add3A_609, %mul3A_610 : i32
      %dma_wait3A_612 = arith.constant 2 : i32
      %dma_wait3A_613 = arith.constant 2 : i32
      %dma_wait3A_614 = arith.constant 0 : i32
      %dma_wait3A_615 = arith.constant 0 : i32
      %dma_wait3A_616 = tpu.memref_slice %arg8[%dma_wait3A_612, %dma_wait3A_614, %dma_wait3A_615] : memref<8x80x32xf32, #tpu.memory_space<vmem>> -> memref<1x80x32xf32, #tpu.memory_space<vmem>>
      %dma_wait3A_617 = tpu.memref_squeeze %dma_wait3A_616 : memref<1x80x32xf32, #tpu.memory_space<vmem>> -> memref<80x32xf32, #tpu.memory_space<vmem>>
      %dma_wait3A_618 = tpu.memref_slice %arg7[%mul3A_611] : memref<10000xi32, #tpu.memory_space<vmem>> -> memref<80xi32, #tpu.memory_space<vmem>>
      %dma_wait3A_619 = arith.constant 0 : i32
      %dma_wait3A_620 = arith.constant 0 : i32
      %dma_wait3A_621 = tpu.memref_slice %arg11[%dma_wait3A_619, %dma_wait3A_620] : memref<10000x32xf32, #tpu.memory_space<vmem_shared>> -> memref<10000x32xf32, #tpu.memory_space<vmem_shared>>
      %dma_wait3A_622 = tpu.memref_slice %arg10[%dma_wait3A_613] : memref<8x!tpu.dma_semaphore, #tpu.memory_space<semaphore_mem>> -> memref<1x!tpu.dma_semaphore, #tpu.memory_space<semaphore_mem>>
      %dma_wait3A_623 = tpu.memref_squeeze %dma_wait3A_622 : memref<1x!tpu.dma_semaphore, #tpu.memory_space<semaphore_mem>> -> memref<!tpu.dma_semaphore, #tpu.memory_space<semaphore_mem>>
      tpu.wait_indirect_dma semaphore(%dma_wait3A_623 : memref<!tpu.dma_semaphore, #tpu.memory_space<semaphore_mem>>) src(%dma_wait3A_617 : memref<80x32xf32, #tpu.memory_space<vmem>>) dst(%dma_wait3A_621 : memref<10000x32xf32, #tpu.memory_space<vmem_shared>>)
      %add3A_624 = arith.constant 8 : i32
      %add3A_625 = arith.addi %add3A_609, %add3A_624 : i32
      %lt3A_626 = arith.constant 125 : i32
      %lt3A_627 = arith.cmpi slt, %add3A_625, %lt3A_626 : i32
      %convert_element_type3A_628 = arith.extui %lt3A_627 : i1 to i32
      %cond3A_629 = arith.constant 0 : i32
      %cond3A_630 = arith.cmpi ne, %convert_element_type3A_628, %cond3A_629 : i32
      scf.if %cond3A_630 {
        %add3A_746 = arith.constant 8 : i32
        %add3A_747 = arith.addi %add3A_609, %add3A_746 : i32
        %mul3A_748 = arith.constant 80 : i32
        %mul3A_749 = arith.muli %add3A_747, %mul3A_748 : i32
        %dma_start3A_750 = arith.constant 2 : i32
        %dma_start3A_751 = arith.constant 2 : i32
        %dma_start3A_752 = arith.constant 0 : i32
        %dma_start3A_753 = arith.constant 0 : i32
        %dma_start3A_754 = tpu.memref_slice %arg8[%dma_start3A_750, %dma_start3A_752, %dma_start3A_753] : memref<8x80x32xf32, #tpu.memory_space<vmem>> -> memref<1x80x32xf32, #tpu.memory_space<vmem>>
        %dma_start3A_755 = tpu.memref_squeeze %dma_start3A_754 : memref<1x80x32xf32, #tpu.memory_space<vmem>> -> memref<80x32xf32, #tpu.memory_space<vmem>>
        %dma_start3A_756 = tpu.memref_slice %arg6[%mul3A_749] : memref<10000xi32, #tpu.memory_space<vmem>> -> memref<80xi32, #tpu.memory_space<vmem>>
        %dma_start3A_757 = arith.constant 0 : i32
        %dma_start3A_758 = arith.constant 0 : i32
        %dma_start3A_759 = tpu.memref_slice %arg12[%dma_start3A_757, %dma_start3A_758] : memref<10000x32xf32, #tpu.memory_space<vmem_shared>> -> memref<10000x32xf32, #tpu.memory_space<vmem_shared>>
        %dma_start3A_760 = tpu.memref_slice %arg9[%dma_start3A_751] : memref<8x!tpu.dma_semaphore, #tpu.memory_space<semaphore_mem>> -> memref<1x!tpu.dma_semaphore, #tpu.memory_space<semaphore_mem>>
        %dma_start3A_761 = tpu.memref_squeeze %dma_start3A_760 : memref<1x!tpu.dma_semaphore, #tpu.memory_space<semaphore_mem>> -> memref<!tpu.dma_semaphore, #tpu.memory_space<semaphore_mem>>
        tpu.enqueue_indirect_dma source(%dma_start3A_759 : memref<10000x32xf32, #tpu.memory_space<vmem_shared>>) target(%dma_start3A_755 : memref<80x32xf32, #tpu.memory_space<vmem>>) offsets(%dma_start3A_756 : memref<80xi32, #tpu.memory_space<vmem>>) semaphore(%dma_start3A_761 : memref<!tpu.dma_semaphore, #tpu.memory_space<semaphore_mem>>)
      } else {
      }
      %add3A_631 = arith.constant 3 : i32
      %add3A_632 = arith.addi %mul3A_324, %add3A_631 : i32
      %mul3A_633 = arith.constant 80 : i32
      %mul3A_634 = arith.muli %add3A_632, %mul3A_633 : i32
      %dma_wait3A_635 = arith.constant 3 : i32
      %dma_wait3A_636 = arith.constant 3 : i32
      %dma_wait3A_637 = arith.constant 0 : i32
      %dma_wait3A_638 = arith.constant 0 : i32
      %dma_wait3A_639 = tpu.memref_slice %arg8[%dma_wait3A_635, %dma_wait3A_637, %dma_wait3A_638] : memref<8x80x32xf32, #tpu.memory_space<vmem>> -> memref<1x80x32xf32, #tpu.memory_space<vmem>>
      %dma_wait3A_640 = tpu.memref_squeeze %dma_wait3A_639 : memref<1x80x32xf32, #tpu.memory_space<vmem>> -> memref<80x32xf32, #tpu.memory_space<vmem>>
      %dma_wait3A_641 = tpu.memref_slice %arg7[%mul3A_634] : memref<10000xi32, #tpu.memory_space<vmem>> -> memref<80xi32, #tpu.memory_space<vmem>>
      %dma_wait3A_642 = arith.constant 0 : i32
      %dma_wait3A_643 = arith.constant 0 : i32
      %dma_wait3A_644 = tpu.memref_slice %arg11[%dma_wait3A_642, %dma_wait3A_643] : memref<10000x32xf32, #tpu.memory_space<vmem_shared>> -> memref<10000x32xf32, #tpu.memory_space<vmem_shared>>
      %dma_wait3A_645 = tpu.memref_slice %arg10[%dma_wait3A_636] : memref<8x!tpu.dma_semaphore, #tpu.memory_space<semaphore_mem>> -> memref<1x!tpu.dma_semaphore, #tpu.memory_space<semaphore_mem>>
      %dma_wait3A_646 = tpu.memref_squeeze %dma_wait3A_645 : memref<1x!tpu.dma_semaphore, #tpu.memory_space<semaphore_mem>> -> memref<!tpu.dma_semaphore, #tpu.memory_space<semaphore_mem>>
      tpu.wait_indirect_dma semaphore(%dma_wait3A_646 : memref<!tpu.dma_semaphore, #tpu.memory_space<semaphore_mem>>) src(%dma_wait3A_640 : memref<80x32xf32, #tpu.memory_space<vmem>>) dst(%dma_wait3A_644 : memref<10000x32xf32, #tpu.memory_space<vmem_shared>>)
      %add3A_647 = arith.constant 8 : i32
      %add3A_648 = arith.addi %add3A_632, %add3A_647 : i32
      %lt3A_649 = arith.constant 125 : i32
      %lt3A_650 = arith.cmpi slt, %add3A_648, %lt3A_649 : i32
      %convert_element_type3A_651 = arith.extui %lt3A_650 : i1 to i32
      %cond3A_652 = arith.constant 0 : i32
      %cond3A_653 = arith.cmpi ne, %convert_element_type3A_651, %cond3A_652 : i32
      scf.if %cond3A_653 {
        %add3A_746 = arith.constant 8 : i32
        %add3A_747 = arith.addi %add3A_632, %add3A_746 : i32
        %mul3A_748 = arith.constant 80 : i32
        %mul3A_749 = arith.muli %add3A_747, %mul3A_748 : i32
        %dma_start3A_750 = arith.constant 3 : i32
        %dma_start3A_751 = arith.constant 3 : i32
        %dma_start3A_752 = arith.constant 0 : i32
        %dma_start3A_753 = arith.constant 0 : i32
        %dma_start3A_754 = tpu.memref_slice %arg8[%dma_start3A_750, %dma_start3A_752, %dma_start3A_753] : memref<8x80x32xf32, #tpu.memory_space<vmem>> -> memref<1x80x32xf32, #tpu.memory_space<vmem>>
        %dma_start3A_755 = tpu.memref_squeeze %dma_start3A_754 : memref<1x80x32xf32, #tpu.memory_space<vmem>> -> memref<80x32xf32, #tpu.memory_space<vmem>>
        %dma_start3A_756 = tpu.memref_slice %arg6[%mul3A_749] : memref<10000xi32, #tpu.memory_space<vmem>> -> memref<80xi32, #tpu.memory_space<vmem>>
        %dma_start3A_757 = arith.constant 0 : i32
        %dma_start3A_758 = arith.constant 0 : i32
        %dma_start3A_759 = tpu.memref_slice %arg12[%dma_start3A_757, %dma_start3A_758] : memref<10000x32xf32, #tpu.memory_space<vmem_shared>> -> memref<10000x32xf32, #tpu.memory_space<vmem_shared>>
        %dma_start3A_760 = tpu.memref_slice %arg9[%dma_start3A_751] : memref<8x!tpu.dma_semaphore, #tpu.memory_space<semaphore_mem>> -> memref<1x!tpu.dma_semaphore, #tpu.memory_space<semaphore_mem>>
        %dma_start3A_761 = tpu.memref_squeeze %dma_start3A_760 : memref<1x!tpu.dma_semaphore, #tpu.memory_space<semaphore_mem>> -> memref<!tpu.dma_semaphore, #tpu.memory_space<semaphore_mem>>
        tpu.enqueue_indirect_dma source(%dma_start3A_759 : memref<10000x32xf32, #tpu.memory_space<vmem_shared>>) target(%dma_start3A_755 : memref<80x32xf32, #tpu.memory_space<vmem>>) offsets(%dma_start3A_756 : memref<80xi32, #tpu.memory_space<vmem>>) semaphore(%dma_start3A_761 : memref<!tpu.dma_semaphore, #tpu.memory_space<semaphore_mem>>)
      } else {
      }
      %add3A_654 = arith.constant 4 : i32
      %add3A_655 = arith.addi %mul3A_324, %add3A_654 : i32
      %mul3A_656 = arith.constant 80 : i32
      %mul3A_657 = arith.muli %add3A_655, %mul3A_656 : i32
      %dma_wait3A_658 = arith.constant 4 : i32
      %dma_wait3A_659 = arith.constant 4 : i32
      %dma_wait3A_660 = arith.constant 0 : i32
      %dma_wait3A_661 = arith.constant 0 : i32
      %dma_wait3A_662 = tpu.memref_slice %arg8[%dma_wait3A_658, %dma_wait3A_660, %dma_wait3A_661] : memref<8x80x32xf32, #tpu.memory_space<vmem>> -> memref<1x80x32xf32, #tpu.memory_space<vmem>>
      %dma_wait3A_663 = tpu.memref_squeeze %dma_wait3A_662 : memref<1x80x32xf32, #tpu.memory_space<vmem>> -> memref<80x32xf32, #tpu.memory_space<vmem>>
      %dma_wait3A_664 = tpu.memref_slice %arg7[%mul3A_657] : memref<10000xi32, #tpu.memory_space<vmem>> -> memref<80xi32, #tpu.memory_space<vmem>>
      %dma_wait3A_665 = arith.constant 0 : i32
      %dma_wait3A_666 = arith.constant 0 : i32
      %dma_wait3A_667 = tpu.memref_slice %arg11[%dma_wait3A_665, %dma_wait3A_666] : memref<10000x32xf32, #tpu.memory_space<vmem_shared>> -> memref<10000x32xf32, #tpu.memory_space<vmem_shared>>
      %dma_wait3A_668 = tpu.memref_slice %arg10[%dma_wait3A_659] : memref<8x!tpu.dma_semaphore, #tpu.memory_space<semaphore_mem>> -> memref<1x!tpu.dma_semaphore, #tpu.memory_space<semaphore_mem>>
      %dma_wait3A_669 = tpu.memref_squeeze %dma_wait3A_668 : memref<1x!tpu.dma_semaphore, #tpu.memory_space<semaphore_mem>> -> memref<!tpu.dma_semaphore, #tpu.memory_space<semaphore_mem>>
      tpu.wait_indirect_dma semaphore(%dma_wait3A_669 : memref<!tpu.dma_semaphore, #tpu.memory_space<semaphore_mem>>) src(%dma_wait3A_663 : memref<80x32xf32, #tpu.memory_space<vmem>>) dst(%dma_wait3A_667 : memref<10000x32xf32, #tpu.memory_space<vmem_shared>>)
      %add3A_670 = arith.constant 8 : i32
      %add3A_671 = arith.addi %add3A_655, %add3A_670 : i32
      %lt3A_672 = arith.constant 125 : i32
      %lt3A_673 = arith.cmpi slt, %add3A_671, %lt3A_672 : i32
      %convert_element_type3A_674 = arith.extui %lt3A_673 : i1 to i32
      %cond3A_675 = arith.constant 0 : i32
      %cond3A_676 = arith.cmpi ne, %convert_element_type3A_674, %cond3A_675 : i32
      scf.if %cond3A_676 {
        %add3A_746 = arith.constant 8 : i32
        %add3A_747 = arith.addi %add3A_655, %add3A_746 : i32
        %mul3A_748 = arith.constant 80 : i32
        %mul3A_749 = arith.muli %add3A_747, %mul3A_748 : i32
        %dma_start3A_750 = arith.constant 4 : i32
        %dma_start3A_751 = arith.constant 4 : i32
        %dma_start3A_752 = arith.constant 0 : i32
        %dma_start3A_753 = arith.constant 0 : i32
        %dma_start3A_754 = tpu.memref_slice %arg8[%dma_start3A_750, %dma_start3A_752, %dma_start3A_753] : memref<8x80x32xf32, #tpu.memory_space<vmem>> -> memref<1x80x32xf32, #tpu.memory_space<vmem>>
        %dma_start3A_755 = tpu.memref_squeeze %dma_start3A_754 : memref<1x80x32xf32, #tpu.memory_space<vmem>> -> memref<80x32xf32, #tpu.memory_space<vmem>>
        %dma_start3A_756 = tpu.memref_slice %arg6[%mul3A_749] : memref<10000xi32, #tpu.memory_space<vmem>> -> memref<80xi32, #tpu.memory_space<vmem>>
        %dma_start3A_757 = arith.constant 0 : i32
        %dma_start3A_758 = arith.constant 0 : i32
        %dma_start3A_759 = tpu.memref_slice %arg12[%dma_start3A_757, %dma_start3A_758] : memref<10000x32xf32, #tpu.memory_space<vmem_shared>> -> memref<10000x32xf32, #tpu.memory_space<vmem_shared>>
        %dma_start3A_760 = tpu.memref_slice %arg9[%dma_start3A_751] : memref<8x!tpu.dma_semaphore, #tpu.memory_space<semaphore_mem>> -> memref<1x!tpu.dma_semaphore, #tpu.memory_space<semaphore_mem>>
        %dma_start3A_761 = tpu.memref_squeeze %dma_start3A_760 : memref<1x!tpu.dma_semaphore, #tpu.memory_space<semaphore_mem>> -> memref<!tpu.dma_semaphore, #tpu.memory_space<semaphore_mem>>
        tpu.enqueue_indirect_dma source(%dma_start3A_759 : memref<10000x32xf32, #tpu.memory_space<vmem_shared>>) target(%dma_start3A_755 : memref<80x32xf32, #tpu.memory_space<vmem>>) offsets(%dma_start3A_756 : memref<80xi32, #tpu.memory_space<vmem>>) semaphore(%dma_start3A_761 : memref<!tpu.dma_semaphore, #tpu.memory_space<semaphore_mem>>)
      } else {
      }
      %add3A_677 = arith.constant 5 : i32
      %add3A_678 = arith.addi %mul3A_324, %add3A_677 : i32
      %mul3A_679 = arith.constant 80 : i32
      %mul3A_680 = arith.muli %add3A_678, %mul3A_679 : i32
      %dma_wait3A_681 = arith.constant 5 : i32
      %dma_wait3A_682 = arith.constant 5 : i32
      %dma_wait3A_683 = arith.constant 0 : i32
      %dma_wait3A_684 = arith.constant 0 : i32
      %dma_wait3A_685 = tpu.memref_slice %arg8[%dma_wait3A_681, %dma_wait3A_683, %dma_wait3A_684] : memref<8x80x32xf32, #tpu.memory_space<vmem>> -> memref<1x80x32xf32, #tpu.memory_space<vmem>>
      %dma_wait3A_686 = tpu.memref_squeeze %dma_wait3A_685 : memref<1x80x32xf32, #tpu.memory_space<vmem>> -> memref<80x32xf32, #tpu.memory_space<vmem>>
      %dma_wait3A_687 = tpu.memref_slice %arg7[%mul3A_680] : memref<10000xi32, #tpu.memory_space<vmem>> -> memref<80xi32, #tpu.memory_space<vmem>>
      %dma_wait3A_688 = arith.constant 0 : i32
      %dma_wait3A_689 = arith.constant 0 : i32
      %dma_wait3A_690 = tpu.memref_slice %arg11[%dma_wait3A_688, %dma_wait3A_689] : memref<10000x32xf32, #tpu.memory_space<vmem_shared>> -> memref<10000x32xf32, #tpu.memory_space<vmem_shared>>
      %dma_wait3A_691 = tpu.memref_slice %arg10[%dma_wait3A_682] : memref<8x!tpu.dma_semaphore, #tpu.memory_space<semaphore_mem>> -> memref<1x!tpu.dma_semaphore, #tpu.memory_space<semaphore_mem>>
      %dma_wait3A_692 = tpu.memref_squeeze %dma_wait3A_691 : memref<1x!tpu.dma_semaphore, #tpu.memory_space<semaphore_mem>> -> memref<!tpu.dma_semaphore, #tpu.memory_space<semaphore_mem>>
      tpu.wait_indirect_dma semaphore(%dma_wait3A_692 : memref<!tpu.dma_semaphore, #tpu.memory_space<semaphore_mem>>) src(%dma_wait3A_686 : memref<80x32xf32, #tpu.memory_space<vmem>>) dst(%dma_wait3A_690 : memref<10000x32xf32, #tpu.memory_space<vmem_shared>>)
      %add3A_693 = arith.constant 8 : i32
      %add3A_694 = arith.addi %add3A_678, %add3A_693 : i32
      %lt3A_695 = arith.constant 125 : i32
      %lt3A_696 = arith.cmpi slt, %add3A_694, %lt3A_695 : i32
      %convert_element_type3A_697 = arith.extui %lt3A_696 : i1 to i32
      %cond3A_698 = arith.constant 0 : i32
      %cond3A_699 = arith.cmpi ne, %convert_element_type3A_697, %cond3A_698 : i32
      scf.if %cond3A_699 {
        %add3A_746 = arith.constant 8 : i32
        %add3A_747 = arith.addi %add3A_678, %add3A_746 : i32
        %mul3A_748 = arith.constant 80 : i32
        %mul3A_749 = arith.muli %add3A_747, %mul3A_748 : i32
        %dma_start3A_750 = arith.constant 5 : i32
        %dma_start3A_751 = arith.constant 5 : i32
        %dma_start3A_752 = arith.constant 0 : i32
        %dma_start3A_753 = arith.constant 0 : i32
        %dma_start3A_754 = tpu.memref_slice %arg8[%dma_start3A_750, %dma_start3A_752, %dma_start3A_753] : memref<8x80x32xf32, #tpu.memory_space<vmem>> -> memref<1x80x32xf32, #tpu.memory_space<vmem>>
        %dma_start3A_755 = tpu.memref_squeeze %dma_start3A_754 : memref<1x80x32xf32, #tpu.memory_space<vmem>> -> memref<80x32xf32, #tpu.memory_space<vmem>>
        %dma_start3A_756 = tpu.memref_slice %arg6[%mul3A_749] : memref<10000xi32, #tpu.memory_space<vmem>> -> memref<80xi32, #tpu.memory_space<vmem>>
        %dma_start3A_757 = arith.constant 0 : i32
        %dma_start3A_758 = arith.constant 0 : i32
        %dma_start3A_759 = tpu.memref_slice %arg12[%dma_start3A_757, %dma_start3A_758] : memref<10000x32xf32, #tpu.memory_space<vmem_shared>> -> memref<10000x32xf32, #tpu.memory_space<vmem_shared>>
        %dma_start3A_760 = tpu.memref_slice %arg9[%dma_start3A_751] : memref<8x!tpu.dma_semaphore, #tpu.memory_space<semaphore_mem>> -> memref<1x!tpu.dma_semaphore, #tpu.memory_space<semaphore_mem>>
        %dma_start3A_761 = tpu.memref_squeeze %dma_start3A_760 : memref<1x!tpu.dma_semaphore, #tpu.memory_space<semaphore_mem>> -> memref<!tpu.dma_semaphore, #tpu.memory_space<semaphore_mem>>
        tpu.enqueue_indirect_dma source(%dma_start3A_759 : memref<10000x32xf32, #tpu.memory_space<vmem_shared>>) target(%dma_start3A_755 : memref<80x32xf32, #tpu.memory_space<vmem>>) offsets(%dma_start3A_756 : memref<80xi32, #tpu.memory_space<vmem>>) semaphore(%dma_start3A_761 : memref<!tpu.dma_semaphore, #tpu.memory_space<semaphore_mem>>)
      } else {
      }
      %add3A_700 = arith.constant 6 : i32
      %add3A_701 = arith.addi %mul3A_324, %add3A_700 : i32
      %mul3A_702 = arith.constant 80 : i32
      %mul3A_703 = arith.muli %add3A_701, %mul3A_702 : i32
      %dma_wait3A_704 = arith.constant 6 : i32
      %dma_wait3A_705 = arith.constant 6 : i32
      %dma_wait3A_706 = arith.constant 0 : i32
      %dma_wait3A_707 = arith.constant 0 : i32
      %dma_wait3A_708 = tpu.memref_slice %arg8[%dma_wait3A_704, %dma_wait3A_706, %dma_wait3A_707] : memref<8x80x32xf32, #tpu.memory_space<vmem>> -> memref<1x80x32xf32, #tpu.memory_space<vmem>>
      %dma_wait3A_709 = tpu.memref_squeeze %dma_wait3A_708 : memref<1x80x32xf32, #tpu.memory_space<vmem>> -> memref<80x32xf32, #tpu.memory_space<vmem>>
      %dma_wait3A_710 = tpu.memref_slice %arg7[%mul3A_703] : memref<10000xi32, #tpu.memory_space<vmem>> -> memref<80xi32, #tpu.memory_space<vmem>>
      %dma_wait3A_711 = arith.constant 0 : i32
      %dma_wait3A_712 = arith.constant 0 : i32
      %dma_wait3A_713 = tpu.memref_slice %arg11[%dma_wait3A_711, %dma_wait3A_712] : memref<10000x32xf32, #tpu.memory_space<vmem_shared>> -> memref<10000x32xf32, #tpu.memory_space<vmem_shared>>
      %dma_wait3A_714 = tpu.memref_slice %arg10[%dma_wait3A_705] : memref<8x!tpu.dma_semaphore, #tpu.memory_space<semaphore_mem>> -> memref<1x!tpu.dma_semaphore, #tpu.memory_space<semaphore_mem>>
      %dma_wait3A_715 = tpu.memref_squeeze %dma_wait3A_714 : memref<1x!tpu.dma_semaphore, #tpu.memory_space<semaphore_mem>> -> memref<!tpu.dma_semaphore, #tpu.memory_space<semaphore_mem>>
      tpu.wait_indirect_dma semaphore(%dma_wait3A_715 : memref<!tpu.dma_semaphore, #tpu.memory_space<semaphore_mem>>) src(%dma_wait3A_709 : memref<80x32xf32, #tpu.memory_space<vmem>>) dst(%dma_wait3A_713 : memref<10000x32xf32, #tpu.memory_space<vmem_shared>>)
      %add3A_716 = arith.constant 8 : i32
      %add3A_717 = arith.addi %add3A_701, %add3A_716 : i32
      %lt3A_718 = arith.constant 125 : i32
      %lt3A_719 = arith.cmpi slt, %add3A_717, %lt3A_718 : i32
      %convert_element_type3A_720 = arith.extui %lt3A_719 : i1 to i32
      %cond3A_721 = arith.constant 0 : i32
      %cond3A_722 = arith.cmpi ne, %convert_element_type3A_720, %cond3A_721 : i32
      scf.if %cond3A_722 {
        %add3A_746 = arith.constant 8 : i32
        %add3A_747 = arith.addi %add3A_701, %add3A_746 : i32
        %mul3A_748 = arith.constant 80 : i32
        %mul3A_749 = arith.muli %add3A_747, %mul3A_748 : i32
        %dma_start3A_750 = arith.constant 6 : i32
        %dma_start3A_751 = arith.constant 6 : i32
        %dma_start3A_752 = arith.constant 0 : i32
        %dma_start3A_753 = arith.constant 0 : i32
        %dma_start3A_754 = tpu.memref_slice %arg8[%dma_start3A_750, %dma_start3A_752, %dma_start3A_753] : memref<8x80x32xf32, #tpu.memory_space<vmem>> -> memref<1x80x32xf32, #tpu.memory_space<vmem>>
        %dma_start3A_755 = tpu.memref_squeeze %dma_start3A_754 : memref<1x80x32xf32, #tpu.memory_space<vmem>> -> memref<80x32xf32, #tpu.memory_space<vmem>>
        %dma_start3A_756 = tpu.memref_slice %arg6[%mul3A_749] : memref<10000xi32, #tpu.memory_space<vmem>> -> memref<80xi32, #tpu.memory_space<vmem>>
        %dma_start3A_757 = arith.constant 0 : i32
        %dma_start3A_758 = arith.constant 0 : i32
        %dma_start3A_759 = tpu.memref_slice %arg12[%dma_start3A_757, %dma_start3A_758] : memref<10000x32xf32, #tpu.memory_space<vmem_shared>> -> memref<10000x32xf32, #tpu.memory_space<vmem_shared>>
        %dma_start3A_760 = tpu.memref_slice %arg9[%dma_start3A_751] : memref<8x!tpu.dma_semaphore, #tpu.memory_space<semaphore_mem>> -> memref<1x!tpu.dma_semaphore, #tpu.memory_space<semaphore_mem>>
        %dma_start3A_761 = tpu.memref_squeeze %dma_start3A_760 : memref<1x!tpu.dma_semaphore, #tpu.memory_space<semaphore_mem>> -> memref<!tpu.dma_semaphore, #tpu.memory_space<semaphore_mem>>
        tpu.enqueue_indirect_dma source(%dma_start3A_759 : memref<10000x32xf32, #tpu.memory_space<vmem_shared>>) target(%dma_start3A_755 : memref<80x32xf32, #tpu.memory_space<vmem>>) offsets(%dma_start3A_756 : memref<80xi32, #tpu.memory_space<vmem>>) semaphore(%dma_start3A_761 : memref<!tpu.dma_semaphore, #tpu.memory_space<semaphore_mem>>)
      } else {
      }
      %add3A_723 = arith.constant 7 : i32
      %add3A_724 = arith.addi %mul3A_324, %add3A_723 : i32
      %mul3A_725 = arith.constant 80 : i32
      %mul3A_726 = arith.muli %add3A_724, %mul3A_725 : i32
      %dma_wait3A_727 = arith.constant 7 : i32
      %dma_wait3A_728 = arith.constant 7 : i32
      %dma_wait3A_729 = arith.constant 0 : i32
      %dma_wait3A_730 = arith.constant 0 : i32
      %dma_wait3A_731 = tpu.memref_slice %arg8[%dma_wait3A_727, %dma_wait3A_729, %dma_wait3A_730] : memref<8x80x32xf32, #tpu.memory_space<vmem>> -> memref<1x80x32xf32, #tpu.memory_space<vmem>>
      %dma_wait3A_732 = tpu.memref_squeeze %dma_wait3A_731 : memref<1x80x32xf32, #tpu.memory_space<vmem>> -> memref<80x32xf32, #tpu.memory_space<vmem>>
      %dma_wait3A_733 = tpu.memref_slice %arg7[%mul3A_726] : memref<10000xi32, #tpu.memory_space<vmem>> -> memref<80xi32, #tpu.memory_space<vmem>>
      %dma_wait3A_734 = arith.constant 0 : i32
      %dma_wait3A_735 = arith.constant 0 : i32
      %dma_wait3A_736 = tpu.memref_slice %arg11[%dma_wait3A_734, %dma_wait3A_735] : memref<10000x32xf32, #tpu.memory_space<vmem_shared>> -> memref<10000x32xf32, #tpu.memory_space<vmem_shared>>
      %dma_wait3A_737 = tpu.memref_slice %arg10[%dma_wait3A_728] : memref<8x!tpu.dma_semaphore, #tpu.memory_space<semaphore_mem>> -> memref<1x!tpu.dma_semaphore, #tpu.memory_space<semaphore_mem>>
      %dma_wait3A_738 = tpu.memref_squeeze %dma_wait3A_737 : memref<1x!tpu.dma_semaphore, #tpu.memory_space<semaphore_mem>> -> memref<!tpu.dma_semaphore, #tpu.memory_space<semaphore_mem>>
      tpu.wait_indirect_dma semaphore(%dma_wait3A_738 : memref<!tpu.dma_semaphore, #tpu.memory_space<semaphore_mem>>) src(%dma_wait3A_732 : memref<80x32xf32, #tpu.memory_space<vmem>>) dst(%dma_wait3A_736 : memref<10000x32xf32, #tpu.memory_space<vmem_shared>>)
      %add3A_739 = arith.constant 8 : i32
      %add3A_740 = arith.addi %add3A_724, %add3A_739 : i32
      %lt3A_741 = arith.constant 125 : i32
      %lt3A_742 = arith.cmpi slt, %add3A_740, %lt3A_741 : i32
      %convert_element_type3A_743 = arith.extui %lt3A_742 : i1 to i32
      %cond3A_744 = arith.constant 0 : i32
      %cond3A_745 = arith.cmpi ne, %convert_element_type3A_743, %cond3A_744 : i32
      scf.if %cond3A_745 {
        %add3A_746 = arith.constant 8 : i32
        %add3A_747 = arith.addi %add3A_724, %add3A_746 : i32
        %mul3A_748 = arith.constant 80 : i32
        %mul3A_749 = arith.muli %add3A_747, %mul3A_748 : i32
        %dma_start3A_750 = arith.constant 7 : i32
        %dma_start3A_751 = arith.constant 7 : i32
        %dma_start3A_752 = arith.constant 0 : i32
        %dma_start3A_753 = arith.constant 0 : i32
        %dma_start3A_754 = tpu.memref_slice %arg8[%dma_start3A_750, %dma_start3A_752, %dma_start3A_753] : memref<8x80x32xf32, #tpu.memory_space<vmem>> -> memref<1x80x32xf32, #tpu.memory_space<vmem>>
        %dma_start3A_755 = tpu.memref_squeeze %dma_start3A_754 : memref<1x80x32xf32, #tpu.memory_space<vmem>> -> memref<80x32xf32, #tpu.memory_space<vmem>>
        %dma_start3A_756 = tpu.memref_slice %arg6[%mul3A_749] : memref<10000xi32, #tpu.memory_space<vmem>> -> memref<80xi32, #tpu.memory_space<vmem>>
        %dma_start3A_757 = arith.constant 0 : i32
        %dma_start3A_758 = arith.constant 0 : i32
        %dma_start3A_759 = tpu.memref_slice %arg12[%dma_start3A_757, %dma_start3A_758] : memref<10000x32xf32, #tpu.memory_space<vmem_shared>> -> memref<10000x32xf32, #tpu.memory_space<vmem_shared>>
        %dma_start3A_760 = tpu.memref_slice %arg9[%dma_start3A_751] : memref<8x!tpu.dma_semaphore, #tpu.memory_space<semaphore_mem>> -> memref<1x!tpu.dma_semaphore, #tpu.memory_space<semaphore_mem>>
        %dma_start3A_761 = tpu.memref_squeeze %dma_start3A_760 : memref<1x!tpu.dma_semaphore, #tpu.memory_space<semaphore_mem>> -> memref<!tpu.dma_semaphore, #tpu.memory_space<semaphore_mem>>
        tpu.enqueue_indirect_dma source(%dma_start3A_759 : memref<10000x32xf32, #tpu.memory_space<vmem_shared>>) target(%dma_start3A_755 : memref<80x32xf32, #tpu.memory_space<vmem>>) offsets(%dma_start3A_756 : memref<80xi32, #tpu.memory_space<vmem>>) semaphore(%dma_start3A_761 : memref<!tpu.dma_semaphore, #tpu.memory_space<semaphore_mem>>)
      } else {
      }
    }
    %scan3A_118 = arith.constant 15 : i32
    %dma_wait3A = arith.constant 0 : i32
    %dma_wait3A_119 = arith.constant 0 : i32
    %dma_wait3A_120 = arith.constant 0 : i32
    %dma_wait3A_121 = arith.constant 0 : i32
    %dma_wait3A_122 = tpu.memref_slice %arg8[%dma_wait3A, %dma_wait3A_120, %dma_wait3A_121] : memref<8x80x32xf32, #tpu.memory_space<vmem>> -> memref<1x80x32xf32, #tpu.memory_space<vmem>>
    %dma_wait3A_123 = tpu.memref_squeeze %dma_wait3A_122 : memref<1x80x32xf32, #tpu.memory_space<vmem>> -> memref<80x32xf32, #tpu.memory_space<vmem>>
    %dma_wait3A_124 = arith.constant 9600 : i32
    %dma_wait3A_125 = tpu.memref_slice %arg6[%dma_wait3A_124] : memref<10000xi32, #tpu.memory_space<vmem>> -> memref<80xi32, #tpu.memory_space<vmem>>
    %dma_wait3A_126 = arith.constant 0 : i32
    %dma_wait3A_127 = arith.constant 0 : i32
    %dma_wait3A_128 = tpu.memref_slice %arg12[%dma_wait3A_126, %dma_wait3A_127] : memref<10000x32xf32, #tpu.memory_space<vmem_shared>> -> memref<10000x32xf32, #tpu.memory_space<vmem_shared>>
    %dma_wait3A_129 = tpu.memref_slice %arg9[%dma_wait3A_119] : memref<8x!tpu.dma_semaphore, #tpu.memory_space<semaphore_mem>> -> memref<1x!tpu.dma_semaphore, #tpu.memory_space<semaphore_mem>>
    %dma_wait3A_130 = tpu.memref_squeeze %dma_wait3A_129 : memref<1x!tpu.dma_semaphore, #tpu.memory_space<semaphore_mem>> -> memref<!tpu.dma_semaphore, #tpu.memory_space<semaphore_mem>>
    tpu.wait_indirect_dma semaphore(%dma_wait3A_130 : memref<!tpu.dma_semaphore, #tpu.memory_space<semaphore_mem>>) src(%dma_wait3A_128 : memref<10000x32xf32, #tpu.memory_space<vmem_shared>>) dst(%dma_wait3A_123 : memref<80x32xf32, #tpu.memory_space<vmem>>)
    %dma_start3A_131 = arith.constant 0 : i32
    %dma_start3A_132 = arith.constant 0 : i32
    %dma_start3A_133 = arith.constant 0 : i32
    %dma_start3A_134 = arith.constant 0 : i32
    %dma_start3A_135 = tpu.memref_slice %arg8[%dma_start3A_131, %dma_start3A_133, %dma_start3A_134] : memref<8x80x32xf32, #tpu.memory_space<vmem>> -> memref<1x80x32xf32, #tpu.memory_space<vmem>>
    %dma_start3A_136 = tpu.memref_squeeze %dma_start3A_135 : memref<1x80x32xf32, #tpu.memory_space<vmem>> -> memref<80x32xf32, #tpu.memory_space<vmem>>
    %dma_start3A_137 = arith.constant 9600 : i32
    %dma_start3A_138 = tpu.memref_slice %arg7[%dma_start3A_137] : memref<10000xi32, #tpu.memory_space<vmem>> -> memref<80xi32, #tpu.memory_space<vmem>>
    %dma_start3A_139 = arith.constant 0 : i32
    %dma_start3A_140 = arith.constant 0 : i32
    %dma_start3A_141 = tpu.memref_slice %arg11[%dma_start3A_139, %dma_start3A_140] : memref<10000x32xf32, #tpu.memory_space<vmem_shared>> -> memref<10000x32xf32, #tpu.memory_space<vmem_shared>>
    %dma_start3A_142 = tpu.memref_slice %arg10[%dma_start3A_132] : memref<8x!tpu.dma_semaphore, #tpu.memory_space<semaphore_mem>> -> memref<1x!tpu.dma_semaphore, #tpu.memory_space<semaphore_mem>>
    %dma_start3A_143 = tpu.memref_squeeze %dma_start3A_142 : memref<1x!tpu.dma_semaphore, #tpu.memory_space<semaphore_mem>> -> memref<!tpu.dma_semaphore, #tpu.memory_space<semaphore_mem>>
    tpu.enqueue_indirect_dma source(%dma_start3A_136 : memref<80x32xf32, #tpu.memory_space<vmem>>) target(%dma_start3A_141 : memref<10000x32xf32, #tpu.memory_space<vmem_shared>>) offsets(%dma_start3A_138 : memref<80xi32, #tpu.memory_space<vmem>>) semaphore(%dma_start3A_143 : memref<!tpu.dma_semaphore, #tpu.memory_space<semaphore_mem>>) {add = true}
    %dma_wait3A_144 = arith.constant 1 : i32
    %dma_wait3A_145 = arith.constant 1 : i32
    %dma_wait3A_146 = arith.constant 0 : i32
    %dma_wait3A_147 = arith.constant 0 : i32
    %dma_wait3A_148 = tpu.memref_slice %arg8[%dma_wait3A_144, %dma_wait3A_146, %dma_wait3A_147] : memref<8x80x32xf32, #tpu.memory_space<vmem>> -> memref<1x80x32xf32, #tpu.memory_space<vmem>>
    %dma_wait3A_149 = tpu.memref_squeeze %dma_wait3A_148 : memref<1x80x32xf32, #tpu.memory_space<vmem>> -> memref<80x32xf32, #tpu.memory_space<vmem>>
    %dma_wait3A_150 = arith.constant 9680 : i32
    %dma_wait3A_151 = tpu.memref_slice %arg6[%dma_wait3A_150] : memref<10000xi32, #tpu.memory_space<vmem>> -> memref<80xi32, #tpu.memory_space<vmem>>
    %dma_wait3A_152 = arith.constant 0 : i32
    %dma_wait3A_153 = arith.constant 0 : i32
    %dma_wait3A_154 = tpu.memref_slice %arg12[%dma_wait3A_152, %dma_wait3A_153] : memref<10000x32xf32, #tpu.memory_space<vmem_shared>> -> memref<10000x32xf32, #tpu.memory_space<vmem_shared>>
    %dma_wait3A_155 = tpu.memref_slice %arg9[%dma_wait3A_145] : memref<8x!tpu.dma_semaphore, #tpu.memory_space<semaphore_mem>> -> memref<1x!tpu.dma_semaphore, #tpu.memory_space<semaphore_mem>>
    %dma_wait3A_156 = tpu.memref_squeeze %dma_wait3A_155 : memref<1x!tpu.dma_semaphore, #tpu.memory_space<semaphore_mem>> -> memref<!tpu.dma_semaphore, #tpu.memory_space<semaphore_mem>>
    tpu.wait_indirect_dma semaphore(%dma_wait3A_156 : memref<!tpu.dma_semaphore, #tpu.memory_space<semaphore_mem>>) src(%dma_wait3A_154 : memref<10000x32xf32, #tpu.memory_space<vmem_shared>>) dst(%dma_wait3A_149 : memref<80x32xf32, #tpu.memory_space<vmem>>)
    %dma_start3A_157 = arith.constant 1 : i32
    %dma_start3A_158 = arith.constant 1 : i32
    %dma_start3A_159 = arith.constant 0 : i32
    %dma_start3A_160 = arith.constant 0 : i32
    %dma_start3A_161 = tpu.memref_slice %arg8[%dma_start3A_157, %dma_start3A_159, %dma_start3A_160] : memref<8x80x32xf32, #tpu.memory_space<vmem>> -> memref<1x80x32xf32, #tpu.memory_space<vmem>>
    %dma_start3A_162 = tpu.memref_squeeze %dma_start3A_161 : memref<1x80x32xf32, #tpu.memory_space<vmem>> -> memref<80x32xf32, #tpu.memory_space<vmem>>
    %dma_start3A_163 = arith.constant 9680 : i32
    %dma_start3A_164 = tpu.memref_slice %arg7[%dma_start3A_163] : memref<10000xi32, #tpu.memory_space<vmem>> -> memref<80xi32, #tpu.memory_space<vmem>>
    %dma_start3A_165 = arith.constant 0 : i32
    %dma_start3A_166 = arith.constant 0 : i32
    %dma_start3A_167 = tpu.memref_slice %arg11[%dma_start3A_165, %dma_start3A_166] : memref<10000x32xf32, #tpu.memory_space<vmem_shared>> -> memref<10000x32xf32, #tpu.memory_space<vmem_shared>>
    %dma_start3A_168 = tpu.memref_slice %arg10[%dma_start3A_158] : memref<8x!tpu.dma_semaphore, #tpu.memory_space<semaphore_mem>> -> memref<1x!tpu.dma_semaphore, #tpu.memory_space<semaphore_mem>>
    %dma_start3A_169 = tpu.memref_squeeze %dma_start3A_168 : memref<1x!tpu.dma_semaphore, #tpu.memory_space<semaphore_mem>> -> memref<!tpu.dma_semaphore, #tpu.memory_space<semaphore_mem>>
    tpu.enqueue_indirect_dma source(%dma_start3A_162 : memref<80x32xf32, #tpu.memory_space<vmem>>) target(%dma_start3A_167 : memref<10000x32xf32, #tpu.memory_space<vmem_shared>>) offsets(%dma_start3A_164 : memref<80xi32, #tpu.memory_space<vmem>>) semaphore(%dma_start3A_169 : memref<!tpu.dma_semaphore, #tpu.memory_space<semaphore_mem>>) {add = true}
    %dma_wait3A_170 = arith.constant 2 : i32
    %dma_wait3A_171 = arith.constant 2 : i32
    %dma_wait3A_172 = arith.constant 0 : i32
    %dma_wait3A_173 = arith.constant 0 : i32
    %dma_wait3A_174 = tpu.memref_slice %arg8[%dma_wait3A_170, %dma_wait3A_172, %dma_wait3A_173] : memref<8x80x32xf32, #tpu.memory_space<vmem>> -> memref<1x80x32xf32, #tpu.memory_space<vmem>>
    %dma_wait3A_175 = tpu.memref_squeeze %dma_wait3A_174 : memref<1x80x32xf32, #tpu.memory_space<vmem>> -> memref<80x32xf32, #tpu.memory_space<vmem>>
    %dma_wait3A_176 = arith.constant 9760 : i32
    %dma_wait3A_177 = tpu.memref_slice %arg6[%dma_wait3A_176] : memref<10000xi32, #tpu.memory_space<vmem>> -> memref<80xi32, #tpu.memory_space<vmem>>
    %dma_wait3A_178 = arith.constant 0 : i32
    %dma_wait3A_179 = arith.constant 0 : i32
    %dma_wait3A_180 = tpu.memref_slice %arg12[%dma_wait3A_178, %dma_wait3A_179] : memref<10000x32xf32, #tpu.memory_space<vmem_shared>> -> memref<10000x32xf32, #tpu.memory_space<vmem_shared>>
    %dma_wait3A_181 = tpu.memref_slice %arg9[%dma_wait3A_171] : memref<8x!tpu.dma_semaphore, #tpu.memory_space<semaphore_mem>> -> memref<1x!tpu.dma_semaphore, #tpu.memory_space<semaphore_mem>>
    %dma_wait3A_182 = tpu.memref_squeeze %dma_wait3A_181 : memref<1x!tpu.dma_semaphore, #tpu.memory_space<semaphore_mem>> -> memref<!tpu.dma_semaphore, #tpu.memory_space<semaphore_mem>>
    tpu.wait_indirect_dma semaphore(%dma_wait3A_182 : memref<!tpu.dma_semaphore, #tpu.memory_space<semaphore_mem>>) src(%dma_wait3A_180 : memref<10000x32xf32, #tpu.memory_space<vmem_shared>>) dst(%dma_wait3A_175 : memref<80x32xf32, #tpu.memory_space<vmem>>)
    %dma_start3A_183 = arith.constant 2 : i32
    %dma_start3A_184 = arith.constant 2 : i32
    %dma_start3A_185 = arith.constant 0 : i32
    %dma_start3A_186 = arith.constant 0 : i32
    %dma_start3A_187 = tpu.memref_slice %arg8[%dma_start3A_183, %dma_start3A_185, %dma_start3A_186] : memref<8x80x32xf32, #tpu.memory_space<vmem>> -> memref<1x80x32xf32, #tpu.memory_space<vmem>>
    %dma_start3A_188 = tpu.memref_squeeze %dma_start3A_187 : memref<1x80x32xf32, #tpu.memory_space<vmem>> -> memref<80x32xf32, #tpu.memory_space<vmem>>
    %dma_start3A_189 = arith.constant 9760 : i32
    %dma_start3A_190 = tpu.memref_slice %arg7[%dma_start3A_189] : memref<10000xi32, #tpu.memory_space<vmem>> -> memref<80xi32, #tpu.memory_space<vmem>>
    %dma_start3A_191 = arith.constant 0 : i32
    %dma_start3A_192 = arith.constant 0 : i32
    %dma_start3A_193 = tpu.memref_slice %arg11[%dma_start3A_191, %dma_start3A_192] : memref<10000x32xf32, #tpu.memory_space<vmem_shared>> -> memref<10000x32xf32, #tpu.memory_space<vmem_shared>>
    %dma_start3A_194 = tpu.memref_slice %arg10[%dma_start3A_184] : memref<8x!tpu.dma_semaphore, #tpu.memory_space<semaphore_mem>> -> memref<1x!tpu.dma_semaphore, #tpu.memory_space<semaphore_mem>>
    %dma_start3A_195 = tpu.memref_squeeze %dma_start3A_194 : memref<1x!tpu.dma_semaphore, #tpu.memory_space<semaphore_mem>> -> memref<!tpu.dma_semaphore, #tpu.memory_space<semaphore_mem>>
    tpu.enqueue_indirect_dma source(%dma_start3A_188 : memref<80x32xf32, #tpu.memory_space<vmem>>) target(%dma_start3A_193 : memref<10000x32xf32, #tpu.memory_space<vmem_shared>>) offsets(%dma_start3A_190 : memref<80xi32, #tpu.memory_space<vmem>>) semaphore(%dma_start3A_195 : memref<!tpu.dma_semaphore, #tpu.memory_space<semaphore_mem>>) {add = true}
    %dma_wait3A_196 = arith.constant 3 : i32
    %dma_wait3A_197 = arith.constant 3 : i32
    %dma_wait3A_198 = arith.constant 0 : i32
    %dma_wait3A_199 = arith.constant 0 : i32
    %dma_wait3A_200 = tpu.memref_slice %arg8[%dma_wait3A_196, %dma_wait3A_198, %dma_wait3A_199] : memref<8x80x32xf32, #tpu.memory_space<vmem>> -> memref<1x80x32xf32, #tpu.memory_space<vmem>>
    %dma_wait3A_201 = tpu.memref_squeeze %dma_wait3A_200 : memref<1x80x32xf32, #tpu.memory_space<vmem>> -> memref<80x32xf32, #tpu.memory_space<vmem>>
    %dma_wait3A_202 = arith.constant 9840 : i32
    %dma_wait3A_203 = tpu.memref_slice %arg6[%dma_wait3A_202] : memref<10000xi32, #tpu.memory_space<vmem>> -> memref<80xi32, #tpu.memory_space<vmem>>
    %dma_wait3A_204 = arith.constant 0 : i32
    %dma_wait3A_205 = arith.constant 0 : i32
    %dma_wait3A_206 = tpu.memref_slice %arg12[%dma_wait3A_204, %dma_wait3A_205] : memref<10000x32xf32, #tpu.memory_space<vmem_shared>> -> memref<10000x32xf32, #tpu.memory_space<vmem_shared>>
    %dma_wait3A_207 = tpu.memref_slice %arg9[%dma_wait3A_197] : memref<8x!tpu.dma_semaphore, #tpu.memory_space<semaphore_mem>> -> memref<1x!tpu.dma_semaphore, #tpu.memory_space<semaphore_mem>>
    %dma_wait3A_208 = tpu.memref_squeeze %dma_wait3A_207 : memref<1x!tpu.dma_semaphore, #tpu.memory_space<semaphore_mem>> -> memref<!tpu.dma_semaphore, #tpu.memory_space<semaphore_mem>>
    tpu.wait_indirect_dma semaphore(%dma_wait3A_208 : memref<!tpu.dma_semaphore, #tpu.memory_space<semaphore_mem>>) src(%dma_wait3A_206 : memref<10000x32xf32, #tpu.memory_space<vmem_shared>>) dst(%dma_wait3A_201 : memref<80x32xf32, #tpu.memory_space<vmem>>)
    %dma_start3A_209 = arith.constant 3 : i32
    %dma_start3A_210 = arith.constant 3 : i32
    %dma_start3A_211 = arith.constant 0 : i32
    %dma_start3A_212 = arith.constant 0 : i32
    %dma_start3A_213 = tpu.memref_slice %arg8[%dma_start3A_209, %dma_start3A_211, %dma_start3A_212] : memref<8x80x32xf32, #tpu.memory_space<vmem>> -> memref<1x80x32xf32, #tpu.memory_space<vmem>>
    %dma_start3A_214 = tpu.memref_squeeze %dma_start3A_213 : memref<1x80x32xf32, #tpu.memory_space<vmem>> -> memref<80x32xf32, #tpu.memory_space<vmem>>
    %dma_start3A_215 = arith.constant 9840 : i32
    %dma_start3A_216 = tpu.memref_slice %arg7[%dma_start3A_215] : memref<10000xi32, #tpu.memory_space<vmem>> -> memref<80xi32, #tpu.memory_space<vmem>>
    %dma_start3A_217 = arith.constant 0 : i32
    %dma_start3A_218 = arith.constant 0 : i32
    %dma_start3A_219 = tpu.memref_slice %arg11[%dma_start3A_217, %dma_start3A_218] : memref<10000x32xf32, #tpu.memory_space<vmem_shared>> -> memref<10000x32xf32, #tpu.memory_space<vmem_shared>>
    %dma_start3A_220 = tpu.memref_slice %arg10[%dma_start3A_210] : memref<8x!tpu.dma_semaphore, #tpu.memory_space<semaphore_mem>> -> memref<1x!tpu.dma_semaphore, #tpu.memory_space<semaphore_mem>>
    %dma_start3A_221 = tpu.memref_squeeze %dma_start3A_220 : memref<1x!tpu.dma_semaphore, #tpu.memory_space<semaphore_mem>> -> memref<!tpu.dma_semaphore, #tpu.memory_space<semaphore_mem>>
    tpu.enqueue_indirect_dma source(%dma_start3A_214 : memref<80x32xf32, #tpu.memory_space<vmem>>) target(%dma_start3A_219 : memref<10000x32xf32, #tpu.memory_space<vmem_shared>>) offsets(%dma_start3A_216 : memref<80xi32, #tpu.memory_space<vmem>>) semaphore(%dma_start3A_221 : memref<!tpu.dma_semaphore, #tpu.memory_space<semaphore_mem>>) {add = true}
    %dma_wait3A_222 = arith.constant 4 : i32
    %dma_wait3A_223 = arith.constant 4 : i32
    %dma_wait3A_224 = arith.constant 0 : i32
    %dma_wait3A_225 = arith.constant 0 : i32
    %dma_wait3A_226 = tpu.memref_slice %arg8[%dma_wait3A_222, %dma_wait3A_224, %dma_wait3A_225] : memref<8x80x32xf32, #tpu.memory_space<vmem>> -> memref<1x80x32xf32, #tpu.memory_space<vmem>>
    %dma_wait3A_227 = tpu.memref_squeeze %dma_wait3A_226 : memref<1x80x32xf32, #tpu.memory_space<vmem>> -> memref<80x32xf32, #tpu.memory_space<vmem>>
    %dma_wait3A_228 = arith.constant 9920 : i32
    %dma_wait3A_229 = tpu.memref_slice %arg6[%dma_wait3A_228] : memref<10000xi32, #tpu.memory_space<vmem>> -> memref<80xi32, #tpu.memory_space<vmem>>
    %dma_wait3A_230 = arith.constant 0 : i32
    %dma_wait3A_231 = arith.constant 0 : i32
    %dma_wait3A_232 = tpu.memref_slice %arg12[%dma_wait3A_230, %dma_wait3A_231] : memref<10000x32xf32, #tpu.memory_space<vmem_shared>> -> memref<10000x32xf32, #tpu.memory_space<vmem_shared>>
    %dma_wait3A_233 = tpu.memref_slice %arg9[%dma_wait3A_223] : memref<8x!tpu.dma_semaphore, #tpu.memory_space<semaphore_mem>> -> memref<1x!tpu.dma_semaphore, #tpu.memory_space<semaphore_mem>>
    %dma_wait3A_234 = tpu.memref_squeeze %dma_wait3A_233 : memref<1x!tpu.dma_semaphore, #tpu.memory_space<semaphore_mem>> -> memref<!tpu.dma_semaphore, #tpu.memory_space<semaphore_mem>>
    tpu.wait_indirect_dma semaphore(%dma_wait3A_234 : memref<!tpu.dma_semaphore, #tpu.memory_space<semaphore_mem>>) src(%dma_wait3A_232 : memref<10000x32xf32, #tpu.memory_space<vmem_shared>>) dst(%dma_wait3A_227 : memref<80x32xf32, #tpu.memory_space<vmem>>)
    %dma_start3A_235 = arith.constant 4 : i32
    %dma_start3A_236 = arith.constant 4 : i32
    %dma_start3A_237 = arith.constant 0 : i32
    %dma_start3A_238 = arith.constant 0 : i32
    %dma_start3A_239 = tpu.memref_slice %arg8[%dma_start3A_235, %dma_start3A_237, %dma_start3A_238] : memref<8x80x32xf32, #tpu.memory_space<vmem>> -> memref<1x80x32xf32, #tpu.memory_space<vmem>>
    %dma_start3A_240 = tpu.memref_squeeze %dma_start3A_239 : memref<1x80x32xf32, #tpu.memory_space<vmem>> -> memref<80x32xf32, #tpu.memory_space<vmem>>
    %dma_start3A_241 = arith.constant 9920 : i32
    %dma_start3A_242 = tpu.memref_slice %arg7[%dma_start3A_241] : memref<10000xi32, #tpu.memory_space<vmem>> -> memref<80xi32, #tpu.memory_space<vmem>>
    %dma_start3A_243 = arith.constant 0 : i32
    %dma_start3A_244 = arith.constant 0 : i32
    %dma_start3A_245 = tpu.memref_slice %arg11[%dma_start3A_243, %dma_start3A_244] : memref<10000x32xf32, #tpu.memory_space<vmem_shared>> -> memref<10000x32xf32, #tpu.memory_space<vmem_shared>>
    %dma_start3A_246 = tpu.memref_slice %arg10[%dma_start3A_236] : memref<8x!tpu.dma_semaphore, #tpu.memory_space<semaphore_mem>> -> memref<1x!tpu.dma_semaphore, #tpu.memory_space<semaphore_mem>>
    %dma_start3A_247 = tpu.memref_squeeze %dma_start3A_246 : memref<1x!tpu.dma_semaphore, #tpu.memory_space<semaphore_mem>> -> memref<!tpu.dma_semaphore, #tpu.memory_space<semaphore_mem>>
    tpu.enqueue_indirect_dma source(%dma_start3A_240 : memref<80x32xf32, #tpu.memory_space<vmem>>) target(%dma_start3A_245 : memref<10000x32xf32, #tpu.memory_space<vmem_shared>>) offsets(%dma_start3A_242 : memref<80xi32, #tpu.memory_space<vmem>>) semaphore(%dma_start3A_247 : memref<!tpu.dma_semaphore, #tpu.memory_space<semaphore_mem>>) {add = true}
    %dma_wait3A_248 = arith.constant 0 : i32
    %dma_wait3A_249 = arith.constant 0 : i32
    %dma_wait3A_250 = arith.constant 0 : i32
    %dma_wait3A_251 = arith.constant 0 : i32
    %dma_wait3A_252 = tpu.memref_slice %arg8[%dma_wait3A_248, %dma_wait3A_250, %dma_wait3A_251] : memref<8x80x32xf32, #tpu.memory_space<vmem>> -> memref<1x80x32xf32, #tpu.memory_space<vmem>>
    %dma_wait3A_253 = tpu.memref_squeeze %dma_wait3A_252 : memref<1x80x32xf32, #tpu.memory_space<vmem>> -> memref<80x32xf32, #tpu.memory_space<vmem>>
    %dma_wait3A_254 = arith.constant 9600 : i32
    %dma_wait3A_255 = tpu.memref_slice %arg7[%dma_wait3A_254] : memref<10000xi32, #tpu.memory_space<vmem>> -> memref<80xi32, #tpu.memory_space<vmem>>
    %dma_wait3A_256 = arith.constant 0 : i32
    %dma_wait3A_257 = arith.constant 0 : i32
    %dma_wait3A_258 = tpu.memref_slice %arg11[%dma_wait3A_256, %dma_wait3A_257] : memref<10000x32xf32, #tpu.memory_space<vmem_shared>> -> memref<10000x32xf32, #tpu.memory_space<vmem_shared>>
    %dma_wait3A_259 = tpu.memref_slice %arg10[%dma_wait3A_249] : memref<8x!tpu.dma_semaphore, #tpu.memory_space<semaphore_mem>> -> memref<1x!tpu.dma_semaphore, #tpu.memory_space<semaphore_mem>>
    %dma_wait3A_260 = tpu.memref_squeeze %dma_wait3A_259 : memref<1x!tpu.dma_semaphore, #tpu.memory_space<semaphore_mem>> -> memref<!tpu.dma_semaphore, #tpu.memory_space<semaphore_mem>>
    tpu.wait_indirect_dma semaphore(%dma_wait3A_260 : memref<!tpu.dma_semaphore, #tpu.memory_space<semaphore_mem>>) src(%dma_wait3A_253 : memref<80x32xf32, #tpu.memory_space<vmem>>) dst(%dma_wait3A_258 : memref<10000x32xf32, #tpu.memory_space<vmem_shared>>)
    %dma_wait3A_261 = arith.constant 1 : i32
    %dma_wait3A_262 = arith.constant 1 : i32
    %dma_wait3A_263 = arith.constant 0 : i32
    %dma_wait3A_264 = arith.constant 0 : i32
    %dma_wait3A_265 = tpu.memref_slice %arg8[%dma_wait3A_261, %dma_wait3A_263, %dma_wait3A_264] : memref<8x80x32xf32, #tpu.memory_space<vmem>> -> memref<1x80x32xf32, #tpu.memory_space<vmem>>
    %dma_wait3A_266 = tpu.memref_squeeze %dma_wait3A_265 : memref<1x80x32xf32, #tpu.memory_space<vmem>> -> memref<80x32xf32, #tpu.memory_space<vmem>>
    %dma_wait3A_267 = arith.constant 9680 : i32
    %dma_wait3A_268 = tpu.memref_slice %arg7[%dma_wait3A_267] : memref<10000xi32, #tpu.memory_space<vmem>> -> memref<80xi32, #tpu.memory_space<vmem>>
    %dma_wait3A_269 = arith.constant 0 : i32
    %dma_wait3A_270 = arith.constant 0 : i32
    %dma_wait3A_271 = tpu.memref_slice %arg11[%dma_wait3A_269, %dma_wait3A_270] : memref<10000x32xf32, #tpu.memory_space<vmem_shared>> -> memref<10000x32xf32, #tpu.memory_space<vmem_shared>>
    %dma_wait3A_272 = tpu.memref_slice %arg10[%dma_wait3A_262] : memref<8x!tpu.dma_semaphore, #tpu.memory_space<semaphore_mem>> -> memref<1x!tpu.dma_semaphore, #tpu.memory_space<semaphore_mem>>
    %dma_wait3A_273 = tpu.memref_squeeze %dma_wait3A_272 : memref<1x!tpu.dma_semaphore, #tpu.memory_space<semaphore_mem>> -> memref<!tpu.dma_semaphore, #tpu.memory_space<semaphore_mem>>
    tpu.wait_indirect_dma semaphore(%dma_wait3A_273 : memref<!tpu.dma_semaphore, #tpu.memory_space<semaphore_mem>>) src(%dma_wait3A_266 : memref<80x32xf32, #tpu.memory_space<vmem>>) dst(%dma_wait3A_271 : memref<10000x32xf32, #tpu.memory_space<vmem_shared>>)
    %dma_wait3A_274 = arith.constant 2 : i32
    %dma_wait3A_275 = arith.constant 2 : i32
    %dma_wait3A_276 = arith.constant 0 : i32
    %dma_wait3A_277 = arith.constant 0 : i32
    %dma_wait3A_278 = tpu.memref_slice %arg8[%dma_wait3A_274, %dma_wait3A_276, %dma_wait3A_277] : memref<8x80x32xf32, #tpu.memory_space<vmem>> -> memref<1x80x32xf32, #tpu.memory_space<vmem>>
    %dma_wait3A_279 = tpu.memref_squeeze %dma_wait3A_278 : memref<1x80x32xf32, #tpu.memory_space<vmem>> -> memref<80x32xf32, #tpu.memory_space<vmem>>
    %dma_wait3A_280 = arith.constant 9760 : i32
    %dma_wait3A_281 = tpu.memref_slice %arg7[%dma_wait3A_280] : memref<10000xi32, #tpu.memory_space<vmem>> -> memref<80xi32, #tpu.memory_space<vmem>>
    %dma_wait3A_282 = arith.constant 0 : i32
    %dma_wait3A_283 = arith.constant 0 : i32
    %dma_wait3A_284 = tpu.memref_slice %arg11[%dma_wait3A_282, %dma_wait3A_283] : memref<10000x32xf32, #tpu.memory_space<vmem_shared>> -> memref<10000x32xf32, #tpu.memory_space<vmem_shared>>
    %dma_wait3A_285 = tpu.memref_slice %arg10[%dma_wait3A_275] : memref<8x!tpu.dma_semaphore, #tpu.memory_space<semaphore_mem>> -> memref<1x!tpu.dma_semaphore, #tpu.memory_space<semaphore_mem>>
    %dma_wait3A_286 = tpu.memref_squeeze %dma_wait3A_285 : memref<1x!tpu.dma_semaphore, #tpu.memory_space<semaphore_mem>> -> memref<!tpu.dma_semaphore, #tpu.memory_space<semaphore_mem>>
    tpu.wait_indirect_dma semaphore(%dma_wait3A_286 : memref<!tpu.dma_semaphore, #tpu.memory_space<semaphore_mem>>) src(%dma_wait3A_279 : memref<80x32xf32, #tpu.memory_space<vmem>>) dst(%dma_wait3A_284 : memref<10000x32xf32, #tpu.memory_space<vmem_shared>>)
    %dma_wait3A_287 = arith.constant 3 : i32
    %dma_wait3A_288 = arith.constant 3 : i32
    %dma_wait3A_289 = arith.constant 0 : i32
    %dma_wait3A_290 = arith.constant 0 : i32
    %dma_wait3A_291 = tpu.memref_slice %arg8[%dma_wait3A_287, %dma_wait3A_289, %dma_wait3A_290] : memref<8x80x32xf32, #tpu.memory_space<vmem>> -> memref<1x80x32xf32, #tpu.memory_space<vmem>>
    %dma_wait3A_292 = tpu.memref_squeeze %dma_wait3A_291 : memref<1x80x32xf32, #tpu.memory_space<vmem>> -> memref<80x32xf32, #tpu.memory_space<vmem>>
    %dma_wait3A_293 = arith.constant 9840 : i32
    %dma_wait3A_294 = tpu.memref_slice %arg7[%dma_wait3A_293] : memref<10000xi32, #tpu.memory_space<vmem>> -> memref<80xi32, #tpu.memory_space<vmem>>
    %dma_wait3A_295 = arith.constant 0 : i32
    %dma_wait3A_296 = arith.constant 0 : i32
    %dma_wait3A_297 = tpu.memref_slice %arg11[%dma_wait3A_295, %dma_wait3A_296] : memref<10000x32xf32, #tpu.memory_space<vmem_shared>> -> memref<10000x32xf32, #tpu.memory_space<vmem_shared>>
    %dma_wait3A_298 = tpu.memref_slice %arg10[%dma_wait3A_288] : memref<8x!tpu.dma_semaphore, #tpu.memory_space<semaphore_mem>> -> memref<1x!tpu.dma_semaphore, #tpu.memory_space<semaphore_mem>>
    %dma_wait3A_299 = tpu.memref_squeeze %dma_wait3A_298 : memref<1x!tpu.dma_semaphore, #tpu.memory_space<semaphore_mem>> -> memref<!tpu.dma_semaphore, #tpu.memory_space<semaphore_mem>>
    tpu.wait_indirect_dma semaphore(%dma_wait3A_299 : memref<!tpu.dma_semaphore, #tpu.memory_space<semaphore_mem>>) src(%dma_wait3A_292 : memref<80x32xf32, #tpu.memory_space<vmem>>) dst(%dma_wait3A_297 : memref<10000x32xf32, #tpu.memory_space<vmem_shared>>)
    %dma_wait3A_300 = arith.constant 4 : i32
    %dma_wait3A_301 = arith.constant 4 : i32
    %dma_wait3A_302 = arith.constant 0 : i32
    %dma_wait3A_303 = arith.constant 0 : i32
    %dma_wait3A_304 = tpu.memref_slice %arg8[%dma_wait3A_300, %dma_wait3A_302, %dma_wait3A_303] : memref<8x80x32xf32, #tpu.memory_space<vmem>> -> memref<1x80x32xf32, #tpu.memory_space<vmem>>
    %dma_wait3A_305 = tpu.memref_squeeze %dma_wait3A_304 : memref<1x80x32xf32, #tpu.memory_space<vmem>> -> memref<80x32xf32, #tpu.memory_space<vmem>>
    %dma_wait3A_306 = arith.constant 9920 : i32
    %dma_wait3A_307 = tpu.memref_slice %arg7[%dma_wait3A_306] : memref<10000xi32, #tpu.memory_space<vmem>> -> memref<80xi32, #tpu.memory_space<vmem>>
    %dma_wait3A_308 = arith.constant 0 : i32
    %dma_wait3A_309 = arith.constant 0 : i32
    %dma_wait3A_310 = tpu.memref_slice %arg11[%dma_wait3A_308, %dma_wait3A_309] : memref<10000x32xf32, #tpu.memory_space<vmem_shared>> -> memref<10000x32xf32, #tpu.memory_space<vmem_shared>>
    %dma_wait3A_311 = tpu.memref_slice %arg10[%dma_wait3A_301] : memref<8x!tpu.dma_semaphore, #tpu.memory_space<semaphore_mem>> -> memref<1x!tpu.dma_semaphore, #tpu.memory_space<semaphore_mem>>
    %dma_wait3A_312 = tpu.memref_squeeze %dma_wait3A_311 : memref<1x!tpu.dma_semaphore, #tpu.memory_space<semaphore_mem>> -> memref<!tpu.dma_semaphore, #tpu.memory_space<semaphore_mem>>
    tpu.wait_indirect_dma semaphore(%dma_wait3A_312 : memref<!tpu.dma_semaphore, #tpu.memory_space<semaphore_mem>>) src(%dma_wait3A_305 : memref<80x32xf32, #tpu.memory_space<vmem>>) dst(%dma_wait3A_310 : memref<10000x32xf32, #tpu.memory_space<vmem_shared>>)
    %barrier3A_313 = arith.constant 0 : index
    tpu.barrier barrier_id(%barrier3A_313)
    %mul3A_314 = arith.constant 625 : i32
    %mul3A_315 = arith.muli %arg1, %mul3A_314 : i32
    %mul3A_316 = arith.constant 625 : i32
    %mul3A_317 = arith.muli %arg1, %mul3A_316 : i32
    "tpu.region"() ({
      %run_scoped3A_318 = tpu.sem_alloc : memref<!tpu.dma_semaphore, #tpu.memory_space<semaphore_mem>>
      %dma_start3A_319 = arith.constant 0 : i32
      %dma_start3A_320 = tpu.memref_slice %arg5[%arg0, %mul3A_317, %dma_start3A_319] : memref<2x10000x32xf32, #tpu.memory_space<hbm>> -> memref<1x625x32xf32, #tpu.memory_space<hbm>>
      %dma_start3A_321 = tpu.memref_squeeze %dma_start3A_320 : memref<1x625x32xf32, #tpu.memory_space<hbm>> -> memref<625x32xf32, #tpu.memory_space<hbm>>
      %dma_start3A_322 = arith.constant 0 : i32
      %dma_start3A_323 = tpu.memref_slice %arg11[%mul3A_315, %dma_start3A_322] : memref<10000x32xf32, #tpu.memory_space<vmem_shared>> -> memref<625x32xf32, #tpu.memory_space<vmem_shared>>
      tpu.enqueue_dma source(%dma_start3A_323 : memref<625x32xf32, #tpu.memory_space<vmem_shared>>) target(%dma_start3A_321 : memref<625x32xf32, #tpu.memory_space<hbm>>) target_semaphore(%run_scoped3A_318 : memref<!tpu.dma_semaphore, #tpu.memory_space<semaphore_mem>>)
      %dma_wait3A_324 = arith.constant 0 : i32
      %dma_wait3A_325 = tpu.memref_slice %arg5[%arg0, %mul3A_317, %dma_wait3A_324] : memref<2x10000x32xf32, #tpu.memory_space<hbm>> -> memref<1x625x32xf32, #tpu.memory_space<hbm>>
      %dma_wait3A_326 = tpu.memref_squeeze %dma_wait3A_325 : memref<1x625x32xf32, #tpu.memory_space<hbm>> -> memref<625x32xf32, #tpu.memory_space<hbm>>
      %dma_wait3A_327 = arith.constant 0 : i32
      %dma_wait3A_328 = tpu.memref_slice %arg11[%mul3A_315, %dma_wait3A_327] : memref<10000x32xf32, #tpu.memory_space<vmem_shared>> -> memref<625x32xf32, #tpu.memory_space<vmem_shared>>
      tpu.wait_dma2 semaphore(%run_scoped3A_318 : memref<!tpu.dma_semaphore, #tpu.memory_space<semaphore_mem>>) src(%dma_wait3A_328 : memref<625x32xf32, #tpu.memory_space<vmem_shared>>) dst(%dma_wait3A_326 : memref<625x32xf32, #tpu.memory_space<hbm>>)
      tpu.yield
    }) : () -> ()
    return
  }
}

module attributes {stable_mosaic.version = 14 : i64} {
  func.func @_tc0_body(%arg0: i32, %arg1: memref<2000x128xf32, #tpu.memory_space<vmem>>, %arg2: memref<128x32xf32, #tpu.memory_space<vmem>>, %arg3: memref<2000x32xf32, #tpu.memory_space<vmem>>) attributes {dimension_semantics = [#tpu.dimension_semantics<arbitrary>], iteration_bounds = array<i64: 5>, scalar_prefetch = 0 : i64, scratch_operands = 0 : i64, tpu.core_type = #tpu.core_type<tc>, window_params = [{transform_indices = @transform_0, window_bounds = array<i64: 2000, 128>}, {pipeline_mode = #tpu.pipeline_mode<synchronous>, transform_indices = @transform_1, window_bounds = array<i64: 128, 32>}, {transform_indices = @transform_2, window_bounds = array<i64: 2000, 32>}]} {
    %get3A = arith.constant 0 : index
    %get3A_0 = arith.constant 0 : index
    %get3A_1 = vector.load %arg1[%get3A, %get3A_0] : memref<2000x128xf32, #tpu.memory_space<vmem>>, vector<2000x128xf32>
    %get3A_2 = arith.constant 0 : index
    %get3A_3 = arith.constant 0 : index
    %get3A_4 = vector.load %arg2[%get3A_2, %get3A_3] : memref<128x32xf32, #tpu.memory_space<vmem>>, vector<128x32xf32>
    %dot_general3A = arith.constant dense<0.000000e+00> : vector<2000x32xf32>
    %dot_general3A_5 = tpu.matmul %get3A_1, %get3A_4, %dot_general3A {dimension_numbers = #tpu.dot_dimension_numbers<[1], [0], [0], [1], [0, 0, 1, 1], [], []>, transpose_lhs_hint = false} : vector<2000x128xf32>, vector<128x32xf32>, vector<2000x32xf32> -> vector<2000x32xf32>
    %swap3A = arith.constant 0 : index
    %swap3A_6 = arith.constant 0 : index
    %swap3A_7 = vector.load %arg3[%swap3A, %swap3A_6] : memref<2000x32xf32, #tpu.memory_space<vmem>>, vector<2000x32xf32>
    tpu.vector_store %arg3[%swap3A, %swap3A_6], %dot_general3A_5 {strides = array<i32>} : memref<2000x32xf32, #tpu.memory_space<vmem>>, vector<2000x32xf32>,
    return
  }
  func.func @transform_0(%arg0: i32) -> (i32, i32) {
    %c0_i32 = arith.constant 0 : i32
    %c0_i32_0 = arith.constant 0 : i32
    return %arg0, %c0_i32 : i32, i32
  }
  func.func @transform_1(%arg0: i32) -> (i32, i32) {
    %c0_i32 = arith.constant 0 : i32
    %c0_i32_0 = arith.constant 0 : i32
    %c0_i32_1 = arith.constant 0 : i32
    return %c0_i32, %c0_i32_0 : i32, i32
  }
  func.func @transform_2(%arg0: i32) -> (i32, i32) {
    %c0_i32 = arith.constant 0 : i32
    %c0_i32_0 = arith.constant 0 : i32
    return %arg0, %c0_i32 : i32, i32
  }
}

module attributes {stable_mosaic.version = 14 : i64} {
  func.func @_tc1_body(%arg0: memref<2x10000x8xf32, #tpu.memory_space<vmem>>, %arg1: memref<10000x32xf32, #tpu.memory_space<vmem>>, %arg2: memref<10000x1xf32, #tpu.memory_space<vmem>>, %arg3: memref<10000x32xf32, #tpu.memory_space<vmem>>) attributes {dimension_semantics = [], scalar_prefetch = 0 : i64, scratch_operands = 0 : i64, tpu.core_type = #tpu.core_type<tc>} {
    %get3A = arith.constant 0 : index
    %get3A_0 = arith.constant 0 : index
    %get3A_1 = arith.constant 0 : index
    %get3A_2 = vector.load %arg0[%get3A, %get3A_0, %get3A_1] : memref<2x10000x8xf32, #tpu.memory_space<vmem>>, vector<2x10000x8xf32>
    %slice3A = vector.extract_strided_slice %get3A_2 {offsets = [0, 0, 0], sizes = [1, 10000, 8], strides = [1, 1, 1]} : vector<2x10000x8xf32> to vector<1x10000x8xf32>
    %squeeze3A = vector.shape_cast %slice3A : vector<1x10000x8xf32> to vector<10000x8xf32>
    %slice3A_3 = vector.extract_strided_slice %squeeze3A {offsets = [0, 0], sizes = [10000, 1], strides = [1, 1]} : vector<10000x8xf32> to vector<10000x1xf32>
    %slice3A_4 = vector.extract_strided_slice %get3A_2 {offsets = [1, 0, 0], sizes = [1, 10000, 8], strides = [1, 1, 1]} : vector<2x10000x8xf32> to vector<1x10000x8xf32>
    %squeeze3A_5 = vector.shape_cast %slice3A_4 : vector<1x10000x8xf32> to vector<10000x8xf32>
    %slice3A_6 = vector.extract_strided_slice %squeeze3A_5 {offsets = [0, 0], sizes = [10000, 1], strides = [1, 1]} : vector<10000x8xf32> to vector<10000x1xf32>
    %add3A = arith.addf %slice3A_3, %slice3A_6 : vector<10000x1xf32>
    %add3A_7 = arith.constant 1.000000e+00 : f32
    %add3A_8 = vector.broadcast %add3A_7 : f32 to vector<10000x1xf32>
    %add3A_9 = arith.addf %add3A, %add3A_8 : vector<10000x1xf32>
    %rsqrt3A = math.rsqrt %add3A_9 : vector<10000x1xf32>
    %swap3A = arith.constant 0 : index
    %swap3A_10 = arith.constant 0 : index
    %swap3A_11 = vector.load %arg2[%swap3A, %swap3A_10] : memref<10000x1xf32, #tpu.memory_space<vmem>>, vector<10000x1xf32>
    tpu.vector_store %arg2[%swap3A, %swap3A_10], %rsqrt3A {strides = array<i32>} : memref<10000x1xf32, #tpu.memory_space<vmem>>, vector<10000x1xf32>,
    %get3A_12 = arith.constant 0 : index
    %get3A_13 = arith.constant 0 : index
    %get3A_14 = vector.load %arg1[%get3A_12, %get3A_13] : memref<10000x32xf32, #tpu.memory_space<vmem>>, vector<10000x32xf32>
    %mul3A = vector.broadcast %rsqrt3A : vector<10000x1xf32> to vector<10000x32xf32>
    %mul3A_15 = arith.mulf %get3A_14, %mul3A : vector<10000x32xf32>
    %swap3A_16 = arith.constant 0 : index
    %swap3A_17 = arith.constant 0 : index
    %swap3A_18 = vector.load %arg3[%swap3A_16, %swap3A_17] : memref<10000x32xf32, #tpu.memory_space<vmem>>, vector<10000x32xf32>
    tpu.vector_store %arg3[%swap3A_16, %swap3A_17], %mul3A_15 {strides = array<i32>} : memref<10000x32xf32, #tpu.memory_space<vmem>>, vector<10000x32xf32>,
    return
  }
}

module attributes {stable_mosaic.version = 14 : i64} {
  func.func @_tc2_body(%arg0: memref<2x10000x32xf32, #tpu.memory_space<vmem>>, %arg1: memref<10000x32xf32, #tpu.memory_space<vmem>>, %arg2: memref<10000x1xf32, #tpu.memory_space<vmem>>, %arg3: memref<1x32xf32, #tpu.memory_space<vmem>>, %arg4: memref<32x32xf32, #tpu.memory_space<vmem>>, %arg5: memref<10000x32xf32, #tpu.memory_space<vmem>>) attributes {dimension_semantics = [], scalar_prefetch = 0 : i64, scratch_operands = 0 : i64, tpu.core_type = #tpu.core_type<tc>} {
    %get3A = arith.constant 0 : index
    %get3A_0 = arith.constant 0 : index
    %get3A_1 = arith.constant 0 : index
    %get3A_2 = vector.load %arg0[%get3A, %get3A_0, %get3A_1] : memref<2x10000x32xf32, #tpu.memory_space<vmem>>, vector<2x10000x32xf32>
    %slice3A = vector.extract_strided_slice %get3A_2 {offsets = [0, 0, 0], sizes = [1, 10000, 32], strides = [1, 1, 1]} : vector<2x10000x32xf32> to vector<1x10000x32xf32>
    %squeeze3A = vector.shape_cast %slice3A : vector<1x10000x32xf32> to vector<10000x32xf32>
    %slice3A_3 = vector.extract_strided_slice %get3A_2 {offsets = [1, 0, 0], sizes = [1, 10000, 32], strides = [1, 1, 1]} : vector<2x10000x32xf32> to vector<1x10000x32xf32>
    %squeeze3A_4 = vector.shape_cast %slice3A_3 : vector<1x10000x32xf32> to vector<10000x32xf32>
    %add3A = arith.addf %squeeze3A, %squeeze3A_4 : vector<10000x32xf32>
    %get3A_5 = arith.constant 0 : index
    %get3A_6 = arith.constant 0 : index
    %get3A_7 = vector.load %arg1[%get3A_5, %get3A_6] : memref<10000x32xf32, #tpu.memory_space<vmem>>, vector<10000x32xf32>
    %add3A_8 = arith.addf %add3A, %get3A_7 : vector<10000x32xf32>
    %get3A_9 = arith.constant 0 : index
    %get3A_10 = arith.constant 0 : index
    %get3A_11 = vector.load %arg2[%get3A_9, %get3A_10] : memref<10000x1xf32, #tpu.memory_space<vmem>>, vector<10000x1xf32>
    %mul3A = vector.broadcast %get3A_11 : vector<10000x1xf32> to vector<10000x32xf32>
    %mul3A_12 = arith.mulf %add3A_8, %mul3A : vector<10000x32xf32>
    %get3A_13 = arith.constant 0 : index
    %get3A_14 = arith.constant 0 : index
    %get3A_15 = vector.load %arg3[%get3A_13, %get3A_14] : memref<1x32xf32, #tpu.memory_space<vmem>>, vector<1x32xf32>
    %add3A_16 = vector.broadcast %get3A_15 : vector<1x32xf32> to vector<10000x32xf32>
    %add3A_17 = arith.addf %mul3A_12, %add3A_16 : vector<10000x32xf32>
    %max3A = arith.constant 0.000000e+00 : f32
    %max3A_18 = vector.broadcast %max3A : f32 to vector<10000x32xf32>
    %max3A_19 = arith.maximumf %add3A_17, %max3A_18 : vector<10000x32xf32>
    %get3A_20 = arith.constant 0 : index
    %get3A_21 = arith.constant 0 : index
    %get3A_22 = vector.load %arg4[%get3A_20, %get3A_21] : memref<32x32xf32, #tpu.memory_space<vmem>>, vector<32x32xf32>
    %dot_general3A = arith.constant dense<0.000000e+00> : vector<10000x32xf32>
    %dot_general3A_23 = tpu.matmul %max3A_19, %get3A_22, %dot_general3A {dimension_numbers = #tpu.dot_dimension_numbers<[1], [0], [0], [1], [0, 0, 1, 1], [], []>, transpose_lhs_hint = false} : vector<10000x32xf32>, vector<32x32xf32>, vector<10000x32xf32> -> vector<10000x32xf32>
    %get3A_24 = arith.constant 0 : index
    %get3A_25 = arith.constant 0 : index
    %get3A_26 = vector.load %arg2[%get3A_24, %get3A_25] : memref<10000x1xf32, #tpu.memory_space<vmem>>, vector<10000x1xf32>
    %mul3A_27 = vector.broadcast %get3A_26 : vector<10000x1xf32> to vector<10000x32xf32>
    %mul3A_28 = arith.mulf %dot_general3A_23, %mul3A_27 : vector<10000x32xf32>
    %swap3A = arith.constant 0 : index
    %swap3A_29 = arith.constant 0 : index
    %swap3A_30 = vector.load %arg5[%swap3A, %swap3A_29] : memref<10000x32xf32, #tpu.memory_space<vmem>>, vector<10000x32xf32>
    tpu.vector_store %arg5[%swap3A, %swap3A_29], %mul3A_28 {strides = array<i32>} : memref<10000x32xf32, #tpu.memory_space<vmem>>, vector<10000x32xf32>,
    return
  }
}

module attributes {stable_mosaic.version = 14 : i64} {
  func.func @_tc3_body(%arg0: memref<2x10000x32xf32, #tpu.memory_space<vmem>>, %arg1: memref<10000x32xf32, #tpu.memory_space<vmem>>, %arg2: memref<10000x1xf32, #tpu.memory_space<vmem>>, %arg3: memref<1x32xf32, #tpu.memory_space<vmem>>, %arg4: memref<32x1xf32, #tpu.memory_space<vmem>>, %arg5: memref<1x1xf32, #tpu.memory_space<vmem>>, %arg6: memref<10000x1xf32, #tpu.memory_space<vmem>>) attributes {dimension_semantics = [], scalar_prefetch = 0 : i64, scratch_operands = 0 : i64, tpu.core_type = #tpu.core_type<tc>} {
    %get3A = arith.constant 0 : index
    %get3A_0 = arith.constant 0 : index
    %get3A_1 = arith.constant 0 : index
    %get3A_2 = vector.load %arg0[%get3A, %get3A_0, %get3A_1] : memref<2x10000x32xf32, #tpu.memory_space<vmem>>, vector<2x10000x32xf32>
    %slice3A = vector.extract_strided_slice %get3A_2 {offsets = [0, 0, 0], sizes = [1, 10000, 32], strides = [1, 1, 1]} : vector<2x10000x32xf32> to vector<1x10000x32xf32>
    %squeeze3A = vector.shape_cast %slice3A : vector<1x10000x32xf32> to vector<10000x32xf32>
    %slice3A_3 = vector.extract_strided_slice %get3A_2 {offsets = [1, 0, 0], sizes = [1, 10000, 32], strides = [1, 1, 1]} : vector<2x10000x32xf32> to vector<1x10000x32xf32>
    %squeeze3A_4 = vector.shape_cast %slice3A_3 : vector<1x10000x32xf32> to vector<10000x32xf32>
    %add3A = arith.addf %squeeze3A, %squeeze3A_4 : vector<10000x32xf32>
    %get3A_5 = arith.constant 0 : index
    %get3A_6 = arith.constant 0 : index
    %get3A_7 = vector.load %arg1[%get3A_5, %get3A_6] : memref<10000x32xf32, #tpu.memory_space<vmem>>, vector<10000x32xf32>
    %add3A_8 = arith.addf %add3A, %get3A_7 : vector<10000x32xf32>
    %get3A_9 = arith.constant 0 : index
    %get3A_10 = arith.constant 0 : index
    %get3A_11 = vector.load %arg2[%get3A_9, %get3A_10] : memref<10000x1xf32, #tpu.memory_space<vmem>>, vector<10000x1xf32>
    %mul3A = vector.broadcast %get3A_11 : vector<10000x1xf32> to vector<10000x32xf32>
    %mul3A_12 = arith.mulf %add3A_8, %mul3A : vector<10000x32xf32>
    %get3A_13 = arith.constant 0 : index
    %get3A_14 = arith.constant 0 : index
    %get3A_15 = vector.load %arg3[%get3A_13, %get3A_14] : memref<1x32xf32, #tpu.memory_space<vmem>>, vector<1x32xf32>
    %add3A_16 = vector.broadcast %get3A_15 : vector<1x32xf32> to vector<10000x32xf32>
    %add3A_17 = arith.addf %mul3A_12, %add3A_16 : vector<10000x32xf32>
    %max3A = arith.constant 0.000000e+00 : f32
    %max3A_18 = vector.broadcast %max3A : f32 to vector<10000x32xf32>
    %max3A_19 = arith.maximumf %add3A_17, %max3A_18 : vector<10000x32xf32>
    %get3A_20 = arith.constant 0 : index
    %get3A_21 = arith.constant 0 : index
    %get3A_22 = vector.load %arg4[%get3A_20, %get3A_21] : memref<32x1xf32, #tpu.memory_space<vmem>>, vector<32x1xf32>
    %dot_general3A = arith.constant dense<0.000000e+00> : vector<10000x1xf32>
    %dot_general3A_23 = tpu.matmul %max3A_19, %get3A_22, %dot_general3A {dimension_numbers = #tpu.dot_dimension_numbers<[1], [0], [0], [1], [0, 0, 1, 1], [], []>, transpose_lhs_hint = false} : vector<10000x32xf32>, vector<32x1xf32>, vector<10000x1xf32> -> vector<10000x1xf32>
    %get3A_24 = arith.constant 0 : index
    %get3A_25 = arith.constant 0 : index
    %get3A_26 = vector.load %arg5[%get3A_24, %get3A_25] : memref<1x1xf32, #tpu.memory_space<vmem>>, vector<1x1xf32>
    %add3A_27 = vector.broadcast %get3A_26 : vector<1x1xf32> to vector<10000x1xf32>
    %add3A_28 = arith.addf %dot_general3A_23, %add3A_27 : vector<10000x1xf32>
    %swap3A = arith.constant 0 : index
    %swap3A_29 = arith.constant 0 : index
    %swap3A_30 = vector.load %arg6[%swap3A, %swap3A_29] : memref<10000x1xf32, #tpu.memory_space<vmem>>, vector<10000x1xf32>
    tpu.vector_store %arg6[%swap3A, %swap3A_29], %add3A_28 {strides = array<i32>} : memref<10000x1xf32, #tpu.memory_space<vmem>>, vector<10000x1xf32>,
    return
  }
}

</mosaic_0001>

<sc_bundles>
// kernel: kernel.12.cloned.1.call-start
scs
__scs_entry_jumppad:
0x0: {  	(pc) =	sbr.rel $0x88, $3  }
0x1: {  	(tag) =	ssettag $0x0;
	lr =	simm.s32 $0x1  }
0x2: {  	[smem:$0x3F99] =	sst lr;
	_ =	strace $0xD0000000  }
0x3: {  	_ = 	snop  }
0x4: {  	_ = 	snop  }
0x5: {  	_ = 	snop  }
0x6: {  	_ = 	snop  }
0x7: {  	_ = 	snop  }
__scs_overlays_trampoline_lowered:
0x8: {  	[smem:$0x3FA8] =	sst s0  }
0x9: {  	[smem:$0x3FA9] =	sst s1  }
0xa: {  	[smem:$0x3FAA] =	sst s2  }
0xb: {  	[smem:$0x3FAB] =	sst s3  }
0xc: {  	[smem:$0x3FAC] =	sst s4  }
0xd: {  	[smem:$0x3FAD] =	sst s5  }
0xe: {  	[smem:$0x3FAE] =	sst s6  }
0xf: {  	[smem:$0x3FAF] =	sst s7  }
0x10: {  	[smem:$0x3FB0] =	sst s8  }
0x11: {  	[smem:$0x3FB1] =	sst s9;
	s0 =	simm.s32 @!p0 $0x0  }
0x12: {  	s1 =	sld [smem:$0x3F97];
	s0 =	simm.s32 @p0 $0x1  }
0x13: {  	[smem:$0x3FB2] =	sst s0;
	s0 =	simm.s32 @!p1 $0x0  }
0x14: {  	s2 =	sld [smem:$0x3F96];
	s0 =	simm.s32 @p1 $0x1  }
0x15: {  	[smem:$0x3FB3] =	sst s0;
	s0 =	simm.s32 @!p2 $0x0  }
0x16: {  	s3 =	sld [smem:$0x3FDB];
	s0 =	simm.s32 @p2 $0x1  }
0x17: {  	s4 =	simm.s32 $0x1BF5;
	[smem:$0x3FB5] =	sst s0  }
0x18: {  	s0 =	sld [smem:$0x3F98];
	_ =	swait.ge [sflag:s4], $0x0  }
0x19: {  	s7 =	sld [smem:$0x3F99]  }
0x1a: {  	s8 =	sadd.s32 $0xFFFFE003, lr  }
0x1b: {  	s9 =	sadd.s32 $0xFFFFFEF7, lr;
	s5 =	simm.s32 $0xFFFFFFFF;
	p2 =	slt.u32 s8, $0xFFFFF086  }
0x1c: {  	p1 =	slt.u32 s9, $0xF7A;
	s5 =	simm.s32 @!p2 $0x0  }
0x1d: {  	s5 =	simm.s32 @p1 $0x1;
	p0 =	seq.s32 s7, s2  }
0x1e: {  	s7 =	smul.u32 @!p0 $0xF7A, s2;
	p2 =	seq.s32 @!p0 s5, $0x0  }
0x1f: {  	s9 =	smul.u32 $0xF7A, s1;
	s8 =	simm.s32 @!p0 $0x1BF5;
	p2 =	por !p2, p0  }
0x20: {  	[sflag:s8] =	ssyncset.s32 @!p0 $0xFFFFF086;
	s6 =	sadd.s32 @!p0 s3, s7;
	s7 =	simm.s32 @!p0 $0x108  }
0x21: {  	s3 =	sadd.s32 s3, s9;
	s6 =	sadd.s32 @!p0 $0x88, s6;
	s7 =	simm.s32 @p2 $0x1082  }
0x22: {  	[simem:s7], [sflag:s8] =	dma.local @!p0 [hbm:s6], $0xF7A  }
0x23: {  	s9 =	sor.u32 $0xD0000000, s2;
	s6 =	simm.s32 $0x108;
	_ =	swait.ge @!p0 [sflag:s8], $0x0  }
0x24: {  	s3 =	sadd.s32 $0x88, s3;
	s6 =	simm.s32 @!p1 $0x1082;
	[sflag:s4] =	ssyncset.s32 $0xFFFFF086  }
0x25: {  	[simem:s6], [sflag:s4] =	dma.local [hbm:s3], $0xF7A  }
0x26: {  	[smem:$0x3F99] =	sst s1;
	(tag) =	ssettag s2;
	_ =	strace s9  }
0x27: {  	s1 =	sld [smem:$0x3FA9]  }
0x28: {  	s2 =	sld [smem:$0x3FAA]  }
0x29: {  	s4 =	sld [smem:$0x3FAC]  }
0x2a: {  	p0 =	seq.s32 s5, $0x0;
	s5 =	sld [smem:$0x3FAD]  }
0x2b: {  	s6 =	sld [smem:$0x3FAE]  }
0x2c: {  	s7 =	sld [smem:$0x3FAF]  }
0x2d: {  	s3 =	simm.s32 $0x108;
	s8 =	sld [smem:$0x3FB0]  }
0x2e: {  	s3 =	simm.s32 @!p0 $0x1082;
	s9 =	sld [smem:$0x3FB1]  }
0x2f: {  	lr =	sadd.s32 s0, s3;
	s0 =	sld [smem:$0x3FA8]  }
0x30: {  	s3 =	sld [smem:$0x3FAB]  }
0x31: {  	[smem:$0x3FB4] =	sst s10  }
0x32: {  	s10 =	sld [smem:$0x3FB2];
	_ =	sdelay $0x3  }
0x33: {  	p0 =	seq.s32 s10, $0x1;
	s10 =	sld [smem:$0x3FB4];
	_ =	sdelay $0x3  }
0x34: {  	[smem:$0x3FB4] =	sst s10  }
0x35: {  	s10 =	sld [smem:$0x3FB3];
	_ =	sdelay $0x3  }
0x36: {  	p1 =	seq.s32 s10, $0x1;
	s10 =	sld [smem:$0x3FB4];
	_ =	sdelay $0x3  }
0x37: {  	[smem:$0x3FB4] =	sst s10  }
0x38: {  	s10 =	sld [smem:$0x3FB5]  }
0x39: {  	_ = 	snop;
	(pc) =	sbr.ind lr, $3  }
0x3a: {  	_ = 	snop  }
0x3b: {  	_ = 	snop  }
0x3c: {  	p2 =	seq.s32 s10, $0x1;
	s10 =	sld [smem:$0x3FB4]  }
0x3d: {  	_ =	shalt  }
0x3e: {  	_ =	shalt  }
0x3f: {  	_ =	shalt  }
0x40: {  	_ =	shalt  }
0x41: {  	_ =	shalt  }
0x42: {  	_ =	shalt  }
0x43: {  	_ =	shalt  }
0x44: {  	_ =	shalt  }
0x45: {  	_ =	shalt  }
0x46: {  	_ =	shalt  }
0x47: {  	_ =	shalt  }
0x48: {  	_ =	shalt  }
0x49: {  	_ =	shalt  }
0x4a: {  	_ =	shalt  }
0x4b: {  	_ =	shalt  }
0x4c: {  	_ =	shalt  }
0x4d: {  	_ =	shalt  }
0x4e: {  	_ =	shalt  }
0x4f: {  	_ =	shalt  }
0x50: {  	_ =	shalt  }
0x51: {  	_ =	shalt  }
0x52: {  	_ =	shalt  }
0x53: {  	_ =	shalt  }
0x54: {  	_ =	shalt  }
0x55: {  	_ =	shalt  }
0x56: {  	_ =	shalt  }
0x57: {  	_ =	shalt  }
0x58: {  	_ =	shalt  }
0x59: {  	_ =	shalt  }
0x5a: {  	_ =	shalt  }
0x5b: {  	_ =	shalt  }
0x5c: {  	_ =	shalt  }
0x5d: {  	_ =	shalt  }
0x5e: {  	_ =	shalt  }
0x5f: {  	_ =	shalt  }
0x60: {  	_ =	shalt  }
0x61: {  	_ =	shalt  }
0x62: {  	_ =	shalt  }
0x63: {  	_ =	shalt  }
0x64: {  	_ =	shalt  }
0x65: {  	_ =	shalt  }
0x66: {  	_ =	shalt  }
0x67: {  	_ =	shalt  }
0x68: {  	_ =	shalt  }
0x69: {  	_ =	shalt  }
0x6a: {  	_ =	shalt  }
0x6b: {  	_ =	shalt  }
0x6c: {  	_ =	shalt  }
0x6d: {  	_ =	shalt  }
0x6e: {  	_ =	shalt  }
0x6f: {  	_ =	shalt  }
0x70: {  	_ =	shalt  }
0x71: {  	_ =	shalt  }
0x72: {  	_ =	shalt  }
0x73: {  	_ =	shalt  }
0x74: {  	_ =	shalt  }
0x75: {  	_ =	shalt  }
0x76: {  	_ =	shalt  }
0x77: {  	_ =	shalt  }
0x78: {  	_ =	shalt  }
0x79: {  	_ =	shalt  }
0x7a: {  	_ =	shalt  }
0x7b: {  	_ =	shalt  }
0x7c: {  	_ =	shalt  }
0x7d: {  	_ =	shalt  }
0x7e: {  	_ =	shalt  }
0x7f: {  	_ =	shalt  }
0x80: {  	_ =	shalt  }
0x81: {  	_ =	shalt  }
0x82: {  	_ =	shalt  }
0x83: {  	_ =	shalt  }
0x84: {  	_ =	shalt  }
0x85: {  	_ =	shalt  }
0x86: {  	_ =	shalt  }
0x87: {  	_ =	shalt  }
.Lfunc_end0:
.L_simem_size_0:
called_computation.1_lowered:
.L_overlay_start_0:
0x88: {  	s2 =	sld [smem:$0x3FD9]  }
0x89: {  	s3 =	sld [smem:$0x3FFE];
	_ =	sdelay $0x1  }
0x8a: {  	s1 =	srdreg.scid  }
0x8b: {  	s0 =	sand.u32 $0x1, s1  }
0x8c: {  	s16 =	sshll.u32 s0, $0xA;
	s2 =	sadd.s32 s3, s2  }
0x8d: {  	s2 =	sadd.s32 s2, s16  }
0x8e: {  	[smem:$0x3FC0] =	sst s2  }
0x8f: {  	_ = 	snop  }
0x90: {  	(tm) =	ssettm $0x1  }
0x91: {  	s17 =	sld [smem:$0x3FFB];
	_ =	sdelay $0x3  }
0x92: {  	_ =	strace s17  }
0x93: {  	s2 =	sld [smem:$0x3FFC];
	_ =	sdelay $0x3  }
0x94: {  	_ =	strace s2  }
0x95: {  	s2 =	sld [smem:$0x3FFD];
	_ =	sdelay $0x3  }
0x96: {  	_ =	strace s2  }
0x97: {  	_ =	strace $0x8FFFFFFF  }
0x98: {  	s18 =	sld [smem:$0x3FDB];
	_ =	sdelay $0x1  }
0x99: {  	s19 =	simm.s32 $_scs_section_size  }
0x9a: {  	s4 =	simm.s32 $_size__tile_overlayer_lowered;
	s5 =	simm.s32 $_tile_overlayer_lowered  }
0x9b: {  	s22 =	simm.s32 $0x1BFF;
	s21 =	sshll.u32 s5, $0x1;
	s2 =	sadd.s32 s19, s18  }
0x9c: {  	s6 =	simm.s32 $0x0;
	s20 =	sshll.u32 s4, $0x1;
	s4 =	sadd.s32 s21, s2  }
0x9d: {  	[timem:s6], [sflag:s22] =	dma.local [hbm:s4], s20  }
0x9e: {  	_ =	swait.ge [sflag:s22], s20  }
0x9f: {  	s3 =	ssub.s32 $0x0, s20;
	[sflag:s22] =	ssyncset.done $0x0  }
0xa0: {  	[sflag:s22] =	ssyncadd.s32 s3;
	_ =	sdelay $0x1  }
0xa1: {  	s23 =	simm.s32 $0x1B8B  }
0xa2: {  	_ =	swait.ge [sflag:s23], $0x1  }
0xa3: {  	[sflag:s23] =	ssyncset.done $0x0  }
0xa4: {  	s25 =	simm.s32 $0x1B8E;
	s24 =	sld [smem:$0x3FFE];
	[sflag:s23] =	ssyncadd.s32 $0xFFFFFFFF  }
0xa5: {  	s26 =	simm.s32 $execute0_lowered;
	[smem:$0x3FD2] =	sst s25  }
0xa6: {  	s4 =	sshll.u32 s26, $0x1;
	_ =	strace $0x80000049;
	[dreg:$0x1] =	wrdreg $0xFFFFFFFF  }
0xa7: {  	s28 =	simm.s32 $_size_execute0_lowered;
	s2 =	sadd.s32 s2, s4;
	[dreg:$0x0] =	wrdreg $0x0  }
0xa8: {  	s4 =	sshll.u32 s28, $0x1;
	[dreg:$0x2] =	wrdreg s2  }
0xa9: {  	[dreg:$0x3] =	wrdreg s4  }
0xaa: {  	[dreg:$0x4] =	wrdreg $0xC0  }
0xab: {  	_ =	task [dreg:s6], $0x5FFFF  }
0xac: {  	[dreg:$0x1] =	wrdreg $0xFFFFFFFF  }
0xad: {  	[dreg:$0x0] =	wrdreg $0x60  }
0xae: {  	[dreg:$0x2] =	wrdreg s24  }
0xaf: {  	[dreg:$0x3] =	wrdreg $0x9E200  }
0xb0: {  	[dreg:$0x4] =	wrdreg $0xEC400  }
0xb1: {  	[dreg:$0x5] =	wrdreg $0x9  }
0xb2: {  	_ =	task.clear_ibuf [dreg:s6], $0x6FFFF;
	_ =	strace $0x90000049  }
0xb3: {  	s29 =	simm.s32 $0x9;
	_ =	strace $0x8000004B  }
0xb4: {  	_ =	swait.ge [sflag:s29], $0x1  }
0xb5: {  	[sflag:s29] =	ssyncadd.s32 $0xFFFFFFFF  }
0xb6: {  	_ =	strace $0x9000004B  }
0xb7: {  	_ =	sfence  }
0xb8: {  	s30 =	sld [smem:$0x0];
	_ =	sdelay $0x2  }
0xb9: {  	s31 =	sshll.u32 s1, $0xD;
	s1 =	sshrl.u32 s1, $0x2  }
0xba: {  	s3 =	sand.u32 $0x4000, s31;
	s1 =	sadd.s32 s1, s30  }
0xbb: {  	s0 =	sor.u32 s3, s0;
	s1 =	sshll.u32 s1, $0x11  }
0xbc: {  	s0 =	sor.u32 s1, s0  }
0xbd: {  	s0 =	sadd.s32 $0x8F2B, s0  }
0xbe: {  	[sflag:s0] =	ssyncadd.remote.s32 $0x1  }
0xbf: {  	_ =	sfence.sel $0xFFFF  }
0xc0: {  	[dreg:$0x0] =	wrdreg $0xFFFFFFFF;
	(pc) =	sbr.abs _section_cstart, $3  }
0xc1: {  	[dreg:$0x1] =	wrdreg $0xFFFFFFFF  }
0xc2: {  	_ =	task.clear_ibuf [dreg:s6], $0x2FFFF;
	_ =	strace $0x9FFFFFFF  }
0xc3: {  	(tm) =	ssettm $0x7FFFFFFF  }
tec
execute0_lowered:
.L_overlay_start_1:
0x0: {  	(tag) =	ssettag $0x1  }
0x1: {  	s0 =	srdreg.scid;
	s1 =	rddreg [dreg:$0x0]  }
0x2: {  	s2 =	rddreg [dreg:$0x1];
	s8 =	stileid.u32  }
0x3: {  	s3 =	rddreg [dreg:$0x2];
	s6 =	simm.s32 $0x0;
	s16 =	simm.s32 $0x50  }
0x4: {  	s17 =	simm.s32 $0x4E20;
	s18 =	simm.s32 $0x5820;
	s20 =	simm.s32 $0x6220  }
0x5: {  	s22 =	simm.s32 $0x6C20;
	s29 =	simm.s32 $0x8A20;
	s31 =	simm.s32 $0x9420  }
0x6: {  	s15 =	simm.s32 $0x3;
	s19 =	simm.s32 $0x4;
	s21 =	simm.s32 $0x5  }
0x7: {  	s28 =	simm.s32 $0x8;
	s30 =	simm.s32 $0x9;
	s10 =	simm.s32 $0xE  }
0x8: {  	s11 =	simm.s32 $0xF;
	s14 =	simm.s32 $0x10;
	s0 =	sand.u32 $0x1, s0  }
0x9: {  	s5 =	smul.u32 $0x4E20, s8;
	[smem:$0x7FF] =	sst s6;
	s9 =	sadd.s32 $0x1F400, s1  }
0xa: {  	s4 =	sshll.u32 s0, $0x4;
	s23 =	smul.u32 $0x4E200, s0;
	_ =	strace $0x8000004A  }
0xb: {  	s0 =	ssub.s32 $0x2, s0;
	[dreg:$0x4] =	wrdreg s9;
	s9 =	simm.s32 $0xD  }
0xc: {  	s4 =	sor.u32 s8, s4;
	s7 =	sshrl.u32 s5, $0x3;
	s24 =	sshrl.u32 s0, $0x1  }
0xd: {  	s25 =	sadd.s32 s5, s2;
	s8 =	sshll.u32 s8, $0x6;
	s4 =	smul.u32 $0x2710, s4  }
0xe: {  	s7 =	sadd.s32 s7, s1;
	s6 =	sadd.s32 s5, s23;
	s0 =	ssub.s32 s0, s24  }
0xf: {  	s12 =	sor.u32 $0x1C11, s8;
	s5 =	sadd.s32 s5, s3;
	s13 =	sshrl.u32 s25, $0x3  }
0x10: {  	s24 =	simm.s32 $0x7620;
	s23 =	simm.s32 $0x6;
	[dreg:$0x5] =	wrdreg s12  }
0x11: {  	s25 =	simm.s32 $0x7;
	s7 =	sadd.s32 $0x15600, s7;
	[dreg:$0xb] =	wrdreg s13  }
0x12: {  	s8 =	simm.s32 $0xC;
	s0 =	smax.u32 s0, $0x1;
	[dreg:$0x6] =	wrdreg s7  }
0x13: {  	s5 =	sshrl.u32 s5, $0x3;
	s4 =	sshrl.u32 s4, $0x3;
	[dreg:$0xa] =	wrdreg s0  }
0x14: {  	s6 =	sshrl.u32 s6, $0x3;
	[dreg:$0xc] =	wrdreg s5;
	s4 =	sadd.s32 s4, s1  }
.Ltmp0:
0x15: {  	s1 =	sadd.s32 s6, s1;
	s6 =	simm.s32 $0x0;
	(pc) =	sbr.rel .LBB2_1-.Ltmp0, $4  }
0x16: {  	s0 =	simm.s32 $0x2;
	s26 =	sadd.s32 $0x1C00, s4;
	[dreg:$0xd] =	wrdreg s6  }
0x17: {  	s5 =	simm.s32 $0xA;
	s4 =	sadd.s32 $0xB840, s4;
	[dreg:$0x7] =	wrdreg s26  }
0x18: {  	s7 =	simm.s32 $0xB;
	s1 =	sadd.s32 $0x1FE00, s1;
	[dreg:$0x8] =	wrdreg s4  }
0x19: {  	[dreg:$0x9] =	wrdreg s1;
	s26 =	simm.s32 $0x8020;
	s1 =	simm.s32 $0x1  }
.LBB2_4:
0x1a: {  	_ =	swait.ge [sflag:s11], $0xA00  }
0x1b: {  	[sflag:s11] =	ssyncset.done $0x0  }
0x1c: {  	[sflag:s11] =	ssyncadd.s32 $0xFFFFF600  }
0x1d: {  	_ =	swait.ge [sflag:s14], $0xA00  }
0x1e: {  	[sflag:s14] =	ssyncset.done $0x0  }
0x1f: {  	[sflag:s14] =	ssyncadd.s32 $0xFFFFF600  }
0x20: {  	_ =	swait.ge [sflag:s1], $0xA00  }
0x21: {  	[sflag:s1] =	ssyncset.done $0x0  }
0x22: {  	s4 =	simm.s32 $0x4C90;
	[sflag:s1] =	ssyncadd.s32 $0xFFFFF600  }
0x23: {  	[spmem:s2] =	stream.indirect.scatter.add.f32 [tilespmem:s17], [sflag:$0x9], $0x20, s4, s16, $0xb8;
	[tilespmem:$0x13A60] =	vst v63  }
0x24: {  	_ =	swait.ge [sflag:s0], $0xA00  }
0x25: {  	[sflag:s0] =	ssyncset.done $0x0  }
0x26: {  	s13 =	simm.s32 $0x4CE0;
	[sflag:s0] =	ssyncadd.s32 $0xFFFFF600  }
0x27: {  	[spmem:s2] =	stream.indirect.scatter.add.f32 [tilespmem:s18], [sflag:$0xA], $0x20, s13, s16, $0xb8;
	[tilespmem:$0x13A60] =	vst v63  }
0x28: {  	_ =	swait.ge [sflag:s15], $0xA00  }
0x29: {  	[sflag:s15] =	ssyncset.done $0x0  }
0x2a: {  	s6 =	simm.s32 $0x4D30;
	[sflag:s15] =	ssyncadd.s32 $0xFFFFF600  }
0x2b: {  	[spmem:s2] =	stream.indirect.scatter.add.f32 [tilespmem:s20], [sflag:$0xB], $0x20, s6, s16, $0xb8;
	[tilespmem:$0x13A60] =	vst v63  }
0x2c: {  	_ =	swait.ge [sflag:s19], $0xA00  }
0x2d: {  	[sflag:s19] =	ssyncset.done $0x0  }
0x2e: {  	s12 =	simm.s32 $0x4D80;
	[sflag:s19] =	ssyncadd.s32 $0xFFFFF600  }
0x2f: {  	[spmem:s2] =	stream.indirect.scatter.add.f32 [tilespmem:s22], [sflag:$0xC], $0x20, s12, s16, $0xb8;
	[tilespmem:$0x13A60] =	vst v63  }
0x30: {  	_ =	swait.ge [sflag:s21], $0xA00  }
0x31: {  	[sflag:s21] =	ssyncset.done $0x0  }
0x32: {  	s13 =	simm.s32 $0x4DD0;
	[sflag:s21] =	ssyncadd.s32 $0xFFFFF600  }
0x33: {  	[spmem:s2] =	stream.indirect.scatter.add.f32 [tilespmem:s24], [sflag:$0xD], $0x20, s13, s16, $0xb8;
	[tilespmem:$0x13A60] =	vst v63  }
0x34: {  	_ =	swait.ge [sflag:s30], $0xA00  }
0x35: {  	[sflag:s30] =	ssyncset.done $0x0  }
0x36: {  	[sflag:s30] =	ssyncadd.s32 $0xFFFFF600  }
0x37: {  	_ =	swait.ge [sflag:s5], $0xA00  }
0x38: {  	[sflag:s5] =	ssyncset.done $0x0  }
0x39: {  	[sflag:s5] =	ssyncadd.s32 $0xFFFFF600  }
0x3a: {  	_ =	swait.ge [sflag:s7], $0xA00  }
0x3b: {  	[sflag:s7] =	ssyncset.done $0x0  }
0x3c: {  	[sflag:s7] =	ssyncadd.s32 $0xFFFFF600  }
0x3d: {  	_ =	swait.ge [sflag:s8], $0xA00  }
0x3e: {  	[sflag:s8] =	ssyncset.done $0x0  }
0x3f: {  	[sflag:s8] =	ssyncadd.s32 $0xFFFFF600  }
0x40: {  	_ =	swait.ge [sflag:s9], $0xA00  }
0x41: {  	[sflag:s9] =	ssyncset.done $0x0  }
0x42: {  	[sflag:s9] =	ssyncadd.s32 $0xFFFFF600  }
0x43: {  	[bflag:$0x0] =	sbarrier.arrive $0xFFFF  }
0x44: {  	s12 =	rddreg [dreg:$0x5]  }
0x45: {  	s6 =	rddreg [dreg:$0x9]  }
0x46: {  	s13 =	rddreg [dreg:$0xb]  }
0x47: {  	[hbm:s6], [sflag:s12] =	dma.local [spmem:s13], $0x9C4  }
0x48: {  	s6 =	simm.s32 $0x11  }
0x49: {  	_ =	swait.ge [sflag:s6], $0x9C4  }
0x4a: {  	s4 =	rddreg [dreg:$0xd]  }
0x4b: {  	[sflag:s6] =	ssyncset.done $0x0;
	s6 =	rddreg [dreg:$0xa];
	s4 =	sadd.s32 $0x1, s4  }
0x4c: {  	p0 =	sne.s32 s4, s6  }
.Ltmp1:
0x4d: {  	_ = 	snop;
	(pc) =	sbr.rel @!p0 .LBB2_5-.Ltmp1, $3  }
0x4e: {  	_ =	sdelay $0x1  }
0x4f: {  	s6 =	simm.s32 $0x11  }
0x50: {  	[dreg:$0xd] =	wrdreg s4;
	[sflag:s6] =	ssyncadd.s32 $0xFFFFF63C  }
.LBB2_1:
0x51: {  	s4 =	simm.s32 $0x11;
	s6 =	rddreg [dreg:$0x4]  }
0x52: {  	[spmem:s13], [sflag:s12] =	dma.local [hbm:s6], $0x9C4  }
0x53: {  	_ =	swait.ge [sflag:s4], $0x9C4  }
0x54: {  	[sflag:s4] =	ssyncset.done $0x0;
	s6 =	rddreg [dreg:$0x6]  }
0x55: {  	s13 =	rddreg [dreg:$0xc];
	[sflag:s4] =	ssyncadd.s32 $0xFFFFF63C  }
0x56: {  	[spmem:s13], [sflag:s12] =	dma.local [hbm:s6], $0x9C4  }
0x57: {  	_ =	swait.ge [sflag:s4], $0x9C4  }
0x58: {  	[sflag:s4] =	ssyncset.done $0x0  }
0x59: {  	s6 =	simm.s32 $0x0;
	s13 =	rddreg [dreg:$0x7];
	[sflag:s4] =	ssyncadd.s32 $0xFFFFF63C  }
0x5a: {  	[tilespmem:s6], [sflag:$0x11] =	stream.linear.gather [hbm4b:s13+s6], $0x2710, $0x38;
	[tilespmem:$0x13A60] =	vst v63  }
0x5b: {  	_ =	swait.ge [sflag:s4], $0x2710  }
0x5c: {  	[sflag:s4] =	ssyncset.done $0x0  }
0x5d: {  	s13 =	simm.s32 $0x2710;
	s12 =	rddreg [dreg:$0x8];
	[sflag:s4] =	ssyncadd.s32 $0xFFFFD8F0  }
0x5e: {  	[tilespmem:s13], [sflag:$0x11] =	stream.linear.gather [hbm4b:s12+s6], $0x2710, $0x38;
	[tilespmem:$0x13A60] =	vst v63  }
0x5f: {  	_ =	swait.ge [sflag:s4], $0x2710  }
0x60: {  	[sflag:s4] =	ssyncset.done $0x0  }
0x61: {  	[sflag:s4] =	ssyncadd.s32 $0xFFFFD8F0  }
0x62: {  	[bflag:$0x0] =	sbarrier.arrive $0xFFFF  }
0x63: {  	[tilespmem:s17], [sflag:$0x1] =	stream.indirect.gather [spmem:s3], $0x20, s6, s16, $0xb8;
	[tilespmem:$0x13A60] =	vst v63  }
0x64: {  	_ = 	snop  }
0x65: {  	[tilespmem:s18], [sflag:$0x2] =	stream.indirect.gather [spmem:s3], $0x20, s16, s16, $0xb8;
	[tilespmem:$0x13A60] =	vst v63  }
0x66: {  	s6 =	simm.s32 $0xA0  }
0x67: {  	[tilespmem:s20], [sflag:$0x3] =	stream.indirect.gather [spmem:s3], $0x20, s6, s16, $0xb8;
	[tilespmem:$0x13A60] =	vst v63  }
0x68: {  	s12 =	simm.s32 $0xF0  }
0x69: {  	[tilespmem:s22], [sflag:$0x4] =	stream.indirect.gather [spmem:s3], $0x20, s12, s16, $0xb8;
	[tilespmem:$0x13A60] =	vst v63  }
0x6a: {  	s13 =	simm.s32 $0x140  }
0x6b: {  	[tilespmem:s24], [sflag:$0x5] =	stream.indirect.gather [spmem:s3], $0x20, s13, s16, $0xb8;
	[tilespmem:$0x13A60] =	vst v63  }
0x6c: {  	s6 =	simm.s32 $0x190  }
0x6d: {  	[tilespmem:s26], [sflag:$0x6] =	stream.indirect.gather [spmem:s3], $0x20, s6, s16, $0xb8;
	[tilespmem:$0x13A60] =	vst v63  }
0x6e: {  	s12 =	simm.s32 $0x1E0  }
0x6f: {  	[tilespmem:s29], [sflag:$0x7] =	stream.indirect.gather [spmem:s3], $0x20, s12, s16, $0xb8;
	[tilespmem:$0x13A60] =	vst v63  }
0x70: {  	s13 =	simm.s32 $0x230;
	s12 =	simm.s32 $0x0  }
0x71: {  	[tilespmem:s31], [sflag:$0x8] =	stream.indirect.gather [spmem:s3], $0x20, s13, s16, $0xb8;
	[tilespmem:$0x13A60] =	vst v63  }
.LBB2_2:
0x72: {  	_ =	swait.ge [sflag:s1], $0xA00  }
0x73: {  	s6 =	sshra.s32 s12, $0x2;
	[sflag:s1] =	ssyncset.done $0x0  }
0x74: {  	s13 =	sadd.s32 $0x2710, s6;
	[sflag:s1] =	ssyncadd.s32 $0xFFFFF600  }
0x75: {  	[spmem:s2] =	stream.indirect.scatter.add.f32 [tilespmem:s17], [sflag:$0x9], $0x20, s13, s16, $0xb8;
	[tilespmem:$0x13A60] =	vst v63  }
0x76: {  	_ =	swait.ge [sflag:s0], $0xA00  }
0x77: {  	[sflag:s0] =	ssyncset.done $0x0  }
0x78: {  	s4 =	sadd.s32 $0x2760, s6;
	[sflag:s0] =	ssyncadd.s32 $0xFFFFF600  }
0x79: {  	[spmem:s2] =	stream.indirect.scatter.add.f32 [tilespmem:s18], [sflag:$0xA], $0x20, s4, s16, $0xb8;
	[tilespmem:$0x13A60] =	vst v63  }
0x7a: {  	_ =	swait.ge [sflag:s15], $0xA00  }
0x7b: {  	[sflag:s15] =	ssyncset.done $0x0  }
0x7c: {  	s4 =	sadd.s32 $0x27B0, s6;
	[sflag:s15] =	ssyncadd.s32 $0xFFFFF600  }
0x7d: {  	[spmem:s2] =	stream.indirect.scatter.add.f32 [tilespmem:s20], [sflag:$0xB], $0x20, s4, s16, $0xb8;
	[tilespmem:$0x13A60] =	vst v63  }
0x7e: {  	_ =	swait.ge [sflag:s19], $0xA00  }
0x7f: {  	[sflag:s19] =	ssyncset.done $0x0  }
0x80: {  	s4 =	sadd.s32 $0x2800, s6;
	[sflag:s19] =	ssyncadd.s32 $0xFFFFF600  }
0x81: {  	[spmem:s2] =	stream.indirect.scatter.add.f32 [tilespmem:s22], [sflag:$0xC], $0x20, s4, s16, $0xb8;
	[tilespmem:$0x13A60] =	vst v63  }
0x82: {  	_ =	swait.ge [sflag:s21], $0xA00  }
0x83: {  	[sflag:s21] =	ssyncset.done $0x0  }
0x84: {  	s4 =	sadd.s32 $0x2850, s6;
	[sflag:s21] =	ssyncadd.s32 $0xFFFFF600  }
0x85: {  	[spmem:s2] =	stream.indirect.scatter.add.f32 [tilespmem:s24], [sflag:$0xD], $0x20, s4, s16, $0xb8;
	[tilespmem:$0x13A60] =	vst v63  }
0x86: {  	_ =	swait.ge [sflag:s23], $0xA00  }
0x87: {  	[sflag:s23] =	ssyncset.done $0x0  }
0x88: {  	s4 =	sadd.s32 $0x28A0, s6;
	[sflag:s23] =	ssyncadd.s32 $0xFFFFF600  }
0x89: {  	[spmem:s2] =	stream.indirect.scatter.add.f32 [tilespmem:s26], [sflag:$0xE], $0x20, s4, s16, $0xb8;
	[tilespmem:$0x13A60] =	vst v63  }
0x8a: {  	_ =	swait.ge [sflag:s25], $0xA00  }
0x8b: {  	[sflag:s25] =	ssyncset.done $0x0  }
0x8c: {  	s4 =	sadd.s32 $0x28F0, s6;
	[sflag:s25] =	ssyncadd.s32 $0xFFFFF600  }
0x8d: {  	[spmem:s2] =	stream.indirect.scatter.add.f32 [tilespmem:s29], [sflag:$0xF], $0x20, s4, s16, $0xb8;
	[tilespmem:$0x13A60] =	vst v63  }
0x8e: {  	_ =	swait.ge [sflag:s28], $0xA00  }
0x8f: {  	[sflag:s28] =	ssyncset.done $0x0  }
0x90: {  	s4 =	sadd.s32 $0x2940, s6;
	[sflag:s28] =	ssyncadd.s32 $0xFFFFF600  }
0x91: {  	[spmem:s2] =	stream.indirect.scatter.add.f32 [tilespmem:s31], [sflag:$0x10], $0x20, s4, s16, $0xb8;
	[tilespmem:$0x13A60] =	vst v63  }
0x92: {  	_ =	swait.ge [sflag:s30], $0xA00  }
0x93: {  	[sflag:s30] =	ssyncset.done $0x0  }
0x94: {  	s4 =	sadd.s32 $0x280, s6;
	[sflag:s30] =	ssyncadd.s32 $0xFFFFF600  }
0x95: {  	[tilespmem:s17], [sflag:$0x1] =	stream.indirect.gather [spmem:s3], $0x20, s4, s16, $0xb8;
	[tilespmem:$0x13A60] =	vst v63  }
0x96: {  	_ =	swait.ge [sflag:s5], $0xA00  }
0x97: {  	[sflag:s5] =	ssyncset.done $0x0  }
0x98: {  	s4 =	sadd.s32 $0x2D0, s6;
	[sflag:s5] =	ssyncadd.s32 $0xFFFFF600  }
0x99: {  	[tilespmem:s18], [sflag:$0x2] =	stream.indirect.gather [spmem:s3], $0x20, s4, s16, $0xb8;
	[tilespmem:$0x13A60] =	vst v63  }
0x9a: {  	_ =	swait.ge [sflag:s7], $0xA00  }
0x9b: {  	[sflag:s7] =	ssyncset.done $0x0  }
0x9c: {  	s4 =	sadd.s32 $0x320, s6;
	[sflag:s7] =	ssyncadd.s32 $0xFFFFF600  }
0x9d: {  	[tilespmem:s20], [sflag:$0x3] =	stream.indirect.gather [spmem:s3], $0x20, s4, s16, $0xb8;
	[tilespmem:$0x13A60] =	vst v63  }
0x9e: {  	_ =	swait.ge [sflag:s8], $0xA00  }
0x9f: {  	[sflag:s8] =	ssyncset.done $0x0  }
0xa0: {  	s4 =	sadd.s32 $0x370, s6;
	[sflag:s8] =	ssyncadd.s32 $0xFFFFF600  }
0xa1: {  	[tilespmem:s22], [sflag:$0x4] =	stream.indirect.gather [spmem:s3], $0x20, s4, s16, $0xb8;
	[tilespmem:$0x13A60] =	vst v63  }
0xa2: {  	_ =	swait.ge [sflag:s9], $0xA00  }
0xa3: {  	p0 =	seq.s32 s12, $0x8C00;
	[sflag:s9] =	ssyncset.done $0x0  }
.Ltmp2:
0xa4: {  	s4 =	sadd.s32 $0x3C0, s6;
	[sflag:s9] =	ssyncadd.s32 $0xFFFFF600;
	(pc) =	sbr.rel @p0 .LBB2_4-.Ltmp2, $4  }
0xa5: {  	[tilespmem:s24], [sflag:$0x5] =	stream.indirect.gather [spmem:s3], $0x20, s4, s16, $0xb8;
	[tilespmem:$0x13A60] =	vst v63  }
0xa6: {  	_ =	swait.ge [sflag:s10], $0xA00  }
0xa7: {  	[sflag:s10] =	ssyncset.done $0x0  }
0xa8: {  	[sflag:s10] =	ssyncadd.s32 $0xFFFFF600  }
0xa9: {  	s13 =	sadd.s32 $0x410, s6  }
0xaa: {  	[tilespmem:s26], [sflag:$0x6] =	stream.indirect.gather [spmem:s3], $0x20, s13, s16, $0xb8;
	[tilespmem:$0x13A60] =	vst v63  }
0xab: {  	_ =	swait.ge [sflag:s11], $0xA00  }
0xac: {  	[sflag:s11] =	ssyncset.done $0x0  }
0xad: {  	s4 =	sadd.s32 $0x460, s6;
	[sflag:s11] =	ssyncadd.s32 $0xFFFFF600  }
0xae: {  	[tilespmem:s29], [sflag:$0x7] =	stream.indirect.gather [spmem:s3], $0x20, s4, s16, $0xb8;
	[tilespmem:$0x13A60] =	vst v63  }
.Ltmp3:
0xaf: {  	_ = 	snop;
	(pc) =	sbr.rel .LBB2_2-.Ltmp3, $4  }
0xb0: {  	_ =	swait.ge [sflag:s14], $0xA00  }
0xb1: {  	[sflag:s14] =	ssyncset.done $0x0  }
0xb2: {  	s12 =	sadd.s32 $0xA00, s12;
	s13 =	sadd.s32 $0x4B0, s6;
	[sflag:s14] =	ssyncadd.s32 $0xFFFFF600  }
0xb3: {  	[tilespmem:s31], [sflag:$0x8] =	stream.indirect.gather [spmem:s3], $0x20, s13, s16, $0xb8;
	[tilespmem:$0x13A60] =	vst v63  }
.LBB2_5:
0xb4: {  	_ =	sfence.sel $0x180000  }
0xb5: {  	[bflag:$0x0] =	sbarrier.arrive $0xFFFF  }
0xb6: {  	_ =	strace $0x9000004A  }
0xb7: {  	s0 =	stileid.u32;
	[bflag:$0x2] =	sbarrier.arrive $0xFFFF  }
0xb8: {  	p0 =	sne.s32 s0, $0x0;
	s0 =	rddreg [dreg:$0x3]  }
0xb9: {  	s0 =	sadd.s32 @!p0 $0x100000, s0  }
0xba: {  	[sflag:s0] =	ssyncadd.tile.s32 @!p0 $0x1;
	_ =	shalt  }
.Lfunc_end2:
_tile_overlayer_lowered:
.L_overlay_start_2:
0xbb: {  	(tag) =	ssettag $0x2  }
0xbc: {  	s0 =	rddreg [dreg:$0x0];
	s2 =	stileid.u32  }
0xbd: {  	s1 =	rddreg [dreg:$0x1];
	p0 =	sne.s32 s2, $0x0  }
0xbe: {  	s3 =	rddreg [dreg:$0x2];
	[bflag:$0x3] =	sbarrier.arrive $0xFFFF;
	s2 =	simm.s32 @!p0 $0x1C11  }
0xbf: {  	[timem:s3], [sflag:s2] =	dma.local @!p0 [hbm:s0], s1  }
0xc0: {  	s0 =	simm.s32 @!p0 $0x11  }
0xc1: {  	_ =	swait.ge @!p0 [sflag:s0], s1  }
0xc2: {  	s1 =	ssub.s32 @!p0 $0x0, s1;
	[sflag:s0] =	ssyncset.done @!p0 $0x0  }
0xc3: {  	[sflag:s0] =	ssyncadd.s32 @!p0 s1  }
0xc4: {  	[bflag:$0x3] =	sbarrier.arrive $0xFFFF  }
0xc5: {  	_ =	shalt  }

// kernel: kernel.15.cloned.1.call-start
scs
__scs_entry_jumppad:
0x0: {  	(pc) =	sbr.rel $0x88, $3  }
0x1: {  	(tag) =	ssettag $0x0;
	lr =	simm.s32 $0x1  }
0x2: {  	[smem:$0x3F99] =	sst lr;
	_ =	strace $0xD0000000  }
0x3: {  	_ = 	snop  }
0x4: {  	_ = 	snop  }
0x5: {  	_ = 	snop  }
0x6: {  	_ = 	snop  }
0x7: {  	_ = 	snop  }
__scs_overlays_trampoline_lowered:
0x8: {  	[smem:$0x3FA8] =	sst s0  }
0x9: {  	[smem:$0x3FA9] =	sst s1  }
0xa: {  	[smem:$0x3FAA] =	sst s2  }
0xb: {  	[smem:$0x3FAB] =	sst s3  }
0xc: {  	[smem:$0x3FAC] =	sst s4  }
0xd: {  	[smem:$0x3FAD] =	sst s5  }
0xe: {  	[smem:$0x3FAE] =	sst s6  }
0xf: {  	[smem:$0x3FAF] =	sst s7  }
0x10: {  	[smem:$0x3FB0] =	sst s8  }
0x11: {  	[smem:$0x3FB1] =	sst s9;
	s0 =	simm.s32 @!p0 $0x0  }
0x12: {  	s1 =	sld [smem:$0x3F97];
	s0 =	simm.s32 @p0 $0x1  }
0x13: {  	[smem:$0x3FB2] =	sst s0;
	s0 =	simm.s32 @!p1 $0x0  }
0x14: {  	s2 =	sld [smem:$0x3F96];
	s0 =	simm.s32 @p1 $0x1  }
0x15: {  	[smem:$0x3FB3] =	sst s0;
	s0 =	simm.s32 @!p2 $0x0  }
0x16: {  	s3 =	sld [smem:$0x3FDB];
	s0 =	simm.s32 @p2 $0x1  }
0x17: {  	s4 =	simm.s32 $0x1BF5;
	[smem:$0x3FB5] =	sst s0  }
0x18: {  	s0 =	sld [smem:$0x3F98];
	_ =	swait.ge [sflag:s4], $0x0  }
0x19: {  	s7 =	sld [smem:$0x3F99]  }
0x1a: {  	s8 =	sadd.s32 $0xFFFFE003, lr  }
0x1b: {  	s9 =	sadd.s32 $0xFFFFFEF7, lr;
	s5 =	simm.s32 $0xFFFFFFFF;
	p2 =	slt.u32 s8, $0xFFFFF086  }
0x1c: {  	p1 =	slt.u32 s9, $0xF7A;
	s5 =	simm.s32 @!p2 $0x0  }
0x1d: {  	s5 =	simm.s32 @p1 $0x1;
	p0 =	seq.s32 s7, s2  }
0x1e: {  	s7 =	smul.u32 @!p0 $0xF7A, s2;
	p2 =	seq.s32 @!p0 s5, $0x0  }
0x1f: {  	s9 =	smul.u32 $0xF7A, s1;
	s8 =	simm.s32 @!p0 $0x1BF5;
	p2 =	por !p2, p0  }
0x20: {  	[sflag:s8] =	ssyncset.s32 @!p0 $0xFFFFF086;
	s6 =	sadd.s32 @!p0 s3, s7;
	s7 =	simm.s32 @!p0 $0x108  }
0x21: {  	s3 =	sadd.s32 s3, s9;
	s6 =	sadd.s32 @!p0 $0x88, s6;
	s7 =	simm.s32 @p2 $0x1082  }
0x22: {  	[simem:s7], [sflag:s8] =	dma.local @!p0 [hbm:s6], $0xF7A  }
0x23: {  	s9 =	sor.u32 $0xD0000000, s2;
	s6 =	simm.s32 $0x108;
	_ =	swait.ge @!p0 [sflag:s8], $0x0  }
0x24: {  	s3 =	sadd.s32 $0x88, s3;
	s6 =	simm.s32 @!p1 $0x1082;
	[sflag:s4] =	ssyncset.s32 $0xFFFFF086  }
0x25: {  	[simem:s6], [sflag:s4] =	dma.local [hbm:s3], $0xF7A  }
0x26: {  	[smem:$0x3F99] =	sst s1;
	(tag) =	ssettag s2;
	_ =	strace s9  }
0x27: {  	s1 =	sld [smem:$0x3FA9]  }
0x28: {  	s2 =	sld [smem:$0x3FAA]  }
0x29: {  	s4 =	sld [smem:$0x3FAC]  }
0x2a: {  	p0 =	seq.s32 s5, $0x0;
	s5 =	sld [smem:$0x3FAD]  }
0x2b: {  	s6 =	sld [smem:$0x3FAE]  }
0x2c: {  	s7 =	sld [smem:$0x3FAF]  }
0x2d: {  	s3 =	simm.s32 $0x108;
	s8 =	sld [smem:$0x3FB0]  }
0x2e: {  	s3 =	simm.s32 @!p0 $0x1082;
	s9 =	sld [smem:$0x3FB1]  }
0x2f: {  	lr =	sadd.s32 s0, s3;
	s0 =	sld [smem:$0x3FA8]  }
0x30: {  	s3 =	sld [smem:$0x3FAB]  }
0x31: {  	[smem:$0x3FB4] =	sst s10  }
0x32: {  	s10 =	sld [smem:$0x3FB2];
	_ =	sdelay $0x3  }
0x33: {  	p0 =	seq.s32 s10, $0x1;
	s10 =	sld [smem:$0x3FB4];
	_ =	sdelay $0x3  }
0x34: {  	[smem:$0x3FB4] =	sst s10  }
0x35: {  	s10 =	sld [smem:$0x3FB3];
	_ =	sdelay $0x3  }
0x36: {  	p1 =	seq.s32 s10, $0x1;
	s10 =	sld [smem:$0x3FB4];
	_ =	sdelay $0x3  }
0x37: {  	[smem:$0x3FB4] =	sst s10  }
0x38: {  	s10 =	sld [smem:$0x3FB5]  }
0x39: {  	_ = 	snop;
	(pc) =	sbr.ind lr, $3  }
0x3a: {  	_ = 	snop  }
0x3b: {  	_ = 	snop  }
0x3c: {  	p2 =	seq.s32 s10, $0x1;
	s10 =	sld [smem:$0x3FB4]  }
0x3d: {  	_ =	shalt  }
0x3e: {  	_ =	shalt  }
0x3f: {  	_ =	shalt  }
0x40: {  	_ =	shalt  }
0x41: {  	_ =	shalt  }
0x42: {  	_ =	shalt  }
0x43: {  	_ =	shalt  }
0x44: {  	_ =	shalt  }
0x45: {  	_ =	shalt  }
0x46: {  	_ =	shalt  }
0x47: {  	_ =	shalt  }
0x48: {  	_ =	shalt  }
0x49: {  	_ =	shalt  }
0x4a: {  	_ =	shalt  }
0x4b: {  	_ =	shalt  }
0x4c: {  	_ =	shalt  }
0x4d: {  	_ =	shalt  }
0x4e: {  	_ =	shalt  }
0x4f: {  	_ =	shalt  }
0x50: {  	_ =	shalt  }
0x51: {  	_ =	shalt  }
0x52: {  	_ =	shalt  }
0x53: {  	_ =	shalt  }
0x54: {  	_ =	shalt  }
0x55: {  	_ =	shalt  }
0x56: {  	_ =	shalt  }
0x57: {  	_ =	shalt  }
0x58: {  	_ =	shalt  }
0x59: {  	_ =	shalt  }
0x5a: {  	_ =	shalt  }
0x5b: {  	_ =	shalt  }
0x5c: {  	_ =	shalt  }
0x5d: {  	_ =	shalt  }
0x5e: {  	_ =	shalt  }
0x5f: {  	_ =	shalt  }
0x60: {  	_ =	shalt  }
0x61: {  	_ =	shalt  }
0x62: {  	_ =	shalt  }
0x63: {  	_ =	shalt  }
0x64: {  	_ =	shalt  }
0x65: {  	_ =	shalt  }
0x66: {  	_ =	shalt  }
0x67: {  	_ =	shalt  }
0x68: {  	_ =	shalt  }
0x69: {  	_ =	shalt  }
0x6a: {  	_ =	shalt  }
0x6b: {  	_ =	shalt  }
0x6c: {  	_ =	shalt  }
0x6d: {  	_ =	shalt  }
0x6e: {  	_ =	shalt  }
0x6f: {  	_ =	shalt  }
0x70: {  	_ =	shalt  }
0x71: {  	_ =	shalt  }
0x72: {  	_ =	shalt  }
0x73: {  	_ =	shalt  }
0x74: {  	_ =	shalt  }
0x75: {  	_ =	shalt  }
0x76: {  	_ =	shalt  }
0x77: {  	_ =	shalt  }
0x78: {  	_ =	shalt  }
0x79: {  	_ =	shalt  }
0x7a: {  	_ =	shalt  }
0x7b: {  	_ =	shalt  }
0x7c: {  	_ =	shalt  }
0x7d: {  	_ =	shalt  }
0x7e: {  	_ =	shalt  }
0x7f: {  	_ =	shalt  }
0x80: {  	_ =	shalt  }
0x81: {  	_ =	shalt  }
0x82: {  	_ =	shalt  }
0x83: {  	_ =	shalt  }
0x84: {  	_ =	shalt  }
0x85: {  	_ =	shalt  }
0x86: {  	_ =	shalt  }
0x87: {  	_ =	shalt  }
.Lfunc_end0:
.L_simem_size_0:
called_computation.2_lowered:
.L_overlay_start_0:
0x88: {  	s2 =	sld [smem:$0x3FD9]  }
0x89: {  	s3 =	sld [smem:$0x3FFE];
	_ =	sdelay $0x1  }
0x8a: {  	s1 =	srdreg.scid  }
0x8b: {  	s0 =	sand.u32 $0x1, s1  }
0x8c: {  	s16 =	sshll.u32 s0, $0xA;
	s2 =	sadd.s32 s3, s2  }
0x8d: {  	s2 =	sadd.s32 s2, s16  }
0x8e: {  	[smem:$0x3FC0] =	sst s2  }
0x8f: {  	_ = 	snop  }
0x90: {  	(tm) =	ssettm $0x1  }
0x91: {  	s17 =	sld [smem:$0x3FFB];
	_ =	sdelay $0x3  }
0x92: {  	_ =	strace s17  }
0x93: {  	s2 =	sld [smem:$0x3FFC];
	_ =	sdelay $0x3  }
0x94: {  	_ =	strace s2  }
0x95: {  	s2 =	sld [smem:$0x3FFD];
	_ =	sdelay $0x3  }
0x96: {  	_ =	strace s2  }
0x97: {  	_ =	strace $0x8FFFFFFF  }
0x98: {  	s18 =	sld [smem:$0x3FDB];
	_ =	sdelay $0x1  }
0x99: {  	s19 =	simm.s32 $_scs_section_size  }
0x9a: {  	s4 =	simm.s32 $_size__tile_overlayer_lowered;
	s5 =	simm.s32 $_tile_overlayer_lowered  }
0x9b: {  	s22 =	simm.s32 $0x1BFF;
	s21 =	sshll.u32 s5, $0x1;
	s2 =	sadd.s32 s19, s18  }
0x9c: {  	s6 =	simm.s32 $0x0;
	s20 =	sshll.u32 s4, $0x1;
	s4 =	sadd.s32 s21, s2  }
0x9d: {  	[timem:s6], [sflag:s22] =	dma.local [hbm:s4], s20  }
0x9e: {  	_ =	swait.ge [sflag:s22], s20  }
0x9f: {  	s3 =	ssub.s32 $0x0, s20;
	[sflag:s22] =	ssyncset.done $0x0  }
0xa0: {  	[sflag:s22] =	ssyncadd.s32 s3;
	_ =	sdelay $0x1  }
0xa1: {  	s23 =	simm.s32 $0x1B8B  }
0xa2: {  	_ =	swait.ge [sflag:s23], $0x1  }
0xa3: {  	[sflag:s23] =	ssyncset.done $0x0  }
0xa4: {  	s25 =	simm.s32 $0x1B8E;
	s24 =	sld [smem:$0x3FFE];
	[sflag:s23] =	ssyncadd.s32 $0xFFFFFFFF  }
0xa5: {  	s26 =	simm.s32 $execute0_lowered;
	[smem:$0x3FD2] =	sst s25  }
0xa6: {  	s4 =	sshll.u32 s26, $0x1;
	_ =	strace $0x8000004C;
	[dreg:$0x1] =	wrdreg $0xFFFFFFFF  }
0xa7: {  	s28 =	simm.s32 $_size_execute0_lowered;
	s2 =	sadd.s32 s2, s4;
	[dreg:$0x0] =	wrdreg $0x0  }
0xa8: {  	s4 =	sshll.u32 s28, $0x1;
	[dreg:$0x2] =	wrdreg s2  }
0xa9: {  	[dreg:$0x3] =	wrdreg s4  }
0xaa: {  	[dreg:$0x4] =	wrdreg $0xC0  }
0xab: {  	_ =	task [dreg:s6], $0x5FFFF  }
0xac: {  	[dreg:$0x1] =	wrdreg $0xFFFFFFFF  }
0xad: {  	[dreg:$0x0] =	wrdreg $0x60  }
0xae: {  	[dreg:$0x2] =	wrdreg s24  }
0xaf: {  	[dreg:$0x3] =	wrdreg $0x9E200  }
0xb0: {  	[dreg:$0x4] =	wrdreg $0xEC400  }
0xb1: {  	[dreg:$0x5] =	wrdreg $0x9  }
0xb2: {  	_ =	task.clear_ibuf [dreg:s6], $0x6FFFF;
	_ =	strace $0x9000004C  }
0xb3: {  	s29 =	simm.s32 $0x9;
	_ =	strace $0x8000004E  }
0xb4: {  	_ =	swait.ge [sflag:s29], $0x1  }
0xb5: {  	[sflag:s29] =	ssyncadd.s32 $0xFFFFFFFF  }
0xb6: {  	_ =	strace $0x9000004E  }
0xb7: {  	_ =	sfence  }
0xb8: {  	s30 =	sld [smem:$0x0];
	_ =	sdelay $0x2  }
0xb9: {  	s31 =	sshll.u32 s1, $0xD;
	s1 =	sshrl.u32 s1, $0x2  }
0xba: {  	s3 =	sand.u32 $0x4000, s31;
	s1 =	sadd.s32 s1, s30  }
0xbb: {  	s0 =	sor.u32 s3, s0;
	s1 =	sshll.u32 s1, $0x11  }
0xbc: {  	s0 =	sor.u32 s1, s0  }
0xbd: {  	s0 =	sadd.s32 $0x8F2B, s0  }
0xbe: {  	[sflag:s0] =	ssyncadd.remote.s32 $0x1  }
0xbf: {  	_ =	sfence.sel $0xFFFF  }
0xc0: {  	[dreg:$0x0] =	wrdreg $0xFFFFFFFF;
	(pc) =	sbr.abs _section_cstart, $3  }
0xc1: {  	[dreg:$0x1] =	wrdreg $0xFFFFFFFF  }
0xc2: {  	_ =	task.clear_ibuf [dreg:s6], $0x2FFFF;
	_ =	strace $0x9FFFFFFF  }
0xc3: {  	(tm) =	ssettm $0x7FFFFFFF  }
tec
execute0_lowered:
.L_overlay_start_1:
0x0: {  	(tag) =	ssettag $0x1  }
0x1: {  	s0 =	srdreg.scid;
	s1 =	rddreg [dreg:$0x0]  }
0x2: {  	s2 =	rddreg [dreg:$0x1];
	s8 =	stileid.u32  }
0x3: {  	s3 =	rddreg [dreg:$0x2];
	s6 =	simm.s32 $0x0;
	s16 =	simm.s32 $0x50  }
0x4: {  	s17 =	simm.s32 $0x4E20;
	s18 =	simm.s32 $0x5820;
	s20 =	simm.s32 $0x6220  }
0x5: {  	s22 =	simm.s32 $0x6C20;
	s29 =	simm.s32 $0x8A20;
	s31 =	simm.s32 $0x9420  }
0x6: {  	s15 =	simm.s32 $0x3;
	s19 =	simm.s32 $0x4;
	s21 =	simm.s32 $0x5  }
0x7: {  	s28 =	simm.s32 $0x8;
	s30 =	simm.s32 $0x9;
	s10 =	simm.s32 $0xE  }
0x8: {  	s11 =	simm.s32 $0xF;
	s14 =	simm.s32 $0x10;
	s0 =	sand.u32 $0x1, s0  }
0x9: {  	s5 =	smul.u32 $0x4E20, s8;
	[smem:$0x7FF] =	sst s6;
	s9 =	sadd.s32 $0x1F400, s1  }
0xa: {  	s4 =	sshll.u32 s0, $0x4;
	s23 =	smul.u32 $0x4E200, s0;
	_ =	strace $0x8000004D  }
0xb: {  	s0 =	ssub.s32 $0x2, s0;
	[dreg:$0x4] =	wrdreg s9;
	s9 =	simm.s32 $0xD  }
0xc: {  	s4 =	sor.u32 s8, s4;
	s7 =	sshrl.u32 s5, $0x3;
	s24 =	sshrl.u32 s0, $0x1  }
0xd: {  	s25 =	sadd.s32 s5, s2;
	s8 =	sshll.u32 s8, $0x6;
	s4 =	smul.u32 $0x2710, s4  }
0xe: {  	s7 =	sadd.s32 s7, s1;
	s6 =	sadd.s32 s5, s23;
	s0 =	ssub.s32 s0, s24  }
0xf: {  	s12 =	sor.u32 $0x1C11, s8;
	s5 =	sadd.s32 s5, s3;
	s13 =	sshrl.u32 s25, $0x3  }
0x10: {  	s24 =	simm.s32 $0x7620;
	s23 =	simm.s32 $0x6;
	[dreg:$0x5] =	wrdreg s12  }
0x11: {  	s25 =	simm.s32 $0x7;
	s7 =	sadd.s32 $0x15600, s7;
	[dreg:$0xb] =	wrdreg s13  }
0x12: {  	s8 =	simm.s32 $0xC;
	s0 =	smax.u32 s0, $0x1;
	[dreg:$0x6] =	wrdreg s7  }
0x13: {  	s5 =	sshrl.u32 s5, $0x3;
	s4 =	sshrl.u32 s4, $0x3;
	[dreg:$0xa] =	wrdreg s0  }
0x14: {  	s6 =	sshrl.u32 s6, $0x3;
	[dreg:$0xc] =	wrdreg s5;
	s4 =	sadd.s32 s4, s1  }
.Ltmp0:
0x15: {  	s1 =	sadd.s32 s6, s1;
	s6 =	simm.s32 $0x0;
	(pc) =	sbr.rel .LBB2_1-.Ltmp0, $4  }
0x16: {  	s0 =	simm.s32 $0x2;
	s26 =	sadd.s32 $0x1C00, s4;
	[dreg:$0xd] =	wrdreg s6  }
0x17: {  	s5 =	simm.s32 $0xA;
	s4 =	sadd.s32 $0xB840, s4;
	[dreg:$0x7] =	wrdreg s26  }
0x18: {  	s7 =	simm.s32 $0xB;
	s1 =	sadd.s32 $0x1FE00, s1;
	[dreg:$0x8] =	wrdreg s4  }
0x19: {  	[dreg:$0x9] =	wrdreg s1;
	s26 =	simm.s32 $0x8020;
	s1 =	simm.s32 $0x1  }
.LBB2_4:
0x1a: {  	_ =	swait.ge [sflag:s11], $0xA00  }
0x1b: {  	[sflag:s11] =	ssyncset.done $0x0  }
0x1c: {  	[sflag:s11] =	ssyncadd.s32 $0xFFFFF600  }
0x1d: {  	_ =	swait.ge [sflag:s14], $0xA00  }
0x1e: {  	[sflag:s14] =	ssyncset.done $0x0  }
0x1f: {  	[sflag:s14] =	ssyncadd.s32 $0xFFFFF600  }
0x20: {  	_ =	swait.ge [sflag:s1], $0xA00  }
0x21: {  	[sflag:s1] =	ssyncset.done $0x0  }
0x22: {  	s4 =	simm.s32 $0x4C90;
	[sflag:s1] =	ssyncadd.s32 $0xFFFFF600  }
0x23: {  	[spmem:s2] =	stream.indirect.scatter.add.f32 [tilespmem:s17], [sflag:$0x9], $0x20, s4, s16, $0xb8;
	[tilespmem:$0x13A60] =	vst v63  }
0x24: {  	_ =	swait.ge [sflag:s0], $0xA00  }
0x25: {  	[sflag:s0] =	ssyncset.done $0x0  }
0x26: {  	s13 =	simm.s32 $0x4CE0;
	[sflag:s0] =	ssyncadd.s32 $0xFFFFF600  }
0x27: {  	[spmem:s2] =	stream.indirect.scatter.add.f32 [tilespmem:s18], [sflag:$0xA], $0x20, s13, s16, $0xb8;
	[tilespmem:$0x13A60] =	vst v63  }
0x28: {  	_ =	swait.ge [sflag:s15], $0xA00  }
0x29: {  	[sflag:s15] =	ssyncset.done $0x0  }
0x2a: {  	s6 =	simm.s32 $0x4D30;
	[sflag:s15] =	ssyncadd.s32 $0xFFFFF600  }
0x2b: {  	[spmem:s2] =	stream.indirect.scatter.add.f32 [tilespmem:s20], [sflag:$0xB], $0x20, s6, s16, $0xb8;
	[tilespmem:$0x13A60] =	vst v63  }
0x2c: {  	_ =	swait.ge [sflag:s19], $0xA00  }
0x2d: {  	[sflag:s19] =	ssyncset.done $0x0  }
0x2e: {  	s12 =	simm.s32 $0x4D80;
	[sflag:s19] =	ssyncadd.s32 $0xFFFFF600  }
0x2f: {  	[spmem:s2] =	stream.indirect.scatter.add.f32 [tilespmem:s22], [sflag:$0xC], $0x20, s12, s16, $0xb8;
	[tilespmem:$0x13A60] =	vst v63  }
0x30: {  	_ =	swait.ge [sflag:s21], $0xA00  }
0x31: {  	[sflag:s21] =	ssyncset.done $0x0  }
0x32: {  	s13 =	simm.s32 $0x4DD0;
	[sflag:s21] =	ssyncadd.s32 $0xFFFFF600  }
0x33: {  	[spmem:s2] =	stream.indirect.scatter.add.f32 [tilespmem:s24], [sflag:$0xD], $0x20, s13, s16, $0xb8;
	[tilespmem:$0x13A60] =	vst v63  }
0x34: {  	_ =	swait.ge [sflag:s30], $0xA00  }
0x35: {  	[sflag:s30] =	ssyncset.done $0x0  }
0x36: {  	[sflag:s30] =	ssyncadd.s32 $0xFFFFF600  }
0x37: {  	_ =	swait.ge [sflag:s5], $0xA00  }
0x38: {  	[sflag:s5] =	ssyncset.done $0x0  }
0x39: {  	[sflag:s5] =	ssyncadd.s32 $0xFFFFF600  }
0x3a: {  	_ =	swait.ge [sflag:s7], $0xA00  }
0x3b: {  	[sflag:s7] =	ssyncset.done $0x0  }
0x3c: {  	[sflag:s7] =	ssyncadd.s32 $0xFFFFF600  }
0x3d: {  	_ =	swait.ge [sflag:s8], $0xA00  }
0x3e: {  	[sflag:s8] =	ssyncset.done $0x0  }
0x3f: {  	[sflag:s8] =	ssyncadd.s32 $0xFFFFF600  }
0x40: {  	_ =	swait.ge [sflag:s9], $0xA00  }
0x41: {  	[sflag:s9] =	ssyncset.done $0x0  }
0x42: {  	[sflag:s9] =	ssyncadd.s32 $0xFFFFF600  }
0x43: {  	[bflag:$0x0] =	sbarrier.arrive $0xFFFF  }
0x44: {  	s12 =	rddreg [dreg:$0x5]  }
0x45: {  	s6 =	rddreg [dreg:$0x9]  }
0x46: {  	s13 =	rddreg [dreg:$0xb]  }
0x47: {  	[hbm:s6], [sflag:s12] =	dma.local [spmem:s13], $0x9C4  }
0x48: {  	s6 =	simm.s32 $0x11  }
0x49: {  	_ =	swait.ge [sflag:s6], $0x9C4  }
0x4a: {  	s4 =	rddreg [dreg:$0xd]  }
0x4b: {  	[sflag:s6] =	ssyncset.done $0x0;
	s6 =	rddreg [dreg:$0xa];
	s4 =	sadd.s32 $0x1, s4  }
0x4c: {  	p0 =	sne.s32 s4, s6  }
.Ltmp1:
0x4d: {  	_ = 	snop;
	(pc) =	sbr.rel @!p0 .LBB2_5-.Ltmp1, $3  }
0x4e: {  	_ =	sdelay $0x1  }
0x4f: {  	s6 =	simm.s32 $0x11  }
0x50: {  	[dreg:$0xd] =	wrdreg s4;
	[sflag:s6] =	ssyncadd.s32 $0xFFFFF63C  }
.LBB2_1:
0x51: {  	s4 =	simm.s32 $0x11;
	s6 =	rddreg [dreg:$0x4]  }
0x52: {  	[spmem:s13], [sflag:s12] =	dma.local [hbm:s6], $0x9C4  }
0x53: {  	_ =	swait.ge [sflag:s4], $0x9C4  }
0x54: {  	[sflag:s4] =	ssyncset.done $0x0;
	s6 =	rddreg [dreg:$0x6]  }
0x55: {  	s13 =	rddreg [dreg:$0xc];
	[sflag:s4] =	ssyncadd.s32 $0xFFFFF63C  }
0x56: {  	[spmem:s13], [sflag:s12] =	dma.local [hbm:s6], $0x9C4  }
0x57: {  	_ =	swait.ge [sflag:s4], $0x9C4  }
0x58: {  	[sflag:s4] =	ssyncset.done $0x0  }
0x59: {  	s6 =	simm.s32 $0x0;
	s13 =	rddreg [dreg:$0x7];
	[sflag:s4] =	ssyncadd.s32 $0xFFFFF63C  }
0x5a: {  	[tilespmem:s6], [sflag:$0x11] =	stream.linear.gather [hbm4b:s13+s6], $0x2710, $0x38;
	[tilespmem:$0x13A60] =	vst v63  }
0x5b: {  	_ =	swait.ge [sflag:s4], $0x2710  }
0x5c: {  	[sflag:s4] =	ssyncset.done $0x0  }
0x5d: {  	s13 =	simm.s32 $0x2710;
	s12 =	rddreg [dreg:$0x8];
	[sflag:s4] =	ssyncadd.s32 $0xFFFFD8F0  }
0x5e: {  	[tilespmem:s13], [sflag:$0x11] =	stream.linear.gather [hbm4b:s12+s6], $0x2710, $0x38;
	[tilespmem:$0x13A60] =	vst v63  }
0x5f: {  	_ =	swait.ge [sflag:s4], $0x2710  }
0x60: {  	[sflag:s4] =	ssyncset.done $0x0  }
0x61: {  	[sflag:s4] =	ssyncadd.s32 $0xFFFFD8F0  }
0x62: {  	[bflag:$0x0] =	sbarrier.arrive $0xFFFF  }
0x63: {  	[tilespmem:s17], [sflag:$0x1] =	stream.indirect.gather [spmem:s3], $0x20, s6, s16, $0xb8;
	[tilespmem:$0x13A60] =	vst v63  }
0x64: {  	_ = 	snop  }
0x65: {  	[tilespmem:s18], [sflag:$0x2] =	stream.indirect.gather [spmem:s3], $0x20, s16, s16, $0xb8;
	[tilespmem:$0x13A60] =	vst v63  }
0x66: {  	s6 =	simm.s32 $0xA0  }
0x67: {  	[tilespmem:s20], [sflag:$0x3] =	stream.indirect.gather [spmem:s3], $0x20, s6, s16, $0xb8;
	[tilespmem:$0x13A60] =	vst v63  }
0x68: {  	s12 =	simm.s32 $0xF0  }
0x69: {  	[tilespmem:s22], [sflag:$0x4] =	stream.indirect.gather [spmem:s3], $0x20, s12, s16, $0xb8;
	[tilespmem:$0x13A60] =	vst v63  }
0x6a: {  	s13 =	simm.s32 $0x140  }
0x6b: {  	[tilespmem:s24], [sflag:$0x5] =	stream.indirect.gather [spmem:s3], $0x20, s13, s16, $0xb8;
	[tilespmem:$0x13A60] =	vst v63  }
0x6c: {  	s6 =	simm.s32 $0x190  }
0x6d: {  	[tilespmem:s26], [sflag:$0x6] =	stream.indirect.gather [spmem:s3], $0x20, s6, s16, $0xb8;
	[tilespmem:$0x13A60] =	vst v63  }
0x6e: {  	s12 =	simm.s32 $0x1E0  }
0x6f: {  	[tilespmem:s29], [sflag:$0x7] =	stream.indirect.gather [spmem:s3], $0x20, s12, s16, $0xb8;
	[tilespmem:$0x13A60] =	vst v63  }
0x70: {  	s13 =	simm.s32 $0x230;
	s12 =	simm.s32 $0x0  }
0x71: {  	[tilespmem:s31], [sflag:$0x8] =	stream.indirect.gather [spmem:s3], $0x20, s13, s16, $0xb8;
	[tilespmem:$0x13A60] =	vst v63  }
.LBB2_2:
0x72: {  	_ =	swait.ge [sflag:s1], $0xA00  }
0x73: {  	s6 =	sshra.s32 s12, $0x2;
	[sflag:s1] =	ssyncset.done $0x0  }
0x74: {  	s13 =	sadd.s32 $0x2710, s6;
	[sflag:s1] =	ssyncadd.s32 $0xFFFFF600  }
0x75: {  	[spmem:s2] =	stream.indirect.scatter.add.f32 [tilespmem:s17], [sflag:$0x9], $0x20, s13, s16, $0xb8;
	[tilespmem:$0x13A60] =	vst v63  }
0x76: {  	_ =	swait.ge [sflag:s0], $0xA00  }
0x77: {  	[sflag:s0] =	ssyncset.done $0x0  }
0x78: {  	s4 =	sadd.s32 $0x2760, s6;
	[sflag:s0] =	ssyncadd.s32 $0xFFFFF600  }
0x79: {  	[spmem:s2] =	stream.indirect.scatter.add.f32 [tilespmem:s18], [sflag:$0xA], $0x20, s4, s16, $0xb8;
	[tilespmem:$0x13A60] =	vst v63  }
0x7a: {  	_ =	swait.ge [sflag:s15], $0xA00  }
0x7b: {  	[sflag:s15] =	ssyncset.done $0x0  }
0x7c: {  	s4 =	sadd.s32 $0x27B0, s6;
	[sflag:s15] =	ssyncadd.s32 $0xFFFFF600  }
0x7d: {  	[spmem:s2] =	stream.indirect.scatter.add.f32 [tilespmem:s20], [sflag:$0xB], $0x20, s4, s16, $0xb8;
	[tilespmem:$0x13A60] =	vst v63  }
0x7e: {  	_ =	swait.ge [sflag:s19], $0xA00  }
0x7f: {  	[sflag:s19] =	ssyncset.done $0x0  }
0x80: {  	s4 =	sadd.s32 $0x2800, s6;
	[sflag:s19] =	ssyncadd.s32 $0xFFFFF600  }
0x81: {  	[spmem:s2] =	stream.indirect.scatter.add.f32 [tilespmem:s22], [sflag:$0xC], $0x20, s4, s16, $0xb8;
	[tilespmem:$0x13A60] =	vst v63  }
0x82: {  	_ =	swait.ge [sflag:s21], $0xA00  }
0x83: {  	[sflag:s21] =	ssyncset.done $0x0  }
0x84: {  	s4 =	sadd.s32 $0x2850, s6;
	[sflag:s21] =	ssyncadd.s32 $0xFFFFF600  }
0x85: {  	[spmem:s2] =	stream.indirect.scatter.add.f32 [tilespmem:s24], [sflag:$0xD], $0x20, s4, s16, $0xb8;
	[tilespmem:$0x13A60] =	vst v63  }
0x86: {  	_ =	swait.ge [sflag:s23], $0xA00  }
0x87: {  	[sflag:s23] =	ssyncset.done $0x0  }
0x88: {  	s4 =	sadd.s32 $0x28A0, s6;
	[sflag:s23] =	ssyncadd.s32 $0xFFFFF600  }
0x89: {  	[spmem:s2] =	stream.indirect.scatter.add.f32 [tilespmem:s26], [sflag:$0xE], $0x20, s4, s16, $0xb8;
	[tilespmem:$0x13A60] =	vst v63  }
0x8a: {  	_ =	swait.ge [sflag:s25], $0xA00  }
0x8b: {  	[sflag:s25] =	ssyncset.done $0x0  }
0x8c: {  	s4 =	sadd.s32 $0x28F0, s6;
	[sflag:s25] =	ssyncadd.s32 $0xFFFFF600  }
0x8d: {  	[spmem:s2] =	stream.indirect.scatter.add.f32 [tilespmem:s29], [sflag:$0xF], $0x20, s4, s16, $0xb8;
	[tilespmem:$0x13A60] =	vst v63  }
0x8e: {  	_ =	swait.ge [sflag:s28], $0xA00  }
0x8f: {  	[sflag:s28] =	ssyncset.done $0x0  }
0x90: {  	s4 =	sadd.s32 $0x2940, s6;
	[sflag:s28] =	ssyncadd.s32 $0xFFFFF600  }
0x91: {  	[spmem:s2] =	stream.indirect.scatter.add.f32 [tilespmem:s31], [sflag:$0x10], $0x20, s4, s16, $0xb8;
	[tilespmem:$0x13A60] =	vst v63  }
0x92: {  	_ =	swait.ge [sflag:s30], $0xA00  }
0x93: {  	[sflag:s30] =	ssyncset.done $0x0  }
0x94: {  	s4 =	sadd.s32 $0x280, s6;
	[sflag:s30] =	ssyncadd.s32 $0xFFFFF600  }
0x95: {  	[tilespmem:s17], [sflag:$0x1] =	stream.indirect.gather [spmem:s3], $0x20, s4, s16, $0xb8;
	[tilespmem:$0x13A60] =	vst v63  }
0x96: {  	_ =	swait.ge [sflag:s5], $0xA00  }
0x97: {  	[sflag:s5] =	ssyncset.done $0x0  }
0x98: {  	s4 =	sadd.s32 $0x2D0, s6;
	[sflag:s5] =	ssyncadd.s32 $0xFFFFF600  }
0x99: {  	[tilespmem:s18], [sflag:$0x2] =	stream.indirect.gather [spmem:s3], $0x20, s4, s16, $0xb8;
	[tilespmem:$0x13A60] =	vst v63  }
0x9a: {  	_ =	swait.ge [sflag:s7], $0xA00  }
0x9b: {  	[sflag:s7] =	ssyncset.done $0x0  }
0x9c: {  	s4 =	sadd.s32 $0x320, s6;
	[sflag:s7] =	ssyncadd.s32 $0xFFFFF600  }
0x9d: {  	[tilespmem:s20], [sflag:$0x3] =	stream.indirect.gather [spmem:s3], $0x20, s4, s16, $0xb8;
	[tilespmem:$0x13A60] =	vst v63  }
0x9e: {  	_ =	swait.ge [sflag:s8], $0xA00  }
0x9f: {  	[sflag:s8] =	ssyncset.done $0x0  }
0xa0: {  	s4 =	sadd.s32 $0x370, s6;
	[sflag:s8] =	ssyncadd.s32 $0xFFFFF600  }
0xa1: {  	[tilespmem:s22], [sflag:$0x4] =	stream.indirect.gather [spmem:s3], $0x20, s4, s16, $0xb8;
	[tilespmem:$0x13A60] =	vst v63  }
0xa2: {  	_ =	swait.ge [sflag:s9], $0xA00  }
0xa3: {  	p0 =	seq.s32 s12, $0x8C00;
	[sflag:s9] =	ssyncset.done $0x0  }
.Ltmp2:
0xa4: {  	s4 =	sadd.s32 $0x3C0, s6;
	[sflag:s9] =	ssyncadd.s32 $0xFFFFF600;
	(pc) =	sbr.rel @p0 .LBB2_4-.Ltmp2, $4  }
0xa5: {  	[tilespmem:s24], [sflag:$0x5] =	stream.indirect.gather [spmem:s3], $0x20, s4, s16, $0xb8;
	[tilespmem:$0x13A60] =	vst v63  }
0xa6: {  	_ =	swait.ge [sflag:s10], $0xA00  }
0xa7: {  	[sflag:s10] =	ssyncset.done $0x0  }
0xa8: {  	[sflag:s10] =	ssyncadd.s32 $0xFFFFF600  }
0xa9: {  	s13 =	sadd.s32 $0x410, s6  }
0xaa: {  	[tilespmem:s26], [sflag:$0x6] =	stream.indirect.gather [spmem:s3], $0x20, s13, s16, $0xb8;
	[tilespmem:$0x13A60] =	vst v63  }
0xab: {  	_ =	swait.ge [sflag:s11], $0xA00  }
0xac: {  	[sflag:s11] =	ssyncset.done $0x0  }
0xad: {  	s4 =	sadd.s32 $0x460, s6;
	[sflag:s11] =	ssyncadd.s32 $0xFFFFF600  }
0xae: {  	[tilespmem:s29], [sflag:$0x7] =	stream.indirect.gather [spmem:s3], $0x20, s4, s16, $0xb8;
	[tilespmem:$0x13A60] =	vst v63  }
.Ltmp3:
0xaf: {  	_ = 	snop;
	(pc) =	sbr.rel .LBB2_2-.Ltmp3, $4  }
0xb0: {  	_ =	swait.ge [sflag:s14], $0xA00  }
0xb1: {  	[sflag:s14] =	ssyncset.done $0x0  }
0xb2: {  	s12 =	sadd.s32 $0xA00, s12;
	s13 =	sadd.s32 $0x4B0, s6;
	[sflag:s14] =	ssyncadd.s32 $0xFFFFF600  }
0xb3: {  	[tilespmem:s31], [sflag:$0x8] =	stream.indirect.gather [spmem:s3], $0x20, s13, s16, $0xb8;
	[tilespmem:$0x13A60] =	vst v63  }
.LBB2_5:
0xb4: {  	_ =	sfence.sel $0x180000  }
0xb5: {  	[bflag:$0x0] =	sbarrier.arrive $0xFFFF  }
0xb6: {  	_ =	strace $0x9000004D  }
0xb7: {  	s0 =	stileid.u32;
	[bflag:$0x2] =	sbarrier.arrive $0xFFFF  }
0xb8: {  	p0 =	sne.s32 s0, $0x0;
	s0 =	rddreg [dreg:$0x3]  }
0xb9: {  	s0 =	sadd.s32 @!p0 $0x100000, s0  }
0xba: {  	[sflag:s0] =	ssyncadd.tile.s32 @!p0 $0x1;
	_ =	shalt  }
.Lfunc_end2:
_tile_overlayer_lowered:
.L_overlay_start_2:
0xbb: {  	(tag) =	ssettag $0x2  }
0xbc: {  	s0 =	rddreg [dreg:$0x0];
	s2 =	stileid.u32  }
0xbd: {  	s1 =	rddreg [dreg:$0x1];
	p0 =	sne.s32 s2, $0x0  }
0xbe: {  	s3 =	rddreg [dreg:$0x2];
	[bflag:$0x3] =	sbarrier.arrive $0xFFFF;
	s2 =	simm.s32 @!p0 $0x1C11  }
0xbf: {  	[timem:s3], [sflag:s2] =	dma.local @!p0 [hbm:s0], s1  }
0xc0: {  	s0 =	simm.s32 @!p0 $0x11  }
0xc1: {  	_ =	swait.ge @!p0 [sflag:s0], s1  }
0xc2: {  	s1 =	ssub.s32 @!p0 $0x0, s1;
	[sflag:s0] =	ssyncset.done @!p0 $0x0  }
0xc3: {  	[sflag:s0] =	ssyncadd.s32 @!p0 s1  }
0xc4: {  	[bflag:$0x3] =	sbarrier.arrive $0xFFFF  }
0xc5: {  	_ =	shalt  }

// kernel: kernel.9.cloned.1.call-start
scs
__scs_entry_jumppad:
0x0: {  	(pc) =	sbr.rel $0x88, $3  }
0x1: {  	(tag) =	ssettag $0x0;
	lr =	simm.s32 $0x1  }
0x2: {  	[smem:$0x3F99] =	sst lr;
	_ =	strace $0xD0000000  }
0x3: {  	_ = 	snop  }
0x4: {  	_ = 	snop  }
0x5: {  	_ = 	snop  }
0x6: {  	_ = 	snop  }
0x7: {  	_ = 	snop  }
__scs_overlays_trampoline_lowered:
0x8: {  	[smem:$0x3FA8] =	sst s0  }
0x9: {  	[smem:$0x3FA9] =	sst s1  }
0xa: {  	[smem:$0x3FAA] =	sst s2  }
0xb: {  	[smem:$0x3FAB] =	sst s3  }
0xc: {  	[smem:$0x3FAC] =	sst s4  }
0xd: {  	[smem:$0x3FAD] =	sst s5  }
0xe: {  	[smem:$0x3FAE] =	sst s6  }
0xf: {  	[smem:$0x3FAF] =	sst s7  }
0x10: {  	[smem:$0x3FB0] =	sst s8  }
0x11: {  	[smem:$0x3FB1] =	sst s9;
	s0 =	simm.s32 @!p0 $0x0  }
0x12: {  	s1 =	sld [smem:$0x3F97];
	s0 =	simm.s32 @p0 $0x1  }
0x13: {  	[smem:$0x3FB2] =	sst s0;
	s0 =	simm.s32 @!p1 $0x0  }
0x14: {  	s2 =	sld [smem:$0x3F96];
	s0 =	simm.s32 @p1 $0x1  }
0x15: {  	[smem:$0x3FB3] =	sst s0;
	s0 =	simm.s32 @!p2 $0x0  }
0x16: {  	s3 =	sld [smem:$0x3FDB];
	s0 =	simm.s32 @p2 $0x1  }
0x17: {  	s4 =	simm.s32 $0x1BF5;
	[smem:$0x3FB5] =	sst s0  }
0x18: {  	s0 =	sld [smem:$0x3F98];
	_ =	swait.ge [sflag:s4], $0x0  }
0x19: {  	s7 =	sld [smem:$0x3F99]  }
0x1a: {  	s8 =	sadd.s32 $0xFFFFE003, lr  }
0x1b: {  	s9 =	sadd.s32 $0xFFFFFEF7, lr;
	s5 =	simm.s32 $0xFFFFFFFF;
	p2 =	slt.u32 s8, $0xFFFFF086  }
0x1c: {  	p1 =	slt.u32 s9, $0xF7A;
	s5 =	simm.s32 @!p2 $0x0  }
0x1d: {  	s5 =	simm.s32 @p1 $0x1;
	p0 =	seq.s32 s7, s2  }
0x1e: {  	s7 =	smul.u32 @!p0 $0xF7A, s2;
	p2 =	seq.s32 @!p0 s5, $0x0  }
0x1f: {  	s9 =	smul.u32 $0xF7A, s1;
	s8 =	simm.s32 @!p0 $0x1BF5;
	p2 =	por !p2, p0  }
0x20: {  	[sflag:s8] =	ssyncset.s32 @!p0 $0xFFFFF086;
	s6 =	sadd.s32 @!p0 s3, s7;
	s7 =	simm.s32 @!p0 $0x108  }
0x21: {  	s3 =	sadd.s32 s3, s9;
	s6 =	sadd.s32 @!p0 $0x88, s6;
	s7 =	simm.s32 @p2 $0x1082  }
0x22: {  	[simem:s7], [sflag:s8] =	dma.local @!p0 [hbm:s6], $0xF7A  }
0x23: {  	s9 =	sor.u32 $0xD0000000, s2;
	s6 =	simm.s32 $0x108;
	_ =	swait.ge @!p0 [sflag:s8], $0x0  }
0x24: {  	s3 =	sadd.s32 $0x88, s3;
	s6 =	simm.s32 @!p1 $0x1082;
	[sflag:s4] =	ssyncset.s32 $0xFFFFF086  }
0x25: {  	[simem:s6], [sflag:s4] =	dma.local [hbm:s3], $0xF7A  }
0x26: {  	[smem:$0x3F99] =	sst s1;
	(tag) =	ssettag s2;
	_ =	strace s9  }
0x27: {  	s1 =	sld [smem:$0x3FA9]  }
0x28: {  	s2 =	sld [smem:$0x3FAA]  }
0x29: {  	s4 =	sld [smem:$0x3FAC]  }
0x2a: {  	p0 =	seq.s32 s5, $0x0;
	s5 =	sld [smem:$0x3FAD]  }
0x2b: {  	s6 =	sld [smem:$0x3FAE]  }
0x2c: {  	s7 =	sld [smem:$0x3FAF]  }
0x2d: {  	s3 =	simm.s32 $0x108;
	s8 =	sld [smem:$0x3FB0]  }
0x2e: {  	s3 =	simm.s32 @!p0 $0x1082;
	s9 =	sld [smem:$0x3FB1]  }
0x2f: {  	lr =	sadd.s32 s0, s3;
	s0 =	sld [smem:$0x3FA8]  }
0x30: {  	s3 =	sld [smem:$0x3FAB]  }
0x31: {  	[smem:$0x3FB4] =	sst s10  }
0x32: {  	s10 =	sld [smem:$0x3FB2];
	_ =	sdelay $0x3  }
0x33: {  	p0 =	seq.s32 s10, $0x1;
	s10 =	sld [smem:$0x3FB4];
	_ =	sdelay $0x3  }
0x34: {  	[smem:$0x3FB4] =	sst s10  }
0x35: {  	s10 =	sld [smem:$0x3FB3];
	_ =	sdelay $0x3  }
0x36: {  	p1 =	seq.s32 s10, $0x1;
	s10 =	sld [smem:$0x3FB4];
	_ =	sdelay $0x3  }
0x37: {  	[smem:$0x3FB4] =	sst s10  }
0x38: {  	s10 =	sld [smem:$0x3FB5]  }
0x39: {  	_ = 	snop;
	(pc) =	sbr.ind lr, $3  }
0x3a: {  	_ = 	snop  }
0x3b: {  	_ = 	snop  }
0x3c: {  	p2 =	seq.s32 s10, $0x1;
	s10 =	sld [smem:$0x3FB4]  }
0x3d: {  	_ =	shalt  }
0x3e: {  	_ =	shalt  }
0x3f: {  	_ =	shalt  }
0x40: {  	_ =	shalt  }
0x41: {  	_ =	shalt  }
0x42: {  	_ =	shalt  }
0x43: {  	_ =	shalt  }
0x44: {  	_ =	shalt  }
0x45: {  	_ =	shalt  }
0x46: {  	_ =	shalt  }
0x47: {  	_ =	shalt  }
0x48: {  	_ =	shalt  }
0x49: {  	_ =	shalt  }
0x4a: {  	_ =	shalt  }
0x4b: {  	_ =	shalt  }
0x4c: {  	_ =	shalt  }
0x4d: {  	_ =	shalt  }
0x4e: {  	_ =	shalt  }
0x4f: {  	_ =	shalt  }
0x50: {  	_ =	shalt  }
0x51: {  	_ =	shalt  }
0x52: {  	_ =	shalt  }
0x53: {  	_ =	shalt  }
0x54: {  	_ =	shalt  }
0x55: {  	_ =	shalt  }
0x56: {  	_ =	shalt  }
0x57: {  	_ =	shalt  }
0x58: {  	_ =	shalt  }
0x59: {  	_ =	shalt  }
0x5a: {  	_ =	shalt  }
0x5b: {  	_ =	shalt  }
0x5c: {  	_ =	shalt  }
0x5d: {  	_ =	shalt  }
0x5e: {  	_ =	shalt  }
0x5f: {  	_ =	shalt  }
0x60: {  	_ =	shalt  }
0x61: {  	_ =	shalt  }
0x62: {  	_ =	shalt  }
0x63: {  	_ =	shalt  }
0x64: {  	_ =	shalt  }
0x65: {  	_ =	shalt  }
0x66: {  	_ =	shalt  }
0x67: {  	_ =	shalt  }
0x68: {  	_ =	shalt  }
0x69: {  	_ =	shalt  }
0x6a: {  	_ =	shalt  }
0x6b: {  	_ =	shalt  }
0x6c: {  	_ =	shalt  }
0x6d: {  	_ =	shalt  }
0x6e: {  	_ =	shalt  }
0x6f: {  	_ =	shalt  }
0x70: {  	_ =	shalt  }
0x71: {  	_ =	shalt  }
0x72: {  	_ =	shalt  }
0x73: {  	_ =	shalt  }
0x74: {  	_ =	shalt  }
0x75: {  	_ =	shalt  }
0x76: {  	_ =	shalt  }
0x77: {  	_ =	shalt  }
0x78: {  	_ =	shalt  }
0x79: {  	_ =	shalt  }
0x7a: {  	_ =	shalt  }
0x7b: {  	_ =	shalt  }
0x7c: {  	_ =	shalt  }
0x7d: {  	_ =	shalt  }
0x7e: {  	_ =	shalt  }
0x7f: {  	_ =	shalt  }
0x80: {  	_ =	shalt  }
0x81: {  	_ =	shalt  }
0x82: {  	_ =	shalt  }
0x83: {  	_ =	shalt  }
0x84: {  	_ =	shalt  }
0x85: {  	_ =	shalt  }
0x86: {  	_ =	shalt  }
0x87: {  	_ =	shalt  }
.Lfunc_end0:
.L_simem_size_0:
called_computation_lowered:
.L_overlay_start_0:
0x88: {  	s2 =	sld [smem:$0x3FD9]  }
0x89: {  	s3 =	sld [smem:$0x3FFE];
	_ =	sdelay $0x1  }
0x8a: {  	s1 =	srdreg.scid  }
0x8b: {  	s0 =	sand.u32 $0x1, s1  }
0x8c: {  	s17 =	sshll.u32 s0, $0xA;
	s2 =	sadd.s32 s3, s2  }
0x8d: {  	s2 =	sadd.s32 s2, s17  }
0x8e: {  	[smem:$0x3FC0] =	sst s2  }
0x8f: {  	_ = 	snop  }
0x90: {  	s2 =	sld [smem:$0x3FD0];
	(tm) =	ssettm $0x1  }
0x91: {  	s18 =	sld [smem:$0x3FFB];
	_ =	sdelay $0x3  }
0x92: {  	_ =	strace s18  }
0x93: {  	s3 =	sld [smem:$0x3FFC];
	_ =	sdelay $0x3  }
0x94: {  	_ =	strace s3  }
0x95: {  	s3 =	sld [smem:$0x3FFD];
	_ =	sdelay $0x3  }
0x96: {  	_ =	strace s3  }
0x97: {  	_ =	strace $0x8FFFFFFF  }
0x98: {  	s19 =	sld [smem:$0x3FDB];
	_ =	sdelay $0x1  }
0x99: {  	s4 =	simm.s32 $_scs_section_size  }
0x9a: {  	s5 =	simm.s32 $_size__tile_overlayer_lowered;
	s6 =	simm.s32 $_tile_overlayer_lowered  }
0x9b: {  	s22 =	simm.s32 $0x1BFF;
	s21 =	sshll.u32 s6, $0x1;
	s3 =	sadd.s32 s4, s19  }
0x9c: {  	s7 =	simm.s32 $0x0;
	s20 =	sshll.u32 s5, $0x1;
	s5 =	sadd.s32 s21, s3  }
0x9d: {  	[timem:s7], [sflag:s22] =	dma.local [hbm:s5], s20  }
0x9e: {  	_ =	swait.ge [sflag:s22], s20  }
0x9f: {  	s4 =	ssub.s32 $0x0, s20;
	[sflag:s22] =	ssyncset.done $0x0  }
0xa0: {  	[sflag:s22] =	ssyncadd.s32 s4;
	_ =	sdelay $0x1  }
0xa1: {  	s23 =	simm.s32 $0x1B8B  }
0xa2: {  	_ =	swait.ge [sflag:s23], $0x1  }
0xa3: {  	[sflag:s23] =	ssyncset.done $0x0  }
0xa4: {  	s25 =	simm.s32 $0x1B8E;
	s24 =	sld [smem:$0x3FFE];
	[sflag:s23] =	ssyncadd.s32 $0xFFFFFFFF  }
0xa5: {  	s26 =	simm.s32 $execute0_lowered;
	[smem:$0x3FD2] =	sst s25  }
0xa6: {  	s5 =	sshll.u32 s26, $0x1;
	_ =	strace $0x80000046;
	[dreg:$0x1] =	wrdreg $0xFFFFFFFF  }
0xa7: {  	s28 =	simm.s32 $_size_execute0_lowered;
	s3 =	sadd.s32 s3, s5;
	[dreg:$0x0] =	wrdreg $0x0  }
0xa8: {  	s5 =	sshll.u32 s28, $0x1;
	[dreg:$0x2] =	wrdreg s3  }
0xa9: {  	[dreg:$0x3] =	wrdreg s5  }
0xaa: {  	[dreg:$0x4] =	wrdreg $0xC0  }
0xab: {  	_ =	task [dreg:s7], $0x5FFFF  }
0xac: {  	[dreg:$0x1] =	wrdreg $0xFFFFFFFF  }
0xad: {  	[dreg:$0x0] =	wrdreg $0x60  }
0xae: {  	[dreg:$0x2] =	wrdreg s24  }
0xaf: {  	[dreg:$0x3] =	wrdreg s2  }
0xb0: {  	[dreg:$0x4] =	wrdreg $0x29900  }
0xb1: {  	[dreg:$0x5] =	wrdreg $0x9  }
0xb2: {  	_ =	task.clear_ibuf [dreg:s7], $0x6FFFF;
	_ =	strace $0x90000046  }
0xb3: {  	s29 =	simm.s32 $0x9;
	_ =	strace $0x80000048  }
0xb4: {  	_ =	swait.ge [sflag:s29], $0x1  }
0xb5: {  	[sflag:s29] =	ssyncadd.s32 $0xFFFFFFFF  }
0xb6: {  	_ =	strace $0x90000048  }
0xb7: {  	_ =	sfence  }
0xb8: {  	s30 =	sld [smem:$0x0];
	_ =	sdelay $0x2  }
0xb9: {  	s31 =	sshll.u32 s1, $0xD;
	s1 =	sshrl.u32 s1, $0x2  }
0xba: {  	s3 =	sand.u32 $0x4000, s31;
	s1 =	sadd.s32 s1, s30  }
0xbb: {  	s0 =	sor.u32 s3, s0;
	s1 =	sshll.u32 s1, $0x11  }
0xbc: {  	s0 =	sor.u32 s1, s0  }
0xbd: {  	s0 =	sadd.s32 $0x8F2B, s0  }
0xbe: {  	[sflag:s0] =	ssyncadd.remote.s32 $0x1  }
0xbf: {  	_ =	sfence.sel $0xFFFF  }
0xc0: {  	[dreg:$0x0] =	wrdreg $0xFFFFFFFF;
	(pc) =	sbr.abs _section_cstart, $3  }
0xc1: {  	[dreg:$0x1] =	wrdreg $0xFFFFFFFF  }
0xc2: {  	_ =	task.clear_ibuf [dreg:s7], $0x2FFFF;
	_ =	strace $0x9FFFFFFF  }
0xc3: {  	(tm) =	ssettm $0x7FFFFFFF  }
tec
execute0_lowered:
.L_overlay_start_1:
0x0: {  	(tag) =	ssettag $0x1  }
0x1: {  	s6 =	rddreg [dreg:$0x0]  }
0x2: {  	s2 =	rddreg [dreg:$0x1]  }
0x3: {  	s3 =	rddreg [dreg:$0x2]  }
0x4: {  	s0 =	rddreg [dreg:$0x3];
	s5 =	srdreg.scid  }
0x5: {  	s1 =	stileid.u32;
	s4 =	simm.s32 $0x0;
	s12 =	simm.s32 $0x2710  }
0x6: {  	s13 =	simm.s32 $0x50;
	s14 =	simm.s32 $0x1;
	s15 =	simm.s32 $0x2580  }
0x7: {  	s16 =	simm.s32 $0x25D0;
	s17 =	simm.s32 $0x2620;
	s18 =	simm.s32 $0x2670  }
0x8: {  	s19 =	simm.s32 $0x26C0;
	s20 =	simm.s32 $0x0;
	s5 =	sand.u32 $0x1, s5  }
0x9: {  	s7 =	smul.u32 $0x1388, s1;
	[smem:$0x7FF] =	sst s4;
	s31 =	sshll.u32 s1, $0x6  }
0xa: {  	s8 =	smul.u32 $0x13880, s5;
	s9 =	sshll.u32 s5, $0x4;
	_ =	strace $0x80000047  }
0xb: {  	s10 =	ssub.s32 $0x2, s5;
	s5 =	sadd.s32 $0x15600, s6;
	s9 =	sor.u32 s1, s9  }
0xc: {  	s11 =	sshrl.u32 s10, $0x1;
	s8 =	sadd.s32 s7, s8;
	s9 =	smul.u32 $0x2710, s9  }
0xd: {  	s30 =	sadd.s32 s7, s3;
	s10 =	ssub.s32 s10, s11;
	s8 =	sshrl.u32 s8, $0x3  }
0xe: {  	s11 =	simm.s32 $0x2;
	s8 =	sadd.s32 s8, s6;
	s9 =	sshrl.u32 s9, $0x3  }
0xf: {  	s9 =	sadd.s32 s6, s9;
	s6 =	sor.u32 $0x1C02, s31;
	s8 =	sadd.s32 $0x15800, s8  }
0x10: {  	s7 =	sadd.s32 $0xB840, s9;
	s9 =	smax.u32 s10, $0x1;
	s10 =	sshrl.u32 s30, $0x3  }
.LBB2_1:
0x11: {  	[spmem:s10], [sflag:s6] =	dma.local [hbm:s2], $0x271  }
0x12: {  	_ =	swait.ge [sflag:s11], $0x271  }
0x13: {  	[sflag:s11] =	ssyncset.done $0x0  }
0x14: {  	[sflag:s11] =	ssyncadd.s32 $0xFFFFFD8F  }
0x15: {  	[tilespmem:s12], [sflag:$0x2] =	stream.linear.gather [hbm4b:s5+s4], $0x280, $0x38;
	[tilespmem:$0x3D18] =	vst v63  }
0x16: {  	_ =	swait.ge [sflag:s11], $0x280  }
0x17: {  	[sflag:s11] =	ssyncset.done $0x0  }
0x18: {  	[sflag:s11] =	ssyncadd.s32 $0xFFFFFD80  }
0x19: {  	[tilespmem:s4], [sflag:$0x2] =	stream.linear.gather [hbm4b:s7+s4], $0x2710, $0x38;
	[tilespmem:$0x3D18] =	vst v63  }
0x1a: {  	_ =	swait.ge [sflag:s11], $0x2710  }
0x1b: {  	[sflag:s11] =	ssyncset.done $0x0  }
0x1c: {  	[sflag:s11] =	ssyncadd.s32 $0xFFFFD8F0  }
0x1d: {  	s21 =	simm.s32 $0x0;
	[bflag:$0x0] =	sbarrier.arrive $0xFFFF  }
0x1e: {  	[spmem:s3] =	stream.indirect.scatter.add.f32 [tilespmem:s12], [sflag:$0x1], $0x8, s21, s13, $0xb8;
	[tilespmem:$0x3D18] =	vst v63  }
0x1f: {  	s24 =	simm.s32 $0x50  }
0x20: {  	[spmem:s3] =	stream.indirect.scatter.add.f32 [tilespmem:s12], [sflag:$0x1], $0x8, s24, s13, $0xb8;
	[tilespmem:$0x3D18] =	vst v63  }
0x21: {  	s25 =	simm.s32 $0xA0  }
0x22: {  	[spmem:s3] =	stream.indirect.scatter.add.f32 [tilespmem:s12], [sflag:$0x1], $0x8, s25, s13, $0xb8;
	[tilespmem:$0x3D18] =	vst v63  }
0x23: {  	s26 =	simm.s32 $0xF0  }
0x24: {  	[spmem:s3] =	stream.indirect.scatter.add.f32 [tilespmem:s12], [sflag:$0x1], $0x8, s26, s13, $0xb8;
	[tilespmem:$0x3D18] =	vst v63  }
0x25: {  	s28 =	simm.s32 $0x140  }
0x26: {  	[spmem:s3] =	stream.indirect.scatter.add.f32 [tilespmem:s12], [sflag:$0x1], $0x8, s28, s13, $0xb8;
	[tilespmem:$0x3D18] =	vst v63  }
0x27: {  	s29 =	simm.s32 $0x190  }
0x28: {  	[spmem:s3] =	stream.indirect.scatter.add.f32 [tilespmem:s12], [sflag:$0x1], $0x8, s29, s13, $0xb8;
	[tilespmem:$0x3D18] =	vst v63  }
0x29: {  	s30 =	simm.s32 $0x1E0  }
0x2a: {  	[spmem:s3] =	stream.indirect.scatter.add.f32 [tilespmem:s12], [sflag:$0x1], $0x8, s30, s13, $0xb8;
	[tilespmem:$0x3D18] =	vst v63  }
0x2b: {  	s31 =	simm.s32 $0x230  }
0x2c: {  	[spmem:s3] =	stream.indirect.scatter.add.f32 [tilespmem:s12], [sflag:$0x1], $0x8, s31, s13, $0xb8;
	[tilespmem:$0x3D18] =	vst v63  }
0x2d: {  	_ =	swait.ge [sflag:s14], $0x280  }
0x2e: {  	[sflag:s14] =	ssyncset.done $0x0  }
0x2f: {  	[sflag:s14] =	ssyncadd.s32 $0xFFFFFD80  }
0x30: {  	_ =	swait.ge [sflag:s14], $0x280  }
0x31: {  	[sflag:s14] =	ssyncset.done $0x0  }
0x32: {  	[sflag:s14] =	ssyncadd.s32 $0xFFFFFD80  }
0x33: {  	_ =	swait.ge [sflag:s14], $0x280  }
0x34: {  	[sflag:s14] =	ssyncset.done $0x0  }
0x35: {  	[sflag:s14] =	ssyncadd.s32 $0xFFFFFD80  }
0x36: {  	_ =	swait.ge [sflag:s14], $0x280  }
0x37: {  	[sflag:s14] =	ssyncset.done $0x0  }
0x38: {  	[sflag:s14] =	ssyncadd.s32 $0xFFFFFD80  }
0x39: {  	_ =	swait.ge [sflag:s14], $0x280  }
0x3a: {  	[sflag:s14] =	ssyncset.done $0x0  }
0x3b: {  	[sflag:s14] =	ssyncadd.s32 $0xFFFFFD80  }
0x3c: {  	_ =	swait.ge [sflag:s14], $0x280  }
0x3d: {  	[sflag:s14] =	ssyncset.done $0x0  }
0x3e: {  	[sflag:s14] =	ssyncadd.s32 $0xFFFFFD80  }
0x3f: {  	_ =	swait.ge [sflag:s14], $0x280  }
0x40: {  	[sflag:s14] =	ssyncset.done $0x0  }
0x41: {  	[sflag:s14] =	ssyncadd.s32 $0xFFFFFD80  }
0x42: {  	_ =	swait.ge [sflag:s14], $0x280  }
0x43: {  	s23 =	simm.s32 $0x1400;
	s21 =	simm.s32 $0xA00;
	[sflag:s14] =	ssyncset.done $0x0  }
.LBB2_2:
0x44: {  	s24 =	sshra.s32 s21, $0x2  }
0x45: {  	[sflag:s14] =	ssyncadd.s32 $0xFFFFFD80;
	s21 =	smov.u32 s23;
	s22 =	sadd.s32 $0xA00, s23  }
0x46: {  	[spmem:s3] =	stream.indirect.scatter.add.f32 [tilespmem:s12], [sflag:$0x1], $0x8, s24, s13, $0xb8;
	[tilespmem:$0x3D18] =	vst v63  }
0x47: {  	p0 =	sne.s32 s23, $0x8C00;
	s23 =	sadd.s32 $0x50, s24  }
0x48: {  	[spmem:s3] =	stream.indirect.scatter.add.f32 [tilespmem:s12], [sflag:$0x1], $0x8, s23, s13, $0xb8;
	[tilespmem:$0x3D18] =	vst v63  }
0x49: {  	s23 =	sadd.s32 $0xA0, s24  }
0x4a: {  	[spmem:s3] =	stream.indirect.scatter.add.f32 [tilespmem:s12], [sflag:$0x1], $0x8, s23, s13, $0xb8;
	[tilespmem:$0x3D18] =	vst v63  }
0x4b: {  	s23 =	sadd.s32 $0xF0, s24  }
0x4c: {  	[spmem:s3] =	stream.indirect.scatter.add.f32 [tilespmem:s12], [sflag:$0x1], $0x8, s23, s13, $0xb8;
	[tilespmem:$0x3D18] =	vst v63  }
0x4d: {  	s23 =	sadd.s32 $0x140, s24  }
0x4e: {  	[spmem:s3] =	stream.indirect.scatter.add.f32 [tilespmem:s12], [sflag:$0x1], $0x8, s23, s13, $0xb8;
	[tilespmem:$0x3D18] =	vst v63  }
0x4f: {  	s23 =	sadd.s32 $0x190, s24  }
0x50: {  	[spmem:s3] =	stream.indirect.scatter.add.f32 [tilespmem:s12], [sflag:$0x1], $0x8, s23, s13, $0xb8;
	[tilespmem:$0x3D18] =	vst v63  }
0x51: {  	s23 =	sadd.s32 $0x1E0, s24  }
0x52: {  	[spmem:s3] =	stream.indirect.scatter.add.f32 [tilespmem:s12], [sflag:$0x1], $0x8, s23, s13, $0xb8;
	[tilespmem:$0x3D18] =	vst v63  }
0x53: {  	s23 =	sadd.s32 $0x230, s24  }
0x54: {  	[spmem:s3] =	stream.indirect.scatter.add.f32 [tilespmem:s12], [sflag:$0x1], $0x8, s23, s13, $0xb8;
	[tilespmem:$0x3D18] =	vst v63  }
0x55: {  	_ =	swait.ge [sflag:s14], $0x280  }
0x56: {  	[sflag:s14] =	ssyncset.done $0x0  }
0x57: {  	[sflag:s14] =	ssyncadd.s32 $0xFFFFFD80  }
0x58: {  	_ =	swait.ge [sflag:s14], $0x280  }
0x59: {  	[sflag:s14] =	ssyncset.done $0x0  }
0x5a: {  	[sflag:s14] =	ssyncadd.s32 $0xFFFFFD80  }
0x5b: {  	_ =	swait.ge [sflag:s14], $0x280  }
0x5c: {  	[sflag:s14] =	ssyncset.done $0x0  }
0x5d: {  	[sflag:s14] =	ssyncadd.s32 $0xFFFFFD80  }
0x5e: {  	_ =	swait.ge [sflag:s14], $0x280  }
0x5f: {  	[sflag:s14] =	ssyncset.done $0x0  }
0x60: {  	[sflag:s14] =	ssyncadd.s32 $0xFFFFFD80  }
0x61: {  	_ =	swait.ge [sflag:s14], $0x280  }
0x62: {  	[sflag:s14] =	ssyncset.done $0x0  }
0x63: {  	[sflag:s14] =	ssyncadd.s32 $0xFFFFFD80  }
0x64: {  	_ =	swait.ge [sflag:s14], $0x280  }
0x65: {  	[sflag:s14] =	ssyncset.done $0x0  }
0x66: {  	[sflag:s14] =	ssyncadd.s32 $0xFFFFFD80  }
.Ltmp0:
0x67: {  	_ =	swait.ge [sflag:s14], $0x280;
	(pc) =	sbr.rel @p0 .LBB2_2-.Ltmp0, $4  }
0x68: {  	[sflag:s14] =	ssyncset.done $0x0  }
0x69: {  	[sflag:s14] =	ssyncadd.s32 $0xFFFFFD80  }
0x6a: {  	_ =	swait.ge [sflag:s14], $0x280  }
0x6b: {  	s23 =	smov.u32 s22;
	[sflag:s14] =	ssyncset.done $0x0  }
0x6c: {  	s21 =	sshra.s32 s21, $0x2;
	[sflag:s14] =	ssyncadd.s32 $0xFFFFFD80  }
0x6d: {  	[spmem:s3] =	stream.indirect.scatter.add.f32 [tilespmem:s12], [sflag:$0x1], $0x8, s21, s13, $0xb8;
	[tilespmem:$0x3D18] =	vst v63  }
0x6e: {  	s22 =	sadd.s32 $0x50, s21  }
0x6f: {  	[spmem:s3] =	stream.indirect.scatter.add.f32 [tilespmem:s12], [sflag:$0x1], $0x8, s22, s13, $0xb8;
	[tilespmem:$0x3D18] =	vst v63  }
0x70: {  	s26 =	sadd.s32 $0xA0, s21  }
0x71: {  	[spmem:s3] =	stream.indirect.scatter.add.f32 [tilespmem:s12], [sflag:$0x1], $0x8, s26, s13, $0xb8;
	[tilespmem:$0x3D18] =	vst v63  }
0x72: {  	s28 =	sadd.s32 $0xF0, s21  }
0x73: {  	[spmem:s3] =	stream.indirect.scatter.add.f32 [tilespmem:s12], [sflag:$0x1], $0x8, s28, s13, $0xb8;
	[tilespmem:$0x3D18] =	vst v63  }
0x74: {  	s29 =	sadd.s32 $0x140, s21  }
0x75: {  	[spmem:s3] =	stream.indirect.scatter.add.f32 [tilespmem:s12], [sflag:$0x1], $0x8, s29, s13, $0xb8;
	[tilespmem:$0x3D18] =	vst v63  }
0x76: {  	s30 =	sadd.s32 $0x190, s21  }
0x77: {  	[spmem:s3] =	stream.indirect.scatter.add.f32 [tilespmem:s12], [sflag:$0x1], $0x8, s30, s13, $0xb8;
	[tilespmem:$0x3D18] =	vst v63  }
0x78: {  	s31 =	sadd.s32 $0x1E0, s21  }
0x79: {  	[spmem:s3] =	stream.indirect.scatter.add.f32 [tilespmem:s12], [sflag:$0x1], $0x8, s31, s13, $0xb8;
	[tilespmem:$0x3D18] =	vst v63  }
0x7a: {  	s21 =	sadd.s32 $0x230, s21  }
0x7b: {  	[spmem:s3] =	stream.indirect.scatter.add.f32 [tilespmem:s12], [sflag:$0x1], $0x8, s21, s13, $0xb8;
	[tilespmem:$0x3D18] =	vst v63  }
0x7c: {  	_ =	swait.ge [sflag:s14], $0x280  }
0x7d: {  	[sflag:s14] =	ssyncset.done $0x0  }
0x7e: {  	[sflag:s14] =	ssyncadd.s32 $0xFFFFFD80  }
0x7f: {  	_ =	swait.ge [sflag:s14], $0x280  }
0x80: {  	[sflag:s14] =	ssyncset.done $0x0  }
0x81: {  	[sflag:s14] =	ssyncadd.s32 $0xFFFFFD80  }
0x82: {  	_ =	swait.ge [sflag:s14], $0x280  }
0x83: {  	[sflag:s14] =	ssyncset.done $0x0  }
0x84: {  	[sflag:s14] =	ssyncadd.s32 $0xFFFFFD80  }
0x85: {  	_ =	swait.ge [sflag:s14], $0x280  }
0x86: {  	[sflag:s14] =	ssyncset.done $0x0  }
0x87: {  	[sflag:s14] =	ssyncadd.s32 $0xFFFFFD80  }
0x88: {  	_ =	swait.ge [sflag:s14], $0x280  }
0x89: {  	[sflag:s14] =	ssyncset.done $0x0  }
0x8a: {  	[sflag:s14] =	ssyncadd.s32 $0xFFFFFD80  }
0x8b: {  	_ =	swait.ge [sflag:s14], $0x280  }
0x8c: {  	[sflag:s14] =	ssyncset.done $0x0  }
0x8d: {  	[sflag:s14] =	ssyncadd.s32 $0xFFFFFD80  }
0x8e: {  	_ =	swait.ge [sflag:s14], $0x280  }
0x8f: {  	[sflag:s14] =	ssyncset.done $0x0  }
0x90: {  	[sflag:s14] =	ssyncadd.s32 $0xFFFFFD80  }
0x91: {  	_ =	swait.ge [sflag:s14], $0x280  }
0x92: {  	[sflag:s14] =	ssyncset.done $0x0  }
0x93: {  	[sflag:s14] =	ssyncadd.s32 $0xFFFFFD80  }
0x94: {  	[spmem:s3] =	stream.indirect.scatter.add.f32 [tilespmem:s12], [sflag:$0x1], $0x8, s15, s13, $0xb8;
	[tilespmem:$0x3D18] =	vst v63  }
0x95: {  	_ = 	snop  }
0x96: {  	[spmem:s3] =	stream.indirect.scatter.add.f32 [tilespmem:s12], [sflag:$0x1], $0x8, s16, s13, $0xb8;
	[tilespmem:$0x3D18] =	vst v63  }
0x97: {  	_ = 	snop  }
0x98: {  	[spmem:s3] =	stream.indirect.scatter.add.f32 [tilespmem:s12], [sflag:$0x1], $0x8, s17, s13, $0xb8;
	[tilespmem:$0x3D18] =	vst v63  }
0x99: {  	_ = 	snop  }
0x9a: {  	[spmem:s3] =	stream.indirect.scatter.add.f32 [tilespmem:s12], [sflag:$0x1], $0x8, s18, s13, $0xb8;
	[tilespmem:$0x3D18] =	vst v63  }
0x9b: {  	_ = 	snop  }
0x9c: {  	[spmem:s3] =	stream.indirect.scatter.add.f32 [tilespmem:s12], [sflag:$0x1], $0x8, s19, s13, $0xb8;
	[tilespmem:$0x3D18] =	vst v63  }
0x9d: {  	_ =	swait.ge [sflag:s14], $0x280  }
0x9e: {  	[sflag:s14] =	ssyncset.done $0x0  }
0x9f: {  	[sflag:s14] =	ssyncadd.s32 $0xFFFFFD80  }
0xa0: {  	_ =	swait.ge [sflag:s14], $0x280  }
0xa1: {  	[sflag:s14] =	ssyncset.done $0x0  }
0xa2: {  	[sflag:s14] =	ssyncadd.s32 $0xFFFFFD80  }
0xa3: {  	_ =	swait.ge [sflag:s14], $0x280  }
0xa4: {  	[sflag:s14] =	ssyncset.done $0x0  }
0xa5: {  	[sflag:s14] =	ssyncadd.s32 $0xFFFFFD80  }
0xa6: {  	_ =	swait.ge [sflag:s14], $0x280  }
0xa7: {  	[sflag:s14] =	ssyncset.done $0x0  }
0xa8: {  	[sflag:s14] =	ssyncadd.s32 $0xFFFFFD80  }
0xa9: {  	_ =	swait.ge [sflag:s14], $0x280  }
0xaa: {  	s20 =	sadd.s32 $0x1, s20;
	[sflag:s14] =	ssyncset.done $0x0  }
0xab: {  	p0 =	sne.s32 s20, s9;
	[sflag:s14] =	ssyncadd.s32 $0xFFFFFD80  }
.Ltmp1:
0xac: {  	[bflag:$0x0] =	sbarrier.arrive $0xFFFF;
	(pc) =	sbr.rel @p0 .LBB2_1-.Ltmp1, $4  }
0xad: {  	[hbm:s8], [sflag:s6] =	dma.local [spmem:s10], $0x271  }
0xae: {  	_ =	swait.ge [sflag:s11], $0x271  }
0xaf: {  	[sflag:s11] =	ssyncset.done $0x0  }
0xb0: {  	[sflag:s11] =	ssyncadd.s32 $0xFFFFFD8F  }
0xb1: {  	_ =	sfence.sel $0x180000  }
0xb2: {  	[bflag:$0x0] =	sbarrier.arrive $0xFFFF  }
0xb3: {  	p0 =	sne.s32 s1, $0x0;
	_ =	strace $0x90000047  }
0xb4: {  	s0 =	sadd.s32 @!p0 $0x100000, s0;
	[bflag:$0x2] =	sbarrier.arrive $0xFFFF  }
0xb5: {  	[sflag:s0] =	ssyncadd.tile.s32 @!p0 $0x1;
	_ =	shalt  }
.Lfunc_end2:
_tile_overlayer_lowered:
.L_overlay_start_2:
0xb6: {  	(tag) =	ssettag $0x2  }
0xb7: {  	s0 =	rddreg [dreg:$0x0];
	s2 =	stileid.u32  }
0xb8: {  	s1 =	rddreg [dreg:$0x1];
	p0 =	sne.s32 s2, $0x0  }
0xb9: {  	s3 =	rddreg [dreg:$0x2];
	[bflag:$0x3] =	sbarrier.arrive $0xFFFF;
	s2 =	simm.s32 @!p0 $0x1C02  }
0xba: {  	[timem:s3], [sflag:s2] =	dma.local @!p0 [hbm:s0], s1  }
0xbb: {  	s0 =	simm.s32 @!p0 $0x2  }
0xbc: {  	_ =	swait.ge @!p0 [sflag:s0], s1  }
0xbd: {  	s1 =	ssub.s32 @!p0 $0x0, s1;
	[sflag:s0] =	ssyncset.done @!p0 $0x0  }
0xbe: {  	[sflag:s0] =	ssyncadd.s32 @!p0 s1  }
0xbf: {  	[bflag:$0x3] =	sbarrier.arrive $0xFFFF  }
0xc0: {  	_ =	shalt  }

</sc_bundles>
